<compile_context>
chip_gen: v7x
topology: tpu7x:2x2x1
jax: 0.10.2.dev20260603
libtpu: 0.0.44.dev20260713+nightly
codegen_flags: <defaults>
</compile_context>

<pallas_src>
import functools

import jax
import jax.numpy as jnp
from jax import lax
from jax.experimental import pallas as pl
from jax.experimental.pallas import tpu as pltpu
from jax.experimental.pallas import tpu_sc as plsc

_OFFSET = 16
_CLASSES = 8
_FEAT = _OFFSET * _CLASSES
_K = 64
_MAX_PTS = 1024
_NA = 128
_NV = _NA * _NA
_TOP_ROWS = _MAX_PTS // _NA
_TI = 32
_NTILES = _NA // _TI
_CAND = 2048
_CROWS = _CAND // _NA



def _score_phase(a_ref, bt_ref, wn_ref, bn_ref, wm_ref, bm_ref,
                 nmat_ref, mmat_ref):
    f_iota = jax.lax.broadcasted_iota(jnp.int32, (1, 1, _FEAT), 2)
    l_sh = f_iota >> 3
    c_id = f_iota & 7
    wn = wn_ref[...]
    bn = bn_ref[...]
    wm = wm_ref[...]
    bm = bm_ref[...]
    c0 = bt_ref[0, 0:1, :]
    c1 = bt_ref[0, 1:2, :]
    c2 = bt_ref[0, 2:3, :]

    def tile_body(s, _):
        rows = a_ref[0, pl.ds(s * _TI, _TI), :]
        f0 = rows[:, 0:1] + c0
        f1 = rows[:, 1:2] + c1
        f2 = rows[:, 2:3] + c2
        tok = ((f0[:, :, None] >> l_sh) & 1) \
            + 2 * ((f1[:, :, None] >> l_sh) & 1) \
            + 4 * ((f2[:, :, None] >> l_sh) & 1)
        feat = (tok == c_id).astype(jnp.float32)
        feat2 = feat.reshape(_TI * _NA, _FEAT)
        mm_n = jax.nn.relu(jnp.dot(feat2, wn) + bn)
        nmat_ref[pl.ds(s * _TI, _TI), :] = jnp.sum(
            mm_n.reshape(_TI, _NA, _K) / _K, axis=-1)
        mm_m = jax.nn.relu(jnp.dot(feat2, wm) + bm)
        mmat_ref[pl.ds(s * _TI, _TI), :] = jnp.sum(
            mm_m.reshape(_TI, _NA, _K) / _K, axis=-1)
        return 0

    jax.lax.fori_loop(0, _NTILES, tile_body, 0)


def _p_body(a_ref, bt_ref, wn_ref, bn_ref, wm_ref, bm_ref, p_ref,
            nmat_ref, mmat_ref):
    _score_phase(a_ref, bt_ref, wn_ref, bn_ref, wm_ref, bm_ref,
                 nmat_ref, mmat_ref)
    p_ref[0] = jax.lax.dot_general(
        nmat_ref[...], mmat_ref[...],
        dimension_numbers=(((1,), (1,)), ((), ())))


def _make_p_call():
    bsz = 8
    in_specs = [
        pl.BlockSpec((1, _NA, 3), lambda b: (b, 0, 0)),
        pl.BlockSpec((1, 3, _NA), lambda b: (b, 0, 0)),
        pl.BlockSpec((_FEAT, _K), lambda b: (0, 0)),
        pl.BlockSpec((1, _K), lambda b: (0, 0)),
        pl.BlockSpec((_FEAT, _K), lambda b: (0, 0)),
        pl.BlockSpec((1, _K), lambda b: (0, 0)),
    ]
    return pl.pallas_call(
        _p_body, grid=(bsz,), in_specs=in_specs,
        out_specs=pl.BlockSpec((1, _NA, _NA), lambda b: (b, 0, 0)),
        out_shape=jax.ShapeDtypeStruct((bsz, _NA, _NA), jnp.float32),
        scratch_shapes=[pltpu.VMEM((_NA, _NA), jnp.float32),
                        pltpu.VMEM((_NA, _NA), jnp.float32)])



def _sc_select_body(p_hbm, outv_hbm, outi_hbm, pv, hist, cv, ci):
    w = lax.axis_index("s") * 2 + lax.axis_index("c")

    @pl.when(w < 8)
    def _():
        pltpu.sync_copy(p_hbm.at[w], pv)
        lanes = lax.iota(jnp.int32, 16)
        ones = jnp.ones((16,), jnp.int32)

        prefix = jnp.int32(0)
        count_above = jnp.int32(0)
        for shift, nbits in ((23, 8), (15, 8), (7, 8), (0, 7)):
            nbins = 1 << nbits

            def zbody(i, _, nbins=nbins):
                hist[pl.ds(i * 16, 16)] = jnp.zeros((16,), jnp.int32)
                return 0
            lax.fori_loop(0, nbins, zbody, 0)

            top = shift + nbits

            def hbody(i, _, shift=shift, nbins=nbins, top=top,
                      prefix=prefix):
                x = plsc.bitcast(pv[pl.ds(i * 16, 16)], jnp.int32)
                sel = (x >> top) == prefix
                d = (x >> shift) & (nbins - 1)
                plsc.addupdate_scatter(hist, [(d << 4) | lanes], ones,
                                       mask=sel)
                return 0
            lax.fori_loop(0, _NV // 16, hbody, 0)

            def sbody(dd, carry, nbins=nbins):
                above, bstar, gtb = carry
                d = (nbins - 1) - dd
                tot = jnp.sum(hist[pl.ds(d * 16, 16)])
                hit = (above < _MAX_PTS) & (above + tot >= _MAX_PTS)
                bstar = jnp.where(hit, d, bstar)
                gtb = jnp.where(hit, above, gtb)
                return above + tot, bstar, gtb
            _, bstar, count_above = lax.fori_loop(
                0, nbins, sbody,
                (count_above, jnp.int32(0), jnp.int32(0)))
            prefix = (prefix << nbits) | bstar

        def ibody(i, _):
            cv[pl.ds(i * 16, 16)] = jnp.full((16,), -1.0, jnp.float32)
            ci[pl.ds(i * 16, 16)] = jnp.full((16,), _NV, jnp.int32)
            return 0
        lax.fori_loop(0, _CAND // 16, ibody, 0)

        def cbody(i, off, prefix=prefix):
            x = pv[pl.ds(i * 16, 16)]
            xi = plsc.bitcast(x, jnp.int32)
            m = xi >= prefix
            rank = plsc.cumsum(m.astype(jnp.int32)) - 1
            pos = jnp.minimum(off + rank, _CAND - 1)
            allow = m & ((off + rank) < _CAND)
            plsc.store_scatter(cv, [pos], x, mask=allow)
            plsc.store_scatter(ci, [pos], (i * 16) + lanes, mask=allow)
            return jnp.minimum(off + jnp.sum(m.astype(jnp.int32)),
                               jnp.int32(_CAND))
        lax.fori_loop(0, _NV // 16, cbody, jnp.int32(0))

        pltpu.sync_copy(cv, outv_hbm.at[w])
        pltpu.sync_copy(ci, outi_hbm.at[w])


def _make_sc_select():
    mesh = plsc.VectorSubcoreMesh(core_axis_name="c", subcore_axis_name="s")
    return pl.kernel(
        _sc_select_body,
        out_type=[jax.ShapeDtypeStruct((8, _CAND), jnp.float32),
                  jax.ShapeDtypeStruct((8, _CAND), jnp.int32)],
        mesh=mesh,
        compiler_params=pltpu.CompilerParams(needs_layout_passes=False),
        scratch_types=[pltpu.VMEM((_NV,), jnp.float32),
                       pltpu.VMEM((4096,), jnp.int32),
                       pltpu.VMEM((_CAND,), jnp.float32),
                       pltpu.VMEM((_CAND,), jnp.int32)])



def _static_roll(x, dist, rows):
    if dist < _NA:
        return jnp.concatenate([x[:, dist:], x[:, :dist]], axis=1)
    r = dist // _NA
    return jnp.concatenate([x[r:, :], x[:r, :]], axis=0)


def _static_stage(v, ix, flat, k, j, rows):
    up_mask = (flat & j) != 0
    want_larger = ((flat & k) == 0) == ((flat & j) == 0)
    nel = rows * _NA
    vd = _static_roll(v, j, rows)
    vu = _static_roll(v, nel - j if j >= _NA else _NA - j, rows)
    idn = _static_roll(ix, j, rows)
    iu = _static_roll(ix, nel - j if j >= _NA else _NA - j, rows)
    vp = jnp.where(up_mask, vu, vd)
    ip = jnp.where(up_mask, iu, idn)
    self_lt = (v < vp) | ((v == vp) & (ix > ip))
    take = self_lt == want_larger
    return jnp.where(take, vp, v), jnp.where(take, ip, ix)


def _sort_body(cv_ref, ci_ref, af_ref, vals_ref, sel_ref):
    v = cv_ref[0]
    ix = ci_ref[0]
    flat = jax.lax.broadcasted_iota(jnp.int32, (_CROWS, _NA), 0) * _NA \
        + jax.lax.broadcasted_iota(jnp.int32, (_CROWS, _NA), 1)
    for m in range(1, 12):
        k = 1 << m
        j = k // 2
        while j >= 1:
            v, ix = _static_stage(v, ix, flat, k, j, _CROWS)
            j //= 2

    v_top = v[:_TOP_ROWS, :]
    ix_top = ix[:_TOP_ROWS, :]
    idxmod = jax.lax.rem(ix_top, jnp.int32(384))

    af = af_ref[0]
    tv = jax.lax.broadcasted_iota(jnp.int32, (1, 1, 384), 2)
    selm = jnp.where(idxmod[:, :, None] == tv, af[None, :, :], 0.0)
    sel2 = jnp.sum(selm, axis=-1)

    pos = v_top > 0
    vals_ref[0] = jnp.where(pos, v_top, 0.0)
    sel_ref[0] = jnp.where(pos, sel2, 0.0)


def _make_sort_call():
    bsz = 8
    in_specs = [
        pl.BlockSpec((1, _CROWS, _NA), lambda b: (b, 0, 0)),
        pl.BlockSpec((1, _CROWS, _NA), lambda b: (b, 0, 0)),
        pl.BlockSpec((1, 1, 384), lambda b: (b, 0, 0)),
    ]
    out_specs = [
        pl.BlockSpec((1, _TOP_ROWS, _NA), lambda b: (b, 0, 0)),
        pl.BlockSpec((1, _TOP_ROWS, _NA), lambda b: (b, 0, 0)),
    ]
    out_shape = [
        jax.ShapeDtypeStruct((bsz, _TOP_ROWS, _NA), jnp.float32),
        jax.ShapeDtypeStruct((bsz, _TOP_ROWS, _NA), jnp.float32),
    ]
    return pl.pallas_call(_sort_body, grid=(bsz,), in_specs=in_specs,
                          out_specs=out_specs, out_shape=out_shape)


def kernel(a, b, W_n, b_n, W_m, b_m):
    bsz = a.shape[0]
    bt = jnp.transpose(b, (0, 2, 1))
    aflat = a.reshape(bsz, 1, 384).astype(jnp.float32)
    p = _make_p_call()(a, bt, W_n, b_n.reshape(1, _K), W_m,
                       b_m.reshape(1, _K))
    cv, ci = _make_sc_select()(p.reshape(bsz, _NV))
    vals, sel = _make_sort_call()(cv.reshape(bsz, _CROWS, _NA),
                                  ci.reshape(bsz, _CROWS, _NA), aflat)
    return vals.reshape(bsz, _MAX_PTS), sel.reshape(bsz, _MAX_PTS)

# --- scband reference (transcript-rebuilt; emitter-appended) ---
"""Pipeline reference for scband-decoder-76948634075330 (READ-ONLY COPY).

The authoritative reference and input builder live on the scoring server;
editing this copy changes nothing except your own understanding.
"""

import jax, jax.numpy as jnp
import numpy as np

DEPTH = 8
K = 64
MAX_PTS = 1024
B, NA, NB, DIM = 8, 128, 128, 3


def setup_inputs(seed: int = 0):
    key = jax.random.key(seed)
    k1, k2, k3, k4 = jax.random.split(key, 4)
    offset = 2 * DEPTH
    classes = 1 << DIM
    a = jax.random.randint(k1, (B, NA, DIM), 0, 65536, dtype=jnp.int32)
    b = jax.random.randint(k2, (B, NB, DIM), 0, 65536, dtype=jnp.int32)
    W_n = jax.random.normal(k3, (offset * classes, K), dtype=jnp.float32) * 0.05
    b_n = jnp.zeros((K,), dtype=jnp.float32)
    W_m = jax.random.normal(k4, (offset * classes, K), dtype=jnp.float32) * 0.05
    b_m = jnp.zeros((K,), dtype=jnp.float32)
    return {"a": a, "b": b, "W_n": W_n, "b_n": b_n, "W_m": W_m, "b_m": b_m}


def reference(a, b, W_n, b_n, W_m, b_m):
    Bsz, Na, dim = a.shape
    Nb = b.shape[1]
    classes = 1 << dim
    offset = 2 * DEPTH
    # pairwise integer coordinate sums (octree-style fusion)
    fus = a[:, :, None, :] + b[:, None, :, :]  # [B, Na, Nb, dim] int32
    # extract one bit per depth level
    shifts_o = jnp.arange(offset, dtype=a.dtype)
    token = jnp.bitwise_and(jnp.right_shift(fus[..., None], shifts_o), 1)  # [B,Na,Nb,dim,offset]
    token = jnp.transpose(token, (0, 1, 2, 4, 3))  # [B,Na,Nb,offset,dim]
    shifts_d = jnp.arange(dim, dtype=a.dtype)
    token = jnp.sum(jnp.left_shift(token, shifts_d), axis=-1)  # [B,Na,Nb,offset], values in [0, classes)
    hot = jax.nn.one_hot(token, classes, dtype=jnp.float32)  # [B,Na,Nb,offset,classes]
    feat_n = hot.reshape(Bsz, Na, Nb, offset * classes)
    Nmat = jax.nn.relu(feat_n @ W_n + b_n)  # [B,Na,Nb,K]
    Nmat = jnp.sum(Nmat / K, axis=-1)  # [B,Na,Nb]
    hot_t = jnp.transpose(hot, (0, 2, 1, 3, 4))  # [B,Nb,Na,offset,classes]
    feat_m = hot_t.reshape(Bsz, Nb, Na, offset * classes)
    Mmat = jax.nn.relu(feat_m @ W_m + b_m)
    Mmat = jnp.sum(Mmat / K, axis=-1)  # [B,Nb,Na]
    P = jnp.matmul(Nmat, Mmat)  # [B,Na,Na]
    Pf = P.reshape(Bsz, Na * Na)
    vals, idx = jax.lax.top_k(Pf, MAX_PTS)  # [B, MAX_PTS]
    aflat = a.reshape(Bsz, Na * dim).astype(jnp.float32)
    sel = jnp.take_along_axis(aflat, idx % (Na * dim), axis=-1)  # gather of source coords
    sel = jnp.where(vals > 0, sel, 0.0)  # mask out non-positive scores
    out = jnp.where(vals > 0, vals, 0.0)
    return out, sel

if __name__ == "__main__":
    import jax
    _d = setup_inputs()
    print(jax.jit(kernel)(*tuple(_d.values())))

</pallas_src>

<mosaic_0001>
#map = affine_map<(d0, d1) -> (0, 0)>
module attributes {stable_mosaic.version = 14 : i64} {
  func.func @_sc_select_body(%arg0: i32, %arg1: i32, %arg2: memref<8x16384xf32, #tpu.memory_space<hbm>>, %arg3: memref<8x2048xf32, #tpu.memory_space<hbm>>, %arg4: memref<8x2048xi32, #tpu.memory_space<hbm>>, %arg5: memref<16384xf32, #tpu.memory_space<vmem>>, %arg6: memref<4096xi32, #tpu.memory_space<vmem>>, %arg7: memref<2048xf32, #tpu.memory_space<vmem>>, %arg8: memref<2048xi32, #tpu.memory_space<vmem>>) attributes {dimension_semantics = [#tpu.dimension_semantics<core_parallel>, #tpu.dimension_semantics<subcore_parallel>], iteration_bounds = array<i64: 2, 16>, scalar_prefetch = 0 : i64, scratch_operands = 4 : i64, tpu.core_type = #tpu.core_type<sc_vector_subcore>, window_params = [{transform_indices = #map}, {transform_indices = #map}, {transform_indices = #map}]} {
    %mul3A = arith.constant 2 : i32
    %mul3A_0 = arith.muli %arg1, %mul3A : i32
    %add3A = arith.addi %mul3A_0, %arg0 : i32
    %lt3A = arith.constant 8 : i32
    %lt3A_1 = arith.cmpi slt, %add3A, %lt3A : i32
    %convert_element_type3A = arith.extui %lt3A_1 : i1 to i32
    %cond3A = arith.constant 0 : i32
    %cond3A_2 = arith.cmpi ne, %convert_element_type3A, %cond3A : i32
    scf.if %cond3A_2 {
      "tpu.region"() ({
        %run_scoped3A = tpu.sem_alloc : memref<!tpu.dma_semaphore, #tpu.memory_space<semaphore_mem>>
        %dma_start3A = arith.constant 0 : i32
        %dma_start3A_118 = tpu.memref_slice %arg2[%add3A, %dma_start3A] : memref<8x16384xf32, #tpu.memory_space<hbm>> -> memref<1x16384xf32, #tpu.memory_space<hbm>>
        %dma_start3A_119 = tpu.memref_squeeze %dma_start3A_118 : memref<1x16384xf32, #tpu.memory_space<hbm>> -> memref<16384xf32, #tpu.memory_space<hbm>>
        %dma_start3A_120 = arith.constant 0 : i32
        %dma_start3A_121 = tpu.memref_slice %arg2[%add3A, %dma_start3A_120] : memref<8x16384xf32, #tpu.memory_space<hbm>> -> memref<1x16384xf32, #tpu.memory_space<hbm>>
        %dma_start3A_122 = tpu.memref_squeeze %dma_start3A_121 : memref<1x16384xf32, #tpu.memory_space<hbm>> -> memref<16384xf32, #tpu.memory_space<hbm>>
        tpu.enqueue_dma source(%dma_start3A_122 : memref<16384xf32, #tpu.memory_space<hbm>>) target(%arg5 : memref<16384xf32, #tpu.memory_space<vmem>>) target_semaphore(%run_scoped3A : memref<!tpu.dma_semaphore, #tpu.memory_space<semaphore_mem>>)
        %dma_wait3A = arith.constant 0 : i32
        %dma_wait3A_123 = tpu.memref_slice %arg2[%add3A, %dma_wait3A] : memref<8x16384xf32, #tpu.memory_space<hbm>> -> memref<1x16384xf32, #tpu.memory_space<hbm>>
        %dma_wait3A_124 = tpu.memref_squeeze %dma_wait3A_123 : memref<1x16384xf32, #tpu.memory_space<hbm>> -> memref<16384xf32, #tpu.memory_space<hbm>>
        %dma_wait3A_125 = arith.constant 0 : i32
        %dma_wait3A_126 = tpu.memref_slice %arg2[%add3A, %dma_wait3A_125] : memref<8x16384xf32, #tpu.memory_space<hbm>> -> memref<1x16384xf32, #tpu.memory_space<hbm>>
        %dma_wait3A_127 = tpu.memref_squeeze %dma_wait3A_126 : memref<1x16384xf32, #tpu.memory_space<hbm>> -> memref<16384xf32, #tpu.memory_space<hbm>>
        tpu.wait_dma2 semaphore(%run_scoped3A : memref<!tpu.dma_semaphore, #tpu.memory_space<semaphore_mem>>) src(%dma_wait3A_127 : memref<16384xf32, #tpu.memory_space<hbm>>) dst(%arg5 : memref<16384xf32, #tpu.memory_space<vmem>>)
        tpu.yield
      }) : () -> ()
      %iota3A = tpu.iota {dimensions = array<i32: 0>} : vector<16xi32>
      %broadcast_in_dim3A = arith.constant 1 : i32
      %broadcast_in_dim3A_3 = vector.broadcast %broadcast_in_dim3A : i32 to vector<16xi32>
      %scan3A = arith.constant 0 : i32
      %scan3A_4 = arith.constant 0 : i32
      %scan3A_5 = arith.constant 256 : i32
      %scan3A_6 = arith.addi %scan3A_4, %scan3A_5 : i32
      %scan3A_7 = arith.constant 1 : i32
      %scan3A_8 = scf.for %scan3A_118 = %scan3A_4 to %scan3A_6 step %scan3A_7 iter_args(%scan3A_119 = %scan3A) -> (i32)  : i32 {
        %broadcast_in_dim3A_120 = arith.constant 0 : i32
        %broadcast_in_dim3A_121 = vector.broadcast %broadcast_in_dim3A_120 : i32 to vector<16xi32>
        %mul3A_122 = arith.constant 16 : i32
        %mul3A_123 = arith.muli %scan3A_118, %mul3A_122 : i32
        %swap3A = arith.index_cast %mul3A_123 : i32 to index
        %swap3A_124 = tpu.vector_load %arg6[%swap3A] {strides = array<i32>} : memref<4096xi32, #tpu.memory_space<vmem>>, vector<16xi32>,
        tpu.vector_store %arg6[%swap3A], %broadcast_in_dim3A_121 {strides = array<i32>} : memref<4096xi32, #tpu.memory_space<vmem>>, vector<16xi32>,
        %scan3A_125 = arith.constant 0 : i32
        scf.yield %scan3A_125 : i32
      }
      %scan3A_9 = arith.constant 256 : i32
      %scan3A_10 = arith.constant 0 : i32
      %scan3A_11 = arith.constant 0 : i32
      %scan3A_12 = arith.constant 0 : i32
      %scan3A_13 = arith.constant 1024 : i32
      %scan3A_14 = arith.addi %scan3A_12, %scan3A_13 : i32
      %scan3A_15 = arith.constant 1 : i32
      %scan3A_16 = scf.for %scan3A_118 = %scan3A_12 to %scan3A_14 step %scan3A_15 iter_args(%scan3A_119 = %scan3A_11) -> (i32)  : i32 {
        %mul3A_120 = arith.constant 16 : i32
        %mul3A_121 = arith.muli %scan3A_118, %mul3A_120 : i32
        %get3A = arith.index_cast %mul3A_121 : i32 to index
        %get3A_122 = tpu.vector_load %arg5[%get3A] {strides = array<i32>} : memref<16384xf32, #tpu.memory_space<vmem>>, vector<16xf32>,
        %bitcast3A = vector.bitcast %get3A_122 : vector<16xf32> to vector<16xi32>
        %shift_right_arithmetic3A = arith.constant 31 : i32
        %shift_right_arithmetic3A_123 = vector.broadcast %shift_right_arithmetic3A : i32 to vector<16xi32>
        %shift_right_arithmetic3A_124 = arith.shrsi %bitcast3A, %shift_right_arithmetic3A_123 : vector<16xi32>
        %eq3A = vector.broadcast %scan3A_10 : i32 to vector<16xi32>
        %eq3A_125 = arith.cmpi eq, %shift_right_arithmetic3A_124, %eq3A : vector<16xi32>
        %shift_right_arithmetic3A_126 = arith.constant 23 : i32
        %shift_right_arithmetic3A_127 = vector.broadcast %shift_right_arithmetic3A_126 : i32 to vector<16xi32>
        %shift_right_arithmetic3A_128 = arith.shrsi %bitcast3A, %shift_right_arithmetic3A_127 : vector<16xi32>
        %and3A = arith.constant 255 : i32
        %and3A_129 = vector.broadcast %and3A : i32 to vector<16xi32>
        %and3A_130 = arith.andi %shift_right_arithmetic3A_128, %and3A_129 : vector<16xi32>
        %shift_left3A_131 = arith.constant 4 : i32
        %shift_left3A_132 = vector.broadcast %shift_left3A_131 : i32 to vector<16xi32>
        %shift_left3A_133 = arith.shli %and3A_130, %shift_left3A_132 : vector<16xi32>
        %or3A_134 = arith.ori %shift_left3A_133, %iota3A : vector<16xi32>
        tpu.vector_store_idx %arg6[%or3A_134], %broadcast_in_dim3A_3 masked %eq3A_125 {add = true} : memref<4096xi32, #tpu.memory_space<vmem>>[vector<16xi32>], vector<16xi32>, vector<16xi1>
        %scan3A_135 = arith.constant 0 : i32
        scf.yield %scan3A_135 : i32
      }
      %scan3A_17 = arith.constant 1024 : i32
      %scan3A_18 = arith.constant 0 : i32
      %scan3A_19 = arith.constant 0 : i32
      %scan3A_20 = arith.constant 0 : i32
      %scan3A_21 = arith.constant 0 : i32
      %scan3A_22 = arith.constant 256 : i32
      %scan3A_23 = arith.addi %scan3A_21, %scan3A_22 : i32
      %scan3A_24 = arith.constant 1 : i32
      %scan3A_25:3 = scf.for %scan3A_118 = %scan3A_21 to %scan3A_23 step %scan3A_24 iter_args(%scan3A_119 = %scan3A_18, %scan3A_120 = %scan3A_19, %scan3A_121 = %scan3A_20) -> (i32, i32, i32)  : i32 {
        %sub3A = arith.constant 255 : i32
        %sub3A_122 = arith.subi %sub3A, %scan3A_118 : i32
        %mul3A_123 = arith.constant 16 : i32
        %mul3A_124 = arith.muli %sub3A_122, %mul3A_123 : i32
        %get3A = arith.index_cast %mul3A_124 : i32 to index
        %get3A_125 = tpu.vector_load %arg6[%get3A] {strides = array<i32>} : memref<4096xi32, #tpu.memory_space<vmem>>, vector<16xi32>,
        %reduce_sum3A = arith.constant true
        %reduce_sum3A_126 = vector.broadcast %reduce_sum3A : i1 to vector<16xi1>
        %reduce_sum3A_127 = tpu.scan <sum>, %get3A_125 masked %reduce_sum3A_126 : vector<16xi32>, vector<16xi1> -> vector<16xi32>
        %reduce_sum3A_128 = vector.extract %reduce_sum3A_127[15] : i32 from vector<16xi32>
        %lt3A_129 = arith.constant 1024 : i32
        %lt3A_130 = arith.cmpi slt, %scan3A_119, %lt3A_129 : i32
        %add3A_131 = arith.addi %scan3A_119, %reduce_sum3A_128 : i32
        %ge3A = arith.constant 1024 : i32
        %ge3A_132 = arith.cmpi sge, %add3A_131, %ge3A : i32
        %and3A = arith.andi %lt3A_130, %ge3A_132 : i1
        %select_n3A = arith.select %and3A, %sub3A_122, %scan3A_120 : i32
        %select_n3A_133 = arith.select %and3A, %scan3A_119, %scan3A_121 : i32
        %add3A_134 = arith.addi %scan3A_119, %reduce_sum3A_128 : i32
        scf.yield %add3A_134, %select_n3A, %select_n3A_133 : i32, i32, i32
      }
      %scan3A_26 = arith.constant 256 : i32
      %shift_left3A = arith.constant 0 : i32
      %shift_left3A_27 = arith.constant 8 : i32
      %shift_left3A_28 = arith.shli %shift_left3A, %shift_left3A_27 : i32
      %or3A = arith.ori %shift_left3A_28, %scan3A_25#1 : i32
      %scan3A_29 = arith.constant 0 : i32
      %scan3A_30 = arith.constant 0 : i32
      %scan3A_31 = arith.constant 256 : i32
      %scan3A_32 = arith.addi %scan3A_30, %scan3A_31 : i32
      %scan3A_33 = arith.constant 1 : i32
      %scan3A_34 = scf.for %scan3A_118 = %scan3A_30 to %scan3A_32 step %scan3A_33 iter_args(%scan3A_119 = %scan3A_29) -> (i32)  : i32 {
        %broadcast_in_dim3A_120 = arith.constant 0 : i32
        %broadcast_in_dim3A_121 = vector.broadcast %broadcast_in_dim3A_120 : i32 to vector<16xi32>
        %mul3A_122 = arith.constant 16 : i32
        %mul3A_123 = arith.muli %scan3A_118, %mul3A_122 : i32
        %swap3A = arith.index_cast %mul3A_123 : i32 to index
        %swap3A_124 = tpu.vector_load %arg6[%swap3A] {strides = array<i32>} : memref<4096xi32, #tpu.memory_space<vmem>>, vector<16xi32>,
        tpu.vector_store %arg6[%swap3A], %broadcast_in_dim3A_121 {strides = array<i32>} : memref<4096xi32, #tpu.memory_space<vmem>>, vector<16xi32>,
        %scan3A_125 = arith.constant 0 : i32
        scf.yield %scan3A_125 : i32
      }
      %scan3A_35 = arith.constant 256 : i32
      %scan3A_36 = arith.constant 0 : i32
      %scan3A_37 = arith.constant 0 : i32
      %scan3A_38 = arith.constant 1024 : i32
      %scan3A_39 = arith.addi %scan3A_37, %scan3A_38 : i32
      %scan3A_40 = arith.constant 1 : i32
      %scan3A_41 = scf.for %scan3A_118 = %scan3A_37 to %scan3A_39 step %scan3A_40 iter_args(%scan3A_119 = %scan3A_36) -> (i32)  : i32 {
        %mul3A_120 = arith.constant 16 : i32
        %mul3A_121 = arith.muli %scan3A_118, %mul3A_120 : i32
        %get3A = arith.index_cast %mul3A_121 : i32 to index
        %get3A_122 = tpu.vector_load %arg5[%get3A] {strides = array<i32>} : memref<16384xf32, #tpu.memory_space<vmem>>, vector<16xf32>,
        %bitcast3A = vector.bitcast %get3A_122 : vector<16xf32> to vector<16xi32>
        %shift_right_arithmetic3A = arith.constant 23 : i32
        %shift_right_arithmetic3A_123 = vector.broadcast %shift_right_arithmetic3A : i32 to vector<16xi32>
        %shift_right_arithmetic3A_124 = arith.shrsi %bitcast3A, %shift_right_arithmetic3A_123 : vector<16xi32>
        %eq3A = vector.broadcast %or3A : i32 to vector<16xi32>
        %eq3A_125 = arith.cmpi eq, %shift_right_arithmetic3A_124, %eq3A : vector<16xi32>
        %shift_right_arithmetic3A_126 = arith.constant 15 : i32
        %shift_right_arithmetic3A_127 = vector.broadcast %shift_right_arithmetic3A_126 : i32 to vector<16xi32>
        %shift_right_arithmetic3A_128 = arith.shrsi %bitcast3A, %shift_right_arithmetic3A_127 : vector<16xi32>
        %and3A = arith.constant 255 : i32
        %and3A_129 = vector.broadcast %and3A : i32 to vector<16xi32>
        %and3A_130 = arith.andi %shift_right_arithmetic3A_128, %and3A_129 : vector<16xi32>
        %shift_left3A_131 = arith.constant 4 : i32
        %shift_left3A_132 = vector.broadcast %shift_left3A_131 : i32 to vector<16xi32>
        %shift_left3A_133 = arith.shli %and3A_130, %shift_left3A_132 : vector<16xi32>
        %or3A_134 = arith.ori %shift_left3A_133, %iota3A : vector<16xi32>
        tpu.vector_store_idx %arg6[%or3A_134], %broadcast_in_dim3A_3 masked %eq3A_125 {add = true} : memref<4096xi32, #tpu.memory_space<vmem>>[vector<16xi32>], vector<16xi32>, vector<16xi1>
        %scan3A_135 = arith.constant 0 : i32
        scf.yield %scan3A_135 : i32
      }
      %scan3A_42 = arith.constant 1024 : i32
      %scan3A_43 = arith.constant 0 : i32
      %scan3A_44 = arith.constant 0 : i32
      %scan3A_45 = arith.constant 0 : i32
      %scan3A_46 = arith.constant 256 : i32
      %scan3A_47 = arith.addi %scan3A_45, %scan3A_46 : i32
      %scan3A_48 = arith.constant 1 : i32
      %scan3A_49:3 = scf.for %scan3A_118 = %scan3A_45 to %scan3A_47 step %scan3A_48 iter_args(%scan3A_119 = %scan3A_25#2, %scan3A_120 = %scan3A_43, %scan3A_121 = %scan3A_44) -> (i32, i32, i32)  : i32 {
        %sub3A = arith.constant 255 : i32
        %sub3A_122 = arith.subi %sub3A, %scan3A_118 : i32
        %mul3A_123 = arith.constant 16 : i32
        %mul3A_124 = arith.muli %sub3A_122, %mul3A_123 : i32
        %get3A = arith.index_cast %mul3A_124 : i32 to index
        %get3A_125 = tpu.vector_load %arg6[%get3A] {strides = array<i32>} : memref<4096xi32, #tpu.memory_space<vmem>>, vector<16xi32>,
        %reduce_sum3A = arith.constant true
        %reduce_sum3A_126 = vector.broadcast %reduce_sum3A : i1 to vector<16xi1>
        %reduce_sum3A_127 = tpu.scan <sum>, %get3A_125 masked %reduce_sum3A_126 : vector<16xi32>, vector<16xi1> -> vector<16xi32>
        %reduce_sum3A_128 = vector.extract %reduce_sum3A_127[15] : i32 from vector<16xi32>
        %lt3A_129 = arith.constant 1024 : i32
        %lt3A_130 = arith.cmpi slt, %scan3A_119, %lt3A_129 : i32
        %add3A_131 = arith.addi %scan3A_119, %reduce_sum3A_128 : i32
        %ge3A = arith.constant 1024 : i32
        %ge3A_132 = arith.cmpi sge, %add3A_131, %ge3A : i32
        %and3A = arith.andi %lt3A_130, %ge3A_132 : i1
        %select_n3A = arith.select %and3A, %sub3A_122, %scan3A_120 : i32
        %select_n3A_133 = arith.select %and3A, %scan3A_119, %scan3A_121 : i32
        %add3A_134 = arith.addi %scan3A_119, %reduce_sum3A_128 : i32
        scf.yield %add3A_134, %select_n3A, %select_n3A_133 : i32, i32, i32
      }
      %scan3A_50 = arith.constant 256 : i32
      %shift_left3A_51 = arith.constant 8 : i32
      %shift_left3A_52 = arith.shli %or3A, %shift_left3A_51 : i32
      %or3A_53 = arith.ori %shift_left3A_52, %scan3A_49#1 : i32
      %scan3A_54 = arith.constant 0 : i32
      %scan3A_55 = arith.constant 0 : i32
      %scan3A_56 = arith.constant 256 : i32
      %scan3A_57 = arith.addi %scan3A_55, %scan3A_56 : i32
      %scan3A_58 = arith.constant 1 : i32
      %scan3A_59 = scf.for %scan3A_118 = %scan3A_55 to %scan3A_57 step %scan3A_58 iter_args(%scan3A_119 = %scan3A_54) -> (i32)  : i32 {
        %broadcast_in_dim3A_120 = arith.constant 0 : i32
        %broadcast_in_dim3A_121 = vector.broadcast %broadcast_in_dim3A_120 : i32 to vector<16xi32>
        %mul3A_122 = arith.constant 16 : i32
        %mul3A_123 = arith.muli %scan3A_118, %mul3A_122 : i32
        %swap3A = arith.index_cast %mul3A_123 : i32 to index
        %swap3A_124 = tpu.vector_load %arg6[%swap3A] {strides = array<i32>} : memref<4096xi32, #tpu.memory_space<vmem>>, vector<16xi32>,
        tpu.vector_store %arg6[%swap3A], %broadcast_in_dim3A_121 {strides = array<i32>} : memref<4096xi32, #tpu.memory_space<vmem>>, vector<16xi32>,
        %scan3A_125 = arith.constant 0 : i32
        scf.yield %scan3A_125 : i32
      }
      %scan3A_60 = arith.constant 256 : i32
      %scan3A_61 = arith.constant 0 : i32
      %scan3A_62 = arith.constant 0 : i32
      %scan3A_63 = arith.constant 1024 : i32
      %scan3A_64 = arith.addi %scan3A_62, %scan3A_63 : i32
      %scan3A_65 = arith.constant 1 : i32
      %scan3A_66 = scf.for %scan3A_118 = %scan3A_62 to %scan3A_64 step %scan3A_65 iter_args(%scan3A_119 = %scan3A_61) -> (i32)  : i32 {
        %mul3A_120 = arith.constant 16 : i32
        %mul3A_121 = arith.muli %scan3A_118, %mul3A_120 : i32
        %get3A = arith.index_cast %mul3A_121 : i32 to index
        %get3A_122 = tpu.vector_load %arg5[%get3A] {strides = array<i32>} : memref<16384xf32, #tpu.memory_space<vmem>>, vector<16xf32>,
        %bitcast3A = vector.bitcast %get3A_122 : vector<16xf32> to vector<16xi32>
        %shift_right_arithmetic3A = arith.constant 15 : i32
        %shift_right_arithmetic3A_123 = vector.broadcast %shift_right_arithmetic3A : i32 to vector<16xi32>
        %shift_right_arithmetic3A_124 = arith.shrsi %bitcast3A, %shift_right_arithmetic3A_123 : vector<16xi32>
        %eq3A = vector.broadcast %or3A_53 : i32 to vector<16xi32>
        %eq3A_125 = arith.cmpi eq, %shift_right_arithmetic3A_124, %eq3A : vector<16xi32>
        %shift_right_arithmetic3A_126 = arith.constant 7 : i32
        %shift_right_arithmetic3A_127 = vector.broadcast %shift_right_arithmetic3A_126 : i32 to vector<16xi32>
        %shift_right_arithmetic3A_128 = arith.shrsi %bitcast3A, %shift_right_arithmetic3A_127 : vector<16xi32>
        %and3A = arith.constant 255 : i32
        %and3A_129 = vector.broadcast %and3A : i32 to vector<16xi32>
        %and3A_130 = arith.andi %shift_right_arithmetic3A_128, %and3A_129 : vector<16xi32>
        %shift_left3A_131 = arith.constant 4 : i32
        %shift_left3A_132 = vector.broadcast %shift_left3A_131 : i32 to vector<16xi32>
        %shift_left3A_133 = arith.shli %and3A_130, %shift_left3A_132 : vector<16xi32>
        %or3A_134 = arith.ori %shift_left3A_133, %iota3A : vector<16xi32>
        tpu.vector_store_idx %arg6[%or3A_134], %broadcast_in_dim3A_3 masked %eq3A_125 {add = true} : memref<4096xi32, #tpu.memory_space<vmem>>[vector<16xi32>], vector<16xi32>, vector<16xi1>
        %scan3A_135 = arith.constant 0 : i32
        scf.yield %scan3A_135 : i32
      }
      %scan3A_67 = arith.constant 1024 : i32
      %scan3A_68 = arith.constant 0 : i32
      %scan3A_69 = arith.constant 0 : i32
      %scan3A_70 = arith.constant 0 : i32
      %scan3A_71 = arith.constant 256 : i32
      %scan3A_72 = arith.addi %scan3A_70, %scan3A_71 : i32
      %scan3A_73 = arith.constant 1 : i32
      %scan3A_74:3 = scf.for %scan3A_118 = %scan3A_70 to %scan3A_72 step %scan3A_73 iter_args(%scan3A_119 = %scan3A_49#2, %scan3A_120 = %scan3A_68, %scan3A_121 = %scan3A_69) -> (i32, i32, i32)  : i32 {
        %sub3A = arith.constant 255 : i32
        %sub3A_122 = arith.subi %sub3A, %scan3A_118 : i32
        %mul3A_123 = arith.constant 16 : i32
        %mul3A_124 = arith.muli %sub3A_122, %mul3A_123 : i32
        %get3A = arith.index_cast %mul3A_124 : i32 to index
        %get3A_125 = tpu.vector_load %arg6[%get3A] {strides = array<i32>} : memref<4096xi32, #tpu.memory_space<vmem>>, vector<16xi32>,
        %reduce_sum3A = arith.constant true
        %reduce_sum3A_126 = vector.broadcast %reduce_sum3A : i1 to vector<16xi1>
        %reduce_sum3A_127 = tpu.scan <sum>, %get3A_125 masked %reduce_sum3A_126 : vector<16xi32>, vector<16xi1> -> vector<16xi32>
        %reduce_sum3A_128 = vector.extract %reduce_sum3A_127[15] : i32 from vector<16xi32>
        %lt3A_129 = arith.constant 1024 : i32
        %lt3A_130 = arith.cmpi slt, %scan3A_119, %lt3A_129 : i32
        %add3A_131 = arith.addi %scan3A_119, %reduce_sum3A_128 : i32
        %ge3A = arith.constant 1024 : i32
        %ge3A_132 = arith.cmpi sge, %add3A_131, %ge3A : i32
        %and3A = arith.andi %lt3A_130, %ge3A_132 : i1
        %select_n3A = arith.select %and3A, %sub3A_122, %scan3A_120 : i32
        %select_n3A_133 = arith.select %and3A, %scan3A_119, %scan3A_121 : i32
        %add3A_134 = arith.addi %scan3A_119, %reduce_sum3A_128 : i32
        scf.yield %add3A_134, %select_n3A, %select_n3A_133 : i32, i32, i32
      }
      %scan3A_75 = arith.constant 256 : i32
      %shift_left3A_76 = arith.constant 8 : i32
      %shift_left3A_77 = arith.shli %or3A_53, %shift_left3A_76 : i32
      %or3A_78 = arith.ori %shift_left3A_77, %scan3A_74#1 : i32
      %scan3A_79 = arith.constant 0 : i32
      %scan3A_80 = arith.constant 0 : i32
      %scan3A_81 = arith.constant 128 : i32
      %scan3A_82 = arith.addi %scan3A_80, %scan3A_81 : i32
      %scan3A_83 = arith.constant 1 : i32
      %scan3A_84 = scf.for %scan3A_118 = %scan3A_80 to %scan3A_82 step %scan3A_83 iter_args(%scan3A_119 = %scan3A_79) -> (i32)  : i32 {
        %broadcast_in_dim3A_120 = arith.constant 0 : i32
        %broadcast_in_dim3A_121 = vector.broadcast %broadcast_in_dim3A_120 : i32 to vector<16xi32>
        %mul3A_122 = arith.constant 16 : i32
        %mul3A_123 = arith.muli %scan3A_118, %mul3A_122 : i32
        %swap3A = arith.index_cast %mul3A_123 : i32 to index
        %swap3A_124 = tpu.vector_load %arg6[%swap3A] {strides = array<i32>} : memref<4096xi32, #tpu.memory_space<vmem>>, vector<16xi32>,
        tpu.vector_store %arg6[%swap3A], %broadcast_in_dim3A_121 {strides = array<i32>} : memref<4096xi32, #tpu.memory_space<vmem>>, vector<16xi32>,
        %scan3A_125 = arith.constant 0 : i32
        scf.yield %scan3A_125 : i32
      }
      %scan3A_85 = arith.constant 128 : i32
      %scan3A_86 = arith.constant 0 : i32
      %scan3A_87 = arith.constant 0 : i32
      %scan3A_88 = arith.constant 1024 : i32
      %scan3A_89 = arith.addi %scan3A_87, %scan3A_88 : i32
      %scan3A_90 = arith.constant 1 : i32
      %scan3A_91 = scf.for %scan3A_118 = %scan3A_87 to %scan3A_89 step %scan3A_90 iter_args(%scan3A_119 = %scan3A_86) -> (i32)  : i32 {
        %mul3A_120 = arith.constant 16 : i32
        %mul3A_121 = arith.muli %scan3A_118, %mul3A_120 : i32
        %get3A = arith.index_cast %mul3A_121 : i32 to index
        %get3A_122 = tpu.vector_load %arg5[%get3A] {strides = array<i32>} : memref<16384xf32, #tpu.memory_space<vmem>>, vector<16xf32>,
        %bitcast3A = vector.bitcast %get3A_122 : vector<16xf32> to vector<16xi32>
        %shift_right_arithmetic3A = arith.constant 7 : i32
        %shift_right_arithmetic3A_123 = vector.broadcast %shift_right_arithmetic3A : i32 to vector<16xi32>
        %shift_right_arithmetic3A_124 = arith.shrsi %bitcast3A, %shift_right_arithmetic3A_123 : vector<16xi32>
        %eq3A = vector.broadcast %or3A_78 : i32 to vector<16xi32>
        %eq3A_125 = arith.cmpi eq, %shift_right_arithmetic3A_124, %eq3A : vector<16xi32>
        %shift_right_arithmetic3A_126 = arith.constant 0 : i32
        %shift_right_arithmetic3A_127 = vector.broadcast %shift_right_arithmetic3A_126 : i32 to vector<16xi32>
        %shift_right_arithmetic3A_128 = arith.shrsi %bitcast3A, %shift_right_arithmetic3A_127 : vector<16xi32>
        %and3A = arith.constant 127 : i32
        %and3A_129 = vector.broadcast %and3A : i32 to vector<16xi32>
        %and3A_130 = arith.andi %shift_right_arithmetic3A_128, %and3A_129 : vector<16xi32>
        %shift_left3A_131 = arith.constant 4 : i32
        %shift_left3A_132 = vector.broadcast %shift_left3A_131 : i32 to vector<16xi32>
        %shift_left3A_133 = arith.shli %and3A_130, %shift_left3A_132 : vector<16xi32>
        %or3A_134 = arith.ori %shift_left3A_133, %iota3A : vector<16xi32>
        tpu.vector_store_idx %arg6[%or3A_134], %broadcast_in_dim3A_3 masked %eq3A_125 {add = true} : memref<4096xi32, #tpu.memory_space<vmem>>[vector<16xi32>], vector<16xi32>, vector<16xi1>
        %scan3A_135 = arith.constant 0 : i32
        scf.yield %scan3A_135 : i32
      }
      %scan3A_92 = arith.constant 1024 : i32
      %scan3A_93 = arith.constant 0 : i32
      %scan3A_94 = arith.constant 0 : i32
      %scan3A_95 = arith.constant 0 : i32
      %scan3A_96 = arith.constant 128 : i32
      %scan3A_97 = arith.addi %scan3A_95, %scan3A_96 : i32
      %scan3A_98 = arith.constant 1 : i32
      %scan3A_99:3 = scf.for %scan3A_118 = %scan3A_95 to %scan3A_97 step %scan3A_98 iter_args(%scan3A_119 = %scan3A_74#2, %scan3A_120 = %scan3A_93, %scan3A_121 = %scan3A_94) -> (i32, i32, i32)  : i32 {
        %sub3A = arith.constant 127 : i32
        %sub3A_122 = arith.subi %sub3A, %scan3A_118 : i32
        %mul3A_123 = arith.constant 16 : i32
        %mul3A_124 = arith.muli %sub3A_122, %mul3A_123 : i32
        %get3A = arith.index_cast %mul3A_124 : i32 to index
        %get3A_125 = tpu.vector_load %arg6[%get3A] {strides = array<i32>} : memref<4096xi32, #tpu.memory_space<vmem>>, vector<16xi32>,
        %reduce_sum3A = arith.constant true
        %reduce_sum3A_126 = vector.broadcast %reduce_sum3A : i1 to vector<16xi1>
        %reduce_sum3A_127 = tpu.scan <sum>, %get3A_125 masked %reduce_sum3A_126 : vector<16xi32>, vector<16xi1> -> vector<16xi32>
        %reduce_sum3A_128 = vector.extract %reduce_sum3A_127[15] : i32 from vector<16xi32>
        %lt3A_129 = arith.constant 1024 : i32
        %lt3A_130 = arith.cmpi slt, %scan3A_119, %lt3A_129 : i32
        %add3A_131 = arith.addi %scan3A_119, %reduce_sum3A_128 : i32
        %ge3A = arith.constant 1024 : i32
        %ge3A_132 = arith.cmpi sge, %add3A_131, %ge3A : i32
        %and3A = arith.andi %lt3A_130, %ge3A_132 : i1
        %select_n3A = arith.select %and3A, %sub3A_122, %scan3A_120 : i32
        %select_n3A_133 = arith.select %and3A, %scan3A_119, %scan3A_121 : i32
        %add3A_134 = arith.addi %scan3A_119, %reduce_sum3A_128 : i32
        scf.yield %add3A_134, %select_n3A, %select_n3A_133 : i32, i32, i32
      }
      %scan3A_100 = arith.constant 128 : i32
      %shift_left3A_101 = arith.constant 7 : i32
      %shift_left3A_102 = arith.shli %or3A_78, %shift_left3A_101 : i32
      %or3A_103 = arith.ori %shift_left3A_102, %scan3A_99#1 : i32
      %scan3A_104 = arith.constant 0 : i32
      %scan3A_105 = arith.constant 0 : i32
      %scan3A_106 = arith.constant 128 : i32
      %scan3A_107 = arith.addi %scan3A_105, %scan3A_106 : i32
      %scan3A_108 = arith.constant 1 : i32
      %scan3A_109 = scf.for %scan3A_118 = %scan3A_105 to %scan3A_107 step %scan3A_108 iter_args(%scan3A_119 = %scan3A_104) -> (i32)  : i32 {
        %broadcast_in_dim3A_120 = arith.constant -1.000000e+00 : f32
        %broadcast_in_dim3A_121 = vector.broadcast %broadcast_in_dim3A_120 : f32 to vector<16xf32>
        %mul3A_122 = arith.constant 16 : i32
        %mul3A_123 = arith.muli %scan3A_118, %mul3A_122 : i32
        %swap3A = arith.index_cast %mul3A_123 : i32 to index
        %swap3A_124 = tpu.vector_load %arg7[%swap3A] {strides = array<i32>} : memref<2048xf32, #tpu.memory_space<vmem>>, vector<16xf32>,
        tpu.vector_store %arg7[%swap3A], %broadcast_in_dim3A_121 {strides = array<i32>} : memref<2048xf32, #tpu.memory_space<vmem>>, vector<16xf32>,
        %broadcast_in_dim3A_125 = arith.constant 16384 : i32
        %broadcast_in_dim3A_126 = vector.broadcast %broadcast_in_dim3A_125 : i32 to vector<16xi32>
        %mul3A_127 = arith.constant 16 : i32
        %mul3A_128 = arith.muli %scan3A_118, %mul3A_127 : i32
        %swap3A_129 = arith.index_cast %mul3A_128 : i32 to index
        %swap3A_130 = tpu.vector_load %arg8[%swap3A_129] {strides = array<i32>} : memref<2048xi32, #tpu.memory_space<vmem>>, vector<16xi32>,
        tpu.vector_store %arg8[%swap3A_129], %broadcast_in_dim3A_126 {strides = array<i32>} : memref<2048xi32, #tpu.memory_space<vmem>>, vector<16xi32>,
        %scan3A_131 = arith.constant 0 : i32
        scf.yield %scan3A_131 : i32
      }
      %scan3A_110 = arith.constant 128 : i32
      %scan3A_111 = arith.constant 0 : i32
      %scan3A_112 = arith.constant 0 : i32
      %scan3A_113 = arith.constant 1024 : i32
      %scan3A_114 = arith.addi %scan3A_112, %scan3A_113 : i32
      %scan3A_115 = arith.constant 1 : i32
      %scan3A_116 = scf.for %scan3A_118 = %scan3A_112 to %scan3A_114 step %scan3A_115 iter_args(%scan3A_119 = %scan3A_111) -> (i32)  : i32 {
        %mul3A_120 = arith.constant 16 : i32
        %mul3A_121 = arith.muli %scan3A_118, %mul3A_120 : i32
        %get3A = arith.index_cast %mul3A_121 : i32 to index
        %get3A_122 = tpu.vector_load %arg5[%get3A] {strides = array<i32>} : memref<16384xf32, #tpu.memory_space<vmem>>, vector<16xf32>,
        %bitcast3A = vector.bitcast %get3A_122 : vector<16xf32> to vector<16xi32>
        %ge3A = vector.broadcast %or3A_103 : i32 to vector<16xi32>
        %ge3A_123 = arith.cmpi sge, %bitcast3A, %ge3A : vector<16xi32>
        %convert_element_type3A_124 = arith.extui %ge3A_123 : vector<16xi1> to vector<16xi32>
        %broadcast_in_dim3A_125 = arith.constant true
        %broadcast_in_dim3A_126 = vector.broadcast %broadcast_in_dim3A_125 : i1 to vector<16xi1>
        %masked_cumsum3A = tpu.scan <sum>, %convert_element_type3A_124 masked %broadcast_in_dim3A_126 : vector<16xi32>, vector<16xi1> -> vector<16xi32>
        %sub3A = arith.constant 1 : i32
        %sub3A_127 = vector.broadcast %sub3A : i32 to vector<16xi32>
        %sub3A_128 = arith.subi %masked_cumsum3A, %sub3A_127 : vector<16xi32>
        %add3A_129 = vector.broadcast %scan3A_119 : i32 to vector<16xi32>
        %add3A_130 = arith.addi %add3A_129, %sub3A_128 : vector<16xi32>
        %min3A = arith.constant 2047 : i32
        %min3A_131 = vector.broadcast %min3A : i32 to vector<16xi32>
        %min3A_132 = arith.minsi %add3A_130, %min3A_131 : vector<16xi32>
        %add3A_133 = vector.broadcast %scan3A_119 : i32 to vector<16xi32>
        %add3A_134 = arith.addi %add3A_133, %sub3A_128 : vector<16xi32>
        %lt3A_135 = arith.constant 2048 : i32
        %lt3A_136 = vector.broadcast %lt3A_135 : i32 to vector<16xi32>
        %lt3A_137 = arith.cmpi slt, %add3A_134, %lt3A_136 : vector<16xi32>
        %and3A = arith.andi %ge3A_123, %lt3A_137 : vector<16xi1>
        tpu.vector_store_idx %arg7[%min3A_132], %get3A_122 masked %and3A : memref<2048xf32, #tpu.memory_space<vmem>>[vector<16xi32>], vector<16xf32>, vector<16xi1>
        %mul3A_138 = arith.constant 16 : i32
        %mul3A_139 = arith.muli %scan3A_118, %mul3A_138 : i32
        %add3A_140 = vector.broadcast %mul3A_139 : i32 to vector<16xi32>
        %add3A_141 = arith.addi %add3A_140, %iota3A : vector<16xi32>
        tpu.vector_store_idx %arg8[%min3A_132], %add3A_141 masked %and3A : memref<2048xi32, #tpu.memory_space<vmem>>[vector<16xi32>], vector<16xi32>, vector<16xi1>
        %convert_element_type3A_142 = arith.extui %ge3A_123 : vector<16xi1> to vector<16xi32>
        %reduce_sum3A = arith.constant true
        %reduce_sum3A_143 = vector.broadcast %reduce_sum3A : i1 to vector<16xi1>
        %reduce_sum3A_144 = tpu.scan <sum>, %convert_element_type3A_142 masked %reduce_sum3A_143 : vector<16xi32>, vector<16xi1> -> vector<16xi32>
        %reduce_sum3A_145 = vector.extract %reduce_sum3A_144[15] : i32 from vector<16xi32>
        %add3A_146 = arith.addi %scan3A_119, %reduce_sum3A_145 : i32
        %min3A_147 = arith.constant 2048 : i32
        %min3A_148 = arith.minsi %add3A_146, %min3A_147 : i32
        scf.yield %min3A_148 : i32
      }
      %scan3A_117 = arith.constant 1024 : i32
      "tpu.region"() ({
        %run_scoped3A = tpu.sem_alloc : memref<!tpu.dma_semaphore, #tpu.memory_space<semaphore_mem>>
        %dma_start3A = arith.constant 0 : i32
        %dma_start3A_118 = tpu.memref_slice %arg3[%add3A, %dma_start3A] : memref<8x2048xf32, #tpu.memory_space<hbm>> -> memref<1x2048xf32, #tpu.memory_space<hbm>>
        %dma_start3A_119 = tpu.memref_squeeze %dma_start3A_118 : memref<1x2048xf32, #tpu.memory_space<hbm>> -> memref<2048xf32, #tpu.memory_space<hbm>>
        %dma_start3A_120 = arith.constant 0 : i32
        %dma_start3A_121 = tpu.memref_slice %arg3[%add3A, %dma_start3A_120] : memref<8x2048xf32, #tpu.memory_space<hbm>> -> memref<1x2048xf32, #tpu.memory_space<hbm>>
        %dma_start3A_122 = tpu.memref_squeeze %dma_start3A_121 : memref<1x2048xf32, #tpu.memory_space<hbm>> -> memref<2048xf32, #tpu.memory_space<hbm>>
        tpu.enqueue_dma source(%arg7 : memref<2048xf32, #tpu.memory_space<vmem>>) target(%dma_start3A_122 : memref<2048xf32, #tpu.memory_space<hbm>>) target_semaphore(%run_scoped3A : memref<!tpu.dma_semaphore, #tpu.memory_space<semaphore_mem>>)
        %dma_wait3A = arith.constant 0 : i32
        %dma_wait3A_123 = tpu.memref_slice %arg3[%add3A, %dma_wait3A] : memref<8x2048xf32, #tpu.memory_space<hbm>> -> memref<1x2048xf32, #tpu.memory_space<hbm>>
        %dma_wait3A_124 = tpu.memref_squeeze %dma_wait3A_123 : memref<1x2048xf32, #tpu.memory_space<hbm>> -> memref<2048xf32, #tpu.memory_space<hbm>>
        %dma_wait3A_125 = arith.constant 0 : i32
        %dma_wait3A_126 = tpu.memref_slice %arg3[%add3A, %dma_wait3A_125] : memref<8x2048xf32, #tpu.memory_space<hbm>> -> memref<1x2048xf32, #tpu.memory_space<hbm>>
        %dma_wait3A_127 = tpu.memref_squeeze %dma_wait3A_126 : memref<1x2048xf32, #tpu.memory_space<hbm>> -> memref<2048xf32, #tpu.memory_space<hbm>>
        tpu.wait_dma2 semaphore(%run_scoped3A : memref<!tpu.dma_semaphore, #tpu.memory_space<semaphore_mem>>) src(%arg7 : memref<2048xf32, #tpu.memory_space<vmem>>) dst(%dma_wait3A_127 : memref<2048xf32, #tpu.memory_space<hbm>>)
        tpu.yield
      }) : () -> ()
      "tpu.region"() ({
        %run_scoped3A = tpu.sem_alloc : memref<!tpu.dma_semaphore, #tpu.memory_space<semaphore_mem>>
        %dma_start3A = arith.constant 0 : i32
        %dma_start3A_118 = tpu.memref_slice %arg4[%add3A, %dma_start3A] : memref<8x2048xi32, #tpu.memory_space<hbm>> -> memref<1x2048xi32, #tpu.memory_space<hbm>>
        %dma_start3A_119 = tpu.memref_squeeze %dma_start3A_118 : memref<1x2048xi32, #tpu.memory_space<hbm>> -> memref<2048xi32, #tpu.memory_space<hbm>>
        %dma_start3A_120 = arith.constant 0 : i32
        %dma_start3A_121 = tpu.memref_slice %arg4[%add3A, %dma_start3A_120] : memref<8x2048xi32, #tpu.memory_space<hbm>> -> memref<1x2048xi32, #tpu.memory_space<hbm>>
        %dma_start3A_122 = tpu.memref_squeeze %dma_start3A_121 : memref<1x2048xi32, #tpu.memory_space<hbm>> -> memref<2048xi32, #tpu.memory_space<hbm>>
        tpu.enqueue_dma source(%arg8 : memref<2048xi32, #tpu.memory_space<vmem>>) target(%dma_start3A_122 : memref<2048xi32, #tpu.memory_space<hbm>>) target_semaphore(%run_scoped3A : memref<!tpu.dma_semaphore, #tpu.memory_space<semaphore_mem>>)
        %dma_wait3A = arith.constant 0 : i32
        %dma_wait3A_123 = tpu.memref_slice %arg4[%add3A, %dma_wait3A] : memref<8x2048xi32, #tpu.memory_space<hbm>> -> memref<1x2048xi32, #tpu.memory_space<hbm>>
        %dma_wait3A_124 = tpu.memref_squeeze %dma_wait3A_123 : memref<1x2048xi32, #tpu.memory_space<hbm>> -> memref<2048xi32, #tpu.memory_space<hbm>>
        %dma_wait3A_125 = arith.constant 0 : i32
        %dma_wait3A_126 = tpu.memref_slice %arg4[%add3A, %dma_wait3A_125] : memref<8x2048xi32, #tpu.memory_space<hbm>> -> memref<1x2048xi32, #tpu.memory_space<hbm>>
        %dma_wait3A_127 = tpu.memref_squeeze %dma_wait3A_126 : memref<1x2048xi32, #tpu.memory_space<hbm>> -> memref<2048xi32, #tpu.memory_space<hbm>>
        tpu.wait_dma2 semaphore(%run_scoped3A : memref<!tpu.dma_semaphore, #tpu.memory_space<semaphore_mem>>) src(%arg8 : memref<2048xi32, #tpu.memory_space<vmem>>) dst(%dma_wait3A_127 : memref<2048xi32, #tpu.memory_space<hbm>>)
        tpu.yield
      }) : () -> ()
    } else {
    }
    return
  }
}

module attributes {stable_mosaic.version = 14 : i64} {
  func.func @_p_body(%arg0: i32, %arg1: memref<1x128x3xi32, #tpu.memory_space<vmem>>, %arg2: memref<1x3x128xi32, #tpu.memory_space<vmem>>, %arg3: memref<128x64xf32, #tpu.memory_space<vmem>>, %arg4: memref<1x64xf32, #tpu.memory_space<vmem>>, %arg5: memref<128x64xf32, #tpu.memory_space<vmem>>, %arg6: memref<1x64xf32, #tpu.memory_space<vmem>>, %arg7: memref<1x128x128xf32, #tpu.memory_space<vmem>>, %arg8: memref<128x128xf32, #tpu.memory_space<vmem>>, %arg9: memref<128x128xf32, #tpu.memory_space<vmem>>) attributes {dimension_semantics = [#tpu.dimension_semantics<arbitrary>], iteration_bounds = array<i64: 8>, scalar_prefetch = 0 : i64, scratch_operands = 2 : i64, tpu.core_type = #tpu.core_type<tc>, window_params = [{transform_indices = @transform_0, window_bounds = array<i64: 1, 128, 3>}, {transform_indices = @transform_1, window_bounds = array<i64: 1, 3, 128>}, {pipeline_mode = #tpu.pipeline_mode<synchronous>, transform_indices = @transform_2, window_bounds = array<i64: 128, 64>}, {pipeline_mode = #tpu.pipeline_mode<synchronous>, transform_indices = @transform_3, window_bounds = array<i64: 1, 64>}, {pipeline_mode = #tpu.pipeline_mode<synchronous>, transform_indices = @transform_4, window_bounds = array<i64: 128, 64>}, {pipeline_mode = #tpu.pipeline_mode<synchronous>, transform_indices = @transform_5, window_bounds = array<i64: 1, 64>}, {transform_indices = @transform_6, window_bounds = array<i64: 1, 128, 128>}]} {
    %iota3A = tpu.iota {dimensions = array<i32: 2>} : vector<1x1x128xi32>
    %shift_right_arithmetic3A = arith.constant 3 : i32
    %shift_right_arithmetic3A_0 = vector.broadcast %shift_right_arithmetic3A : i32 to vector<1x1x128xi32>
    %shift_right_arithmetic3A_1 = arith.shrsi %iota3A, %shift_right_arithmetic3A_0 : vector<1x1x128xi32>
    %and3A = arith.constant 7 : i32
    %and3A_2 = vector.broadcast %and3A : i32 to vector<1x1x128xi32>
    %and3A_3 = arith.andi %iota3A, %and3A_2 : vector<1x1x128xi32>
    %get3A = arith.constant 0 : index
    %get3A_4 = arith.constant 0 : index
    %get3A_5 = vector.load %arg3[%get3A, %get3A_4] : memref<128x64xf32, #tpu.memory_space<vmem>>, vector<128x64xf32>
    %get3A_6 = arith.constant 0 : index
    %get3A_7 = arith.constant 0 : index
    %get3A_8 = vector.load %arg4[%get3A_6, %get3A_7] : memref<1x64xf32, #tpu.memory_space<vmem>>, vector<1x64xf32>
    %get3A_9 = arith.constant 0 : index
    %get3A_10 = arith.constant 0 : index
    %get3A_11 = vector.load %arg5[%get3A_9, %get3A_10] : memref<128x64xf32, #tpu.memory_space<vmem>>, vector<128x64xf32>
    %get3A_12 = arith.constant 0 : index
    %get3A_13 = arith.constant 0 : index
    %get3A_14 = vector.load %arg6[%get3A_12, %get3A_13] : memref<1x64xf32, #tpu.memory_space<vmem>>, vector<1x64xf32>
    %get3A_15 = arith.constant 0 : index
    %get3A_16 = arith.constant 0 : index
    %get3A_17 = arith.constant 0 : index
    %get3A_18 = vector.load %arg2[%get3A_15, %get3A_16, %get3A_17] : memref<1x3x128xi32, #tpu.memory_space<vmem>>, vector<1x1x128xi32>
    %get3A_19 = vector.shape_cast %get3A_18 : vector<1x1x128xi32> to vector<1x128xi32>
    %get3A_20 = arith.constant 0 : index
    %get3A_21 = arith.constant 1 : index
    %get3A_22 = arith.constant 0 : index
    %get3A_23 = vector.load %arg2[%get3A_20, %get3A_21, %get3A_22] : memref<1x3x128xi32, #tpu.memory_space<vmem>>, vector<1x1x128xi32>
    %get3A_24 = vector.shape_cast %get3A_23 : vector<1x1x128xi32> to vector<1x128xi32>
    %get3A_25 = arith.constant 0 : index
    %get3A_26 = arith.constant 2 : index
    %get3A_27 = arith.constant 0 : index
    %get3A_28 = vector.load %arg2[%get3A_25, %get3A_26, %get3A_27] : memref<1x3x128xi32, #tpu.memory_space<vmem>>, vector<1x1x128xi32>
    %get3A_29 = vector.shape_cast %get3A_28 : vector<1x1x128xi32> to vector<1x128xi32>
    %scan3A = arith.constant 0 : i32
    %scan3A_30 = arith.constant 4 : i32
    %scan3A_31 = arith.addi %scan3A, %scan3A_30 : i32
    %scan3A_32 = arith.constant 1 : i32
    scf.for %scan3A_46 = %scan3A to %scan3A_31 step %scan3A_32  : i32 {
      %mul3A = arith.constant 32 : i32
      %mul3A_47 = arith.muli %scan3A_46, %mul3A : i32
      %get3A_48 = arith.constant 0 : index
      %get3A_49 = arith.index_cast %mul3A_47 : i32 to index
      %get3A_50 = arith.constant 0 : index
      %get3A_51 = vector.load %arg1[%get3A_48, %get3A_49, %get3A_50] : memref<1x128x3xi32, #tpu.memory_space<vmem>>, vector<1x32x3xi32>
      %get3A_52 = vector.shape_cast %get3A_51 : vector<1x32x3xi32> to vector<32x3xi32>
      %slice3A = vector.extract_strided_slice %get3A_52 {offsets = [0, 0], sizes = [32, 1], strides = [1, 1]} : vector<32x3xi32> to vector<32x1xi32>
      %add3A = vector.broadcast %slice3A : vector<32x1xi32> to vector<32x128xi32>
      %add3A_53 = vector.broadcast %get3A_19 : vector<1x128xi32> to vector<32x128xi32>
      %add3A_54 = arith.addi %add3A, %add3A_53 : vector<32x128xi32>
      %slice3A_55 = vector.extract_strided_slice %get3A_52 {offsets = [0, 1], sizes = [32, 1], strides = [1, 1]} : vector<32x3xi32> to vector<32x1xi32>
      %add3A_56 = vector.broadcast %slice3A_55 : vector<32x1xi32> to vector<32x128xi32>
      %add3A_57 = vector.broadcast %get3A_24 : vector<1x128xi32> to vector<32x128xi32>
      %add3A_58 = arith.addi %add3A_56, %add3A_57 : vector<32x128xi32>
      %slice3A_59 = vector.extract_strided_slice %get3A_52 {offsets = [0, 2], sizes = [32, 1], strides = [1, 1]} : vector<32x3xi32> to vector<32x1xi32>
      %add3A_60 = vector.broadcast %slice3A_59 : vector<32x1xi32> to vector<32x128xi32>
      %add3A_61 = vector.broadcast %get3A_29 : vector<1x128xi32> to vector<32x128xi32>
      %add3A_62 = arith.addi %add3A_60, %add3A_61 : vector<32x128xi32>
      %broadcast_in_dim3A = vector.shape_cast %add3A_54 : vector<32x128xi32> to vector<32x128x1xi32>
      %shift_right_arithmetic3A_63 = vector.broadcast %broadcast_in_dim3A : vector<32x128x1xi32> to vector<32x128x128xi32>
      %shift_right_arithmetic3A_64 = vector.broadcast %shift_right_arithmetic3A_1 : vector<1x1x128xi32> to vector<32x128x128xi32>
      %shift_right_arithmetic3A_65 = arith.shrsi %shift_right_arithmetic3A_63, %shift_right_arithmetic3A_64 : vector<32x128x128xi32>
      %and3A_66 = arith.constant 1 : i32
      %and3A_67 = vector.broadcast %and3A_66 : i32 to vector<32x128x128xi32>
      %and3A_68 = arith.andi %shift_right_arithmetic3A_65, %and3A_67 : vector<32x128x128xi32>
      %broadcast_in_dim3A_69 = vector.shape_cast %add3A_58 : vector<32x128xi32> to vector<32x128x1xi32>
      %shift_right_arithmetic3A_70 = vector.broadcast %broadcast_in_dim3A_69 : vector<32x128x1xi32> to vector<32x128x128xi32>
      %shift_right_arithmetic3A_71 = vector.broadcast %shift_right_arithmetic3A_1 : vector<1x1x128xi32> to vector<32x128x128xi32>
      %shift_right_arithmetic3A_72 = arith.shrsi %shift_right_arithmetic3A_70, %shift_right_arithmetic3A_71 : vector<32x128x128xi32>
      %and3A_73 = arith.constant 1 : i32
      %and3A_74 = vector.broadcast %and3A_73 : i32 to vector<32x128x128xi32>
      %and3A_75 = arith.andi %shift_right_arithmetic3A_72, %and3A_74 : vector<32x128x128xi32>
      %mul3A_76 = arith.constant 2 : i32
      %mul3A_77 = vector.broadcast %mul3A_76 : i32 to vector<32x128x128xi32>
      %mul3A_78 = arith.muli %mul3A_77, %and3A_75 : vector<32x128x128xi32>
      %add3A_79 = arith.addi %and3A_68, %mul3A_78 : vector<32x128x128xi32>
      %broadcast_in_dim3A_80 = vector.shape_cast %add3A_62 : vector<32x128xi32> to vector<32x128x1xi32>
      %shift_right_arithmetic3A_81 = vector.broadcast %broadcast_in_dim3A_80 : vector<32x128x1xi32> to vector<32x128x128xi32>
      %shift_right_arithmetic3A_82 = vector.broadcast %shift_right_arithmetic3A_1 : vector<1x1x128xi32> to vector<32x128x128xi32>
      %shift_right_arithmetic3A_83 = arith.shrsi %shift_right_arithmetic3A_81, %shift_right_arithmetic3A_82 : vector<32x128x128xi32>
      %and3A_84 = arith.constant 1 : i32
      %and3A_85 = vector.broadcast %and3A_84 : i32 to vector<32x128x128xi32>
      %and3A_86 = arith.andi %shift_right_arithmetic3A_83, %and3A_85 : vector<32x128x128xi32>
      %mul3A_87 = arith.constant 4 : i32
      %mul3A_88 = vector.broadcast %mul3A_87 : i32 to vector<32x128x128xi32>
      %mul3A_89 = arith.muli %mul3A_88, %and3A_86 : vector<32x128x128xi32>
      %add3A_90 = arith.addi %add3A_79, %mul3A_89 : vector<32x128x128xi32>
      %eq3A = vector.broadcast %and3A_3 : vector<1x1x128xi32> to vector<32x128x128xi32>
      %eq3A_91 = arith.cmpi eq, %add3A_90, %eq3A : vector<32x128x128xi32>
      %convert_element_type3A = arith.extui %eq3A_91 : vector<32x128x128xi1> to vector<32x128x128xi32>
      %convert_element_type3A_92 = arith.sitofp %convert_element_type3A : vector<32x128x128xi32> to vector<32x128x128xf32>
      %reshape3A = vector.shape_cast %convert_element_type3A_92 : vector<32x128x128xf32> to vector<4096x128xf32>
      %dot_general3A_93 = arith.constant dense<0.000000e+00> : vector<4096x64xf32>
      %dot_general3A_94 = tpu.matmul %reshape3A, %get3A_5, %dot_general3A_93 {dimension_numbers = #tpu.dot_dimension_numbers<[1], [0], [0], [1], [0, 0, 1, 1], [], []>, transpose_lhs_hint = false} : vector<4096x128xf32>, vector<128x64xf32>, vector<4096x64xf32> -> vector<4096x64xf32>
      %add3A_95 = vector.broadcast %get3A_8 : vector<1x64xf32> to vector<4096x64xf32>
      %add3A_96 = arith.addf %dot_general3A_94, %add3A_95 : vector<4096x64xf32>
      %max3A = arith.constant 0.000000e+00 : f32
      %max3A_97 = vector.broadcast %max3A : f32 to vector<4096x64xf32>
      %max3A_98 = arith.maximumf %add3A_96, %max3A_97 : vector<4096x64xf32>
      %reshape3A_99 = vector.shape_cast %max3A_98 : vector<4096x64xf32> to vector<32x128x64xf32>
      %div3A = arith.constant 6.400000e+01 : f32
      %div3A_100 = vector.broadcast %div3A : f32 to vector<32x128x64xf32>
      %div3A_101 = arith.divf %reshape3A_99, %div3A_100 : vector<32x128x64xf32>
      %reduce_sum3A = arith.constant dense<0.000000e+00> : vector<32x128xf32>
      %reduce_sum3A_102 = vector.multi_reduction <add>, %div3A_101, %reduce_sum3A [2] : vector<32x128x64xf32> to vector<32x128xf32>
      %mul3A_103 = arith.constant 32 : i32
      %mul3A_104 = arith.muli %scan3A_46, %mul3A_103 : i32
      %swap3A_105 = arith.index_cast %mul3A_104 : i32 to index
      %swap3A_106 = arith.constant 0 : index
      %swap3A_107 = vector.load %arg8[%swap3A_105, %swap3A_106] : memref<128x128xf32, #tpu.memory_space<vmem>>, vector<32x128xf32>
      tpu.vector_store %arg8[%swap3A_105, %swap3A_106], %reduce_sum3A_102 {strides = array<i32>} : memref<128x128xf32, #tpu.memory_space<vmem>>, vector<32x128xf32>,
      %dot_general3A_108 = arith.constant dense<0.000000e+00> : vector<4096x64xf32>
      %dot_general3A_109 = tpu.matmul %reshape3A, %get3A_11, %dot_general3A_108 {dimension_numbers = #tpu.dot_dimension_numbers<[1], [0], [0], [1], [0, 0, 1, 1], [], []>, transpose_lhs_hint = false} : vector<4096x128xf32>, vector<128x64xf32>, vector<4096x64xf32> -> vector<4096x64xf32>
      %add3A_110 = vector.broadcast %get3A_14 : vector<1x64xf32> to vector<4096x64xf32>
      %add3A_111 = arith.addf %dot_general3A_109, %add3A_110 : vector<4096x64xf32>
      %max3A_112 = arith.constant 0.000000e+00 : f32
      %max3A_113 = vector.broadcast %max3A_112 : f32 to vector<4096x64xf32>
      %max3A_114 = arith.maximumf %add3A_111, %max3A_113 : vector<4096x64xf32>
      %reshape3A_115 = vector.shape_cast %max3A_114 : vector<4096x64xf32> to vector<32x128x64xf32>
      %div3A_116 = arith.constant 6.400000e+01 : f32
      %div3A_117 = vector.broadcast %div3A_116 : f32 to vector<32x128x64xf32>
      %div3A_118 = arith.divf %reshape3A_115, %div3A_117 : vector<32x128x64xf32>
      %reduce_sum3A_119 = arith.constant dense<0.000000e+00> : vector<32x128xf32>
      %reduce_sum3A_120 = vector.multi_reduction <add>, %div3A_118, %reduce_sum3A_119 [2] : vector<32x128x64xf32> to vector<32x128xf32>
      %mul3A_121 = arith.constant 32 : i32
      %mul3A_122 = arith.muli %scan3A_46, %mul3A_121 : i32
      %swap3A_123 = arith.index_cast %mul3A_122 : i32 to index
      %swap3A_124 = arith.constant 0 : index
      %swap3A_125 = vector.load %arg9[%swap3A_123, %swap3A_124] : memref<128x128xf32, #tpu.memory_space<vmem>>, vector<32x128xf32>
      tpu.vector_store %arg9[%swap3A_123, %swap3A_124], %reduce_sum3A_120 {strides = array<i32>} : memref<128x128xf32, #tpu.memory_space<vmem>>, vector<32x128xf32>,
    }
    %scan3A_33 = arith.constant 4 : i32
    %get3A_34 = arith.constant 0 : index
    %get3A_35 = arith.constant 0 : index
    %get3A_36 = vector.load %arg8[%get3A_34, %get3A_35] : memref<128x128xf32, #tpu.memory_space<vmem>>, vector<128x128xf32>
    %get3A_37 = arith.constant 0 : index
    %get3A_38 = arith.constant 0 : index
    %get3A_39 = vector.load %arg9[%get3A_37, %get3A_38] : memref<128x128xf32, #tpu.memory_space<vmem>>, vector<128x128xf32>
    %dot_general3A = arith.constant dense<0.000000e+00> : vector<128x128xf32>
    %dot_general3A_40 = tpu.matmul %get3A_36, %get3A_39, %dot_general3A {dimension_numbers = #tpu.dot_dimension_numbers<[1], [1], [0], [0], [0, 0, 1, 0], [], []>, transpose_lhs_hint = false} : vector<128x128xf32>, vector<128x128xf32>, vector<128x128xf32> -> vector<128x128xf32>
    %swap3A = arith.constant 0 : index
    %swap3A_41 = arith.constant 0 : index
    %swap3A_42 = arith.constant 0 : index
    %swap3A_43 = vector.load %arg7[%swap3A, %swap3A_41, %swap3A_42] : memref<1x128x128xf32, #tpu.memory_space<vmem>>, vector<1x128x128xf32>
    %swap3A_44 = vector.shape_cast %swap3A_43 : vector<1x128x128xf32> to vector<128x128xf32>
    %swap3A_45 = vector.shape_cast %dot_general3A_40 : vector<128x128xf32> to vector<1x128x128xf32>
    tpu.vector_store %arg7[%swap3A, %swap3A_41, %swap3A_42], %swap3A_45 {strides = array<i32>} : memref<1x128x128xf32, #tpu.memory_space<vmem>>, vector<1x128x128xf32>,
    return
  }
  func.func @transform_0(%arg0: i32) -> (i32, i32, i32) {
    %c0_i32 = arith.constant 0 : i32
    %c0_i32_0 = arith.constant 0 : i32
    %c0_i32_1 = arith.constant 0 : i32
    return %arg0, %c0_i32, %c0_i32_0 : i32, i32, i32
  }
  func.func @transform_1(%arg0: i32) -> (i32, i32, i32) {
    %c0_i32 = arith.constant 0 : i32
    %c0_i32_0 = arith.constant 0 : i32
    %c0_i32_1 = arith.constant 0 : i32
    return %arg0, %c0_i32, %c0_i32_0 : i32, i32, i32
  }
  func.func @transform_2(%arg0: i32) -> (i32, i32) {
    %c0_i32 = arith.constant 0 : i32
    %c0_i32_0 = arith.constant 0 : i32
    %c0_i32_1 = arith.constant 0 : i32
    return %c0_i32, %c0_i32_0 : i32, i32
  }
  func.func @transform_3(%arg0: i32) -> (i32, i32) {
    %c0_i32 = arith.constant 0 : i32
    %c0_i32_0 = arith.constant 0 : i32
    %c0_i32_1 = arith.constant 0 : i32
    return %c0_i32, %c0_i32_0 : i32, i32
  }
  func.func @transform_4(%arg0: i32) -> (i32, i32) {
    %c0_i32 = arith.constant 0 : i32
    %c0_i32_0 = arith.constant 0 : i32
    %c0_i32_1 = arith.constant 0 : i32
    return %c0_i32, %c0_i32_0 : i32, i32
  }
  func.func @transform_5(%arg0: i32) -> (i32, i32) {
    %c0_i32 = arith.constant 0 : i32
    %c0_i32_0 = arith.constant 0 : i32
    %c0_i32_1 = arith.constant 0 : i32
    return %c0_i32, %c0_i32_0 : i32, i32
  }
  func.func @transform_6(%arg0: i32) -> (i32, i32, i32) {
    %c0_i32 = arith.constant 0 : i32
    %c0_i32_0 = arith.constant 0 : i32
    %c0_i32_1 = arith.constant 0 : i32
    return %arg0, %c0_i32, %c0_i32_0 : i32, i32, i32
  }
}

module attributes {stable_mosaic.version = 14 : i64} {
  func.func @_sort_body(%arg0: i32, %arg1: memref<1x16x128xf32, #tpu.memory_space<vmem>>, %arg2: memref<1x16x128xi32, #tpu.memory_space<vmem>>, %arg3: memref<1x1x384xf32, #tpu.memory_space<vmem>>, %arg4: memref<1x8x128xf32, #tpu.memory_space<vmem>>, %arg5: memref<1x8x128xf32, #tpu.memory_space<vmem>>) attributes {dimension_semantics = [#tpu.dimension_semantics<arbitrary>], iteration_bounds = array<i64: 8>, scalar_prefetch = 0 : i64, scratch_operands = 0 : i64, tpu.core_type = #tpu.core_type<tc>, window_params = [{transform_indices = @transform_0, window_bounds = array<i64: 1, 16, 128>}, {transform_indices = @transform_1, window_bounds = array<i64: 1, 16, 128>}, {transform_indices = @transform_2, window_bounds = array<i64: 1, 1, 384>}, {transform_indices = @transform_3, window_bounds = array<i64: 1, 8, 128>}, {transform_indices = @transform_4, window_bounds = array<i64: 1, 8, 128>}]} {
    %get3A = arith.constant 0 : index
    %get3A_0 = arith.constant 0 : index
    %get3A_1 = arith.constant 0 : index
    %get3A_2 = vector.load %arg1[%get3A, %get3A_0, %get3A_1] : memref<1x16x128xf32, #tpu.memory_space<vmem>>, vector<1x16x128xf32>
    %get3A_3 = vector.shape_cast %get3A_2 : vector<1x16x128xf32> to vector<16x128xf32>
    %get3A_4 = arith.constant 0 : index
    %get3A_5 = arith.constant 0 : index
    %get3A_6 = arith.constant 0 : index
    %get3A_7 = vector.load %arg2[%get3A_4, %get3A_5, %get3A_6] : memref<1x16x128xi32, #tpu.memory_space<vmem>>, vector<1x16x128xi32>
    %get3A_8 = vector.shape_cast %get3A_7 : vector<1x16x128xi32> to vector<16x128xi32>
    %iota3A = tpu.iota {dimensions = array<i32: 0>} : vector<16x128xi32>
    %mul3A = arith.constant 128 : i32
    %mul3A_9 = vector.broadcast %mul3A : i32 to vector<16x128xi32>
    %mul3A_10 = arith.muli %iota3A, %mul3A_9 : vector<16x128xi32>
    %iota3A_11 = tpu.iota {dimensions = array<i32: 1>} : vector<16x128xi32>
    %add3A = arith.addi %mul3A_10, %iota3A_11 : vector<16x128xi32>
    %and3A = arith.constant 1 : i32
    %and3A_12 = vector.broadcast %and3A : i32 to vector<16x128xi32>
    %and3A_13 = arith.andi %add3A, %and3A_12 : vector<16x128xi32>
    %ne3A = arith.constant 0 : i32
    %ne3A_14 = vector.broadcast %ne3A : i32 to vector<16x128xi32>
    %ne3A_15 = arith.cmpi ne, %and3A_13, %ne3A_14 : vector<16x128xi32>
    %and3A_16 = arith.constant 2 : i32
    %and3A_17 = vector.broadcast %and3A_16 : i32 to vector<16x128xi32>
    %and3A_18 = arith.andi %add3A, %and3A_17 : vector<16x128xi32>
    %eq3A = arith.constant 0 : i32
    %eq3A_19 = vector.broadcast %eq3A : i32 to vector<16x128xi32>
    %eq3A_20 = arith.cmpi eq, %and3A_18, %eq3A_19 : vector<16x128xi32>
    %and3A_21 = arith.constant 1 : i32
    %and3A_22 = vector.broadcast %and3A_21 : i32 to vector<16x128xi32>
    %and3A_23 = arith.andi %add3A, %and3A_22 : vector<16x128xi32>
    %eq3A_24 = arith.constant 0 : i32
    %eq3A_25 = vector.broadcast %eq3A_24 : i32 to vector<16x128xi32>
    %eq3A_26 = arith.cmpi eq, %and3A_23, %eq3A_25 : vector<16x128xi32>
    %eq3A_27 = arith.xori %eq3A_20, %eq3A_26 : vector<16x128xi1>
    %eq3A_28 = arith.constant dense<true> : vector<16x128xi1>
    %eq3A_29 = arith.xori %eq3A_27, %eq3A_28 : vector<16x128xi1>
    %slice3A = vector.extract_strided_slice %get3A_3 {offsets = [0, 1], sizes = [16, 127], strides = [1, 1]} : vector<16x128xf32> to vector<16x127xf32>
    %slice3A_30 = vector.extract_strided_slice %get3A_3 {offsets = [0, 0], sizes = [16, 1], strides = [1, 1]} : vector<16x128xf32> to vector<16x1xf32>
    %concatenate3A = tpu.concatenate %slice3A, %slice3A_30 in 1 : vector<16x127xf32>, vector<16x1xf32> -> vector<16x128xf32>
    %slice3A_31 = vector.extract_strided_slice %get3A_3 {offsets = [0, 127], sizes = [16, 1], strides = [1, 1]} : vector<16x128xf32> to vector<16x1xf32>
    %slice3A_32 = vector.extract_strided_slice %get3A_3 {offsets = [0, 0], sizes = [16, 127], strides = [1, 1]} : vector<16x128xf32> to vector<16x127xf32>
    %concatenate3A_33 = tpu.concatenate %slice3A_31, %slice3A_32 in 1 : vector<16x1xf32>, vector<16x127xf32> -> vector<16x128xf32>
    %slice3A_34 = vector.extract_strided_slice %get3A_8 {offsets = [0, 1], sizes = [16, 127], strides = [1, 1]} : vector<16x128xi32> to vector<16x127xi32>
    %slice3A_35 = vector.extract_strided_slice %get3A_8 {offsets = [0, 0], sizes = [16, 1], strides = [1, 1]} : vector<16x128xi32> to vector<16x1xi32>
    %concatenate3A_36 = tpu.concatenate %slice3A_34, %slice3A_35 in 1 : vector<16x127xi32>, vector<16x1xi32> -> vector<16x128xi32>
    %slice3A_37 = vector.extract_strided_slice %get3A_8 {offsets = [0, 127], sizes = [16, 1], strides = [1, 1]} : vector<16x128xi32> to vector<16x1xi32>
    %slice3A_38 = vector.extract_strided_slice %get3A_8 {offsets = [0, 0], sizes = [16, 127], strides = [1, 1]} : vector<16x128xi32> to vector<16x127xi32>
    %concatenate3A_39 = tpu.concatenate %slice3A_37, %slice3A_38 in 1 : vector<16x1xi32>, vector<16x127xi32> -> vector<16x128xi32>
    %select_n3A = arith.select %ne3A_15, %concatenate3A_33, %concatenate3A : vector<16x128xi1>, vector<16x128xf32>
    %select_n3A_40 = arith.select %ne3A_15, %concatenate3A_39, %concatenate3A_36 : vector<16x128xi1>, vector<16x128xi32>
    %lt3A = arith.cmpf olt, %get3A_3, %select_n3A : vector<16x128xf32>
    %eq3A_41 = arith.cmpf oeq, %get3A_3, %select_n3A : vector<16x128xf32>
    %gt3A = arith.cmpi sgt, %get3A_8, %select_n3A_40 : vector<16x128xi32>
    %and3A_42 = arith.andi %eq3A_41, %gt3A : vector<16x128xi1>
    %or3A = arith.ori %lt3A, %and3A_42 : vector<16x128xi1>
    %eq3A_43 = arith.xori %or3A, %eq3A_29 : vector<16x128xi1>
    %eq3A_44 = arith.constant dense<true> : vector<16x128xi1>
    %eq3A_45 = arith.xori %eq3A_43, %eq3A_44 : vector<16x128xi1>
    %select_n3A_46 = arith.select %eq3A_45, %select_n3A, %get3A_3 : vector<16x128xi1>, vector<16x128xf32>
    %select_n3A_47 = arith.select %eq3A_45, %select_n3A_40, %get3A_8 : vector<16x128xi1>, vector<16x128xi32>
    %and3A_48 = arith.constant 2 : i32
    %and3A_49 = vector.broadcast %and3A_48 : i32 to vector<16x128xi32>
    %and3A_50 = arith.andi %add3A, %and3A_49 : vector<16x128xi32>
    %ne3A_51 = arith.constant 0 : i32
    %ne3A_52 = vector.broadcast %ne3A_51 : i32 to vector<16x128xi32>
    %ne3A_53 = arith.cmpi ne, %and3A_50, %ne3A_52 : vector<16x128xi32>
    %and3A_54 = arith.constant 4 : i32
    %and3A_55 = vector.broadcast %and3A_54 : i32 to vector<16x128xi32>
    %and3A_56 = arith.andi %add3A, %and3A_55 : vector<16x128xi32>
    %eq3A_57 = arith.constant 0 : i32
    %eq3A_58 = vector.broadcast %eq3A_57 : i32 to vector<16x128xi32>
    %eq3A_59 = arith.cmpi eq, %and3A_56, %eq3A_58 : vector<16x128xi32>
    %and3A_60 = arith.constant 2 : i32
    %and3A_61 = vector.broadcast %and3A_60 : i32 to vector<16x128xi32>
    %and3A_62 = arith.andi %add3A, %and3A_61 : vector<16x128xi32>
    %eq3A_63 = arith.constant 0 : i32
    %eq3A_64 = vector.broadcast %eq3A_63 : i32 to vector<16x128xi32>
    %eq3A_65 = arith.cmpi eq, %and3A_62, %eq3A_64 : vector<16x128xi32>
    %eq3A_66 = arith.xori %eq3A_59, %eq3A_65 : vector<16x128xi1>
    %eq3A_67 = arith.constant dense<true> : vector<16x128xi1>
    %eq3A_68 = arith.xori %eq3A_66, %eq3A_67 : vector<16x128xi1>
    %slice3A_69 = vector.extract_strided_slice %select_n3A_46 {offsets = [0, 2], sizes = [16, 126], strides = [1, 1]} : vector<16x128xf32> to vector<16x126xf32>
    %slice3A_70 = vector.extract_strided_slice %select_n3A_46 {offsets = [0, 0], sizes = [16, 2], strides = [1, 1]} : vector<16x128xf32> to vector<16x2xf32>
    %concatenate3A_71 = tpu.concatenate %slice3A_69, %slice3A_70 in 1 : vector<16x126xf32>, vector<16x2xf32> -> vector<16x128xf32>
    %slice3A_72 = vector.extract_strided_slice %select_n3A_46 {offsets = [0, 126], sizes = [16, 2], strides = [1, 1]} : vector<16x128xf32> to vector<16x2xf32>
    %slice3A_73 = vector.extract_strided_slice %select_n3A_46 {offsets = [0, 0], sizes = [16, 126], strides = [1, 1]} : vector<16x128xf32> to vector<16x126xf32>
    %concatenate3A_74 = tpu.concatenate %slice3A_72, %slice3A_73 in 1 : vector<16x2xf32>, vector<16x126xf32> -> vector<16x128xf32>
    %slice3A_75 = vector.extract_strided_slice %select_n3A_47 {offsets = [0, 2], sizes = [16, 126], strides = [1, 1]} : vector<16x128xi32> to vector<16x126xi32>
    %slice3A_76 = vector.extract_strided_slice %select_n3A_47 {offsets = [0, 0], sizes = [16, 2], strides = [1, 1]} : vector<16x128xi32> to vector<16x2xi32>
    %concatenate3A_77 = tpu.concatenate %slice3A_75, %slice3A_76 in 1 : vector<16x126xi32>, vector<16x2xi32> -> vector<16x128xi32>
    %slice3A_78 = vector.extract_strided_slice %select_n3A_47 {offsets = [0, 126], sizes = [16, 2], strides = [1, 1]} : vector<16x128xi32> to vector<16x2xi32>
    %slice3A_79 = vector.extract_strided_slice %select_n3A_47 {offsets = [0, 0], sizes = [16, 126], strides = [1, 1]} : vector<16x128xi32> to vector<16x126xi32>
    %concatenate3A_80 = tpu.concatenate %slice3A_78, %slice3A_79 in 1 : vector<16x2xi32>, vector<16x126xi32> -> vector<16x128xi32>
    %select_n3A_81 = arith.select %ne3A_53, %concatenate3A_74, %concatenate3A_71 : vector<16x128xi1>, vector<16x128xf32>
    %select_n3A_82 = arith.select %ne3A_53, %concatenate3A_80, %concatenate3A_77 : vector<16x128xi1>, vector<16x128xi32>
    %lt3A_83 = arith.cmpf olt, %select_n3A_46, %select_n3A_81 : vector<16x128xf32>
    %eq3A_84 = arith.cmpf oeq, %select_n3A_46, %select_n3A_81 : vector<16x128xf32>
    %gt3A_85 = arith.cmpi sgt, %select_n3A_47, %select_n3A_82 : vector<16x128xi32>
    %and3A_86 = arith.andi %eq3A_84, %gt3A_85 : vector<16x128xi1>
    %or3A_87 = arith.ori %lt3A_83, %and3A_86 : vector<16x128xi1>
    %eq3A_88 = arith.xori %or3A_87, %eq3A_68 : vector<16x128xi1>
    %eq3A_89 = arith.constant dense<true> : vector<16x128xi1>
    %eq3A_90 = arith.xori %eq3A_88, %eq3A_89 : vector<16x128xi1>
    %select_n3A_91 = arith.select %eq3A_90, %select_n3A_81, %select_n3A_46 : vector<16x128xi1>, vector<16x128xf32>
    %select_n3A_92 = arith.select %eq3A_90, %select_n3A_82, %select_n3A_47 : vector<16x128xi1>, vector<16x128xi32>
    %and3A_93 = arith.constant 1 : i32
    %and3A_94 = vector.broadcast %and3A_93 : i32 to vector<16x128xi32>
    %and3A_95 = arith.andi %add3A, %and3A_94 : vector<16x128xi32>
    %ne3A_96 = arith.constant 0 : i32
    %ne3A_97 = vector.broadcast %ne3A_96 : i32 to vector<16x128xi32>
    %ne3A_98 = arith.cmpi ne, %and3A_95, %ne3A_97 : vector<16x128xi32>
    %and3A_99 = arith.constant 4 : i32
    %and3A_100 = vector.broadcast %and3A_99 : i32 to vector<16x128xi32>
    %and3A_101 = arith.andi %add3A, %and3A_100 : vector<16x128xi32>
    %eq3A_102 = arith.constant 0 : i32
    %eq3A_103 = vector.broadcast %eq3A_102 : i32 to vector<16x128xi32>
    %eq3A_104 = arith.cmpi eq, %and3A_101, %eq3A_103 : vector<16x128xi32>
    %and3A_105 = arith.constant 1 : i32
    %and3A_106 = vector.broadcast %and3A_105 : i32 to vector<16x128xi32>
    %and3A_107 = arith.andi %add3A, %and3A_106 : vector<16x128xi32>
    %eq3A_108 = arith.constant 0 : i32
    %eq3A_109 = vector.broadcast %eq3A_108 : i32 to vector<16x128xi32>
    %eq3A_110 = arith.cmpi eq, %and3A_107, %eq3A_109 : vector<16x128xi32>
    %eq3A_111 = arith.xori %eq3A_104, %eq3A_110 : vector<16x128xi1>
    %eq3A_112 = arith.constant dense<true> : vector<16x128xi1>
    %eq3A_113 = arith.xori %eq3A_111, %eq3A_112 : vector<16x128xi1>
    %slice3A_114 = vector.extract_strided_slice %select_n3A_91 {offsets = [0, 1], sizes = [16, 127], strides = [1, 1]} : vector<16x128xf32> to vector<16x127xf32>
    %slice3A_115 = vector.extract_strided_slice %select_n3A_91 {offsets = [0, 0], sizes = [16, 1], strides = [1, 1]} : vector<16x128xf32> to vector<16x1xf32>
    %concatenate3A_116 = tpu.concatenate %slice3A_114, %slice3A_115 in 1 : vector<16x127xf32>, vector<16x1xf32> -> vector<16x128xf32>
    %slice3A_117 = vector.extract_strided_slice %select_n3A_91 {offsets = [0, 127], sizes = [16, 1], strides = [1, 1]} : vector<16x128xf32> to vector<16x1xf32>
    %slice3A_118 = vector.extract_strided_slice %select_n3A_91 {offsets = [0, 0], sizes = [16, 127], strides = [1, 1]} : vector<16x128xf32> to vector<16x127xf32>
    %concatenate3A_119 = tpu.concatenate %slice3A_117, %slice3A_118 in 1 : vector<16x1xf32>, vector<16x127xf32> -> vector<16x128xf32>
    %slice3A_120 = vector.extract_strided_slice %select_n3A_92 {offsets = [0, 1], sizes = [16, 127], strides = [1, 1]} : vector<16x128xi32> to vector<16x127xi32>
    %slice3A_121 = vector.extract_strided_slice %select_n3A_92 {offsets = [0, 0], sizes = [16, 1], strides = [1, 1]} : vector<16x128xi32> to vector<16x1xi32>
    %concatenate3A_122 = tpu.concatenate %slice3A_120, %slice3A_121 in 1 : vector<16x127xi32>, vector<16x1xi32> -> vector<16x128xi32>
    %slice3A_123 = vector.extract_strided_slice %select_n3A_92 {offsets = [0, 127], sizes = [16, 1], strides = [1, 1]} : vector<16x128xi32> to vector<16x1xi32>
    %slice3A_124 = vector.extract_strided_slice %select_n3A_92 {offsets = [0, 0], sizes = [16, 127], strides = [1, 1]} : vector<16x128xi32> to vector<16x127xi32>
    %concatenate3A_125 = tpu.concatenate %slice3A_123, %slice3A_124 in 1 : vector<16x1xi32>, vector<16x127xi32> -> vector<16x128xi32>
    %select_n3A_126 = arith.select %ne3A_98, %concatenate3A_119, %concatenate3A_116 : vector<16x128xi1>, vector<16x128xf32>
    %select_n3A_127 = arith.select %ne3A_98, %concatenate3A_125, %concatenate3A_122 : vector<16x128xi1>, vector<16x128xi32>
    %lt3A_128 = arith.cmpf olt, %select_n3A_91, %select_n3A_126 : vector<16x128xf32>
    %eq3A_129 = arith.cmpf oeq, %select_n3A_91, %select_n3A_126 : vector<16x128xf32>
    %gt3A_130 = arith.cmpi sgt, %select_n3A_92, %select_n3A_127 : vector<16x128xi32>
    %and3A_131 = arith.andi %eq3A_129, %gt3A_130 : vector<16x128xi1>
    %or3A_132 = arith.ori %lt3A_128, %and3A_131 : vector<16x128xi1>
    %eq3A_133 = arith.xori %or3A_132, %eq3A_113 : vector<16x128xi1>
    %eq3A_134 = arith.constant dense<true> : vector<16x128xi1>
    %eq3A_135 = arith.xori %eq3A_133, %eq3A_134 : vector<16x128xi1>
    %select_n3A_136 = arith.select %eq3A_135, %select_n3A_126, %select_n3A_91 : vector<16x128xi1>, vector<16x128xf32>
    %select_n3A_137 = arith.select %eq3A_135, %select_n3A_127, %select_n3A_92 : vector<16x128xi1>, vector<16x128xi32>
    %and3A_138 = arith.constant 4 : i32
    %and3A_139 = vector.broadcast %and3A_138 : i32 to vector<16x128xi32>
    %and3A_140 = arith.andi %add3A, %and3A_139 : vector<16x128xi32>
    %ne3A_141 = arith.constant 0 : i32
    %ne3A_142 = vector.broadcast %ne3A_141 : i32 to vector<16x128xi32>
    %ne3A_143 = arith.cmpi ne, %and3A_140, %ne3A_142 : vector<16x128xi32>
    %and3A_144 = arith.constant 8 : i32
    %and3A_145 = vector.broadcast %and3A_144 : i32 to vector<16x128xi32>
    %and3A_146 = arith.andi %add3A, %and3A_145 : vector<16x128xi32>
    %eq3A_147 = arith.constant 0 : i32
    %eq3A_148 = vector.broadcast %eq3A_147 : i32 to vector<16x128xi32>
    %eq3A_149 = arith.cmpi eq, %and3A_146, %eq3A_148 : vector<16x128xi32>
    %and3A_150 = arith.constant 4 : i32
    %and3A_151 = vector.broadcast %and3A_150 : i32 to vector<16x128xi32>
    %and3A_152 = arith.andi %add3A, %and3A_151 : vector<16x128xi32>
    %eq3A_153 = arith.constant 0 : i32
    %eq3A_154 = vector.broadcast %eq3A_153 : i32 to vector<16x128xi32>
    %eq3A_155 = arith.cmpi eq, %and3A_152, %eq3A_154 : vector<16x128xi32>
    %eq3A_156 = arith.xori %eq3A_149, %eq3A_155 : vector<16x128xi1>
    %eq3A_157 = arith.constant dense<true> : vector<16x128xi1>
    %eq3A_158 = arith.xori %eq3A_156, %eq3A_157 : vector<16x128xi1>
    %slice3A_159 = vector.extract_strided_slice %select_n3A_136 {offsets = [0, 4], sizes = [16, 124], strides = [1, 1]} : vector<16x128xf32> to vector<16x124xf32>
    %slice3A_160 = vector.extract_strided_slice %select_n3A_136 {offsets = [0, 0], sizes = [16, 4], strides = [1, 1]} : vector<16x128xf32> to vector<16x4xf32>
    %concatenate3A_161 = tpu.concatenate %slice3A_159, %slice3A_160 in 1 : vector<16x124xf32>, vector<16x4xf32> -> vector<16x128xf32>
    %slice3A_162 = vector.extract_strided_slice %select_n3A_136 {offsets = [0, 124], sizes = [16, 4], strides = [1, 1]} : vector<16x128xf32> to vector<16x4xf32>
    %slice3A_163 = vector.extract_strided_slice %select_n3A_136 {offsets = [0, 0], sizes = [16, 124], strides = [1, 1]} : vector<16x128xf32> to vector<16x124xf32>
    %concatenate3A_164 = tpu.concatenate %slice3A_162, %slice3A_163 in 1 : vector<16x4xf32>, vector<16x124xf32> -> vector<16x128xf32>
    %slice3A_165 = vector.extract_strided_slice %select_n3A_137 {offsets = [0, 4], sizes = [16, 124], strides = [1, 1]} : vector<16x128xi32> to vector<16x124xi32>
    %slice3A_166 = vector.extract_strided_slice %select_n3A_137 {offsets = [0, 0], sizes = [16, 4], strides = [1, 1]} : vector<16x128xi32> to vector<16x4xi32>
    %concatenate3A_167 = tpu.concatenate %slice3A_165, %slice3A_166 in 1 : vector<16x124xi32>, vector<16x4xi32> -> vector<16x128xi32>
    %slice3A_168 = vector.extract_strided_slice %select_n3A_137 {offsets = [0, 124], sizes = [16, 4], strides = [1, 1]} : vector<16x128xi32> to vector<16x4xi32>
    %slice3A_169 = vector.extract_strided_slice %select_n3A_137 {offsets = [0, 0], sizes = [16, 124], strides = [1, 1]} : vector<16x128xi32> to vector<16x124xi32>
    %concatenate3A_170 = tpu.concatenate %slice3A_168, %slice3A_169 in 1 : vector<16x4xi32>, vector<16x124xi32> -> vector<16x128xi32>
    %select_n3A_171 = arith.select %ne3A_143, %concatenate3A_164, %concatenate3A_161 : vector<16x128xi1>, vector<16x128xf32>
    %select_n3A_172 = arith.select %ne3A_143, %concatenate3A_170, %concatenate3A_167 : vector<16x128xi1>, vector<16x128xi32>
    %lt3A_173 = arith.cmpf olt, %select_n3A_136, %select_n3A_171 : vector<16x128xf32>
    %eq3A_174 = arith.cmpf oeq, %select_n3A_136, %select_n3A_171 : vector<16x128xf32>
    %gt3A_175 = arith.cmpi sgt, %select_n3A_137, %select_n3A_172 : vector<16x128xi32>
    %and3A_176 = arith.andi %eq3A_174, %gt3A_175 : vector<16x128xi1>
    %or3A_177 = arith.ori %lt3A_173, %and3A_176 : vector<16x128xi1>
    %eq3A_178 = arith.xori %or3A_177, %eq3A_158 : vector<16x128xi1>
    %eq3A_179 = arith.constant dense<true> : vector<16x128xi1>
    %eq3A_180 = arith.xori %eq3A_178, %eq3A_179 : vector<16x128xi1>
    %select_n3A_181 = arith.select %eq3A_180, %select_n3A_171, %select_n3A_136 : vector<16x128xi1>, vector<16x128xf32>
    %select_n3A_182 = arith.select %eq3A_180, %select_n3A_172, %select_n3A_137 : vector<16x128xi1>, vector<16x128xi32>
    %and3A_183 = arith.constant 2 : i32
    %and3A_184 = vector.broadcast %and3A_183 : i32 to vector<16x128xi32>
    %and3A_185 = arith.andi %add3A, %and3A_184 : vector<16x128xi32>
    %ne3A_186 = arith.constant 0 : i32
    %ne3A_187 = vector.broadcast %ne3A_186 : i32 to vector<16x128xi32>
    %ne3A_188 = arith.cmpi ne, %and3A_185, %ne3A_187 : vector<16x128xi32>
    %and3A_189 = arith.constant 8 : i32
    %and3A_190 = vector.broadcast %and3A_189 : i32 to vector<16x128xi32>
    %and3A_191 = arith.andi %add3A, %and3A_190 : vector<16x128xi32>
    %eq3A_192 = arith.constant 0 : i32
    %eq3A_193 = vector.broadcast %eq3A_192 : i32 to vector<16x128xi32>
    %eq3A_194 = arith.cmpi eq, %and3A_191, %eq3A_193 : vector<16x128xi32>
    %and3A_195 = arith.constant 2 : i32
    %and3A_196 = vector.broadcast %and3A_195 : i32 to vector<16x128xi32>
    %and3A_197 = arith.andi %add3A, %and3A_196 : vector<16x128xi32>
    %eq3A_198 = arith.constant 0 : i32
    %eq3A_199 = vector.broadcast %eq3A_198 : i32 to vector<16x128xi32>
    %eq3A_200 = arith.cmpi eq, %and3A_197, %eq3A_199 : vector<16x128xi32>
    %eq3A_201 = arith.xori %eq3A_194, %eq3A_200 : vector<16x128xi1>
    %eq3A_202 = arith.constant dense<true> : vector<16x128xi1>
    %eq3A_203 = arith.xori %eq3A_201, %eq3A_202 : vector<16x128xi1>
    %slice3A_204 = vector.extract_strided_slice %select_n3A_181 {offsets = [0, 2], sizes = [16, 126], strides = [1, 1]} : vector<16x128xf32> to vector<16x126xf32>
    %slice3A_205 = vector.extract_strided_slice %select_n3A_181 {offsets = [0, 0], sizes = [16, 2], strides = [1, 1]} : vector<16x128xf32> to vector<16x2xf32>
    %concatenate3A_206 = tpu.concatenate %slice3A_204, %slice3A_205 in 1 : vector<16x126xf32>, vector<16x2xf32> -> vector<16x128xf32>
    %slice3A_207 = vector.extract_strided_slice %select_n3A_181 {offsets = [0, 126], sizes = [16, 2], strides = [1, 1]} : vector<16x128xf32> to vector<16x2xf32>
    %slice3A_208 = vector.extract_strided_slice %select_n3A_181 {offsets = [0, 0], sizes = [16, 126], strides = [1, 1]} : vector<16x128xf32> to vector<16x126xf32>
    %concatenate3A_209 = tpu.concatenate %slice3A_207, %slice3A_208 in 1 : vector<16x2xf32>, vector<16x126xf32> -> vector<16x128xf32>
    %slice3A_210 = vector.extract_strided_slice %select_n3A_182 {offsets = [0, 2], sizes = [16, 126], strides = [1, 1]} : vector<16x128xi32> to vector<16x126xi32>
    %slice3A_211 = vector.extract_strided_slice %select_n3A_182 {offsets = [0, 0], sizes = [16, 2], strides = [1, 1]} : vector<16x128xi32> to vector<16x2xi32>
    %concatenate3A_212 = tpu.concatenate %slice3A_210, %slice3A_211 in 1 : vector<16x126xi32>, vector<16x2xi32> -> vector<16x128xi32>
    %slice3A_213 = vector.extract_strided_slice %select_n3A_182 {offsets = [0, 126], sizes = [16, 2], strides = [1, 1]} : vector<16x128xi32> to vector<16x2xi32>
    %slice3A_214 = vector.extract_strided_slice %select_n3A_182 {offsets = [0, 0], sizes = [16, 126], strides = [1, 1]} : vector<16x128xi32> to vector<16x126xi32>
    %concatenate3A_215 = tpu.concatenate %slice3A_213, %slice3A_214 in 1 : vector<16x2xi32>, vector<16x126xi32> -> vector<16x128xi32>
    %select_n3A_216 = arith.select %ne3A_188, %concatenate3A_209, %concatenate3A_206 : vector<16x128xi1>, vector<16x128xf32>
    %select_n3A_217 = arith.select %ne3A_188, %concatenate3A_215, %concatenate3A_212 : vector<16x128xi1>, vector<16x128xi32>
    %lt3A_218 = arith.cmpf olt, %select_n3A_181, %select_n3A_216 : vector<16x128xf32>
    %eq3A_219 = arith.cmpf oeq, %select_n3A_181, %select_n3A_216 : vector<16x128xf32>
    %gt3A_220 = arith.cmpi sgt, %select_n3A_182, %select_n3A_217 : vector<16x128xi32>
    %and3A_221 = arith.andi %eq3A_219, %gt3A_220 : vector<16x128xi1>
    %or3A_222 = arith.ori %lt3A_218, %and3A_221 : vector<16x128xi1>
    %eq3A_223 = arith.xori %or3A_222, %eq3A_203 : vector<16x128xi1>
    %eq3A_224 = arith.constant dense<true> : vector<16x128xi1>
    %eq3A_225 = arith.xori %eq3A_223, %eq3A_224 : vector<16x128xi1>
    %select_n3A_226 = arith.select %eq3A_225, %select_n3A_216, %select_n3A_181 : vector<16x128xi1>, vector<16x128xf32>
    %select_n3A_227 = arith.select %eq3A_225, %select_n3A_217, %select_n3A_182 : vector<16x128xi1>, vector<16x128xi32>
    %and3A_228 = arith.constant 1 : i32
    %and3A_229 = vector.broadcast %and3A_228 : i32 to vector<16x128xi32>
    %and3A_230 = arith.andi %add3A, %and3A_229 : vector<16x128xi32>
    %ne3A_231 = arith.constant 0 : i32
    %ne3A_232 = vector.broadcast %ne3A_231 : i32 to vector<16x128xi32>
    %ne3A_233 = arith.cmpi ne, %and3A_230, %ne3A_232 : vector<16x128xi32>
    %and3A_234 = arith.constant 8 : i32
    %and3A_235 = vector.broadcast %and3A_234 : i32 to vector<16x128xi32>
    %and3A_236 = arith.andi %add3A, %and3A_235 : vector<16x128xi32>
    %eq3A_237 = arith.constant 0 : i32
    %eq3A_238 = vector.broadcast %eq3A_237 : i32 to vector<16x128xi32>
    %eq3A_239 = arith.cmpi eq, %and3A_236, %eq3A_238 : vector<16x128xi32>
    %and3A_240 = arith.constant 1 : i32
    %and3A_241 = vector.broadcast %and3A_240 : i32 to vector<16x128xi32>
    %and3A_242 = arith.andi %add3A, %and3A_241 : vector<16x128xi32>
    %eq3A_243 = arith.constant 0 : i32
    %eq3A_244 = vector.broadcast %eq3A_243 : i32 to vector<16x128xi32>
    %eq3A_245 = arith.cmpi eq, %and3A_242, %eq3A_244 : vector<16x128xi32>
    %eq3A_246 = arith.xori %eq3A_239, %eq3A_245 : vector<16x128xi1>
    %eq3A_247 = arith.constant dense<true> : vector<16x128xi1>
    %eq3A_248 = arith.xori %eq3A_246, %eq3A_247 : vector<16x128xi1>
    %slice3A_249 = vector.extract_strided_slice %select_n3A_226 {offsets = [0, 1], sizes = [16, 127], strides = [1, 1]} : vector<16x128xf32> to vector<16x127xf32>
    %slice3A_250 = vector.extract_strided_slice %select_n3A_226 {offsets = [0, 0], sizes = [16, 1], strides = [1, 1]} : vector<16x128xf32> to vector<16x1xf32>
    %concatenate3A_251 = tpu.concatenate %slice3A_249, %slice3A_250 in 1 : vector<16x127xf32>, vector<16x1xf32> -> vector<16x128xf32>
    %slice3A_252 = vector.extract_strided_slice %select_n3A_226 {offsets = [0, 127], sizes = [16, 1], strides = [1, 1]} : vector<16x128xf32> to vector<16x1xf32>
    %slice3A_253 = vector.extract_strided_slice %select_n3A_226 {offsets = [0, 0], sizes = [16, 127], strides = [1, 1]} : vector<16x128xf32> to vector<16x127xf32>
    %concatenate3A_254 = tpu.concatenate %slice3A_252, %slice3A_253 in 1 : vector<16x1xf32>, vector<16x127xf32> -> vector<16x128xf32>
    %slice3A_255 = vector.extract_strided_slice %select_n3A_227 {offsets = [0, 1], sizes = [16, 127], strides = [1, 1]} : vector<16x128xi32> to vector<16x127xi32>
    %slice3A_256 = vector.extract_strided_slice %select_n3A_227 {offsets = [0, 0], sizes = [16, 1], strides = [1, 1]} : vector<16x128xi32> to vector<16x1xi32>
    %concatenate3A_257 = tpu.concatenate %slice3A_255, %slice3A_256 in 1 : vector<16x127xi32>, vector<16x1xi32> -> vector<16x128xi32>
    %slice3A_258 = vector.extract_strided_slice %select_n3A_227 {offsets = [0, 127], sizes = [16, 1], strides = [1, 1]} : vector<16x128xi32> to vector<16x1xi32>
    %slice3A_259 = vector.extract_strided_slice %select_n3A_227 {offsets = [0, 0], sizes = [16, 127], strides = [1, 1]} : vector<16x128xi32> to vector<16x127xi32>
    %concatenate3A_260 = tpu.concatenate %slice3A_258, %slice3A_259 in 1 : vector<16x1xi32>, vector<16x127xi32> -> vector<16x128xi32>
    %select_n3A_261 = arith.select %ne3A_233, %concatenate3A_254, %concatenate3A_251 : vector<16x128xi1>, vector<16x128xf32>
    %select_n3A_262 = arith.select %ne3A_233, %concatenate3A_260, %concatenate3A_257 : vector<16x128xi1>, vector<16x128xi32>
    %lt3A_263 = arith.cmpf olt, %select_n3A_226, %select_n3A_261 : vector<16x128xf32>
    %eq3A_264 = arith.cmpf oeq, %select_n3A_226, %select_n3A_261 : vector<16x128xf32>
    %gt3A_265 = arith.cmpi sgt, %select_n3A_227, %select_n3A_262 : vector<16x128xi32>
    %and3A_266 = arith.andi %eq3A_264, %gt3A_265 : vector<16x128xi1>
    %or3A_267 = arith.ori %lt3A_263, %and3A_266 : vector<16x128xi1>
    %eq3A_268 = arith.xori %or3A_267, %eq3A_248 : vector<16x128xi1>
    %eq3A_269 = arith.constant dense<true> : vector<16x128xi1>
    %eq3A_270 = arith.xori %eq3A_268, %eq3A_269 : vector<16x128xi1>
    %select_n3A_271 = arith.select %eq3A_270, %select_n3A_261, %select_n3A_226 : vector<16x128xi1>, vector<16x128xf32>
    %select_n3A_272 = arith.select %eq3A_270, %select_n3A_262, %select_n3A_227 : vector<16x128xi1>, vector<16x128xi32>
    %and3A_273 = arith.constant 8 : i32
    %and3A_274 = vector.broadcast %and3A_273 : i32 to vector<16x128xi32>
    %and3A_275 = arith.andi %add3A, %and3A_274 : vector<16x128xi32>
    %ne3A_276 = arith.constant 0 : i32
    %ne3A_277 = vector.broadcast %ne3A_276 : i32 to vector<16x128xi32>
    %ne3A_278 = arith.cmpi ne, %and3A_275, %ne3A_277 : vector<16x128xi32>
    %and3A_279 = arith.constant 16 : i32
    %and3A_280 = vector.broadcast %and3A_279 : i32 to vector<16x128xi32>
    %and3A_281 = arith.andi %add3A, %and3A_280 : vector<16x128xi32>
    %eq3A_282 = arith.constant 0 : i32
    %eq3A_283 = vector.broadcast %eq3A_282 : i32 to vector<16x128xi32>
    %eq3A_284 = arith.cmpi eq, %and3A_281, %eq3A_283 : vector<16x128xi32>
    %and3A_285 = arith.constant 8 : i32
    %and3A_286 = vector.broadcast %and3A_285 : i32 to vector<16x128xi32>
    %and3A_287 = arith.andi %add3A, %and3A_286 : vector<16x128xi32>
    %eq3A_288 = arith.constant 0 : i32
    %eq3A_289 = vector.broadcast %eq3A_288 : i32 to vector<16x128xi32>
    %eq3A_290 = arith.cmpi eq, %and3A_287, %eq3A_289 : vector<16x128xi32>
    %eq3A_291 = arith.xori %eq3A_284, %eq3A_290 : vector<16x128xi1>
    %eq3A_292 = arith.constant dense<true> : vector<16x128xi1>
    %eq3A_293 = arith.xori %eq3A_291, %eq3A_292 : vector<16x128xi1>
    %slice3A_294 = vector.extract_strided_slice %select_n3A_271 {offsets = [0, 8], sizes = [16, 120], strides = [1, 1]} : vector<16x128xf32> to vector<16x120xf32>
    %slice3A_295 = vector.extract_strided_slice %select_n3A_271 {offsets = [0, 0], sizes = [16, 8], strides = [1, 1]} : vector<16x128xf32> to vector<16x8xf32>
    %concatenate3A_296 = tpu.concatenate %slice3A_294, %slice3A_295 in 1 : vector<16x120xf32>, vector<16x8xf32> -> vector<16x128xf32>
    %slice3A_297 = vector.extract_strided_slice %select_n3A_271 {offsets = [0, 120], sizes = [16, 8], strides = [1, 1]} : vector<16x128xf32> to vector<16x8xf32>
    %slice3A_298 = vector.extract_strided_slice %select_n3A_271 {offsets = [0, 0], sizes = [16, 120], strides = [1, 1]} : vector<16x128xf32> to vector<16x120xf32>
    %concatenate3A_299 = tpu.concatenate %slice3A_297, %slice3A_298 in 1 : vector<16x8xf32>, vector<16x120xf32> -> vector<16x128xf32>
    %slice3A_300 = vector.extract_strided_slice %select_n3A_272 {offsets = [0, 8], sizes = [16, 120], strides = [1, 1]} : vector<16x128xi32> to vector<16x120xi32>
    %slice3A_301 = vector.extract_strided_slice %select_n3A_272 {offsets = [0, 0], sizes = [16, 8], strides = [1, 1]} : vector<16x128xi32> to vector<16x8xi32>
    %concatenate3A_302 = tpu.concatenate %slice3A_300, %slice3A_301 in 1 : vector<16x120xi32>, vector<16x8xi32> -> vector<16x128xi32>
    %slice3A_303 = vector.extract_strided_slice %select_n3A_272 {offsets = [0, 120], sizes = [16, 8], strides = [1, 1]} : vector<16x128xi32> to vector<16x8xi32>
    %slice3A_304 = vector.extract_strided_slice %select_n3A_272 {offsets = [0, 0], sizes = [16, 120], strides = [1, 1]} : vector<16x128xi32> to vector<16x120xi32>
    %concatenate3A_305 = tpu.concatenate %slice3A_303, %slice3A_304 in 1 : vector<16x8xi32>, vector<16x120xi32> -> vector<16x128xi32>
    %select_n3A_306 = arith.select %ne3A_278, %concatenate3A_299, %concatenate3A_296 : vector<16x128xi1>, vector<16x128xf32>
    %select_n3A_307 = arith.select %ne3A_278, %concatenate3A_305, %concatenate3A_302 : vector<16x128xi1>, vector<16x128xi32>
    %lt3A_308 = arith.cmpf olt, %select_n3A_271, %select_n3A_306 : vector<16x128xf32>
    %eq3A_309 = arith.cmpf oeq, %select_n3A_271, %select_n3A_306 : vector<16x128xf32>
    %gt3A_310 = arith.cmpi sgt, %select_n3A_272, %select_n3A_307 : vector<16x128xi32>
    %and3A_311 = arith.andi %eq3A_309, %gt3A_310 : vector<16x128xi1>
    %or3A_312 = arith.ori %lt3A_308, %and3A_311 : vector<16x128xi1>
    %eq3A_313 = arith.xori %or3A_312, %eq3A_293 : vector<16x128xi1>
    %eq3A_314 = arith.constant dense<true> : vector<16x128xi1>
    %eq3A_315 = arith.xori %eq3A_313, %eq3A_314 : vector<16x128xi1>
    %select_n3A_316 = arith.select %eq3A_315, %select_n3A_306, %select_n3A_271 : vector<16x128xi1>, vector<16x128xf32>
    %select_n3A_317 = arith.select %eq3A_315, %select_n3A_307, %select_n3A_272 : vector<16x128xi1>, vector<16x128xi32>
    %and3A_318 = arith.constant 4 : i32
    %and3A_319 = vector.broadcast %and3A_318 : i32 to vector<16x128xi32>
    %and3A_320 = arith.andi %add3A, %and3A_319 : vector<16x128xi32>
    %ne3A_321 = arith.constant 0 : i32
    %ne3A_322 = vector.broadcast %ne3A_321 : i32 to vector<16x128xi32>
    %ne3A_323 = arith.cmpi ne, %and3A_320, %ne3A_322 : vector<16x128xi32>
    %and3A_324 = arith.constant 16 : i32
    %and3A_325 = vector.broadcast %and3A_324 : i32 to vector<16x128xi32>
    %and3A_326 = arith.andi %add3A, %and3A_325 : vector<16x128xi32>
    %eq3A_327 = arith.constant 0 : i32
    %eq3A_328 = vector.broadcast %eq3A_327 : i32 to vector<16x128xi32>
    %eq3A_329 = arith.cmpi eq, %and3A_326, %eq3A_328 : vector<16x128xi32>
    %and3A_330 = arith.constant 4 : i32
    %and3A_331 = vector.broadcast %and3A_330 : i32 to vector<16x128xi32>
    %and3A_332 = arith.andi %add3A, %and3A_331 : vector<16x128xi32>
    %eq3A_333 = arith.constant 0 : i32
    %eq3A_334 = vector.broadcast %eq3A_333 : i32 to vector<16x128xi32>
    %eq3A_335 = arith.cmpi eq, %and3A_332, %eq3A_334 : vector<16x128xi32>
    %eq3A_336 = arith.xori %eq3A_329, %eq3A_335 : vector<16x128xi1>
    %eq3A_337 = arith.constant dense<true> : vector<16x128xi1>
    %eq3A_338 = arith.xori %eq3A_336, %eq3A_337 : vector<16x128xi1>
    %slice3A_339 = vector.extract_strided_slice %select_n3A_316 {offsets = [0, 4], sizes = [16, 124], strides = [1, 1]} : vector<16x128xf32> to vector<16x124xf32>
    %slice3A_340 = vector.extract_strided_slice %select_n3A_316 {offsets = [0, 0], sizes = [16, 4], strides = [1, 1]} : vector<16x128xf32> to vector<16x4xf32>
    %concatenate3A_341 = tpu.concatenate %slice3A_339, %slice3A_340 in 1 : vector<16x124xf32>, vector<16x4xf32> -> vector<16x128xf32>
    %slice3A_342 = vector.extract_strided_slice %select_n3A_316 {offsets = [0, 124], sizes = [16, 4], strides = [1, 1]} : vector<16x128xf32> to vector<16x4xf32>
    %slice3A_343 = vector.extract_strided_slice %select_n3A_316 {offsets = [0, 0], sizes = [16, 124], strides = [1, 1]} : vector<16x128xf32> to vector<16x124xf32>
    %concatenate3A_344 = tpu.concatenate %slice3A_342, %slice3A_343 in 1 : vector<16x4xf32>, vector<16x124xf32> -> vector<16x128xf32>
    %slice3A_345 = vector.extract_strided_slice %select_n3A_317 {offsets = [0, 4], sizes = [16, 124], strides = [1, 1]} : vector<16x128xi32> to vector<16x124xi32>
    %slice3A_346 = vector.extract_strided_slice %select_n3A_317 {offsets = [0, 0], sizes = [16, 4], strides = [1, 1]} : vector<16x128xi32> to vector<16x4xi32>
    %concatenate3A_347 = tpu.concatenate %slice3A_345, %slice3A_346 in 1 : vector<16x124xi32>, vector<16x4xi32> -> vector<16x128xi32>
    %slice3A_348 = vector.extract_strided_slice %select_n3A_317 {offsets = [0, 124], sizes = [16, 4], strides = [1, 1]} : vector<16x128xi32> to vector<16x4xi32>
    %slice3A_349 = vector.extract_strided_slice %select_n3A_317 {offsets = [0, 0], sizes = [16, 124], strides = [1, 1]} : vector<16x128xi32> to vector<16x124xi32>
    %concatenate3A_350 = tpu.concatenate %slice3A_348, %slice3A_349 in 1 : vector<16x4xi32>, vector<16x124xi32> -> vector<16x128xi32>
    %select_n3A_351 = arith.select %ne3A_323, %concatenate3A_344, %concatenate3A_341 : vector<16x128xi1>, vector<16x128xf32>
    %select_n3A_352 = arith.select %ne3A_323, %concatenate3A_350, %concatenate3A_347 : vector<16x128xi1>, vector<16x128xi32>
    %lt3A_353 = arith.cmpf olt, %select_n3A_316, %select_n3A_351 : vector<16x128xf32>
    %eq3A_354 = arith.cmpf oeq, %select_n3A_316, %select_n3A_351 : vector<16x128xf32>
    %gt3A_355 = arith.cmpi sgt, %select_n3A_317, %select_n3A_352 : vector<16x128xi32>
    %and3A_356 = arith.andi %eq3A_354, %gt3A_355 : vector<16x128xi1>
    %or3A_357 = arith.ori %lt3A_353, %and3A_356 : vector<16x128xi1>
    %eq3A_358 = arith.xori %or3A_357, %eq3A_338 : vector<16x128xi1>
    %eq3A_359 = arith.constant dense<true> : vector<16x128xi1>
    %eq3A_360 = arith.xori %eq3A_358, %eq3A_359 : vector<16x128xi1>
    %select_n3A_361 = arith.select %eq3A_360, %select_n3A_351, %select_n3A_316 : vector<16x128xi1>, vector<16x128xf32>
    %select_n3A_362 = arith.select %eq3A_360, %select_n3A_352, %select_n3A_317 : vector<16x128xi1>, vector<16x128xi32>
    %and3A_363 = arith.constant 2 : i32
    %and3A_364 = vector.broadcast %and3A_363 : i32 to vector<16x128xi32>
    %and3A_365 = arith.andi %add3A, %and3A_364 : vector<16x128xi32>
    %ne3A_366 = arith.constant 0 : i32
    %ne3A_367 = vector.broadcast %ne3A_366 : i32 to vector<16x128xi32>
    %ne3A_368 = arith.cmpi ne, %and3A_365, %ne3A_367 : vector<16x128xi32>
    %and3A_369 = arith.constant 16 : i32
    %and3A_370 = vector.broadcast %and3A_369 : i32 to vector<16x128xi32>
    %and3A_371 = arith.andi %add3A, %and3A_370 : vector<16x128xi32>
    %eq3A_372 = arith.constant 0 : i32
    %eq3A_373 = vector.broadcast %eq3A_372 : i32 to vector<16x128xi32>
    %eq3A_374 = arith.cmpi eq, %and3A_371, %eq3A_373 : vector<16x128xi32>
    %and3A_375 = arith.constant 2 : i32
    %and3A_376 = vector.broadcast %and3A_375 : i32 to vector<16x128xi32>
    %and3A_377 = arith.andi %add3A, %and3A_376 : vector<16x128xi32>
    %eq3A_378 = arith.constant 0 : i32
    %eq3A_379 = vector.broadcast %eq3A_378 : i32 to vector<16x128xi32>
    %eq3A_380 = arith.cmpi eq, %and3A_377, %eq3A_379 : vector<16x128xi32>
    %eq3A_381 = arith.xori %eq3A_374, %eq3A_380 : vector<16x128xi1>
    %eq3A_382 = arith.constant dense<true> : vector<16x128xi1>
    %eq3A_383 = arith.xori %eq3A_381, %eq3A_382 : vector<16x128xi1>
    %slice3A_384 = vector.extract_strided_slice %select_n3A_361 {offsets = [0, 2], sizes = [16, 126], strides = [1, 1]} : vector<16x128xf32> to vector<16x126xf32>
    %slice3A_385 = vector.extract_strided_slice %select_n3A_361 {offsets = [0, 0], sizes = [16, 2], strides = [1, 1]} : vector<16x128xf32> to vector<16x2xf32>
    %concatenate3A_386 = tpu.concatenate %slice3A_384, %slice3A_385 in 1 : vector<16x126xf32>, vector<16x2xf32> -> vector<16x128xf32>
    %slice3A_387 = vector.extract_strided_slice %select_n3A_361 {offsets = [0, 126], sizes = [16, 2], strides = [1, 1]} : vector<16x128xf32> to vector<16x2xf32>
    %slice3A_388 = vector.extract_strided_slice %select_n3A_361 {offsets = [0, 0], sizes = [16, 126], strides = [1, 1]} : vector<16x128xf32> to vector<16x126xf32>
    %concatenate3A_389 = tpu.concatenate %slice3A_387, %slice3A_388 in 1 : vector<16x2xf32>, vector<16x126xf32> -> vector<16x128xf32>
    %slice3A_390 = vector.extract_strided_slice %select_n3A_362 {offsets = [0, 2], sizes = [16, 126], strides = [1, 1]} : vector<16x128xi32> to vector<16x126xi32>
    %slice3A_391 = vector.extract_strided_slice %select_n3A_362 {offsets = [0, 0], sizes = [16, 2], strides = [1, 1]} : vector<16x128xi32> to vector<16x2xi32>
    %concatenate3A_392 = tpu.concatenate %slice3A_390, %slice3A_391 in 1 : vector<16x126xi32>, vector<16x2xi32> -> vector<16x128xi32>
    %slice3A_393 = vector.extract_strided_slice %select_n3A_362 {offsets = [0, 126], sizes = [16, 2], strides = [1, 1]} : vector<16x128xi32> to vector<16x2xi32>
    %slice3A_394 = vector.extract_strided_slice %select_n3A_362 {offsets = [0, 0], sizes = [16, 126], strides = [1, 1]} : vector<16x128xi32> to vector<16x126xi32>
    %concatenate3A_395 = tpu.concatenate %slice3A_393, %slice3A_394 in 1 : vector<16x2xi32>, vector<16x126xi32> -> vector<16x128xi32>
    %select_n3A_396 = arith.select %ne3A_368, %concatenate3A_389, %concatenate3A_386 : vector<16x128xi1>, vector<16x128xf32>
    %select_n3A_397 = arith.select %ne3A_368, %concatenate3A_395, %concatenate3A_392 : vector<16x128xi1>, vector<16x128xi32>
    %lt3A_398 = arith.cmpf olt, %select_n3A_361, %select_n3A_396 : vector<16x128xf32>
    %eq3A_399 = arith.cmpf oeq, %select_n3A_361, %select_n3A_396 : vector<16x128xf32>
    %gt3A_400 = arith.cmpi sgt, %select_n3A_362, %select_n3A_397 : vector<16x128xi32>
    %and3A_401 = arith.andi %eq3A_399, %gt3A_400 : vector<16x128xi1>
    %or3A_402 = arith.ori %lt3A_398, %and3A_401 : vector<16x128xi1>
    %eq3A_403 = arith.xori %or3A_402, %eq3A_383 : vector<16x128xi1>
    %eq3A_404 = arith.constant dense<true> : vector<16x128xi1>
    %eq3A_405 = arith.xori %eq3A_403, %eq3A_404 : vector<16x128xi1>
    %select_n3A_406 = arith.select %eq3A_405, %select_n3A_396, %select_n3A_361 : vector<16x128xi1>, vector<16x128xf32>
    %select_n3A_407 = arith.select %eq3A_405, %select_n3A_397, %select_n3A_362 : vector<16x128xi1>, vector<16x128xi32>
    %and3A_408 = arith.constant 1 : i32
    %and3A_409 = vector.broadcast %and3A_408 : i32 to vector<16x128xi32>
    %and3A_410 = arith.andi %add3A, %and3A_409 : vector<16x128xi32>
    %ne3A_411 = arith.constant 0 : i32
    %ne3A_412 = vector.broadcast %ne3A_411 : i32 to vector<16x128xi32>
    %ne3A_413 = arith.cmpi ne, %and3A_410, %ne3A_412 : vector<16x128xi32>
    %and3A_414 = arith.constant 16 : i32
    %and3A_415 = vector.broadcast %and3A_414 : i32 to vector<16x128xi32>
    %and3A_416 = arith.andi %add3A, %and3A_415 : vector<16x128xi32>
    %eq3A_417 = arith.constant 0 : i32
    %eq3A_418 = vector.broadcast %eq3A_417 : i32 to vector<16x128xi32>
    %eq3A_419 = arith.cmpi eq, %and3A_416, %eq3A_418 : vector<16x128xi32>
    %and3A_420 = arith.constant 1 : i32
    %and3A_421 = vector.broadcast %and3A_420 : i32 to vector<16x128xi32>
    %and3A_422 = arith.andi %add3A, %and3A_421 : vector<16x128xi32>
    %eq3A_423 = arith.constant 0 : i32
    %eq3A_424 = vector.broadcast %eq3A_423 : i32 to vector<16x128xi32>
    %eq3A_425 = arith.cmpi eq, %and3A_422, %eq3A_424 : vector<16x128xi32>
    %eq3A_426 = arith.xori %eq3A_419, %eq3A_425 : vector<16x128xi1>
    %eq3A_427 = arith.constant dense<true> : vector<16x128xi1>
    %eq3A_428 = arith.xori %eq3A_426, %eq3A_427 : vector<16x128xi1>
    %slice3A_429 = vector.extract_strided_slice %select_n3A_406 {offsets = [0, 1], sizes = [16, 127], strides = [1, 1]} : vector<16x128xf32> to vector<16x127xf32>
    %slice3A_430 = vector.extract_strided_slice %select_n3A_406 {offsets = [0, 0], sizes = [16, 1], strides = [1, 1]} : vector<16x128xf32> to vector<16x1xf32>
    %concatenate3A_431 = tpu.concatenate %slice3A_429, %slice3A_430 in 1 : vector<16x127xf32>, vector<16x1xf32> -> vector<16x128xf32>
    %slice3A_432 = vector.extract_strided_slice %select_n3A_406 {offsets = [0, 127], sizes = [16, 1], strides = [1, 1]} : vector<16x128xf32> to vector<16x1xf32>
    %slice3A_433 = vector.extract_strided_slice %select_n3A_406 {offsets = [0, 0], sizes = [16, 127], strides = [1, 1]} : vector<16x128xf32> to vector<16x127xf32>
    %concatenate3A_434 = tpu.concatenate %slice3A_432, %slice3A_433 in 1 : vector<16x1xf32>, vector<16x127xf32> -> vector<16x128xf32>
    %slice3A_435 = vector.extract_strided_slice %select_n3A_407 {offsets = [0, 1], sizes = [16, 127], strides = [1, 1]} : vector<16x128xi32> to vector<16x127xi32>
    %slice3A_436 = vector.extract_strided_slice %select_n3A_407 {offsets = [0, 0], sizes = [16, 1], strides = [1, 1]} : vector<16x128xi32> to vector<16x1xi32>
    %concatenate3A_437 = tpu.concatenate %slice3A_435, %slice3A_436 in 1 : vector<16x127xi32>, vector<16x1xi32> -> vector<16x128xi32>
    %slice3A_438 = vector.extract_strided_slice %select_n3A_407 {offsets = [0, 127], sizes = [16, 1], strides = [1, 1]} : vector<16x128xi32> to vector<16x1xi32>
    %slice3A_439 = vector.extract_strided_slice %select_n3A_407 {offsets = [0, 0], sizes = [16, 127], strides = [1, 1]} : vector<16x128xi32> to vector<16x127xi32>
    %concatenate3A_440 = tpu.concatenate %slice3A_438, %slice3A_439 in 1 : vector<16x1xi32>, vector<16x127xi32> -> vector<16x128xi32>
    %select_n3A_441 = arith.select %ne3A_413, %concatenate3A_434, %concatenate3A_431 : vector<16x128xi1>, vector<16x128xf32>
    %select_n3A_442 = arith.select %ne3A_413, %concatenate3A_440, %concatenate3A_437 : vector<16x128xi1>, vector<16x128xi32>
    %lt3A_443 = arith.cmpf olt, %select_n3A_406, %select_n3A_441 : vector<16x128xf32>
    %eq3A_444 = arith.cmpf oeq, %select_n3A_406, %select_n3A_441 : vector<16x128xf32>
    %gt3A_445 = arith.cmpi sgt, %select_n3A_407, %select_n3A_442 : vector<16x128xi32>
    %and3A_446 = arith.andi %eq3A_444, %gt3A_445 : vector<16x128xi1>
    %or3A_447 = arith.ori %lt3A_443, %and3A_446 : vector<16x128xi1>
    %eq3A_448 = arith.xori %or3A_447, %eq3A_428 : vector<16x128xi1>
    %eq3A_449 = arith.constant dense<true> : vector<16x128xi1>
    %eq3A_450 = arith.xori %eq3A_448, %eq3A_449 : vector<16x128xi1>
    %select_n3A_451 = arith.select %eq3A_450, %select_n3A_441, %select_n3A_406 : vector<16x128xi1>, vector<16x128xf32>
    %select_n3A_452 = arith.select %eq3A_450, %select_n3A_442, %select_n3A_407 : vector<16x128xi1>, vector<16x128xi32>
    %and3A_453 = arith.constant 16 : i32
    %and3A_454 = vector.broadcast %and3A_453 : i32 to vector<16x128xi32>
    %and3A_455 = arith.andi %add3A, %and3A_454 : vector<16x128xi32>
    %ne3A_456 = arith.constant 0 : i32
    %ne3A_457 = vector.broadcast %ne3A_456 : i32 to vector<16x128xi32>
    %ne3A_458 = arith.cmpi ne, %and3A_455, %ne3A_457 : vector<16x128xi32>
    %and3A_459 = arith.constant 32 : i32
    %and3A_460 = vector.broadcast %and3A_459 : i32 to vector<16x128xi32>
    %and3A_461 = arith.andi %add3A, %and3A_460 : vector<16x128xi32>
    %eq3A_462 = arith.constant 0 : i32
    %eq3A_463 = vector.broadcast %eq3A_462 : i32 to vector<16x128xi32>
    %eq3A_464 = arith.cmpi eq, %and3A_461, %eq3A_463 : vector<16x128xi32>
    %and3A_465 = arith.constant 16 : i32
    %and3A_466 = vector.broadcast %and3A_465 : i32 to vector<16x128xi32>
    %and3A_467 = arith.andi %add3A, %and3A_466 : vector<16x128xi32>
    %eq3A_468 = arith.constant 0 : i32
    %eq3A_469 = vector.broadcast %eq3A_468 : i32 to vector<16x128xi32>
    %eq3A_470 = arith.cmpi eq, %and3A_467, %eq3A_469 : vector<16x128xi32>
    %eq3A_471 = arith.xori %eq3A_464, %eq3A_470 : vector<16x128xi1>
    %eq3A_472 = arith.constant dense<true> : vector<16x128xi1>
    %eq3A_473 = arith.xori %eq3A_471, %eq3A_472 : vector<16x128xi1>
    %slice3A_474 = vector.extract_strided_slice %select_n3A_451 {offsets = [0, 16], sizes = [16, 112], strides = [1, 1]} : vector<16x128xf32> to vector<16x112xf32>
    %slice3A_475 = vector.extract_strided_slice %select_n3A_451 {offsets = [0, 0], sizes = [16, 16], strides = [1, 1]} : vector<16x128xf32> to vector<16x16xf32>
    %concatenate3A_476 = tpu.concatenate %slice3A_474, %slice3A_475 in 1 : vector<16x112xf32>, vector<16x16xf32> -> vector<16x128xf32>
    %slice3A_477 = vector.extract_strided_slice %select_n3A_451 {offsets = [0, 112], sizes = [16, 16], strides = [1, 1]} : vector<16x128xf32> to vector<16x16xf32>
    %slice3A_478 = vector.extract_strided_slice %select_n3A_451 {offsets = [0, 0], sizes = [16, 112], strides = [1, 1]} : vector<16x128xf32> to vector<16x112xf32>
    %concatenate3A_479 = tpu.concatenate %slice3A_477, %slice3A_478 in 1 : vector<16x16xf32>, vector<16x112xf32> -> vector<16x128xf32>
    %slice3A_480 = vector.extract_strided_slice %select_n3A_452 {offsets = [0, 16], sizes = [16, 112], strides = [1, 1]} : vector<16x128xi32> to vector<16x112xi32>
    %slice3A_481 = vector.extract_strided_slice %select_n3A_452 {offsets = [0, 0], sizes = [16, 16], strides = [1, 1]} : vector<16x128xi32> to vector<16x16xi32>
    %concatenate3A_482 = tpu.concatenate %slice3A_480, %slice3A_481 in 1 : vector<16x112xi32>, vector<16x16xi32> -> vector<16x128xi32>
    %slice3A_483 = vector.extract_strided_slice %select_n3A_452 {offsets = [0, 112], sizes = [16, 16], strides = [1, 1]} : vector<16x128xi32> to vector<16x16xi32>
    %slice3A_484 = vector.extract_strided_slice %select_n3A_452 {offsets = [0, 0], sizes = [16, 112], strides = [1, 1]} : vector<16x128xi32> to vector<16x112xi32>
    %concatenate3A_485 = tpu.concatenate %slice3A_483, %slice3A_484 in 1 : vector<16x16xi32>, vector<16x112xi32> -> vector<16x128xi32>
    %select_n3A_486 = arith.select %ne3A_458, %concatenate3A_479, %concatenate3A_476 : vector<16x128xi1>, vector<16x128xf32>
    %select_n3A_487 = arith.select %ne3A_458, %concatenate3A_485, %concatenate3A_482 : vector<16x128xi1>, vector<16x128xi32>
    %lt3A_488 = arith.cmpf olt, %select_n3A_451, %select_n3A_486 : vector<16x128xf32>
    %eq3A_489 = arith.cmpf oeq, %select_n3A_451, %select_n3A_486 : vector<16x128xf32>
    %gt3A_490 = arith.cmpi sgt, %select_n3A_452, %select_n3A_487 : vector<16x128xi32>
    %and3A_491 = arith.andi %eq3A_489, %gt3A_490 : vector<16x128xi1>
    %or3A_492 = arith.ori %lt3A_488, %and3A_491 : vector<16x128xi1>
    %eq3A_493 = arith.xori %or3A_492, %eq3A_473 : vector<16x128xi1>
    %eq3A_494 = arith.constant dense<true> : vector<16x128xi1>
    %eq3A_495 = arith.xori %eq3A_493, %eq3A_494 : vector<16x128xi1>
    %select_n3A_496 = arith.select %eq3A_495, %select_n3A_486, %select_n3A_451 : vector<16x128xi1>, vector<16x128xf32>
    %select_n3A_497 = arith.select %eq3A_495, %select_n3A_487, %select_n3A_452 : vector<16x128xi1>, vector<16x128xi32>
    %and3A_498 = arith.constant 8 : i32
    %and3A_499 = vector.broadcast %and3A_498 : i32 to vector<16x128xi32>
    %and3A_500 = arith.andi %add3A, %and3A_499 : vector<16x128xi32>
    %ne3A_501 = arith.constant 0 : i32
    %ne3A_502 = vector.broadcast %ne3A_501 : i32 to vector<16x128xi32>
    %ne3A_503 = arith.cmpi ne, %and3A_500, %ne3A_502 : vector<16x128xi32>
    %and3A_504 = arith.constant 32 : i32
    %and3A_505 = vector.broadcast %and3A_504 : i32 to vector<16x128xi32>
    %and3A_506 = arith.andi %add3A, %and3A_505 : vector<16x128xi32>
    %eq3A_507 = arith.constant 0 : i32
    %eq3A_508 = vector.broadcast %eq3A_507 : i32 to vector<16x128xi32>
    %eq3A_509 = arith.cmpi eq, %and3A_506, %eq3A_508 : vector<16x128xi32>
    %and3A_510 = arith.constant 8 : i32
    %and3A_511 = vector.broadcast %and3A_510 : i32 to vector<16x128xi32>
    %and3A_512 = arith.andi %add3A, %and3A_511 : vector<16x128xi32>
    %eq3A_513 = arith.constant 0 : i32
    %eq3A_514 = vector.broadcast %eq3A_513 : i32 to vector<16x128xi32>
    %eq3A_515 = arith.cmpi eq, %and3A_512, %eq3A_514 : vector<16x128xi32>
    %eq3A_516 = arith.xori %eq3A_509, %eq3A_515 : vector<16x128xi1>
    %eq3A_517 = arith.constant dense<true> : vector<16x128xi1>
    %eq3A_518 = arith.xori %eq3A_516, %eq3A_517 : vector<16x128xi1>
    %slice3A_519 = vector.extract_strided_slice %select_n3A_496 {offsets = [0, 8], sizes = [16, 120], strides = [1, 1]} : vector<16x128xf32> to vector<16x120xf32>
    %slice3A_520 = vector.extract_strided_slice %select_n3A_496 {offsets = [0, 0], sizes = [16, 8], strides = [1, 1]} : vector<16x128xf32> to vector<16x8xf32>
    %concatenate3A_521 = tpu.concatenate %slice3A_519, %slice3A_520 in 1 : vector<16x120xf32>, vector<16x8xf32> -> vector<16x128xf32>
    %slice3A_522 = vector.extract_strided_slice %select_n3A_496 {offsets = [0, 120], sizes = [16, 8], strides = [1, 1]} : vector<16x128xf32> to vector<16x8xf32>
    %slice3A_523 = vector.extract_strided_slice %select_n3A_496 {offsets = [0, 0], sizes = [16, 120], strides = [1, 1]} : vector<16x128xf32> to vector<16x120xf32>
    %concatenate3A_524 = tpu.concatenate %slice3A_522, %slice3A_523 in 1 : vector<16x8xf32>, vector<16x120xf32> -> vector<16x128xf32>
    %slice3A_525 = vector.extract_strided_slice %select_n3A_497 {offsets = [0, 8], sizes = [16, 120], strides = [1, 1]} : vector<16x128xi32> to vector<16x120xi32>
    %slice3A_526 = vector.extract_strided_slice %select_n3A_497 {offsets = [0, 0], sizes = [16, 8], strides = [1, 1]} : vector<16x128xi32> to vector<16x8xi32>
    %concatenate3A_527 = tpu.concatenate %slice3A_525, %slice3A_526 in 1 : vector<16x120xi32>, vector<16x8xi32> -> vector<16x128xi32>
    %slice3A_528 = vector.extract_strided_slice %select_n3A_497 {offsets = [0, 120], sizes = [16, 8], strides = [1, 1]} : vector<16x128xi32> to vector<16x8xi32>
    %slice3A_529 = vector.extract_strided_slice %select_n3A_497 {offsets = [0, 0], sizes = [16, 120], strides = [1, 1]} : vector<16x128xi32> to vector<16x120xi32>
    %concatenate3A_530 = tpu.concatenate %slice3A_528, %slice3A_529 in 1 : vector<16x8xi32>, vector<16x120xi32> -> vector<16x128xi32>
    %select_n3A_531 = arith.select %ne3A_503, %concatenate3A_524, %concatenate3A_521 : vector<16x128xi1>, vector<16x128xf32>
    %select_n3A_532 = arith.select %ne3A_503, %concatenate3A_530, %concatenate3A_527 : vector<16x128xi1>, vector<16x128xi32>
    %lt3A_533 = arith.cmpf olt, %select_n3A_496, %select_n3A_531 : vector<16x128xf32>
    %eq3A_534 = arith.cmpf oeq, %select_n3A_496, %select_n3A_531 : vector<16x128xf32>
    %gt3A_535 = arith.cmpi sgt, %select_n3A_497, %select_n3A_532 : vector<16x128xi32>
    %and3A_536 = arith.andi %eq3A_534, %gt3A_535 : vector<16x128xi1>
    %or3A_537 = arith.ori %lt3A_533, %and3A_536 : vector<16x128xi1>
    %eq3A_538 = arith.xori %or3A_537, %eq3A_518 : vector<16x128xi1>
    %eq3A_539 = arith.constant dense<true> : vector<16x128xi1>
    %eq3A_540 = arith.xori %eq3A_538, %eq3A_539 : vector<16x128xi1>
    %select_n3A_541 = arith.select %eq3A_540, %select_n3A_531, %select_n3A_496 : vector<16x128xi1>, vector<16x128xf32>
    %select_n3A_542 = arith.select %eq3A_540, %select_n3A_532, %select_n3A_497 : vector<16x128xi1>, vector<16x128xi32>
    %and3A_543 = arith.constant 4 : i32
    %and3A_544 = vector.broadcast %and3A_543 : i32 to vector<16x128xi32>
    %and3A_545 = arith.andi %add3A, %and3A_544 : vector<16x128xi32>
    %ne3A_546 = arith.constant 0 : i32
    %ne3A_547 = vector.broadcast %ne3A_546 : i32 to vector<16x128xi32>
    %ne3A_548 = arith.cmpi ne, %and3A_545, %ne3A_547 : vector<16x128xi32>
    %and3A_549 = arith.constant 32 : i32
    %and3A_550 = vector.broadcast %and3A_549 : i32 to vector<16x128xi32>
    %and3A_551 = arith.andi %add3A, %and3A_550 : vector<16x128xi32>
    %eq3A_552 = arith.constant 0 : i32
    %eq3A_553 = vector.broadcast %eq3A_552 : i32 to vector<16x128xi32>
    %eq3A_554 = arith.cmpi eq, %and3A_551, %eq3A_553 : vector<16x128xi32>
    %and3A_555 = arith.constant 4 : i32
    %and3A_556 = vector.broadcast %and3A_555 : i32 to vector<16x128xi32>
    %and3A_557 = arith.andi %add3A, %and3A_556 : vector<16x128xi32>
    %eq3A_558 = arith.constant 0 : i32
    %eq3A_559 = vector.broadcast %eq3A_558 : i32 to vector<16x128xi32>
    %eq3A_560 = arith.cmpi eq, %and3A_557, %eq3A_559 : vector<16x128xi32>
    %eq3A_561 = arith.xori %eq3A_554, %eq3A_560 : vector<16x128xi1>
    %eq3A_562 = arith.constant dense<true> : vector<16x128xi1>
    %eq3A_563 = arith.xori %eq3A_561, %eq3A_562 : vector<16x128xi1>
    %slice3A_564 = vector.extract_strided_slice %select_n3A_541 {offsets = [0, 4], sizes = [16, 124], strides = [1, 1]} : vector<16x128xf32> to vector<16x124xf32>
    %slice3A_565 = vector.extract_strided_slice %select_n3A_541 {offsets = [0, 0], sizes = [16, 4], strides = [1, 1]} : vector<16x128xf32> to vector<16x4xf32>
    %concatenate3A_566 = tpu.concatenate %slice3A_564, %slice3A_565 in 1 : vector<16x124xf32>, vector<16x4xf32> -> vector<16x128xf32>
    %slice3A_567 = vector.extract_strided_slice %select_n3A_541 {offsets = [0, 124], sizes = [16, 4], strides = [1, 1]} : vector<16x128xf32> to vector<16x4xf32>
    %slice3A_568 = vector.extract_strided_slice %select_n3A_541 {offsets = [0, 0], sizes = [16, 124], strides = [1, 1]} : vector<16x128xf32> to vector<16x124xf32>
    %concatenate3A_569 = tpu.concatenate %slice3A_567, %slice3A_568 in 1 : vector<16x4xf32>, vector<16x124xf32> -> vector<16x128xf32>
    %slice3A_570 = vector.extract_strided_slice %select_n3A_542 {offsets = [0, 4], sizes = [16, 124], strides = [1, 1]} : vector<16x128xi32> to vector<16x124xi32>
    %slice3A_571 = vector.extract_strided_slice %select_n3A_542 {offsets = [0, 0], sizes = [16, 4], strides = [1, 1]} : vector<16x128xi32> to vector<16x4xi32>
    %concatenate3A_572 = tpu.concatenate %slice3A_570, %slice3A_571 in 1 : vector<16x124xi32>, vector<16x4xi32> -> vector<16x128xi32>
    %slice3A_573 = vector.extract_strided_slice %select_n3A_542 {offsets = [0, 124], sizes = [16, 4], strides = [1, 1]} : vector<16x128xi32> to vector<16x4xi32>
    %slice3A_574 = vector.extract_strided_slice %select_n3A_542 {offsets = [0, 0], sizes = [16, 124], strides = [1, 1]} : vector<16x128xi32> to vector<16x124xi32>
    %concatenate3A_575 = tpu.concatenate %slice3A_573, %slice3A_574 in 1 : vector<16x4xi32>, vector<16x124xi32> -> vector<16x128xi32>
    %select_n3A_576 = arith.select %ne3A_548, %concatenate3A_569, %concatenate3A_566 : vector<16x128xi1>, vector<16x128xf32>
    %select_n3A_577 = arith.select %ne3A_548, %concatenate3A_575, %concatenate3A_572 : vector<16x128xi1>, vector<16x128xi32>
    %lt3A_578 = arith.cmpf olt, %select_n3A_541, %select_n3A_576 : vector<16x128xf32>
    %eq3A_579 = arith.cmpf oeq, %select_n3A_541, %select_n3A_576 : vector<16x128xf32>
    %gt3A_580 = arith.cmpi sgt, %select_n3A_542, %select_n3A_577 : vector<16x128xi32>
    %and3A_581 = arith.andi %eq3A_579, %gt3A_580 : vector<16x128xi1>
    %or3A_582 = arith.ori %lt3A_578, %and3A_581 : vector<16x128xi1>
    %eq3A_583 = arith.xori %or3A_582, %eq3A_563 : vector<16x128xi1>
    %eq3A_584 = arith.constant dense<true> : vector<16x128xi1>
    %eq3A_585 = arith.xori %eq3A_583, %eq3A_584 : vector<16x128xi1>
    %select_n3A_586 = arith.select %eq3A_585, %select_n3A_576, %select_n3A_541 : vector<16x128xi1>, vector<16x128xf32>
    %select_n3A_587 = arith.select %eq3A_585, %select_n3A_577, %select_n3A_542 : vector<16x128xi1>, vector<16x128xi32>
    %and3A_588 = arith.constant 2 : i32
    %and3A_589 = vector.broadcast %and3A_588 : i32 to vector<16x128xi32>
    %and3A_590 = arith.andi %add3A, %and3A_589 : vector<16x128xi32>
    %ne3A_591 = arith.constant 0 : i32
    %ne3A_592 = vector.broadcast %ne3A_591 : i32 to vector<16x128xi32>
    %ne3A_593 = arith.cmpi ne, %and3A_590, %ne3A_592 : vector<16x128xi32>
    %and3A_594 = arith.constant 32 : i32
    %and3A_595 = vector.broadcast %and3A_594 : i32 to vector<16x128xi32>
    %and3A_596 = arith.andi %add3A, %and3A_595 : vector<16x128xi32>
    %eq3A_597 = arith.constant 0 : i32
    %eq3A_598 = vector.broadcast %eq3A_597 : i32 to vector<16x128xi32>
    %eq3A_599 = arith.cmpi eq, %and3A_596, %eq3A_598 : vector<16x128xi32>
    %and3A_600 = arith.constant 2 : i32
    %and3A_601 = vector.broadcast %and3A_600 : i32 to vector<16x128xi32>
    %and3A_602 = arith.andi %add3A, %and3A_601 : vector<16x128xi32>
    %eq3A_603 = arith.constant 0 : i32
    %eq3A_604 = vector.broadcast %eq3A_603 : i32 to vector<16x128xi32>
    %eq3A_605 = arith.cmpi eq, %and3A_602, %eq3A_604 : vector<16x128xi32>
    %eq3A_606 = arith.xori %eq3A_599, %eq3A_605 : vector<16x128xi1>
    %eq3A_607 = arith.constant dense<true> : vector<16x128xi1>
    %eq3A_608 = arith.xori %eq3A_606, %eq3A_607 : vector<16x128xi1>
    %slice3A_609 = vector.extract_strided_slice %select_n3A_586 {offsets = [0, 2], sizes = [16, 126], strides = [1, 1]} : vector<16x128xf32> to vector<16x126xf32>
    %slice3A_610 = vector.extract_strided_slice %select_n3A_586 {offsets = [0, 0], sizes = [16, 2], strides = [1, 1]} : vector<16x128xf32> to vector<16x2xf32>
    %concatenate3A_611 = tpu.concatenate %slice3A_609, %slice3A_610 in 1 : vector<16x126xf32>, vector<16x2xf32> -> vector<16x128xf32>
    %slice3A_612 = vector.extract_strided_slice %select_n3A_586 {offsets = [0, 126], sizes = [16, 2], strides = [1, 1]} : vector<16x128xf32> to vector<16x2xf32>
    %slice3A_613 = vector.extract_strided_slice %select_n3A_586 {offsets = [0, 0], sizes = [16, 126], strides = [1, 1]} : vector<16x128xf32> to vector<16x126xf32>
    %concatenate3A_614 = tpu.concatenate %slice3A_612, %slice3A_613 in 1 : vector<16x2xf32>, vector<16x126xf32> -> vector<16x128xf32>
    %slice3A_615 = vector.extract_strided_slice %select_n3A_587 {offsets = [0, 2], sizes = [16, 126], strides = [1, 1]} : vector<16x128xi32> to vector<16x126xi32>
    %slice3A_616 = vector.extract_strided_slice %select_n3A_587 {offsets = [0, 0], sizes = [16, 2], strides = [1, 1]} : vector<16x128xi32> to vector<16x2xi32>
    %concatenate3A_617 = tpu.concatenate %slice3A_615, %slice3A_616 in 1 : vector<16x126xi32>, vector<16x2xi32> -> vector<16x128xi32>
    %slice3A_618 = vector.extract_strided_slice %select_n3A_587 {offsets = [0, 126], sizes = [16, 2], strides = [1, 1]} : vector<16x128xi32> to vector<16x2xi32>
    %slice3A_619 = vector.extract_strided_slice %select_n3A_587 {offsets = [0, 0], sizes = [16, 126], strides = [1, 1]} : vector<16x128xi32> to vector<16x126xi32>
    %concatenate3A_620 = tpu.concatenate %slice3A_618, %slice3A_619 in 1 : vector<16x2xi32>, vector<16x126xi32> -> vector<16x128xi32>
    %select_n3A_621 = arith.select %ne3A_593, %concatenate3A_614, %concatenate3A_611 : vector<16x128xi1>, vector<16x128xf32>
    %select_n3A_622 = arith.select %ne3A_593, %concatenate3A_620, %concatenate3A_617 : vector<16x128xi1>, vector<16x128xi32>
    %lt3A_623 = arith.cmpf olt, %select_n3A_586, %select_n3A_621 : vector<16x128xf32>
    %eq3A_624 = arith.cmpf oeq, %select_n3A_586, %select_n3A_621 : vector<16x128xf32>
    %gt3A_625 = arith.cmpi sgt, %select_n3A_587, %select_n3A_622 : vector<16x128xi32>
    %and3A_626 = arith.andi %eq3A_624, %gt3A_625 : vector<16x128xi1>
    %or3A_627 = arith.ori %lt3A_623, %and3A_626 : vector<16x128xi1>
    %eq3A_628 = arith.xori %or3A_627, %eq3A_608 : vector<16x128xi1>
    %eq3A_629 = arith.constant dense<true> : vector<16x128xi1>
    %eq3A_630 = arith.xori %eq3A_628, %eq3A_629 : vector<16x128xi1>
    %select_n3A_631 = arith.select %eq3A_630, %select_n3A_621, %select_n3A_586 : vector<16x128xi1>, vector<16x128xf32>
    %select_n3A_632 = arith.select %eq3A_630, %select_n3A_622, %select_n3A_587 : vector<16x128xi1>, vector<16x128xi32>
    %and3A_633 = arith.constant 1 : i32
    %and3A_634 = vector.broadcast %and3A_633 : i32 to vector<16x128xi32>
    %and3A_635 = arith.andi %add3A, %and3A_634 : vector<16x128xi32>
    %ne3A_636 = arith.constant 0 : i32
    %ne3A_637 = vector.broadcast %ne3A_636 : i32 to vector<16x128xi32>
    %ne3A_638 = arith.cmpi ne, %and3A_635, %ne3A_637 : vector<16x128xi32>
    %and3A_639 = arith.constant 32 : i32
    %and3A_640 = vector.broadcast %and3A_639 : i32 to vector<16x128xi32>
    %and3A_641 = arith.andi %add3A, %and3A_640 : vector<16x128xi32>
    %eq3A_642 = arith.constant 0 : i32
    %eq3A_643 = vector.broadcast %eq3A_642 : i32 to vector<16x128xi32>
    %eq3A_644 = arith.cmpi eq, %and3A_641, %eq3A_643 : vector<16x128xi32>
    %and3A_645 = arith.constant 1 : i32
    %and3A_646 = vector.broadcast %and3A_645 : i32 to vector<16x128xi32>
    %and3A_647 = arith.andi %add3A, %and3A_646 : vector<16x128xi32>
    %eq3A_648 = arith.constant 0 : i32
    %eq3A_649 = vector.broadcast %eq3A_648 : i32 to vector<16x128xi32>
    %eq3A_650 = arith.cmpi eq, %and3A_647, %eq3A_649 : vector<16x128xi32>
    %eq3A_651 = arith.xori %eq3A_644, %eq3A_650 : vector<16x128xi1>
    %eq3A_652 = arith.constant dense<true> : vector<16x128xi1>
    %eq3A_653 = arith.xori %eq3A_651, %eq3A_652 : vector<16x128xi1>
    %slice3A_654 = vector.extract_strided_slice %select_n3A_631 {offsets = [0, 1], sizes = [16, 127], strides = [1, 1]} : vector<16x128xf32> to vector<16x127xf32>
    %slice3A_655 = vector.extract_strided_slice %select_n3A_631 {offsets = [0, 0], sizes = [16, 1], strides = [1, 1]} : vector<16x128xf32> to vector<16x1xf32>
    %concatenate3A_656 = tpu.concatenate %slice3A_654, %slice3A_655 in 1 : vector<16x127xf32>, vector<16x1xf32> -> vector<16x128xf32>
    %slice3A_657 = vector.extract_strided_slice %select_n3A_631 {offsets = [0, 127], sizes = [16, 1], strides = [1, 1]} : vector<16x128xf32> to vector<16x1xf32>
    %slice3A_658 = vector.extract_strided_slice %select_n3A_631 {offsets = [0, 0], sizes = [16, 127], strides = [1, 1]} : vector<16x128xf32> to vector<16x127xf32>
    %concatenate3A_659 = tpu.concatenate %slice3A_657, %slice3A_658 in 1 : vector<16x1xf32>, vector<16x127xf32> -> vector<16x128xf32>
    %slice3A_660 = vector.extract_strided_slice %select_n3A_632 {offsets = [0, 1], sizes = [16, 127], strides = [1, 1]} : vector<16x128xi32> to vector<16x127xi32>
    %slice3A_661 = vector.extract_strided_slice %select_n3A_632 {offsets = [0, 0], sizes = [16, 1], strides = [1, 1]} : vector<16x128xi32> to vector<16x1xi32>
    %concatenate3A_662 = tpu.concatenate %slice3A_660, %slice3A_661 in 1 : vector<16x127xi32>, vector<16x1xi32> -> vector<16x128xi32>
    %slice3A_663 = vector.extract_strided_slice %select_n3A_632 {offsets = [0, 127], sizes = [16, 1], strides = [1, 1]} : vector<16x128xi32> to vector<16x1xi32>
    %slice3A_664 = vector.extract_strided_slice %select_n3A_632 {offsets = [0, 0], sizes = [16, 127], strides = [1, 1]} : vector<16x128xi32> to vector<16x127xi32>
    %concatenate3A_665 = tpu.concatenate %slice3A_663, %slice3A_664 in 1 : vector<16x1xi32>, vector<16x127xi32> -> vector<16x128xi32>
    %select_n3A_666 = arith.select %ne3A_638, %concatenate3A_659, %concatenate3A_656 : vector<16x128xi1>, vector<16x128xf32>
    %select_n3A_667 = arith.select %ne3A_638, %concatenate3A_665, %concatenate3A_662 : vector<16x128xi1>, vector<16x128xi32>
    %lt3A_668 = arith.cmpf olt, %select_n3A_631, %select_n3A_666 : vector<16x128xf32>
    %eq3A_669 = arith.cmpf oeq, %select_n3A_631, %select_n3A_666 : vector<16x128xf32>
    %gt3A_670 = arith.cmpi sgt, %select_n3A_632, %select_n3A_667 : vector<16x128xi32>
    %and3A_671 = arith.andi %eq3A_669, %gt3A_670 : vector<16x128xi1>
    %or3A_672 = arith.ori %lt3A_668, %and3A_671 : vector<16x128xi1>
    %eq3A_673 = arith.xori %or3A_672, %eq3A_653 : vector<16x128xi1>
    %eq3A_674 = arith.constant dense<true> : vector<16x128xi1>
    %eq3A_675 = arith.xori %eq3A_673, %eq3A_674 : vector<16x128xi1>
    %select_n3A_676 = arith.select %eq3A_675, %select_n3A_666, %select_n3A_631 : vector<16x128xi1>, vector<16x128xf32>
    %select_n3A_677 = arith.select %eq3A_675, %select_n3A_667, %select_n3A_632 : vector<16x128xi1>, vector<16x128xi32>
    %and3A_678 = arith.constant 32 : i32
    %and3A_679 = vector.broadcast %and3A_678 : i32 to vector<16x128xi32>
    %and3A_680 = arith.andi %add3A, %and3A_679 : vector<16x128xi32>
    %ne3A_681 = arith.constant 0 : i32
    %ne3A_682 = vector.broadcast %ne3A_681 : i32 to vector<16x128xi32>
    %ne3A_683 = arith.cmpi ne, %and3A_680, %ne3A_682 : vector<16x128xi32>
    %and3A_684 = arith.constant 64 : i32
    %and3A_685 = vector.broadcast %and3A_684 : i32 to vector<16x128xi32>
    %and3A_686 = arith.andi %add3A, %and3A_685 : vector<16x128xi32>
    %eq3A_687 = arith.constant 0 : i32
    %eq3A_688 = vector.broadcast %eq3A_687 : i32 to vector<16x128xi32>
    %eq3A_689 = arith.cmpi eq, %and3A_686, %eq3A_688 : vector<16x128xi32>
    %and3A_690 = arith.constant 32 : i32
    %and3A_691 = vector.broadcast %and3A_690 : i32 to vector<16x128xi32>
    %and3A_692 = arith.andi %add3A, %and3A_691 : vector<16x128xi32>
    %eq3A_693 = arith.constant 0 : i32
    %eq3A_694 = vector.broadcast %eq3A_693 : i32 to vector<16x128xi32>
    %eq3A_695 = arith.cmpi eq, %and3A_692, %eq3A_694 : vector<16x128xi32>
    %eq3A_696 = arith.xori %eq3A_689, %eq3A_695 : vector<16x128xi1>
    %eq3A_697 = arith.constant dense<true> : vector<16x128xi1>
    %eq3A_698 = arith.xori %eq3A_696, %eq3A_697 : vector<16x128xi1>
    %slice3A_699 = vector.extract_strided_slice %select_n3A_676 {offsets = [0, 32], sizes = [16, 96], strides = [1, 1]} : vector<16x128xf32> to vector<16x96xf32>
    %slice3A_700 = vector.extract_strided_slice %select_n3A_676 {offsets = [0, 0], sizes = [16, 32], strides = [1, 1]} : vector<16x128xf32> to vector<16x32xf32>
    %concatenate3A_701 = tpu.concatenate %slice3A_699, %slice3A_700 in 1 : vector<16x96xf32>, vector<16x32xf32> -> vector<16x128xf32>
    %slice3A_702 = vector.extract_strided_slice %select_n3A_676 {offsets = [0, 96], sizes = [16, 32], strides = [1, 1]} : vector<16x128xf32> to vector<16x32xf32>
    %slice3A_703 = vector.extract_strided_slice %select_n3A_676 {offsets = [0, 0], sizes = [16, 96], strides = [1, 1]} : vector<16x128xf32> to vector<16x96xf32>
    %concatenate3A_704 = tpu.concatenate %slice3A_702, %slice3A_703 in 1 : vector<16x32xf32>, vector<16x96xf32> -> vector<16x128xf32>
    %slice3A_705 = vector.extract_strided_slice %select_n3A_677 {offsets = [0, 32], sizes = [16, 96], strides = [1, 1]} : vector<16x128xi32> to vector<16x96xi32>
    %slice3A_706 = vector.extract_strided_slice %select_n3A_677 {offsets = [0, 0], sizes = [16, 32], strides = [1, 1]} : vector<16x128xi32> to vector<16x32xi32>
    %concatenate3A_707 = tpu.concatenate %slice3A_705, %slice3A_706 in 1 : vector<16x96xi32>, vector<16x32xi32> -> vector<16x128xi32>
    %slice3A_708 = vector.extract_strided_slice %select_n3A_677 {offsets = [0, 96], sizes = [16, 32], strides = [1, 1]} : vector<16x128xi32> to vector<16x32xi32>
    %slice3A_709 = vector.extract_strided_slice %select_n3A_677 {offsets = [0, 0], sizes = [16, 96], strides = [1, 1]} : vector<16x128xi32> to vector<16x96xi32>
    %concatenate3A_710 = tpu.concatenate %slice3A_708, %slice3A_709 in 1 : vector<16x32xi32>, vector<16x96xi32> -> vector<16x128xi32>
    %select_n3A_711 = arith.select %ne3A_683, %concatenate3A_704, %concatenate3A_701 : vector<16x128xi1>, vector<16x128xf32>
    %select_n3A_712 = arith.select %ne3A_683, %concatenate3A_710, %concatenate3A_707 : vector<16x128xi1>, vector<16x128xi32>
    %lt3A_713 = arith.cmpf olt, %select_n3A_676, %select_n3A_711 : vector<16x128xf32>
    %eq3A_714 = arith.cmpf oeq, %select_n3A_676, %select_n3A_711 : vector<16x128xf32>
    %gt3A_715 = arith.cmpi sgt, %select_n3A_677, %select_n3A_712 : vector<16x128xi32>
    %and3A_716 = arith.andi %eq3A_714, %gt3A_715 : vector<16x128xi1>
    %or3A_717 = arith.ori %lt3A_713, %and3A_716 : vector<16x128xi1>
    %eq3A_718 = arith.xori %or3A_717, %eq3A_698 : vector<16x128xi1>
    %eq3A_719 = arith.constant dense<true> : vector<16x128xi1>
    %eq3A_720 = arith.xori %eq3A_718, %eq3A_719 : vector<16x128xi1>
    %select_n3A_721 = arith.select %eq3A_720, %select_n3A_711, %select_n3A_676 : vector<16x128xi1>, vector<16x128xf32>
    %select_n3A_722 = arith.select %eq3A_720, %select_n3A_712, %select_n3A_677 : vector<16x128xi1>, vector<16x128xi32>
    %and3A_723 = arith.constant 16 : i32
    %and3A_724 = vector.broadcast %and3A_723 : i32 to vector<16x128xi32>
    %and3A_725 = arith.andi %add3A, %and3A_724 : vector<16x128xi32>
    %ne3A_726 = arith.constant 0 : i32
    %ne3A_727 = vector.broadcast %ne3A_726 : i32 to vector<16x128xi32>
    %ne3A_728 = arith.cmpi ne, %and3A_725, %ne3A_727 : vector<16x128xi32>
    %and3A_729 = arith.constant 64 : i32
    %and3A_730 = vector.broadcast %and3A_729 : i32 to vector<16x128xi32>
    %and3A_731 = arith.andi %add3A, %and3A_730 : vector<16x128xi32>
    %eq3A_732 = arith.constant 0 : i32
    %eq3A_733 = vector.broadcast %eq3A_732 : i32 to vector<16x128xi32>
    %eq3A_734 = arith.cmpi eq, %and3A_731, %eq3A_733 : vector<16x128xi32>
    %and3A_735 = arith.constant 16 : i32
    %and3A_736 = vector.broadcast %and3A_735 : i32 to vector<16x128xi32>
    %and3A_737 = arith.andi %add3A, %and3A_736 : vector<16x128xi32>
    %eq3A_738 = arith.constant 0 : i32
    %eq3A_739 = vector.broadcast %eq3A_738 : i32 to vector<16x128xi32>
    %eq3A_740 = arith.cmpi eq, %and3A_737, %eq3A_739 : vector<16x128xi32>
    %eq3A_741 = arith.xori %eq3A_734, %eq3A_740 : vector<16x128xi1>
    %eq3A_742 = arith.constant dense<true> : vector<16x128xi1>
    %eq3A_743 = arith.xori %eq3A_741, %eq3A_742 : vector<16x128xi1>
    %slice3A_744 = vector.extract_strided_slice %select_n3A_721 {offsets = [0, 16], sizes = [16, 112], strides = [1, 1]} : vector<16x128xf32> to vector<16x112xf32>
    %slice3A_745 = vector.extract_strided_slice %select_n3A_721 {offsets = [0, 0], sizes = [16, 16], strides = [1, 1]} : vector<16x128xf32> to vector<16x16xf32>
    %concatenate3A_746 = tpu.concatenate %slice3A_744, %slice3A_745 in 1 : vector<16x112xf32>, vector<16x16xf32> -> vector<16x128xf32>
    %slice3A_747 = vector.extract_strided_slice %select_n3A_721 {offsets = [0, 112], sizes = [16, 16], strides = [1, 1]} : vector<16x128xf32> to vector<16x16xf32>
    %slice3A_748 = vector.extract_strided_slice %select_n3A_721 {offsets = [0, 0], sizes = [16, 112], strides = [1, 1]} : vector<16x128xf32> to vector<16x112xf32>
    %concatenate3A_749 = tpu.concatenate %slice3A_747, %slice3A_748 in 1 : vector<16x16xf32>, vector<16x112xf32> -> vector<16x128xf32>
    %slice3A_750 = vector.extract_strided_slice %select_n3A_722 {offsets = [0, 16], sizes = [16, 112], strides = [1, 1]} : vector<16x128xi32> to vector<16x112xi32>
    %slice3A_751 = vector.extract_strided_slice %select_n3A_722 {offsets = [0, 0], sizes = [16, 16], strides = [1, 1]} : vector<16x128xi32> to vector<16x16xi32>
    %concatenate3A_752 = tpu.concatenate %slice3A_750, %slice3A_751 in 1 : vector<16x112xi32>, vector<16x16xi32> -> vector<16x128xi32>
    %slice3A_753 = vector.extract_strided_slice %select_n3A_722 {offsets = [0, 112], sizes = [16, 16], strides = [1, 1]} : vector<16x128xi32> to vector<16x16xi32>
    %slice3A_754 = vector.extract_strided_slice %select_n3A_722 {offsets = [0, 0], sizes = [16, 112], strides = [1, 1]} : vector<16x128xi32> to vector<16x112xi32>
    %concatenate3A_755 = tpu.concatenate %slice3A_753, %slice3A_754 in 1 : vector<16x16xi32>, vector<16x112xi32> -> vector<16x128xi32>
    %select_n3A_756 = arith.select %ne3A_728, %concatenate3A_749, %concatenate3A_746 : vector<16x128xi1>, vector<16x128xf32>
    %select_n3A_757 = arith.select %ne3A_728, %concatenate3A_755, %concatenate3A_752 : vector<16x128xi1>, vector<16x128xi32>
    %lt3A_758 = arith.cmpf olt, %select_n3A_721, %select_n3A_756 : vector<16x128xf32>
    %eq3A_759 = arith.cmpf oeq, %select_n3A_721, %select_n3A_756 : vector<16x128xf32>
    %gt3A_760 = arith.cmpi sgt, %select_n3A_722, %select_n3A_757 : vector<16x128xi32>
    %and3A_761 = arith.andi %eq3A_759, %gt3A_760 : vector<16x128xi1>
    %or3A_762 = arith.ori %lt3A_758, %and3A_761 : vector<16x128xi1>
    %eq3A_763 = arith.xori %or3A_762, %eq3A_743 : vector<16x128xi1>
    %eq3A_764 = arith.constant dense<true> : vector<16x128xi1>
    %eq3A_765 = arith.xori %eq3A_763, %eq3A_764 : vector<16x128xi1>
    %select_n3A_766 = arith.select %eq3A_765, %select_n3A_756, %select_n3A_721 : vector<16x128xi1>, vector<16x128xf32>
    %select_n3A_767 = arith.select %eq3A_765, %select_n3A_757, %select_n3A_722 : vector<16x128xi1>, vector<16x128xi32>
    %and3A_768 = arith.constant 8 : i32
    %and3A_769 = vector.broadcast %and3A_768 : i32 to vector<16x128xi32>
    %and3A_770 = arith.andi %add3A, %and3A_769 : vector<16x128xi32>
    %ne3A_771 = arith.constant 0 : i32
    %ne3A_772 = vector.broadcast %ne3A_771 : i32 to vector<16x128xi32>
    %ne3A_773 = arith.cmpi ne, %and3A_770, %ne3A_772 : vector<16x128xi32>
    %and3A_774 = arith.constant 64 : i32
    %and3A_775 = vector.broadcast %and3A_774 : i32 to vector<16x128xi32>
    %and3A_776 = arith.andi %add3A, %and3A_775 : vector<16x128xi32>
    %eq3A_777 = arith.constant 0 : i32
    %eq3A_778 = vector.broadcast %eq3A_777 : i32 to vector<16x128xi32>
    %eq3A_779 = arith.cmpi eq, %and3A_776, %eq3A_778 : vector<16x128xi32>
    %and3A_780 = arith.constant 8 : i32
    %and3A_781 = vector.broadcast %and3A_780 : i32 to vector<16x128xi32>
    %and3A_782 = arith.andi %add3A, %and3A_781 : vector<16x128xi32>
    %eq3A_783 = arith.constant 0 : i32
    %eq3A_784 = vector.broadcast %eq3A_783 : i32 to vector<16x128xi32>
    %eq3A_785 = arith.cmpi eq, %and3A_782, %eq3A_784 : vector<16x128xi32>
    %eq3A_786 = arith.xori %eq3A_779, %eq3A_785 : vector<16x128xi1>
    %eq3A_787 = arith.constant dense<true> : vector<16x128xi1>
    %eq3A_788 = arith.xori %eq3A_786, %eq3A_787 : vector<16x128xi1>
    %slice3A_789 = vector.extract_strided_slice %select_n3A_766 {offsets = [0, 8], sizes = [16, 120], strides = [1, 1]} : vector<16x128xf32> to vector<16x120xf32>
    %slice3A_790 = vector.extract_strided_slice %select_n3A_766 {offsets = [0, 0], sizes = [16, 8], strides = [1, 1]} : vector<16x128xf32> to vector<16x8xf32>
    %concatenate3A_791 = tpu.concatenate %slice3A_789, %slice3A_790 in 1 : vector<16x120xf32>, vector<16x8xf32> -> vector<16x128xf32>
    %slice3A_792 = vector.extract_strided_slice %select_n3A_766 {offsets = [0, 120], sizes = [16, 8], strides = [1, 1]} : vector<16x128xf32> to vector<16x8xf32>
    %slice3A_793 = vector.extract_strided_slice %select_n3A_766 {offsets = [0, 0], sizes = [16, 120], strides = [1, 1]} : vector<16x128xf32> to vector<16x120xf32>
    %concatenate3A_794 = tpu.concatenate %slice3A_792, %slice3A_793 in 1 : vector<16x8xf32>, vector<16x120xf32> -> vector<16x128xf32>
    %slice3A_795 = vector.extract_strided_slice %select_n3A_767 {offsets = [0, 8], sizes = [16, 120], strides = [1, 1]} : vector<16x128xi32> to vector<16x120xi32>
    %slice3A_796 = vector.extract_strided_slice %select_n3A_767 {offsets = [0, 0], sizes = [16, 8], strides = [1, 1]} : vector<16x128xi32> to vector<16x8xi32>
    %concatenate3A_797 = tpu.concatenate %slice3A_795, %slice3A_796 in 1 : vector<16x120xi32>, vector<16x8xi32> -> vector<16x128xi32>
    %slice3A_798 = vector.extract_strided_slice %select_n3A_767 {offsets = [0, 120], sizes = [16, 8], strides = [1, 1]} : vector<16x128xi32> to vector<16x8xi32>
    %slice3A_799 = vector.extract_strided_slice %select_n3A_767 {offsets = [0, 0], sizes = [16, 120], strides = [1, 1]} : vector<16x128xi32> to vector<16x120xi32>
    %concatenate3A_800 = tpu.concatenate %slice3A_798, %slice3A_799 in 1 : vector<16x8xi32>, vector<16x120xi32> -> vector<16x128xi32>
    %select_n3A_801 = arith.select %ne3A_773, %concatenate3A_794, %concatenate3A_791 : vector<16x128xi1>, vector<16x128xf32>
    %select_n3A_802 = arith.select %ne3A_773, %concatenate3A_800, %concatenate3A_797 : vector<16x128xi1>, vector<16x128xi32>
    %lt3A_803 = arith.cmpf olt, %select_n3A_766, %select_n3A_801 : vector<16x128xf32>
    %eq3A_804 = arith.cmpf oeq, %select_n3A_766, %select_n3A_801 : vector<16x128xf32>
    %gt3A_805 = arith.cmpi sgt, %select_n3A_767, %select_n3A_802 : vector<16x128xi32>
    %and3A_806 = arith.andi %eq3A_804, %gt3A_805 : vector<16x128xi1>
    %or3A_807 = arith.ori %lt3A_803, %and3A_806 : vector<16x128xi1>
    %eq3A_808 = arith.xori %or3A_807, %eq3A_788 : vector<16x128xi1>
    %eq3A_809 = arith.constant dense<true> : vector<16x128xi1>
    %eq3A_810 = arith.xori %eq3A_808, %eq3A_809 : vector<16x128xi1>
    %select_n3A_811 = arith.select %eq3A_810, %select_n3A_801, %select_n3A_766 : vector<16x128xi1>, vector<16x128xf32>
    %select_n3A_812 = arith.select %eq3A_810, %select_n3A_802, %select_n3A_767 : vector<16x128xi1>, vector<16x128xi32>
    %and3A_813 = arith.constant 4 : i32
    %and3A_814 = vector.broadcast %and3A_813 : i32 to vector<16x128xi32>
    %and3A_815 = arith.andi %add3A, %and3A_814 : vector<16x128xi32>
    %ne3A_816 = arith.constant 0 : i32
    %ne3A_817 = vector.broadcast %ne3A_816 : i32 to vector<16x128xi32>
    %ne3A_818 = arith.cmpi ne, %and3A_815, %ne3A_817 : vector<16x128xi32>
    %and3A_819 = arith.constant 64 : i32
    %and3A_820 = vector.broadcast %and3A_819 : i32 to vector<16x128xi32>
    %and3A_821 = arith.andi %add3A, %and3A_820 : vector<16x128xi32>
    %eq3A_822 = arith.constant 0 : i32
    %eq3A_823 = vector.broadcast %eq3A_822 : i32 to vector<16x128xi32>
    %eq3A_824 = arith.cmpi eq, %and3A_821, %eq3A_823 : vector<16x128xi32>
    %and3A_825 = arith.constant 4 : i32
    %and3A_826 = vector.broadcast %and3A_825 : i32 to vector<16x128xi32>
    %and3A_827 = arith.andi %add3A, %and3A_826 : vector<16x128xi32>
    %eq3A_828 = arith.constant 0 : i32
    %eq3A_829 = vector.broadcast %eq3A_828 : i32 to vector<16x128xi32>
    %eq3A_830 = arith.cmpi eq, %and3A_827, %eq3A_829 : vector<16x128xi32>
    %eq3A_831 = arith.xori %eq3A_824, %eq3A_830 : vector<16x128xi1>
    %eq3A_832 = arith.constant dense<true> : vector<16x128xi1>
    %eq3A_833 = arith.xori %eq3A_831, %eq3A_832 : vector<16x128xi1>
    %slice3A_834 = vector.extract_strided_slice %select_n3A_811 {offsets = [0, 4], sizes = [16, 124], strides = [1, 1]} : vector<16x128xf32> to vector<16x124xf32>
    %slice3A_835 = vector.extract_strided_slice %select_n3A_811 {offsets = [0, 0], sizes = [16, 4], strides = [1, 1]} : vector<16x128xf32> to vector<16x4xf32>
    %concatenate3A_836 = tpu.concatenate %slice3A_834, %slice3A_835 in 1 : vector<16x124xf32>, vector<16x4xf32> -> vector<16x128xf32>
    %slice3A_837 = vector.extract_strided_slice %select_n3A_811 {offsets = [0, 124], sizes = [16, 4], strides = [1, 1]} : vector<16x128xf32> to vector<16x4xf32>
    %slice3A_838 = vector.extract_strided_slice %select_n3A_811 {offsets = [0, 0], sizes = [16, 124], strides = [1, 1]} : vector<16x128xf32> to vector<16x124xf32>
    %concatenate3A_839 = tpu.concatenate %slice3A_837, %slice3A_838 in 1 : vector<16x4xf32>, vector<16x124xf32> -> vector<16x128xf32>
    %slice3A_840 = vector.extract_strided_slice %select_n3A_812 {offsets = [0, 4], sizes = [16, 124], strides = [1, 1]} : vector<16x128xi32> to vector<16x124xi32>
    %slice3A_841 = vector.extract_strided_slice %select_n3A_812 {offsets = [0, 0], sizes = [16, 4], strides = [1, 1]} : vector<16x128xi32> to vector<16x4xi32>
    %concatenate3A_842 = tpu.concatenate %slice3A_840, %slice3A_841 in 1 : vector<16x124xi32>, vector<16x4xi32> -> vector<16x128xi32>
    %slice3A_843 = vector.extract_strided_slice %select_n3A_812 {offsets = [0, 124], sizes = [16, 4], strides = [1, 1]} : vector<16x128xi32> to vector<16x4xi32>
    %slice3A_844 = vector.extract_strided_slice %select_n3A_812 {offsets = [0, 0], sizes = [16, 124], strides = [1, 1]} : vector<16x128xi32> to vector<16x124xi32>
    %concatenate3A_845 = tpu.concatenate %slice3A_843, %slice3A_844 in 1 : vector<16x4xi32>, vector<16x124xi32> -> vector<16x128xi32>
    %select_n3A_846 = arith.select %ne3A_818, %concatenate3A_839, %concatenate3A_836 : vector<16x128xi1>, vector<16x128xf32>
    %select_n3A_847 = arith.select %ne3A_818, %concatenate3A_845, %concatenate3A_842 : vector<16x128xi1>, vector<16x128xi32>
    %lt3A_848 = arith.cmpf olt, %select_n3A_811, %select_n3A_846 : vector<16x128xf32>
    %eq3A_849 = arith.cmpf oeq, %select_n3A_811, %select_n3A_846 : vector<16x128xf32>
    %gt3A_850 = arith.cmpi sgt, %select_n3A_812, %select_n3A_847 : vector<16x128xi32>
    %and3A_851 = arith.andi %eq3A_849, %gt3A_850 : vector<16x128xi1>
    %or3A_852 = arith.ori %lt3A_848, %and3A_851 : vector<16x128xi1>
    %eq3A_853 = arith.xori %or3A_852, %eq3A_833 : vector<16x128xi1>
    %eq3A_854 = arith.constant dense<true> : vector<16x128xi1>
    %eq3A_855 = arith.xori %eq3A_853, %eq3A_854 : vector<16x128xi1>
    %select_n3A_856 = arith.select %eq3A_855, %select_n3A_846, %select_n3A_811 : vector<16x128xi1>, vector<16x128xf32>
    %select_n3A_857 = arith.select %eq3A_855, %select_n3A_847, %select_n3A_812 : vector<16x128xi1>, vector<16x128xi32>
    %and3A_858 = arith.constant 2 : i32
    %and3A_859 = vector.broadcast %and3A_858 : i32 to vector<16x128xi32>
    %and3A_860 = arith.andi %add3A, %and3A_859 : vector<16x128xi32>
    %ne3A_861 = arith.constant 0 : i32
    %ne3A_862 = vector.broadcast %ne3A_861 : i32 to vector<16x128xi32>
    %ne3A_863 = arith.cmpi ne, %and3A_860, %ne3A_862 : vector<16x128xi32>
    %and3A_864 = arith.constant 64 : i32
    %and3A_865 = vector.broadcast %and3A_864 : i32 to vector<16x128xi32>
    %and3A_866 = arith.andi %add3A, %and3A_865 : vector<16x128xi32>
    %eq3A_867 = arith.constant 0 : i32
    %eq3A_868 = vector.broadcast %eq3A_867 : i32 to vector<16x128xi32>
    %eq3A_869 = arith.cmpi eq, %and3A_866, %eq3A_868 : vector<16x128xi32>
    %and3A_870 = arith.constant 2 : i32
    %and3A_871 = vector.broadcast %and3A_870 : i32 to vector<16x128xi32>
    %and3A_872 = arith.andi %add3A, %and3A_871 : vector<16x128xi32>
    %eq3A_873 = arith.constant 0 : i32
    %eq3A_874 = vector.broadcast %eq3A_873 : i32 to vector<16x128xi32>
    %eq3A_875 = arith.cmpi eq, %and3A_872, %eq3A_874 : vector<16x128xi32>
    %eq3A_876 = arith.xori %eq3A_869, %eq3A_875 : vector<16x128xi1>
    %eq3A_877 = arith.constant dense<true> : vector<16x128xi1>
    %eq3A_878 = arith.xori %eq3A_876, %eq3A_877 : vector<16x128xi1>
    %slice3A_879 = vector.extract_strided_slice %select_n3A_856 {offsets = [0, 2], sizes = [16, 126], strides = [1, 1]} : vector<16x128xf32> to vector<16x126xf32>
    %slice3A_880 = vector.extract_strided_slice %select_n3A_856 {offsets = [0, 0], sizes = [16, 2], strides = [1, 1]} : vector<16x128xf32> to vector<16x2xf32>
    %concatenate3A_881 = tpu.concatenate %slice3A_879, %slice3A_880 in 1 : vector<16x126xf32>, vector<16x2xf32> -> vector<16x128xf32>
    %slice3A_882 = vector.extract_strided_slice %select_n3A_856 {offsets = [0, 126], sizes = [16, 2], strides = [1, 1]} : vector<16x128xf32> to vector<16x2xf32>
    %slice3A_883 = vector.extract_strided_slice %select_n3A_856 {offsets = [0, 0], sizes = [16, 126], strides = [1, 1]} : vector<16x128xf32> to vector<16x126xf32>
    %concatenate3A_884 = tpu.concatenate %slice3A_882, %slice3A_883 in 1 : vector<16x2xf32>, vector<16x126xf32> -> vector<16x128xf32>
    %slice3A_885 = vector.extract_strided_slice %select_n3A_857 {offsets = [0, 2], sizes = [16, 126], strides = [1, 1]} : vector<16x128xi32> to vector<16x126xi32>
    %slice3A_886 = vector.extract_strided_slice %select_n3A_857 {offsets = [0, 0], sizes = [16, 2], strides = [1, 1]} : vector<16x128xi32> to vector<16x2xi32>
    %concatenate3A_887 = tpu.concatenate %slice3A_885, %slice3A_886 in 1 : vector<16x126xi32>, vector<16x2xi32> -> vector<16x128xi32>
    %slice3A_888 = vector.extract_strided_slice %select_n3A_857 {offsets = [0, 126], sizes = [16, 2], strides = [1, 1]} : vector<16x128xi32> to vector<16x2xi32>
    %slice3A_889 = vector.extract_strided_slice %select_n3A_857 {offsets = [0, 0], sizes = [16, 126], strides = [1, 1]} : vector<16x128xi32> to vector<16x126xi32>
    %concatenate3A_890 = tpu.concatenate %slice3A_888, %slice3A_889 in 1 : vector<16x2xi32>, vector<16x126xi32> -> vector<16x128xi32>
    %select_n3A_891 = arith.select %ne3A_863, %concatenate3A_884, %concatenate3A_881 : vector<16x128xi1>, vector<16x128xf32>
    %select_n3A_892 = arith.select %ne3A_863, %concatenate3A_890, %concatenate3A_887 : vector<16x128xi1>, vector<16x128xi32>
    %lt3A_893 = arith.cmpf olt, %select_n3A_856, %select_n3A_891 : vector<16x128xf32>
    %eq3A_894 = arith.cmpf oeq, %select_n3A_856, %select_n3A_891 : vector<16x128xf32>
    %gt3A_895 = arith.cmpi sgt, %select_n3A_857, %select_n3A_892 : vector<16x128xi32>
    %and3A_896 = arith.andi %eq3A_894, %gt3A_895 : vector<16x128xi1>
    %or3A_897 = arith.ori %lt3A_893, %and3A_896 : vector<16x128xi1>
    %eq3A_898 = arith.xori %or3A_897, %eq3A_878 : vector<16x128xi1>
    %eq3A_899 = arith.constant dense<true> : vector<16x128xi1>
    %eq3A_900 = arith.xori %eq3A_898, %eq3A_899 : vector<16x128xi1>
    %select_n3A_901 = arith.select %eq3A_900, %select_n3A_891, %select_n3A_856 : vector<16x128xi1>, vector<16x128xf32>
    %select_n3A_902 = arith.select %eq3A_900, %select_n3A_892, %select_n3A_857 : vector<16x128xi1>, vector<16x128xi32>
    %and3A_903 = arith.constant 1 : i32
    %and3A_904 = vector.broadcast %and3A_903 : i32 to vector<16x128xi32>
    %and3A_905 = arith.andi %add3A, %and3A_904 : vector<16x128xi32>
    %ne3A_906 = arith.constant 0 : i32
    %ne3A_907 = vector.broadcast %ne3A_906 : i32 to vector<16x128xi32>
    %ne3A_908 = arith.cmpi ne, %and3A_905, %ne3A_907 : vector<16x128xi32>
    %and3A_909 = arith.constant 64 : i32
    %and3A_910 = vector.broadcast %and3A_909 : i32 to vector<16x128xi32>
    %and3A_911 = arith.andi %add3A, %and3A_910 : vector<16x128xi32>
    %eq3A_912 = arith.constant 0 : i32
    %eq3A_913 = vector.broadcast %eq3A_912 : i32 to vector<16x128xi32>
    %eq3A_914 = arith.cmpi eq, %and3A_911, %eq3A_913 : vector<16x128xi32>
    %and3A_915 = arith.constant 1 : i32
    %and3A_916 = vector.broadcast %and3A_915 : i32 to vector<16x128xi32>
    %and3A_917 = arith.andi %add3A, %and3A_916 : vector<16x128xi32>
    %eq3A_918 = arith.constant 0 : i32
    %eq3A_919 = vector.broadcast %eq3A_918 : i32 to vector<16x128xi32>
    %eq3A_920 = arith.cmpi eq, %and3A_917, %eq3A_919 : vector<16x128xi32>
    %eq3A_921 = arith.xori %eq3A_914, %eq3A_920 : vector<16x128xi1>
    %eq3A_922 = arith.constant dense<true> : vector<16x128xi1>
    %eq3A_923 = arith.xori %eq3A_921, %eq3A_922 : vector<16x128xi1>
    %slice3A_924 = vector.extract_strided_slice %select_n3A_901 {offsets = [0, 1], sizes = [16, 127], strides = [1, 1]} : vector<16x128xf32> to vector<16x127xf32>
    %slice3A_925 = vector.extract_strided_slice %select_n3A_901 {offsets = [0, 0], sizes = [16, 1], strides = [1, 1]} : vector<16x128xf32> to vector<16x1xf32>
    %concatenate3A_926 = tpu.concatenate %slice3A_924, %slice3A_925 in 1 : vector<16x127xf32>, vector<16x1xf32> -> vector<16x128xf32>
    %slice3A_927 = vector.extract_strided_slice %select_n3A_901 {offsets = [0, 127], sizes = [16, 1], strides = [1, 1]} : vector<16x128xf32> to vector<16x1xf32>
    %slice3A_928 = vector.extract_strided_slice %select_n3A_901 {offsets = [0, 0], sizes = [16, 127], strides = [1, 1]} : vector<16x128xf32> to vector<16x127xf32>
    %concatenate3A_929 = tpu.concatenate %slice3A_927, %slice3A_928 in 1 : vector<16x1xf32>, vector<16x127xf32> -> vector<16x128xf32>
    %slice3A_930 = vector.extract_strided_slice %select_n3A_902 {offsets = [0, 1], sizes = [16, 127], strides = [1, 1]} : vector<16x128xi32> to vector<16x127xi32>
    %slice3A_931 = vector.extract_strided_slice %select_n3A_902 {offsets = [0, 0], sizes = [16, 1], strides = [1, 1]} : vector<16x128xi32> to vector<16x1xi32>
    %concatenate3A_932 = tpu.concatenate %slice3A_930, %slice3A_931 in 1 : vector<16x127xi32>, vector<16x1xi32> -> vector<16x128xi32>
    %slice3A_933 = vector.extract_strided_slice %select_n3A_902 {offsets = [0, 127], sizes = [16, 1], strides = [1, 1]} : vector<16x128xi32> to vector<16x1xi32>
    %slice3A_934 = vector.extract_strided_slice %select_n3A_902 {offsets = [0, 0], sizes = [16, 127], strides = [1, 1]} : vector<16x128xi32> to vector<16x127xi32>
    %concatenate3A_935 = tpu.concatenate %slice3A_933, %slice3A_934 in 1 : vector<16x1xi32>, vector<16x127xi32> -> vector<16x128xi32>
    %select_n3A_936 = arith.select %ne3A_908, %concatenate3A_929, %concatenate3A_926 : vector<16x128xi1>, vector<16x128xf32>
    %select_n3A_937 = arith.select %ne3A_908, %concatenate3A_935, %concatenate3A_932 : vector<16x128xi1>, vector<16x128xi32>
    %lt3A_938 = arith.cmpf olt, %select_n3A_901, %select_n3A_936 : vector<16x128xf32>
    %eq3A_939 = arith.cmpf oeq, %select_n3A_901, %select_n3A_936 : vector<16x128xf32>
    %gt3A_940 = arith.cmpi sgt, %select_n3A_902, %select_n3A_937 : vector<16x128xi32>
    %and3A_941 = arith.andi %eq3A_939, %gt3A_940 : vector<16x128xi1>
    %or3A_942 = arith.ori %lt3A_938, %and3A_941 : vector<16x128xi1>
    %eq3A_943 = arith.xori %or3A_942, %eq3A_923 : vector<16x128xi1>
    %eq3A_944 = arith.constant dense<true> : vector<16x128xi1>
    %eq3A_945 = arith.xori %eq3A_943, %eq3A_944 : vector<16x128xi1>
    %select_n3A_946 = arith.select %eq3A_945, %select_n3A_936, %select_n3A_901 : vector<16x128xi1>, vector<16x128xf32>
    %select_n3A_947 = arith.select %eq3A_945, %select_n3A_937, %select_n3A_902 : vector<16x128xi1>, vector<16x128xi32>
    %and3A_948 = arith.constant 64 : i32
    %and3A_949 = vector.broadcast %and3A_948 : i32 to vector<16x128xi32>
    %and3A_950 = arith.andi %add3A, %and3A_949 : vector<16x128xi32>
    %ne3A_951 = arith.constant 0 : i32
    %ne3A_952 = vector.broadcast %ne3A_951 : i32 to vector<16x128xi32>
    %ne3A_953 = arith.cmpi ne, %and3A_950, %ne3A_952 : vector<16x128xi32>
    %and3A_954 = arith.constant 128 : i32
    %and3A_955 = vector.broadcast %and3A_954 : i32 to vector<16x128xi32>
    %and3A_956 = arith.andi %add3A, %and3A_955 : vector<16x128xi32>
    %eq3A_957 = arith.constant 0 : i32
    %eq3A_958 = vector.broadcast %eq3A_957 : i32 to vector<16x128xi32>
    %eq3A_959 = arith.cmpi eq, %and3A_956, %eq3A_958 : vector<16x128xi32>
    %and3A_960 = arith.constant 64 : i32
    %and3A_961 = vector.broadcast %and3A_960 : i32 to vector<16x128xi32>
    %and3A_962 = arith.andi %add3A, %and3A_961 : vector<16x128xi32>
    %eq3A_963 = arith.constant 0 : i32
    %eq3A_964 = vector.broadcast %eq3A_963 : i32 to vector<16x128xi32>
    %eq3A_965 = arith.cmpi eq, %and3A_962, %eq3A_964 : vector<16x128xi32>
    %eq3A_966 = arith.xori %eq3A_959, %eq3A_965 : vector<16x128xi1>
    %eq3A_967 = arith.constant dense<true> : vector<16x128xi1>
    %eq3A_968 = arith.xori %eq3A_966, %eq3A_967 : vector<16x128xi1>
    %slice3A_969 = vector.extract_strided_slice %select_n3A_946 {offsets = [0, 64], sizes = [16, 64], strides = [1, 1]} : vector<16x128xf32> to vector<16x64xf32>
    %slice3A_970 = vector.extract_strided_slice %select_n3A_946 {offsets = [0, 0], sizes = [16, 64], strides = [1, 1]} : vector<16x128xf32> to vector<16x64xf32>
    %concatenate3A_971 = tpu.concatenate %slice3A_969, %slice3A_970 in 1 : vector<16x64xf32>, vector<16x64xf32> -> vector<16x128xf32>
    %slice3A_972 = vector.extract_strided_slice %select_n3A_946 {offsets = [0, 64], sizes = [16, 64], strides = [1, 1]} : vector<16x128xf32> to vector<16x64xf32>
    %slice3A_973 = vector.extract_strided_slice %select_n3A_946 {offsets = [0, 0], sizes = [16, 64], strides = [1, 1]} : vector<16x128xf32> to vector<16x64xf32>
    %concatenate3A_974 = tpu.concatenate %slice3A_972, %slice3A_973 in 1 : vector<16x64xf32>, vector<16x64xf32> -> vector<16x128xf32>
    %slice3A_975 = vector.extract_strided_slice %select_n3A_947 {offsets = [0, 64], sizes = [16, 64], strides = [1, 1]} : vector<16x128xi32> to vector<16x64xi32>
    %slice3A_976 = vector.extract_strided_slice %select_n3A_947 {offsets = [0, 0], sizes = [16, 64], strides = [1, 1]} : vector<16x128xi32> to vector<16x64xi32>
    %concatenate3A_977 = tpu.concatenate %slice3A_975, %slice3A_976 in 1 : vector<16x64xi32>, vector<16x64xi32> -> vector<16x128xi32>
    %slice3A_978 = vector.extract_strided_slice %select_n3A_947 {offsets = [0, 64], sizes = [16, 64], strides = [1, 1]} : vector<16x128xi32> to vector<16x64xi32>
    %slice3A_979 = vector.extract_strided_slice %select_n3A_947 {offsets = [0, 0], sizes = [16, 64], strides = [1, 1]} : vector<16x128xi32> to vector<16x64xi32>
    %concatenate3A_980 = tpu.concatenate %slice3A_978, %slice3A_979 in 1 : vector<16x64xi32>, vector<16x64xi32> -> vector<16x128xi32>
    %select_n3A_981 = arith.select %ne3A_953, %concatenate3A_974, %concatenate3A_971 : vector<16x128xi1>, vector<16x128xf32>
    %select_n3A_982 = arith.select %ne3A_953, %concatenate3A_980, %concatenate3A_977 : vector<16x128xi1>, vector<16x128xi32>
    %lt3A_983 = arith.cmpf olt, %select_n3A_946, %select_n3A_981 : vector<16x128xf32>
    %eq3A_984 = arith.cmpf oeq, %select_n3A_946, %select_n3A_981 : vector<16x128xf32>
    %gt3A_985 = arith.cmpi sgt, %select_n3A_947, %select_n3A_982 : vector<16x128xi32>
    %and3A_986 = arith.andi %eq3A_984, %gt3A_985 : vector<16x128xi1>
    %or3A_987 = arith.ori %lt3A_983, %and3A_986 : vector<16x128xi1>
    %eq3A_988 = arith.xori %or3A_987, %eq3A_968 : vector<16x128xi1>
    %eq3A_989 = arith.constant dense<true> : vector<16x128xi1>
    %eq3A_990 = arith.xori %eq3A_988, %eq3A_989 : vector<16x128xi1>
    %select_n3A_991 = arith.select %eq3A_990, %select_n3A_981, %select_n3A_946 : vector<16x128xi1>, vector<16x128xf32>
    %select_n3A_992 = arith.select %eq3A_990, %select_n3A_982, %select_n3A_947 : vector<16x128xi1>, vector<16x128xi32>
    %and3A_993 = arith.constant 32 : i32
    %and3A_994 = vector.broadcast %and3A_993 : i32 to vector<16x128xi32>
    %and3A_995 = arith.andi %add3A, %and3A_994 : vector<16x128xi32>
    %ne3A_996 = arith.constant 0 : i32
    %ne3A_997 = vector.broadcast %ne3A_996 : i32 to vector<16x128xi32>
    %ne3A_998 = arith.cmpi ne, %and3A_995, %ne3A_997 : vector<16x128xi32>
    %and3A_999 = arith.constant 128 : i32
    %and3A_1000 = vector.broadcast %and3A_999 : i32 to vector<16x128xi32>
    %and3A_1001 = arith.andi %add3A, %and3A_1000 : vector<16x128xi32>
    %eq3A_1002 = arith.constant 0 : i32
    %eq3A_1003 = vector.broadcast %eq3A_1002 : i32 to vector<16x128xi32>
    %eq3A_1004 = arith.cmpi eq, %and3A_1001, %eq3A_1003 : vector<16x128xi32>
    %and3A_1005 = arith.constant 32 : i32
    %and3A_1006 = vector.broadcast %and3A_1005 : i32 to vector<16x128xi32>
    %and3A_1007 = arith.andi %add3A, %and3A_1006 : vector<16x128xi32>
    %eq3A_1008 = arith.constant 0 : i32
    %eq3A_1009 = vector.broadcast %eq3A_1008 : i32 to vector<16x128xi32>
    %eq3A_1010 = arith.cmpi eq, %and3A_1007, %eq3A_1009 : vector<16x128xi32>
    %eq3A_1011 = arith.xori %eq3A_1004, %eq3A_1010 : vector<16x128xi1>
    %eq3A_1012 = arith.constant dense<true> : vector<16x128xi1>
    %eq3A_1013 = arith.xori %eq3A_1011, %eq3A_1012 : vector<16x128xi1>
    %slice3A_1014 = vector.extract_strided_slice %select_n3A_991 {offsets = [0, 32], sizes = [16, 96], strides = [1, 1]} : vector<16x128xf32> to vector<16x96xf32>
    %slice3A_1015 = vector.extract_strided_slice %select_n3A_991 {offsets = [0, 0], sizes = [16, 32], strides = [1, 1]} : vector<16x128xf32> to vector<16x32xf32>
    %concatenate3A_1016 = tpu.concatenate %slice3A_1014, %slice3A_1015 in 1 : vector<16x96xf32>, vector<16x32xf32> -> vector<16x128xf32>
    %slice3A_1017 = vector.extract_strided_slice %select_n3A_991 {offsets = [0, 96], sizes = [16, 32], strides = [1, 1]} : vector<16x128xf32> to vector<16x32xf32>
    %slice3A_1018 = vector.extract_strided_slice %select_n3A_991 {offsets = [0, 0], sizes = [16, 96], strides = [1, 1]} : vector<16x128xf32> to vector<16x96xf32>
    %concatenate3A_1019 = tpu.concatenate %slice3A_1017, %slice3A_1018 in 1 : vector<16x32xf32>, vector<16x96xf32> -> vector<16x128xf32>
    %slice3A_1020 = vector.extract_strided_slice %select_n3A_992 {offsets = [0, 32], sizes = [16, 96], strides = [1, 1]} : vector<16x128xi32> to vector<16x96xi32>
    %slice3A_1021 = vector.extract_strided_slice %select_n3A_992 {offsets = [0, 0], sizes = [16, 32], strides = [1, 1]} : vector<16x128xi32> to vector<16x32xi32>
    %concatenate3A_1022 = tpu.concatenate %slice3A_1020, %slice3A_1021 in 1 : vector<16x96xi32>, vector<16x32xi32> -> vector<16x128xi32>
    %slice3A_1023 = vector.extract_strided_slice %select_n3A_992 {offsets = [0, 96], sizes = [16, 32], strides = [1, 1]} : vector<16x128xi32> to vector<16x32xi32>
    %slice3A_1024 = vector.extract_strided_slice %select_n3A_992 {offsets = [0, 0], sizes = [16, 96], strides = [1, 1]} : vector<16x128xi32> to vector<16x96xi32>
    %concatenate3A_1025 = tpu.concatenate %slice3A_1023, %slice3A_1024 in 1 : vector<16x32xi32>, vector<16x96xi32> -> vector<16x128xi32>
    %select_n3A_1026 = arith.select %ne3A_998, %concatenate3A_1019, %concatenate3A_1016 : vector<16x128xi1>, vector<16x128xf32>
    %select_n3A_1027 = arith.select %ne3A_998, %concatenate3A_1025, %concatenate3A_1022 : vector<16x128xi1>, vector<16x128xi32>
    %lt3A_1028 = arith.cmpf olt, %select_n3A_991, %select_n3A_1026 : vector<16x128xf32>
    %eq3A_1029 = arith.cmpf oeq, %select_n3A_991, %select_n3A_1026 : vector<16x128xf32>
    %gt3A_1030 = arith.cmpi sgt, %select_n3A_992, %select_n3A_1027 : vector<16x128xi32>
    %and3A_1031 = arith.andi %eq3A_1029, %gt3A_1030 : vector<16x128xi1>
    %or3A_1032 = arith.ori %lt3A_1028, %and3A_1031 : vector<16x128xi1>
    %eq3A_1033 = arith.xori %or3A_1032, %eq3A_1013 : vector<16x128xi1>
    %eq3A_1034 = arith.constant dense<true> : vector<16x128xi1>
    %eq3A_1035 = arith.xori %eq3A_1033, %eq3A_1034 : vector<16x128xi1>
    %select_n3A_1036 = arith.select %eq3A_1035, %select_n3A_1026, %select_n3A_991 : vector<16x128xi1>, vector<16x128xf32>
    %select_n3A_1037 = arith.select %eq3A_1035, %select_n3A_1027, %select_n3A_992 : vector<16x128xi1>, vector<16x128xi32>
    %and3A_1038 = arith.constant 16 : i32
    %and3A_1039 = vector.broadcast %and3A_1038 : i32 to vector<16x128xi32>
    %and3A_1040 = arith.andi %add3A, %and3A_1039 : vector<16x128xi32>
    %ne3A_1041 = arith.constant 0 : i32
    %ne3A_1042 = vector.broadcast %ne3A_1041 : i32 to vector<16x128xi32>
    %ne3A_1043 = arith.cmpi ne, %and3A_1040, %ne3A_1042 : vector<16x128xi32>
    %and3A_1044 = arith.constant 128 : i32
    %and3A_1045 = vector.broadcast %and3A_1044 : i32 to vector<16x128xi32>
    %and3A_1046 = arith.andi %add3A, %and3A_1045 : vector<16x128xi32>
    %eq3A_1047 = arith.constant 0 : i32
    %eq3A_1048 = vector.broadcast %eq3A_1047 : i32 to vector<16x128xi32>
    %eq3A_1049 = arith.cmpi eq, %and3A_1046, %eq3A_1048 : vector<16x128xi32>
    %and3A_1050 = arith.constant 16 : i32
    %and3A_1051 = vector.broadcast %and3A_1050 : i32 to vector<16x128xi32>
    %and3A_1052 = arith.andi %add3A, %and3A_1051 : vector<16x128xi32>
    %eq3A_1053 = arith.constant 0 : i32
    %eq3A_1054 = vector.broadcast %eq3A_1053 : i32 to vector<16x128xi32>
    %eq3A_1055 = arith.cmpi eq, %and3A_1052, %eq3A_1054 : vector<16x128xi32>
    %eq3A_1056 = arith.xori %eq3A_1049, %eq3A_1055 : vector<16x128xi1>
    %eq3A_1057 = arith.constant dense<true> : vector<16x128xi1>
    %eq3A_1058 = arith.xori %eq3A_1056, %eq3A_1057 : vector<16x128xi1>
    %slice3A_1059 = vector.extract_strided_slice %select_n3A_1036 {offsets = [0, 16], sizes = [16, 112], strides = [1, 1]} : vector<16x128xf32> to vector<16x112xf32>
    %slice3A_1060 = vector.extract_strided_slice %select_n3A_1036 {offsets = [0, 0], sizes = [16, 16], strides = [1, 1]} : vector<16x128xf32> to vector<16x16xf32>
    %concatenate3A_1061 = tpu.concatenate %slice3A_1059, %slice3A_1060 in 1 : vector<16x112xf32>, vector<16x16xf32> -> vector<16x128xf32>
    %slice3A_1062 = vector.extract_strided_slice %select_n3A_1036 {offsets = [0, 112], sizes = [16, 16], strides = [1, 1]} : vector<16x128xf32> to vector<16x16xf32>
    %slice3A_1063 = vector.extract_strided_slice %select_n3A_1036 {offsets = [0, 0], sizes = [16, 112], strides = [1, 1]} : vector<16x128xf32> to vector<16x112xf32>
    %concatenate3A_1064 = tpu.concatenate %slice3A_1062, %slice3A_1063 in 1 : vector<16x16xf32>, vector<16x112xf32> -> vector<16x128xf32>
    %slice3A_1065 = vector.extract_strided_slice %select_n3A_1037 {offsets = [0, 16], sizes = [16, 112], strides = [1, 1]} : vector<16x128xi32> to vector<16x112xi32>
    %slice3A_1066 = vector.extract_strided_slice %select_n3A_1037 {offsets = [0, 0], sizes = [16, 16], strides = [1, 1]} : vector<16x128xi32> to vector<16x16xi32>
    %concatenate3A_1067 = tpu.concatenate %slice3A_1065, %slice3A_1066 in 1 : vector<16x112xi32>, vector<16x16xi32> -> vector<16x128xi32>
    %slice3A_1068 = vector.extract_strided_slice %select_n3A_1037 {offsets = [0, 112], sizes = [16, 16], strides = [1, 1]} : vector<16x128xi32> to vector<16x16xi32>
    %slice3A_1069 = vector.extract_strided_slice %select_n3A_1037 {offsets = [0, 0], sizes = [16, 112], strides = [1, 1]} : vector<16x128xi32> to vector<16x112xi32>
    %concatenate3A_1070 = tpu.concatenate %slice3A_1068, %slice3A_1069 in 1 : vector<16x16xi32>, vector<16x112xi32> -> vector<16x128xi32>
    %select_n3A_1071 = arith.select %ne3A_1043, %concatenate3A_1064, %concatenate3A_1061 : vector<16x128xi1>, vector<16x128xf32>
    %select_n3A_1072 = arith.select %ne3A_1043, %concatenate3A_1070, %concatenate3A_1067 : vector<16x128xi1>, vector<16x128xi32>
    %lt3A_1073 = arith.cmpf olt, %select_n3A_1036, %select_n3A_1071 : vector<16x128xf32>
    %eq3A_1074 = arith.cmpf oeq, %select_n3A_1036, %select_n3A_1071 : vector<16x128xf32>
    %gt3A_1075 = arith.cmpi sgt, %select_n3A_1037, %select_n3A_1072 : vector<16x128xi32>
    %and3A_1076 = arith.andi %eq3A_1074, %gt3A_1075 : vector<16x128xi1>
    %or3A_1077 = arith.ori %lt3A_1073, %and3A_1076 : vector<16x128xi1>
    %eq3A_1078 = arith.xori %or3A_1077, %eq3A_1058 : vector<16x128xi1>
    %eq3A_1079 = arith.constant dense<true> : vector<16x128xi1>
    %eq3A_1080 = arith.xori %eq3A_1078, %eq3A_1079 : vector<16x128xi1>
    %select_n3A_1081 = arith.select %eq3A_1080, %select_n3A_1071, %select_n3A_1036 : vector<16x128xi1>, vector<16x128xf32>
    %select_n3A_1082 = arith.select %eq3A_1080, %select_n3A_1072, %select_n3A_1037 : vector<16x128xi1>, vector<16x128xi32>
    %and3A_1083 = arith.constant 8 : i32
    %and3A_1084 = vector.broadcast %and3A_1083 : i32 to vector<16x128xi32>
    %and3A_1085 = arith.andi %add3A, %and3A_1084 : vector<16x128xi32>
    %ne3A_1086 = arith.constant 0 : i32
    %ne3A_1087 = vector.broadcast %ne3A_1086 : i32 to vector<16x128xi32>
    %ne3A_1088 = arith.cmpi ne, %and3A_1085, %ne3A_1087 : vector<16x128xi32>
    %and3A_1089 = arith.constant 128 : i32
    %and3A_1090 = vector.broadcast %and3A_1089 : i32 to vector<16x128xi32>
    %and3A_1091 = arith.andi %add3A, %and3A_1090 : vector<16x128xi32>
    %eq3A_1092 = arith.constant 0 : i32
    %eq3A_1093 = vector.broadcast %eq3A_1092 : i32 to vector<16x128xi32>
    %eq3A_1094 = arith.cmpi eq, %and3A_1091, %eq3A_1093 : vector<16x128xi32>
    %and3A_1095 = arith.constant 8 : i32
    %and3A_1096 = vector.broadcast %and3A_1095 : i32 to vector<16x128xi32>
    %and3A_1097 = arith.andi %add3A, %and3A_1096 : vector<16x128xi32>
    %eq3A_1098 = arith.constant 0 : i32
    %eq3A_1099 = vector.broadcast %eq3A_1098 : i32 to vector<16x128xi32>
    %eq3A_1100 = arith.cmpi eq, %and3A_1097, %eq3A_1099 : vector<16x128xi32>
    %eq3A_1101 = arith.xori %eq3A_1094, %eq3A_1100 : vector<16x128xi1>
    %eq3A_1102 = arith.constant dense<true> : vector<16x128xi1>
    %eq3A_1103 = arith.xori %eq3A_1101, %eq3A_1102 : vector<16x128xi1>
    %slice3A_1104 = vector.extract_strided_slice %select_n3A_1081 {offsets = [0, 8], sizes = [16, 120], strides = [1, 1]} : vector<16x128xf32> to vector<16x120xf32>
    %slice3A_1105 = vector.extract_strided_slice %select_n3A_1081 {offsets = [0, 0], sizes = [16, 8], strides = [1, 1]} : vector<16x128xf32> to vector<16x8xf32>
    %concatenate3A_1106 = tpu.concatenate %slice3A_1104, %slice3A_1105 in 1 : vector<16x120xf32>, vector<16x8xf32> -> vector<16x128xf32>
    %slice3A_1107 = vector.extract_strided_slice %select_n3A_1081 {offsets = [0, 120], sizes = [16, 8], strides = [1, 1]} : vector<16x128xf32> to vector<16x8xf32>
    %slice3A_1108 = vector.extract_strided_slice %select_n3A_1081 {offsets = [0, 0], sizes = [16, 120], strides = [1, 1]} : vector<16x128xf32> to vector<16x120xf32>
    %concatenate3A_1109 = tpu.concatenate %slice3A_1107, %slice3A_1108 in 1 : vector<16x8xf32>, vector<16x120xf32> -> vector<16x128xf32>
    %slice3A_1110 = vector.extract_strided_slice %select_n3A_1082 {offsets = [0, 8], sizes = [16, 120], strides = [1, 1]} : vector<16x128xi32> to vector<16x120xi32>
    %slice3A_1111 = vector.extract_strided_slice %select_n3A_1082 {offsets = [0, 0], sizes = [16, 8], strides = [1, 1]} : vector<16x128xi32> to vector<16x8xi32>
    %concatenate3A_1112 = tpu.concatenate %slice3A_1110, %slice3A_1111 in 1 : vector<16x120xi32>, vector<16x8xi32> -> vector<16x128xi32>
    %slice3A_1113 = vector.extract_strided_slice %select_n3A_1082 {offsets = [0, 120], sizes = [16, 8], strides = [1, 1]} : vector<16x128xi32> to vector<16x8xi32>
    %slice3A_1114 = vector.extract_strided_slice %select_n3A_1082 {offsets = [0, 0], sizes = [16, 120], strides = [1, 1]} : vector<16x128xi32> to vector<16x120xi32>
    %concatenate3A_1115 = tpu.concatenate %slice3A_1113, %slice3A_1114 in 1 : vector<16x8xi32>, vector<16x120xi32> -> vector<16x128xi32>
    %select_n3A_1116 = arith.select %ne3A_1088, %concatenate3A_1109, %concatenate3A_1106 : vector<16x128xi1>, vector<16x128xf32>
    %select_n3A_1117 = arith.select %ne3A_1088, %concatenate3A_1115, %concatenate3A_1112 : vector<16x128xi1>, vector<16x128xi32>
    %lt3A_1118 = arith.cmpf olt, %select_n3A_1081, %select_n3A_1116 : vector<16x128xf32>
    %eq3A_1119 = arith.cmpf oeq, %select_n3A_1081, %select_n3A_1116 : vector<16x128xf32>
    %gt3A_1120 = arith.cmpi sgt, %select_n3A_1082, %select_n3A_1117 : vector<16x128xi32>
    %and3A_1121 = arith.andi %eq3A_1119, %gt3A_1120 : vector<16x128xi1>
    %or3A_1122 = arith.ori %lt3A_1118, %and3A_1121 : vector<16x128xi1>
    %eq3A_1123 = arith.xori %or3A_1122, %eq3A_1103 : vector<16x128xi1>
    %eq3A_1124 = arith.constant dense<true> : vector<16x128xi1>
    %eq3A_1125 = arith.xori %eq3A_1123, %eq3A_1124 : vector<16x128xi1>
    %select_n3A_1126 = arith.select %eq3A_1125, %select_n3A_1116, %select_n3A_1081 : vector<16x128xi1>, vector<16x128xf32>
    %select_n3A_1127 = arith.select %eq3A_1125, %select_n3A_1117, %select_n3A_1082 : vector<16x128xi1>, vector<16x128xi32>
    %and3A_1128 = arith.constant 4 : i32
    %and3A_1129 = vector.broadcast %and3A_1128 : i32 to vector<16x128xi32>
    %and3A_1130 = arith.andi %add3A, %and3A_1129 : vector<16x128xi32>
    %ne3A_1131 = arith.constant 0 : i32
    %ne3A_1132 = vector.broadcast %ne3A_1131 : i32 to vector<16x128xi32>
    %ne3A_1133 = arith.cmpi ne, %and3A_1130, %ne3A_1132 : vector<16x128xi32>
    %and3A_1134 = arith.constant 128 : i32
    %and3A_1135 = vector.broadcast %and3A_1134 : i32 to vector<16x128xi32>
    %and3A_1136 = arith.andi %add3A, %and3A_1135 : vector<16x128xi32>
    %eq3A_1137 = arith.constant 0 : i32
    %eq3A_1138 = vector.broadcast %eq3A_1137 : i32 to vector<16x128xi32>
    %eq3A_1139 = arith.cmpi eq, %and3A_1136, %eq3A_1138 : vector<16x128xi32>
    %and3A_1140 = arith.constant 4 : i32
    %and3A_1141 = vector.broadcast %and3A_1140 : i32 to vector<16x128xi32>
    %and3A_1142 = arith.andi %add3A, %and3A_1141 : vector<16x128xi32>
    %eq3A_1143 = arith.constant 0 : i32
    %eq3A_1144 = vector.broadcast %eq3A_1143 : i32 to vector<16x128xi32>
    %eq3A_1145 = arith.cmpi eq, %and3A_1142, %eq3A_1144 : vector<16x128xi32>
    %eq3A_1146 = arith.xori %eq3A_1139, %eq3A_1145 : vector<16x128xi1>
    %eq3A_1147 = arith.constant dense<true> : vector<16x128xi1>
    %eq3A_1148 = arith.xori %eq3A_1146, %eq3A_1147 : vector<16x128xi1>
    %slice3A_1149 = vector.extract_strided_slice %select_n3A_1126 {offsets = [0, 4], sizes = [16, 124], strides = [1, 1]} : vector<16x128xf32> to vector<16x124xf32>
    %slice3A_1150 = vector.extract_strided_slice %select_n3A_1126 {offsets = [0, 0], sizes = [16, 4], strides = [1, 1]} : vector<16x128xf32> to vector<16x4xf32>
    %concatenate3A_1151 = tpu.concatenate %slice3A_1149, %slice3A_1150 in 1 : vector<16x124xf32>, vector<16x4xf32> -> vector<16x128xf32>
    %slice3A_1152 = vector.extract_strided_slice %select_n3A_1126 {offsets = [0, 124], sizes = [16, 4], strides = [1, 1]} : vector<16x128xf32> to vector<16x4xf32>
    %slice3A_1153 = vector.extract_strided_slice %select_n3A_1126 {offsets = [0, 0], sizes = [16, 124], strides = [1, 1]} : vector<16x128xf32> to vector<16x124xf32>
    %concatenate3A_1154 = tpu.concatenate %slice3A_1152, %slice3A_1153 in 1 : vector<16x4xf32>, vector<16x124xf32> -> vector<16x128xf32>
    %slice3A_1155 = vector.extract_strided_slice %select_n3A_1127 {offsets = [0, 4], sizes = [16, 124], strides = [1, 1]} : vector<16x128xi32> to vector<16x124xi32>
    %slice3A_1156 = vector.extract_strided_slice %select_n3A_1127 {offsets = [0, 0], sizes = [16, 4], strides = [1, 1]} : vector<16x128xi32> to vector<16x4xi32>
    %concatenate3A_1157 = tpu.concatenate %slice3A_1155, %slice3A_1156 in 1 : vector<16x124xi32>, vector<16x4xi32> -> vector<16x128xi32>
    %slice3A_1158 = vector.extract_strided_slice %select_n3A_1127 {offsets = [0, 124], sizes = [16, 4], strides = [1, 1]} : vector<16x128xi32> to vector<16x4xi32>
    %slice3A_1159 = vector.extract_strided_slice %select_n3A_1127 {offsets = [0, 0], sizes = [16, 124], strides = [1, 1]} : vector<16x128xi32> to vector<16x124xi32>
    %concatenate3A_1160 = tpu.concatenate %slice3A_1158, %slice3A_1159 in 1 : vector<16x4xi32>, vector<16x124xi32> -> vector<16x128xi32>
    %select_n3A_1161 = arith.select %ne3A_1133, %concatenate3A_1154, %concatenate3A_1151 : vector<16x128xi1>, vector<16x128xf32>
    %select_n3A_1162 = arith.select %ne3A_1133, %concatenate3A_1160, %concatenate3A_1157 : vector<16x128xi1>, vector<16x128xi32>
    %lt3A_1163 = arith.cmpf olt, %select_n3A_1126, %select_n3A_1161 : vector<16x128xf32>
    %eq3A_1164 = arith.cmpf oeq, %select_n3A_1126, %select_n3A_1161 : vector<16x128xf32>
    %gt3A_1165 = arith.cmpi sgt, %select_n3A_1127, %select_n3A_1162 : vector<16x128xi32>
    %and3A_1166 = arith.andi %eq3A_1164, %gt3A_1165 : vector<16x128xi1>
    %or3A_1167 = arith.ori %lt3A_1163, %and3A_1166 : vector<16x128xi1>
    %eq3A_1168 = arith.xori %or3A_1167, %eq3A_1148 : vector<16x128xi1>
    %eq3A_1169 = arith.constant dense<true> : vector<16x128xi1>
    %eq3A_1170 = arith.xori %eq3A_1168, %eq3A_1169 : vector<16x128xi1>
    %select_n3A_1171 = arith.select %eq3A_1170, %select_n3A_1161, %select_n3A_1126 : vector<16x128xi1>, vector<16x128xf32>
    %select_n3A_1172 = arith.select %eq3A_1170, %select_n3A_1162, %select_n3A_1127 : vector<16x128xi1>, vector<16x128xi32>
    %and3A_1173 = arith.constant 2 : i32
    %and3A_1174 = vector.broadcast %and3A_1173 : i32 to vector<16x128xi32>
    %and3A_1175 = arith.andi %add3A, %and3A_1174 : vector<16x128xi32>
    %ne3A_1176 = arith.constant 0 : i32
    %ne3A_1177 = vector.broadcast %ne3A_1176 : i32 to vector<16x128xi32>
    %ne3A_1178 = arith.cmpi ne, %and3A_1175, %ne3A_1177 : vector<16x128xi32>
    %and3A_1179 = arith.constant 128 : i32
    %and3A_1180 = vector.broadcast %and3A_1179 : i32 to vector<16x128xi32>
    %and3A_1181 = arith.andi %add3A, %and3A_1180 : vector<16x128xi32>
    %eq3A_1182 = arith.constant 0 : i32
    %eq3A_1183 = vector.broadcast %eq3A_1182 : i32 to vector<16x128xi32>
    %eq3A_1184 = arith.cmpi eq, %and3A_1181, %eq3A_1183 : vector<16x128xi32>
    %and3A_1185 = arith.constant 2 : i32
    %and3A_1186 = vector.broadcast %and3A_1185 : i32 to vector<16x128xi32>
    %and3A_1187 = arith.andi %add3A, %and3A_1186 : vector<16x128xi32>
    %eq3A_1188 = arith.constant 0 : i32
    %eq3A_1189 = vector.broadcast %eq3A_1188 : i32 to vector<16x128xi32>
    %eq3A_1190 = arith.cmpi eq, %and3A_1187, %eq3A_1189 : vector<16x128xi32>
    %eq3A_1191 = arith.xori %eq3A_1184, %eq3A_1190 : vector<16x128xi1>
    %eq3A_1192 = arith.constant dense<true> : vector<16x128xi1>
    %eq3A_1193 = arith.xori %eq3A_1191, %eq3A_1192 : vector<16x128xi1>
    %slice3A_1194 = vector.extract_strided_slice %select_n3A_1171 {offsets = [0, 2], sizes = [16, 126], strides = [1, 1]} : vector<16x128xf32> to vector<16x126xf32>
    %slice3A_1195 = vector.extract_strided_slice %select_n3A_1171 {offsets = [0, 0], sizes = [16, 2], strides = [1, 1]} : vector<16x128xf32> to vector<16x2xf32>
    %concatenate3A_1196 = tpu.concatenate %slice3A_1194, %slice3A_1195 in 1 : vector<16x126xf32>, vector<16x2xf32> -> vector<16x128xf32>
    %slice3A_1197 = vector.extract_strided_slice %select_n3A_1171 {offsets = [0, 126], sizes = [16, 2], strides = [1, 1]} : vector<16x128xf32> to vector<16x2xf32>
    %slice3A_1198 = vector.extract_strided_slice %select_n3A_1171 {offsets = [0, 0], sizes = [16, 126], strides = [1, 1]} : vector<16x128xf32> to vector<16x126xf32>
    %concatenate3A_1199 = tpu.concatenate %slice3A_1197, %slice3A_1198 in 1 : vector<16x2xf32>, vector<16x126xf32> -> vector<16x128xf32>
    %slice3A_1200 = vector.extract_strided_slice %select_n3A_1172 {offsets = [0, 2], sizes = [16, 126], strides = [1, 1]} : vector<16x128xi32> to vector<16x126xi32>
    %slice3A_1201 = vector.extract_strided_slice %select_n3A_1172 {offsets = [0, 0], sizes = [16, 2], strides = [1, 1]} : vector<16x128xi32> to vector<16x2xi32>
    %concatenate3A_1202 = tpu.concatenate %slice3A_1200, %slice3A_1201 in 1 : vector<16x126xi32>, vector<16x2xi32> -> vector<16x128xi32>
    %slice3A_1203 = vector.extract_strided_slice %select_n3A_1172 {offsets = [0, 126], sizes = [16, 2], strides = [1, 1]} : vector<16x128xi32> to vector<16x2xi32>
    %slice3A_1204 = vector.extract_strided_slice %select_n3A_1172 {offsets = [0, 0], sizes = [16, 126], strides = [1, 1]} : vector<16x128xi32> to vector<16x126xi32>
    %concatenate3A_1205 = tpu.concatenate %slice3A_1203, %slice3A_1204 in 1 : vector<16x2xi32>, vector<16x126xi32> -> vector<16x128xi32>
    %select_n3A_1206 = arith.select %ne3A_1178, %concatenate3A_1199, %concatenate3A_1196 : vector<16x128xi1>, vector<16x128xf32>
    %select_n3A_1207 = arith.select %ne3A_1178, %concatenate3A_1205, %concatenate3A_1202 : vector<16x128xi1>, vector<16x128xi32>
    %lt3A_1208 = arith.cmpf olt, %select_n3A_1171, %select_n3A_1206 : vector<16x128xf32>
    %eq3A_1209 = arith.cmpf oeq, %select_n3A_1171, %select_n3A_1206 : vector<16x128xf32>
    %gt3A_1210 = arith.cmpi sgt, %select_n3A_1172, %select_n3A_1207 : vector<16x128xi32>
    %and3A_1211 = arith.andi %eq3A_1209, %gt3A_1210 : vector<16x128xi1>
    %or3A_1212 = arith.ori %lt3A_1208, %and3A_1211 : vector<16x128xi1>
    %eq3A_1213 = arith.xori %or3A_1212, %eq3A_1193 : vector<16x128xi1>
    %eq3A_1214 = arith.constant dense<true> : vector<16x128xi1>
    %eq3A_1215 = arith.xori %eq3A_1213, %eq3A_1214 : vector<16x128xi1>
    %select_n3A_1216 = arith.select %eq3A_1215, %select_n3A_1206, %select_n3A_1171 : vector<16x128xi1>, vector<16x128xf32>
    %select_n3A_1217 = arith.select %eq3A_1215, %select_n3A_1207, %select_n3A_1172 : vector<16x128xi1>, vector<16x128xi32>
    %and3A_1218 = arith.constant 1 : i32
    %and3A_1219 = vector.broadcast %and3A_1218 : i32 to vector<16x128xi32>
    %and3A_1220 = arith.andi %add3A, %and3A_1219 : vector<16x128xi32>
    %ne3A_1221 = arith.constant 0 : i32
    %ne3A_1222 = vector.broadcast %ne3A_1221 : i32 to vector<16x128xi32>
    %ne3A_1223 = arith.cmpi ne, %and3A_1220, %ne3A_1222 : vector<16x128xi32>
    %and3A_1224 = arith.constant 128 : i32
    %and3A_1225 = vector.broadcast %and3A_1224 : i32 to vector<16x128xi32>
    %and3A_1226 = arith.andi %add3A, %and3A_1225 : vector<16x128xi32>
    %eq3A_1227 = arith.constant 0 : i32
    %eq3A_1228 = vector.broadcast %eq3A_1227 : i32 to vector<16x128xi32>
    %eq3A_1229 = arith.cmpi eq, %and3A_1226, %eq3A_1228 : vector<16x128xi32>
    %and3A_1230 = arith.constant 1 : i32
    %and3A_1231 = vector.broadcast %and3A_1230 : i32 to vector<16x128xi32>
    %and3A_1232 = arith.andi %add3A, %and3A_1231 : vector<16x128xi32>
    %eq3A_1233 = arith.constant 0 : i32
    %eq3A_1234 = vector.broadcast %eq3A_1233 : i32 to vector<16x128xi32>
    %eq3A_1235 = arith.cmpi eq, %and3A_1232, %eq3A_1234 : vector<16x128xi32>
    %eq3A_1236 = arith.xori %eq3A_1229, %eq3A_1235 : vector<16x128xi1>
    %eq3A_1237 = arith.constant dense<true> : vector<16x128xi1>
    %eq3A_1238 = arith.xori %eq3A_1236, %eq3A_1237 : vector<16x128xi1>
    %slice3A_1239 = vector.extract_strided_slice %select_n3A_1216 {offsets = [0, 1], sizes = [16, 127], strides = [1, 1]} : vector<16x128xf32> to vector<16x127xf32>
    %slice3A_1240 = vector.extract_strided_slice %select_n3A_1216 {offsets = [0, 0], sizes = [16, 1], strides = [1, 1]} : vector<16x128xf32> to vector<16x1xf32>
    %concatenate3A_1241 = tpu.concatenate %slice3A_1239, %slice3A_1240 in 1 : vector<16x127xf32>, vector<16x1xf32> -> vector<16x128xf32>
    %slice3A_1242 = vector.extract_strided_slice %select_n3A_1216 {offsets = [0, 127], sizes = [16, 1], strides = [1, 1]} : vector<16x128xf32> to vector<16x1xf32>
    %slice3A_1243 = vector.extract_strided_slice %select_n3A_1216 {offsets = [0, 0], sizes = [16, 127], strides = [1, 1]} : vector<16x128xf32> to vector<16x127xf32>
    %concatenate3A_1244 = tpu.concatenate %slice3A_1242, %slice3A_1243 in 1 : vector<16x1xf32>, vector<16x127xf32> -> vector<16x128xf32>
    %slice3A_1245 = vector.extract_strided_slice %select_n3A_1217 {offsets = [0, 1], sizes = [16, 127], strides = [1, 1]} : vector<16x128xi32> to vector<16x127xi32>
    %slice3A_1246 = vector.extract_strided_slice %select_n3A_1217 {offsets = [0, 0], sizes = [16, 1], strides = [1, 1]} : vector<16x128xi32> to vector<16x1xi32>
    %concatenate3A_1247 = tpu.concatenate %slice3A_1245, %slice3A_1246 in 1 : vector<16x127xi32>, vector<16x1xi32> -> vector<16x128xi32>
    %slice3A_1248 = vector.extract_strided_slice %select_n3A_1217 {offsets = [0, 127], sizes = [16, 1], strides = [1, 1]} : vector<16x128xi32> to vector<16x1xi32>
    %slice3A_1249 = vector.extract_strided_slice %select_n3A_1217 {offsets = [0, 0], sizes = [16, 127], strides = [1, 1]} : vector<16x128xi32> to vector<16x127xi32>
    %concatenate3A_1250 = tpu.concatenate %slice3A_1248, %slice3A_1249 in 1 : vector<16x1xi32>, vector<16x127xi32> -> vector<16x128xi32>
    %select_n3A_1251 = arith.select %ne3A_1223, %concatenate3A_1244, %concatenate3A_1241 : vector<16x128xi1>, vector<16x128xf32>
    %select_n3A_1252 = arith.select %ne3A_1223, %concatenate3A_1250, %concatenate3A_1247 : vector<16x128xi1>, vector<16x128xi32>
    %lt3A_1253 = arith.cmpf olt, %select_n3A_1216, %select_n3A_1251 : vector<16x128xf32>
    %eq3A_1254 = arith.cmpf oeq, %select_n3A_1216, %select_n3A_1251 : vector<16x128xf32>
    %gt3A_1255 = arith.cmpi sgt, %select_n3A_1217, %select_n3A_1252 : vector<16x128xi32>
    %and3A_1256 = arith.andi %eq3A_1254, %gt3A_1255 : vector<16x128xi1>
    %or3A_1257 = arith.ori %lt3A_1253, %and3A_1256 : vector<16x128xi1>
    %eq3A_1258 = arith.xori %or3A_1257, %eq3A_1238 : vector<16x128xi1>
    %eq3A_1259 = arith.constant dense<true> : vector<16x128xi1>
    %eq3A_1260 = arith.xori %eq3A_1258, %eq3A_1259 : vector<16x128xi1>
    %select_n3A_1261 = arith.select %eq3A_1260, %select_n3A_1251, %select_n3A_1216 : vector<16x128xi1>, vector<16x128xf32>
    %select_n3A_1262 = arith.select %eq3A_1260, %select_n3A_1252, %select_n3A_1217 : vector<16x128xi1>, vector<16x128xi32>
    %and3A_1263 = arith.constant 128 : i32
    %and3A_1264 = vector.broadcast %and3A_1263 : i32 to vector<16x128xi32>
    %and3A_1265 = arith.andi %add3A, %and3A_1264 : vector<16x128xi32>
    %ne3A_1266 = arith.constant 0 : i32
    %ne3A_1267 = vector.broadcast %ne3A_1266 : i32 to vector<16x128xi32>
    %ne3A_1268 = arith.cmpi ne, %and3A_1265, %ne3A_1267 : vector<16x128xi32>
    %and3A_1269 = arith.constant 256 : i32
    %and3A_1270 = vector.broadcast %and3A_1269 : i32 to vector<16x128xi32>
    %and3A_1271 = arith.andi %add3A, %and3A_1270 : vector<16x128xi32>
    %eq3A_1272 = arith.constant 0 : i32
    %eq3A_1273 = vector.broadcast %eq3A_1272 : i32 to vector<16x128xi32>
    %eq3A_1274 = arith.cmpi eq, %and3A_1271, %eq3A_1273 : vector<16x128xi32>
    %and3A_1275 = arith.constant 128 : i32
    %and3A_1276 = vector.broadcast %and3A_1275 : i32 to vector<16x128xi32>
    %and3A_1277 = arith.andi %add3A, %and3A_1276 : vector<16x128xi32>
    %eq3A_1278 = arith.constant 0 : i32
    %eq3A_1279 = vector.broadcast %eq3A_1278 : i32 to vector<16x128xi32>
    %eq3A_1280 = arith.cmpi eq, %and3A_1277, %eq3A_1279 : vector<16x128xi32>
    %eq3A_1281 = arith.xori %eq3A_1274, %eq3A_1280 : vector<16x128xi1>
    %eq3A_1282 = arith.constant dense<true> : vector<16x128xi1>
    %eq3A_1283 = arith.xori %eq3A_1281, %eq3A_1282 : vector<16x128xi1>
    %slice3A_1284 = vector.extract_strided_slice %select_n3A_1261 {offsets = [1, 0], sizes = [15, 128], strides = [1, 1]} : vector<16x128xf32> to vector<15x128xf32>
    %slice3A_1285 = vector.extract_strided_slice %select_n3A_1261 {offsets = [0, 0], sizes = [1, 128], strides = [1, 1]} : vector<16x128xf32> to vector<1x128xf32>
    %concatenate3A_1286 = tpu.concatenate %slice3A_1284, %slice3A_1285 in 0 : vector<15x128xf32>, vector<1x128xf32> -> vector<16x128xf32>
    %slice3A_1287 = vector.extract_strided_slice %select_n3A_1261 {offsets = [15, 0], sizes = [1, 128], strides = [1, 1]} : vector<16x128xf32> to vector<1x128xf32>
    %slice3A_1288 = vector.extract_strided_slice %select_n3A_1261 {offsets = [0, 0], sizes = [15, 128], strides = [1, 1]} : vector<16x128xf32> to vector<15x128xf32>
    %concatenate3A_1289 = tpu.concatenate %slice3A_1287, %slice3A_1288 in 0 : vector<1x128xf32>, vector<15x128xf32> -> vector<16x128xf32>
    %slice3A_1290 = vector.extract_strided_slice %select_n3A_1262 {offsets = [1, 0], sizes = [15, 128], strides = [1, 1]} : vector<16x128xi32> to vector<15x128xi32>
    %slice3A_1291 = vector.extract_strided_slice %select_n3A_1262 {offsets = [0, 0], sizes = [1, 128], strides = [1, 1]} : vector<16x128xi32> to vector<1x128xi32>
    %concatenate3A_1292 = tpu.concatenate %slice3A_1290, %slice3A_1291 in 0 : vector<15x128xi32>, vector<1x128xi32> -> vector<16x128xi32>
    %slice3A_1293 = vector.extract_strided_slice %select_n3A_1262 {offsets = [15, 0], sizes = [1, 128], strides = [1, 1]} : vector<16x128xi32> to vector<1x128xi32>
    %slice3A_1294 = vector.extract_strided_slice %select_n3A_1262 {offsets = [0, 0], sizes = [15, 128], strides = [1, 1]} : vector<16x128xi32> to vector<15x128xi32>
    %concatenate3A_1295 = tpu.concatenate %slice3A_1293, %slice3A_1294 in 0 : vector<1x128xi32>, vector<15x128xi32> -> vector<16x128xi32>
    %select_n3A_1296 = arith.select %ne3A_1268, %concatenate3A_1289, %concatenate3A_1286 : vector<16x128xi1>, vector<16x128xf32>
    %select_n3A_1297 = arith.select %ne3A_1268, %concatenate3A_1295, %concatenate3A_1292 : vector<16x128xi1>, vector<16x128xi32>
    %lt3A_1298 = arith.cmpf olt, %select_n3A_1261, %select_n3A_1296 : vector<16x128xf32>
    %eq3A_1299 = arith.cmpf oeq, %select_n3A_1261, %select_n3A_1296 : vector<16x128xf32>
    %gt3A_1300 = arith.cmpi sgt, %select_n3A_1262, %select_n3A_1297 : vector<16x128xi32>
    %and3A_1301 = arith.andi %eq3A_1299, %gt3A_1300 : vector<16x128xi1>
    %or3A_1302 = arith.ori %lt3A_1298, %and3A_1301 : vector<16x128xi1>
    %eq3A_1303 = arith.xori %or3A_1302, %eq3A_1283 : vector<16x128xi1>
    %eq3A_1304 = arith.constant dense<true> : vector<16x128xi1>
    %eq3A_1305 = arith.xori %eq3A_1303, %eq3A_1304 : vector<16x128xi1>
    %select_n3A_1306 = arith.select %eq3A_1305, %select_n3A_1296, %select_n3A_1261 : vector<16x128xi1>, vector<16x128xf32>
    %select_n3A_1307 = arith.select %eq3A_1305, %select_n3A_1297, %select_n3A_1262 : vector<16x128xi1>, vector<16x128xi32>
    %and3A_1308 = arith.constant 64 : i32
    %and3A_1309 = vector.broadcast %and3A_1308 : i32 to vector<16x128xi32>
    %and3A_1310 = arith.andi %add3A, %and3A_1309 : vector<16x128xi32>
    %ne3A_1311 = arith.constant 0 : i32
    %ne3A_1312 = vector.broadcast %ne3A_1311 : i32 to vector<16x128xi32>
    %ne3A_1313 = arith.cmpi ne, %and3A_1310, %ne3A_1312 : vector<16x128xi32>
    %and3A_1314 = arith.constant 256 : i32
    %and3A_1315 = vector.broadcast %and3A_1314 : i32 to vector<16x128xi32>
    %and3A_1316 = arith.andi %add3A, %and3A_1315 : vector<16x128xi32>
    %eq3A_1317 = arith.constant 0 : i32
    %eq3A_1318 = vector.broadcast %eq3A_1317 : i32 to vector<16x128xi32>
    %eq3A_1319 = arith.cmpi eq, %and3A_1316, %eq3A_1318 : vector<16x128xi32>
    %and3A_1320 = arith.constant 64 : i32
    %and3A_1321 = vector.broadcast %and3A_1320 : i32 to vector<16x128xi32>
    %and3A_1322 = arith.andi %add3A, %and3A_1321 : vector<16x128xi32>
    %eq3A_1323 = arith.constant 0 : i32
    %eq3A_1324 = vector.broadcast %eq3A_1323 : i32 to vector<16x128xi32>
    %eq3A_1325 = arith.cmpi eq, %and3A_1322, %eq3A_1324 : vector<16x128xi32>
    %eq3A_1326 = arith.xori %eq3A_1319, %eq3A_1325 : vector<16x128xi1>
    %eq3A_1327 = arith.constant dense<true> : vector<16x128xi1>
    %eq3A_1328 = arith.xori %eq3A_1326, %eq3A_1327 : vector<16x128xi1>
    %slice3A_1329 = vector.extract_strided_slice %select_n3A_1306 {offsets = [0, 64], sizes = [16, 64], strides = [1, 1]} : vector<16x128xf32> to vector<16x64xf32>
    %slice3A_1330 = vector.extract_strided_slice %select_n3A_1306 {offsets = [0, 0], sizes = [16, 64], strides = [1, 1]} : vector<16x128xf32> to vector<16x64xf32>
    %concatenate3A_1331 = tpu.concatenate %slice3A_1329, %slice3A_1330 in 1 : vector<16x64xf32>, vector<16x64xf32> -> vector<16x128xf32>
    %slice3A_1332 = vector.extract_strided_slice %select_n3A_1306 {offsets = [0, 64], sizes = [16, 64], strides = [1, 1]} : vector<16x128xf32> to vector<16x64xf32>
    %slice3A_1333 = vector.extract_strided_slice %select_n3A_1306 {offsets = [0, 0], sizes = [16, 64], strides = [1, 1]} : vector<16x128xf32> to vector<16x64xf32>
    %concatenate3A_1334 = tpu.concatenate %slice3A_1332, %slice3A_1333 in 1 : vector<16x64xf32>, vector<16x64xf32> -> vector<16x128xf32>
    %slice3A_1335 = vector.extract_strided_slice %select_n3A_1307 {offsets = [0, 64], sizes = [16, 64], strides = [1, 1]} : vector<16x128xi32> to vector<16x64xi32>
    %slice3A_1336 = vector.extract_strided_slice %select_n3A_1307 {offsets = [0, 0], sizes = [16, 64], strides = [1, 1]} : vector<16x128xi32> to vector<16x64xi32>
    %concatenate3A_1337 = tpu.concatenate %slice3A_1335, %slice3A_1336 in 1 : vector<16x64xi32>, vector<16x64xi32> -> vector<16x128xi32>
    %slice3A_1338 = vector.extract_strided_slice %select_n3A_1307 {offsets = [0, 64], sizes = [16, 64], strides = [1, 1]} : vector<16x128xi32> to vector<16x64xi32>
    %slice3A_1339 = vector.extract_strided_slice %select_n3A_1307 {offsets = [0, 0], sizes = [16, 64], strides = [1, 1]} : vector<16x128xi32> to vector<16x64xi32>
    %concatenate3A_1340 = tpu.concatenate %slice3A_1338, %slice3A_1339 in 1 : vector<16x64xi32>, vector<16x64xi32> -> vector<16x128xi32>
    %select_n3A_1341 = arith.select %ne3A_1313, %concatenate3A_1334, %concatenate3A_1331 : vector<16x128xi1>, vector<16x128xf32>
    %select_n3A_1342 = arith.select %ne3A_1313, %concatenate3A_1340, %concatenate3A_1337 : vector<16x128xi1>, vector<16x128xi32>
    %lt3A_1343 = arith.cmpf olt, %select_n3A_1306, %select_n3A_1341 : vector<16x128xf32>
    %eq3A_1344 = arith.cmpf oeq, %select_n3A_1306, %select_n3A_1341 : vector<16x128xf32>
    %gt3A_1345 = arith.cmpi sgt, %select_n3A_1307, %select_n3A_1342 : vector<16x128xi32>
    %and3A_1346 = arith.andi %eq3A_1344, %gt3A_1345 : vector<16x128xi1>
    %or3A_1347 = arith.ori %lt3A_1343, %and3A_1346 : vector<16x128xi1>
    %eq3A_1348 = arith.xori %or3A_1347, %eq3A_1328 : vector<16x128xi1>
    %eq3A_1349 = arith.constant dense<true> : vector<16x128xi1>
    %eq3A_1350 = arith.xori %eq3A_1348, %eq3A_1349 : vector<16x128xi1>
    %select_n3A_1351 = arith.select %eq3A_1350, %select_n3A_1341, %select_n3A_1306 : vector<16x128xi1>, vector<16x128xf32>
    %select_n3A_1352 = arith.select %eq3A_1350, %select_n3A_1342, %select_n3A_1307 : vector<16x128xi1>, vector<16x128xi32>
    %and3A_1353 = arith.constant 32 : i32
    %and3A_1354 = vector.broadcast %and3A_1353 : i32 to vector<16x128xi32>
    %and3A_1355 = arith.andi %add3A, %and3A_1354 : vector<16x128xi32>
    %ne3A_1356 = arith.constant 0 : i32
    %ne3A_1357 = vector.broadcast %ne3A_1356 : i32 to vector<16x128xi32>
    %ne3A_1358 = arith.cmpi ne, %and3A_1355, %ne3A_1357 : vector<16x128xi32>
    %and3A_1359 = arith.constant 256 : i32
    %and3A_1360 = vector.broadcast %and3A_1359 : i32 to vector<16x128xi32>
    %and3A_1361 = arith.andi %add3A, %and3A_1360 : vector<16x128xi32>
    %eq3A_1362 = arith.constant 0 : i32
    %eq3A_1363 = vector.broadcast %eq3A_1362 : i32 to vector<16x128xi32>
    %eq3A_1364 = arith.cmpi eq, %and3A_1361, %eq3A_1363 : vector<16x128xi32>
    %and3A_1365 = arith.constant 32 : i32
    %and3A_1366 = vector.broadcast %and3A_1365 : i32 to vector<16x128xi32>
    %and3A_1367 = arith.andi %add3A, %and3A_1366 : vector<16x128xi32>
    %eq3A_1368 = arith.constant 0 : i32
    %eq3A_1369 = vector.broadcast %eq3A_1368 : i32 to vector<16x128xi32>
    %eq3A_1370 = arith.cmpi eq, %and3A_1367, %eq3A_1369 : vector<16x128xi32>
    %eq3A_1371 = arith.xori %eq3A_1364, %eq3A_1370 : vector<16x128xi1>
    %eq3A_1372 = arith.constant dense<true> : vector<16x128xi1>
    %eq3A_1373 = arith.xori %eq3A_1371, %eq3A_1372 : vector<16x128xi1>
    %slice3A_1374 = vector.extract_strided_slice %select_n3A_1351 {offsets = [0, 32], sizes = [16, 96], strides = [1, 1]} : vector<16x128xf32> to vector<16x96xf32>
    %slice3A_1375 = vector.extract_strided_slice %select_n3A_1351 {offsets = [0, 0], sizes = [16, 32], strides = [1, 1]} : vector<16x128xf32> to vector<16x32xf32>
    %concatenate3A_1376 = tpu.concatenate %slice3A_1374, %slice3A_1375 in 1 : vector<16x96xf32>, vector<16x32xf32> -> vector<16x128xf32>
    %slice3A_1377 = vector.extract_strided_slice %select_n3A_1351 {offsets = [0, 96], sizes = [16, 32], strides = [1, 1]} : vector<16x128xf32> to vector<16x32xf32>
    %slice3A_1378 = vector.extract_strided_slice %select_n3A_1351 {offsets = [0, 0], sizes = [16, 96], strides = [1, 1]} : vector<16x128xf32> to vector<16x96xf32>
    %concatenate3A_1379 = tpu.concatenate %slice3A_1377, %slice3A_1378 in 1 : vector<16x32xf32>, vector<16x96xf32> -> vector<16x128xf32>
    %slice3A_1380 = vector.extract_strided_slice %select_n3A_1352 {offsets = [0, 32], sizes = [16, 96], strides = [1, 1]} : vector<16x128xi32> to vector<16x96xi32>
    %slice3A_1381 = vector.extract_strided_slice %select_n3A_1352 {offsets = [0, 0], sizes = [16, 32], strides = [1, 1]} : vector<16x128xi32> to vector<16x32xi32>
    %concatenate3A_1382 = tpu.concatenate %slice3A_1380, %slice3A_1381 in 1 : vector<16x96xi32>, vector<16x32xi32> -> vector<16x128xi32>
    %slice3A_1383 = vector.extract_strided_slice %select_n3A_1352 {offsets = [0, 96], sizes = [16, 32], strides = [1, 1]} : vector<16x128xi32> to vector<16x32xi32>
    %slice3A_1384 = vector.extract_strided_slice %select_n3A_1352 {offsets = [0, 0], sizes = [16, 96], strides = [1, 1]} : vector<16x128xi32> to vector<16x96xi32>
    %concatenate3A_1385 = tpu.concatenate %slice3A_1383, %slice3A_1384 in 1 : vector<16x32xi32>, vector<16x96xi32> -> vector<16x128xi32>
    %select_n3A_1386 = arith.select %ne3A_1358, %concatenate3A_1379, %concatenate3A_1376 : vector<16x128xi1>, vector<16x128xf32>
    %select_n3A_1387 = arith.select %ne3A_1358, %concatenate3A_1385, %concatenate3A_1382 : vector<16x128xi1>, vector<16x128xi32>
    %lt3A_1388 = arith.cmpf olt, %select_n3A_1351, %select_n3A_1386 : vector<16x128xf32>
    %eq3A_1389 = arith.cmpf oeq, %select_n3A_1351, %select_n3A_1386 : vector<16x128xf32>
    %gt3A_1390 = arith.cmpi sgt, %select_n3A_1352, %select_n3A_1387 : vector<16x128xi32>
    %and3A_1391 = arith.andi %eq3A_1389, %gt3A_1390 : vector<16x128xi1>
    %or3A_1392 = arith.ori %lt3A_1388, %and3A_1391 : vector<16x128xi1>
    %eq3A_1393 = arith.xori %or3A_1392, %eq3A_1373 : vector<16x128xi1>
    %eq3A_1394 = arith.constant dense<true> : vector<16x128xi1>
    %eq3A_1395 = arith.xori %eq3A_1393, %eq3A_1394 : vector<16x128xi1>
    %select_n3A_1396 = arith.select %eq3A_1395, %select_n3A_1386, %select_n3A_1351 : vector<16x128xi1>, vector<16x128xf32>
    %select_n3A_1397 = arith.select %eq3A_1395, %select_n3A_1387, %select_n3A_1352 : vector<16x128xi1>, vector<16x128xi32>
    %and3A_1398 = arith.constant 16 : i32
    %and3A_1399 = vector.broadcast %and3A_1398 : i32 to vector<16x128xi32>
    %and3A_1400 = arith.andi %add3A, %and3A_1399 : vector<16x128xi32>
    %ne3A_1401 = arith.constant 0 : i32
    %ne3A_1402 = vector.broadcast %ne3A_1401 : i32 to vector<16x128xi32>
    %ne3A_1403 = arith.cmpi ne, %and3A_1400, %ne3A_1402 : vector<16x128xi32>
    %and3A_1404 = arith.constant 256 : i32
    %and3A_1405 = vector.broadcast %and3A_1404 : i32 to vector<16x128xi32>
    %and3A_1406 = arith.andi %add3A, %and3A_1405 : vector<16x128xi32>
    %eq3A_1407 = arith.constant 0 : i32
    %eq3A_1408 = vector.broadcast %eq3A_1407 : i32 to vector<16x128xi32>
    %eq3A_1409 = arith.cmpi eq, %and3A_1406, %eq3A_1408 : vector<16x128xi32>
    %and3A_1410 = arith.constant 16 : i32
    %and3A_1411 = vector.broadcast %and3A_1410 : i32 to vector<16x128xi32>
    %and3A_1412 = arith.andi %add3A, %and3A_1411 : vector<16x128xi32>
    %eq3A_1413 = arith.constant 0 : i32
    %eq3A_1414 = vector.broadcast %eq3A_1413 : i32 to vector<16x128xi32>
    %eq3A_1415 = arith.cmpi eq, %and3A_1412, %eq3A_1414 : vector<16x128xi32>
    %eq3A_1416 = arith.xori %eq3A_1409, %eq3A_1415 : vector<16x128xi1>
    %eq3A_1417 = arith.constant dense<true> : vector<16x128xi1>
    %eq3A_1418 = arith.xori %eq3A_1416, %eq3A_1417 : vector<16x128xi1>
    %slice3A_1419 = vector.extract_strided_slice %select_n3A_1396 {offsets = [0, 16], sizes = [16, 112], strides = [1, 1]} : vector<16x128xf32> to vector<16x112xf32>
    %slice3A_1420 = vector.extract_strided_slice %select_n3A_1396 {offsets = [0, 0], sizes = [16, 16], strides = [1, 1]} : vector<16x128xf32> to vector<16x16xf32>
    %concatenate3A_1421 = tpu.concatenate %slice3A_1419, %slice3A_1420 in 1 : vector<16x112xf32>, vector<16x16xf32> -> vector<16x128xf32>
    %slice3A_1422 = vector.extract_strided_slice %select_n3A_1396 {offsets = [0, 112], sizes = [16, 16], strides = [1, 1]} : vector<16x128xf32> to vector<16x16xf32>
    %slice3A_1423 = vector.extract_strided_slice %select_n3A_1396 {offsets = [0, 0], sizes = [16, 112], strides = [1, 1]} : vector<16x128xf32> to vector<16x112xf32>
    %concatenate3A_1424 = tpu.concatenate %slice3A_1422, %slice3A_1423 in 1 : vector<16x16xf32>, vector<16x112xf32> -> vector<16x128xf32>
    %slice3A_1425 = vector.extract_strided_slice %select_n3A_1397 {offsets = [0, 16], sizes = [16, 112], strides = [1, 1]} : vector<16x128xi32> to vector<16x112xi32>
    %slice3A_1426 = vector.extract_strided_slice %select_n3A_1397 {offsets = [0, 0], sizes = [16, 16], strides = [1, 1]} : vector<16x128xi32> to vector<16x16xi32>
    %concatenate3A_1427 = tpu.concatenate %slice3A_1425, %slice3A_1426 in 1 : vector<16x112xi32>, vector<16x16xi32> -> vector<16x128xi32>
    %slice3A_1428 = vector.extract_strided_slice %select_n3A_1397 {offsets = [0, 112], sizes = [16, 16], strides = [1, 1]} : vector<16x128xi32> to vector<16x16xi32>
    %slice3A_1429 = vector.extract_strided_slice %select_n3A_1397 {offsets = [0, 0], sizes = [16, 112], strides = [1, 1]} : vector<16x128xi32> to vector<16x112xi32>
    %concatenate3A_1430 = tpu.concatenate %slice3A_1428, %slice3A_1429 in 1 : vector<16x16xi32>, vector<16x112xi32> -> vector<16x128xi32>
    %select_n3A_1431 = arith.select %ne3A_1403, %concatenate3A_1424, %concatenate3A_1421 : vector<16x128xi1>, vector<16x128xf32>
    %select_n3A_1432 = arith.select %ne3A_1403, %concatenate3A_1430, %concatenate3A_1427 : vector<16x128xi1>, vector<16x128xi32>
    %lt3A_1433 = arith.cmpf olt, %select_n3A_1396, %select_n3A_1431 : vector<16x128xf32>
    %eq3A_1434 = arith.cmpf oeq, %select_n3A_1396, %select_n3A_1431 : vector<16x128xf32>
    %gt3A_1435 = arith.cmpi sgt, %select_n3A_1397, %select_n3A_1432 : vector<16x128xi32>
    %and3A_1436 = arith.andi %eq3A_1434, %gt3A_1435 : vector<16x128xi1>
    %or3A_1437 = arith.ori %lt3A_1433, %and3A_1436 : vector<16x128xi1>
    %eq3A_1438 = arith.xori %or3A_1437, %eq3A_1418 : vector<16x128xi1>
    %eq3A_1439 = arith.constant dense<true> : vector<16x128xi1>
    %eq3A_1440 = arith.xori %eq3A_1438, %eq3A_1439 : vector<16x128xi1>
    %select_n3A_1441 = arith.select %eq3A_1440, %select_n3A_1431, %select_n3A_1396 : vector<16x128xi1>, vector<16x128xf32>
    %select_n3A_1442 = arith.select %eq3A_1440, %select_n3A_1432, %select_n3A_1397 : vector<16x128xi1>, vector<16x128xi32>
    %and3A_1443 = arith.constant 8 : i32
    %and3A_1444 = vector.broadcast %and3A_1443 : i32 to vector<16x128xi32>
    %and3A_1445 = arith.andi %add3A, %and3A_1444 : vector<16x128xi32>
    %ne3A_1446 = arith.constant 0 : i32
    %ne3A_1447 = vector.broadcast %ne3A_1446 : i32 to vector<16x128xi32>
    %ne3A_1448 = arith.cmpi ne, %and3A_1445, %ne3A_1447 : vector<16x128xi32>
    %and3A_1449 = arith.constant 256 : i32
    %and3A_1450 = vector.broadcast %and3A_1449 : i32 to vector<16x128xi32>
    %and3A_1451 = arith.andi %add3A, %and3A_1450 : vector<16x128xi32>
    %eq3A_1452 = arith.constant 0 : i32
    %eq3A_1453 = vector.broadcast %eq3A_1452 : i32 to vector<16x128xi32>
    %eq3A_1454 = arith.cmpi eq, %and3A_1451, %eq3A_1453 : vector<16x128xi32>
    %and3A_1455 = arith.constant 8 : i32
    %and3A_1456 = vector.broadcast %and3A_1455 : i32 to vector<16x128xi32>
    %and3A_1457 = arith.andi %add3A, %and3A_1456 : vector<16x128xi32>
    %eq3A_1458 = arith.constant 0 : i32
    %eq3A_1459 = vector.broadcast %eq3A_1458 : i32 to vector<16x128xi32>
    %eq3A_1460 = arith.cmpi eq, %and3A_1457, %eq3A_1459 : vector<16x128xi32>
    %eq3A_1461 = arith.xori %eq3A_1454, %eq3A_1460 : vector<16x128xi1>
    %eq3A_1462 = arith.constant dense<true> : vector<16x128xi1>
    %eq3A_1463 = arith.xori %eq3A_1461, %eq3A_1462 : vector<16x128xi1>
    %slice3A_1464 = vector.extract_strided_slice %select_n3A_1441 {offsets = [0, 8], sizes = [16, 120], strides = [1, 1]} : vector<16x128xf32> to vector<16x120xf32>
    %slice3A_1465 = vector.extract_strided_slice %select_n3A_1441 {offsets = [0, 0], sizes = [16, 8], strides = [1, 1]} : vector<16x128xf32> to vector<16x8xf32>
    %concatenate3A_1466 = tpu.concatenate %slice3A_1464, %slice3A_1465 in 1 : vector<16x120xf32>, vector<16x8xf32> -> vector<16x128xf32>
    %slice3A_1467 = vector.extract_strided_slice %select_n3A_1441 {offsets = [0, 120], sizes = [16, 8], strides = [1, 1]} : vector<16x128xf32> to vector<16x8xf32>
    %slice3A_1468 = vector.extract_strided_slice %select_n3A_1441 {offsets = [0, 0], sizes = [16, 120], strides = [1, 1]} : vector<16x128xf32> to vector<16x120xf32>
    %concatenate3A_1469 = tpu.concatenate %slice3A_1467, %slice3A_1468 in 1 : vector<16x8xf32>, vector<16x120xf32> -> vector<16x128xf32>
    %slice3A_1470 = vector.extract_strided_slice %select_n3A_1442 {offsets = [0, 8], sizes = [16, 120], strides = [1, 1]} : vector<16x128xi32> to vector<16x120xi32>
    %slice3A_1471 = vector.extract_strided_slice %select_n3A_1442 {offsets = [0, 0], sizes = [16, 8], strides = [1, 1]} : vector<16x128xi32> to vector<16x8xi32>
    %concatenate3A_1472 = tpu.concatenate %slice3A_1470, %slice3A_1471 in 1 : vector<16x120xi32>, vector<16x8xi32> -> vector<16x128xi32>
    %slice3A_1473 = vector.extract_strided_slice %select_n3A_1442 {offsets = [0, 120], sizes = [16, 8], strides = [1, 1]} : vector<16x128xi32> to vector<16x8xi32>
    %slice3A_1474 = vector.extract_strided_slice %select_n3A_1442 {offsets = [0, 0], sizes = [16, 120], strides = [1, 1]} : vector<16x128xi32> to vector<16x120xi32>
    %concatenate3A_1475 = tpu.concatenate %slice3A_1473, %slice3A_1474 in 1 : vector<16x8xi32>, vector<16x120xi32> -> vector<16x128xi32>
    %select_n3A_1476 = arith.select %ne3A_1448, %concatenate3A_1469, %concatenate3A_1466 : vector<16x128xi1>, vector<16x128xf32>
    %select_n3A_1477 = arith.select %ne3A_1448, %concatenate3A_1475, %concatenate3A_1472 : vector<16x128xi1>, vector<16x128xi32>
    %lt3A_1478 = arith.cmpf olt, %select_n3A_1441, %select_n3A_1476 : vector<16x128xf32>
    %eq3A_1479 = arith.cmpf oeq, %select_n3A_1441, %select_n3A_1476 : vector<16x128xf32>
    %gt3A_1480 = arith.cmpi sgt, %select_n3A_1442, %select_n3A_1477 : vector<16x128xi32>
    %and3A_1481 = arith.andi %eq3A_1479, %gt3A_1480 : vector<16x128xi1>
    %or3A_1482 = arith.ori %lt3A_1478, %and3A_1481 : vector<16x128xi1>
    %eq3A_1483 = arith.xori %or3A_1482, %eq3A_1463 : vector<16x128xi1>
    %eq3A_1484 = arith.constant dense<true> : vector<16x128xi1>
    %eq3A_1485 = arith.xori %eq3A_1483, %eq3A_1484 : vector<16x128xi1>
    %select_n3A_1486 = arith.select %eq3A_1485, %select_n3A_1476, %select_n3A_1441 : vector<16x128xi1>, vector<16x128xf32>
    %select_n3A_1487 = arith.select %eq3A_1485, %select_n3A_1477, %select_n3A_1442 : vector<16x128xi1>, vector<16x128xi32>
    %and3A_1488 = arith.constant 4 : i32
    %and3A_1489 = vector.broadcast %and3A_1488 : i32 to vector<16x128xi32>
    %and3A_1490 = arith.andi %add3A, %and3A_1489 : vector<16x128xi32>
    %ne3A_1491 = arith.constant 0 : i32
    %ne3A_1492 = vector.broadcast %ne3A_1491 : i32 to vector<16x128xi32>
    %ne3A_1493 = arith.cmpi ne, %and3A_1490, %ne3A_1492 : vector<16x128xi32>
    %and3A_1494 = arith.constant 256 : i32
    %and3A_1495 = vector.broadcast %and3A_1494 : i32 to vector<16x128xi32>
    %and3A_1496 = arith.andi %add3A, %and3A_1495 : vector<16x128xi32>
    %eq3A_1497 = arith.constant 0 : i32
    %eq3A_1498 = vector.broadcast %eq3A_1497 : i32 to vector<16x128xi32>
    %eq3A_1499 = arith.cmpi eq, %and3A_1496, %eq3A_1498 : vector<16x128xi32>
    %and3A_1500 = arith.constant 4 : i32
    %and3A_1501 = vector.broadcast %and3A_1500 : i32 to vector<16x128xi32>
    %and3A_1502 = arith.andi %add3A, %and3A_1501 : vector<16x128xi32>
    %eq3A_1503 = arith.constant 0 : i32
    %eq3A_1504 = vector.broadcast %eq3A_1503 : i32 to vector<16x128xi32>
    %eq3A_1505 = arith.cmpi eq, %and3A_1502, %eq3A_1504 : vector<16x128xi32>
    %eq3A_1506 = arith.xori %eq3A_1499, %eq3A_1505 : vector<16x128xi1>
    %eq3A_1507 = arith.constant dense<true> : vector<16x128xi1>
    %eq3A_1508 = arith.xori %eq3A_1506, %eq3A_1507 : vector<16x128xi1>
    %slice3A_1509 = vector.extract_strided_slice %select_n3A_1486 {offsets = [0, 4], sizes = [16, 124], strides = [1, 1]} : vector<16x128xf32> to vector<16x124xf32>
    %slice3A_1510 = vector.extract_strided_slice %select_n3A_1486 {offsets = [0, 0], sizes = [16, 4], strides = [1, 1]} : vector<16x128xf32> to vector<16x4xf32>
    %concatenate3A_1511 = tpu.concatenate %slice3A_1509, %slice3A_1510 in 1 : vector<16x124xf32>, vector<16x4xf32> -> vector<16x128xf32>
    %slice3A_1512 = vector.extract_strided_slice %select_n3A_1486 {offsets = [0, 124], sizes = [16, 4], strides = [1, 1]} : vector<16x128xf32> to vector<16x4xf32>
    %slice3A_1513 = vector.extract_strided_slice %select_n3A_1486 {offsets = [0, 0], sizes = [16, 124], strides = [1, 1]} : vector<16x128xf32> to vector<16x124xf32>
    %concatenate3A_1514 = tpu.concatenate %slice3A_1512, %slice3A_1513 in 1 : vector<16x4xf32>, vector<16x124xf32> -> vector<16x128xf32>
    %slice3A_1515 = vector.extract_strided_slice %select_n3A_1487 {offsets = [0, 4], sizes = [16, 124], strides = [1, 1]} : vector<16x128xi32> to vector<16x124xi32>
    %slice3A_1516 = vector.extract_strided_slice %select_n3A_1487 {offsets = [0, 0], sizes = [16, 4], strides = [1, 1]} : vector<16x128xi32> to vector<16x4xi32>
    %concatenate3A_1517 = tpu.concatenate %slice3A_1515, %slice3A_1516 in 1 : vector<16x124xi32>, vector<16x4xi32> -> vector<16x128xi32>
    %slice3A_1518 = vector.extract_strided_slice %select_n3A_1487 {offsets = [0, 124], sizes = [16, 4], strides = [1, 1]} : vector<16x128xi32> to vector<16x4xi32>
    %slice3A_1519 = vector.extract_strided_slice %select_n3A_1487 {offsets = [0, 0], sizes = [16, 124], strides = [1, 1]} : vector<16x128xi32> to vector<16x124xi32>
    %concatenate3A_1520 = tpu.concatenate %slice3A_1518, %slice3A_1519 in 1 : vector<16x4xi32>, vector<16x124xi32> -> vector<16x128xi32>
    %select_n3A_1521 = arith.select %ne3A_1493, %concatenate3A_1514, %concatenate3A_1511 : vector<16x128xi1>, vector<16x128xf32>
    %select_n3A_1522 = arith.select %ne3A_1493, %concatenate3A_1520, %concatenate3A_1517 : vector<16x128xi1>, vector<16x128xi32>
    %lt3A_1523 = arith.cmpf olt, %select_n3A_1486, %select_n3A_1521 : vector<16x128xf32>
    %eq3A_1524 = arith.cmpf oeq, %select_n3A_1486, %select_n3A_1521 : vector<16x128xf32>
    %gt3A_1525 = arith.cmpi sgt, %select_n3A_1487, %select_n3A_1522 : vector<16x128xi32>
    %and3A_1526 = arith.andi %eq3A_1524, %gt3A_1525 : vector<16x128xi1>
    %or3A_1527 = arith.ori %lt3A_1523, %and3A_1526 : vector<16x128xi1>
    %eq3A_1528 = arith.xori %or3A_1527, %eq3A_1508 : vector<16x128xi1>
    %eq3A_1529 = arith.constant dense<true> : vector<16x128xi1>
    %eq3A_1530 = arith.xori %eq3A_1528, %eq3A_1529 : vector<16x128xi1>
    %select_n3A_1531 = arith.select %eq3A_1530, %select_n3A_1521, %select_n3A_1486 : vector<16x128xi1>, vector<16x128xf32>
    %select_n3A_1532 = arith.select %eq3A_1530, %select_n3A_1522, %select_n3A_1487 : vector<16x128xi1>, vector<16x128xi32>
    %and3A_1533 = arith.constant 2 : i32
    %and3A_1534 = vector.broadcast %and3A_1533 : i32 to vector<16x128xi32>
    %and3A_1535 = arith.andi %add3A, %and3A_1534 : vector<16x128xi32>
    %ne3A_1536 = arith.constant 0 : i32
    %ne3A_1537 = vector.broadcast %ne3A_1536 : i32 to vector<16x128xi32>
    %ne3A_1538 = arith.cmpi ne, %and3A_1535, %ne3A_1537 : vector<16x128xi32>
    %and3A_1539 = arith.constant 256 : i32
    %and3A_1540 = vector.broadcast %and3A_1539 : i32 to vector<16x128xi32>
    %and3A_1541 = arith.andi %add3A, %and3A_1540 : vector<16x128xi32>
    %eq3A_1542 = arith.constant 0 : i32
    %eq3A_1543 = vector.broadcast %eq3A_1542 : i32 to vector<16x128xi32>
    %eq3A_1544 = arith.cmpi eq, %and3A_1541, %eq3A_1543 : vector<16x128xi32>
    %and3A_1545 = arith.constant 2 : i32
    %and3A_1546 = vector.broadcast %and3A_1545 : i32 to vector<16x128xi32>
    %and3A_1547 = arith.andi %add3A, %and3A_1546 : vector<16x128xi32>
    %eq3A_1548 = arith.constant 0 : i32
    %eq3A_1549 = vector.broadcast %eq3A_1548 : i32 to vector<16x128xi32>
    %eq3A_1550 = arith.cmpi eq, %and3A_1547, %eq3A_1549 : vector<16x128xi32>
    %eq3A_1551 = arith.xori %eq3A_1544, %eq3A_1550 : vector<16x128xi1>
    %eq3A_1552 = arith.constant dense<true> : vector<16x128xi1>
    %eq3A_1553 = arith.xori %eq3A_1551, %eq3A_1552 : vector<16x128xi1>
    %slice3A_1554 = vector.extract_strided_slice %select_n3A_1531 {offsets = [0, 2], sizes = [16, 126], strides = [1, 1]} : vector<16x128xf32> to vector<16x126xf32>
    %slice3A_1555 = vector.extract_strided_slice %select_n3A_1531 {offsets = [0, 0], sizes = [16, 2], strides = [1, 1]} : vector<16x128xf32> to vector<16x2xf32>
    %concatenate3A_1556 = tpu.concatenate %slice3A_1554, %slice3A_1555 in 1 : vector<16x126xf32>, vector<16x2xf32> -> vector<16x128xf32>
    %slice3A_1557 = vector.extract_strided_slice %select_n3A_1531 {offsets = [0, 126], sizes = [16, 2], strides = [1, 1]} : vector<16x128xf32> to vector<16x2xf32>
    %slice3A_1558 = vector.extract_strided_slice %select_n3A_1531 {offsets = [0, 0], sizes = [16, 126], strides = [1, 1]} : vector<16x128xf32> to vector<16x126xf32>
    %concatenate3A_1559 = tpu.concatenate %slice3A_1557, %slice3A_1558 in 1 : vector<16x2xf32>, vector<16x126xf32> -> vector<16x128xf32>
    %slice3A_1560 = vector.extract_strided_slice %select_n3A_1532 {offsets = [0, 2], sizes = [16, 126], strides = [1, 1]} : vector<16x128xi32> to vector<16x126xi32>
    %slice3A_1561 = vector.extract_strided_slice %select_n3A_1532 {offsets = [0, 0], sizes = [16, 2], strides = [1, 1]} : vector<16x128xi32> to vector<16x2xi32>
    %concatenate3A_1562 = tpu.concatenate %slice3A_1560, %slice3A_1561 in 1 : vector<16x126xi32>, vector<16x2xi32> -> vector<16x128xi32>
    %slice3A_1563 = vector.extract_strided_slice %select_n3A_1532 {offsets = [0, 126], sizes = [16, 2], strides = [1, 1]} : vector<16x128xi32> to vector<16x2xi32>
    %slice3A_1564 = vector.extract_strided_slice %select_n3A_1532 {offsets = [0, 0], sizes = [16, 126], strides = [1, 1]} : vector<16x128xi32> to vector<16x126xi32>
    %concatenate3A_1565 = tpu.concatenate %slice3A_1563, %slice3A_1564 in 1 : vector<16x2xi32>, vector<16x126xi32> -> vector<16x128xi32>
    %select_n3A_1566 = arith.select %ne3A_1538, %concatenate3A_1559, %concatenate3A_1556 : vector<16x128xi1>, vector<16x128xf32>
    %select_n3A_1567 = arith.select %ne3A_1538, %concatenate3A_1565, %concatenate3A_1562 : vector<16x128xi1>, vector<16x128xi32>
    %lt3A_1568 = arith.cmpf olt, %select_n3A_1531, %select_n3A_1566 : vector<16x128xf32>
    %eq3A_1569 = arith.cmpf oeq, %select_n3A_1531, %select_n3A_1566 : vector<16x128xf32>
    %gt3A_1570 = arith.cmpi sgt, %select_n3A_1532, %select_n3A_1567 : vector<16x128xi32>
    %and3A_1571 = arith.andi %eq3A_1569, %gt3A_1570 : vector<16x128xi1>
    %or3A_1572 = arith.ori %lt3A_1568, %and3A_1571 : vector<16x128xi1>
    %eq3A_1573 = arith.xori %or3A_1572, %eq3A_1553 : vector<16x128xi1>
    %eq3A_1574 = arith.constant dense<true> : vector<16x128xi1>
    %eq3A_1575 = arith.xori %eq3A_1573, %eq3A_1574 : vector<16x128xi1>
    %select_n3A_1576 = arith.select %eq3A_1575, %select_n3A_1566, %select_n3A_1531 : vector<16x128xi1>, vector<16x128xf32>
    %select_n3A_1577 = arith.select %eq3A_1575, %select_n3A_1567, %select_n3A_1532 : vector<16x128xi1>, vector<16x128xi32>
    %and3A_1578 = arith.constant 1 : i32
    %and3A_1579 = vector.broadcast %and3A_1578 : i32 to vector<16x128xi32>
    %and3A_1580 = arith.andi %add3A, %and3A_1579 : vector<16x128xi32>
    %ne3A_1581 = arith.constant 0 : i32
    %ne3A_1582 = vector.broadcast %ne3A_1581 : i32 to vector<16x128xi32>
    %ne3A_1583 = arith.cmpi ne, %and3A_1580, %ne3A_1582 : vector<16x128xi32>
    %and3A_1584 = arith.constant 256 : i32
    %and3A_1585 = vector.broadcast %and3A_1584 : i32 to vector<16x128xi32>
    %and3A_1586 = arith.andi %add3A, %and3A_1585 : vector<16x128xi32>
    %eq3A_1587 = arith.constant 0 : i32
    %eq3A_1588 = vector.broadcast %eq3A_1587 : i32 to vector<16x128xi32>
    %eq3A_1589 = arith.cmpi eq, %and3A_1586, %eq3A_1588 : vector<16x128xi32>
    %and3A_1590 = arith.constant 1 : i32
    %and3A_1591 = vector.broadcast %and3A_1590 : i32 to vector<16x128xi32>
    %and3A_1592 = arith.andi %add3A, %and3A_1591 : vector<16x128xi32>
    %eq3A_1593 = arith.constant 0 : i32
    %eq3A_1594 = vector.broadcast %eq3A_1593 : i32 to vector<16x128xi32>
    %eq3A_1595 = arith.cmpi eq, %and3A_1592, %eq3A_1594 : vector<16x128xi32>
    %eq3A_1596 = arith.xori %eq3A_1589, %eq3A_1595 : vector<16x128xi1>
    %eq3A_1597 = arith.constant dense<true> : vector<16x128xi1>
    %eq3A_1598 = arith.xori %eq3A_1596, %eq3A_1597 : vector<16x128xi1>
    %slice3A_1599 = vector.extract_strided_slice %select_n3A_1576 {offsets = [0, 1], sizes = [16, 127], strides = [1, 1]} : vector<16x128xf32> to vector<16x127xf32>
    %slice3A_1600 = vector.extract_strided_slice %select_n3A_1576 {offsets = [0, 0], sizes = [16, 1], strides = [1, 1]} : vector<16x128xf32> to vector<16x1xf32>
    %concatenate3A_1601 = tpu.concatenate %slice3A_1599, %slice3A_1600 in 1 : vector<16x127xf32>, vector<16x1xf32> -> vector<16x128xf32>
    %slice3A_1602 = vector.extract_strided_slice %select_n3A_1576 {offsets = [0, 127], sizes = [16, 1], strides = [1, 1]} : vector<16x128xf32> to vector<16x1xf32>
    %slice3A_1603 = vector.extract_strided_slice %select_n3A_1576 {offsets = [0, 0], sizes = [16, 127], strides = [1, 1]} : vector<16x128xf32> to vector<16x127xf32>
    %concatenate3A_1604 = tpu.concatenate %slice3A_1602, %slice3A_1603 in 1 : vector<16x1xf32>, vector<16x127xf32> -> vector<16x128xf32>
    %slice3A_1605 = vector.extract_strided_slice %select_n3A_1577 {offsets = [0, 1], sizes = [16, 127], strides = [1, 1]} : vector<16x128xi32> to vector<16x127xi32>
    %slice3A_1606 = vector.extract_strided_slice %select_n3A_1577 {offsets = [0, 0], sizes = [16, 1], strides = [1, 1]} : vector<16x128xi32> to vector<16x1xi32>
    %concatenate3A_1607 = tpu.concatenate %slice3A_1605, %slice3A_1606 in 1 : vector<16x127xi32>, vector<16x1xi32> -> vector<16x128xi32>
    %slice3A_1608 = vector.extract_strided_slice %select_n3A_1577 {offsets = [0, 127], sizes = [16, 1], strides = [1, 1]} : vector<16x128xi32> to vector<16x1xi32>
    %slice3A_1609 = vector.extract_strided_slice %select_n3A_1577 {offsets = [0, 0], sizes = [16, 127], strides = [1, 1]} : vector<16x128xi32> to vector<16x127xi32>
    %concatenate3A_1610 = tpu.concatenate %slice3A_1608, %slice3A_1609 in 1 : vector<16x1xi32>, vector<16x127xi32> -> vector<16x128xi32>
    %select_n3A_1611 = arith.select %ne3A_1583, %concatenate3A_1604, %concatenate3A_1601 : vector<16x128xi1>, vector<16x128xf32>
    %select_n3A_1612 = arith.select %ne3A_1583, %concatenate3A_1610, %concatenate3A_1607 : vector<16x128xi1>, vector<16x128xi32>
    %lt3A_1613 = arith.cmpf olt, %select_n3A_1576, %select_n3A_1611 : vector<16x128xf32>
    %eq3A_1614 = arith.cmpf oeq, %select_n3A_1576, %select_n3A_1611 : vector<16x128xf32>
    %gt3A_1615 = arith.cmpi sgt, %select_n3A_1577, %select_n3A_1612 : vector<16x128xi32>
    %and3A_1616 = arith.andi %eq3A_1614, %gt3A_1615 : vector<16x128xi1>
    %or3A_1617 = arith.ori %lt3A_1613, %and3A_1616 : vector<16x128xi1>
    %eq3A_1618 = arith.xori %or3A_1617, %eq3A_1598 : vector<16x128xi1>
    %eq3A_1619 = arith.constant dense<true> : vector<16x128xi1>
    %eq3A_1620 = arith.xori %eq3A_1618, %eq3A_1619 : vector<16x128xi1>
    %select_n3A_1621 = arith.select %eq3A_1620, %select_n3A_1611, %select_n3A_1576 : vector<16x128xi1>, vector<16x128xf32>
    %select_n3A_1622 = arith.select %eq3A_1620, %select_n3A_1612, %select_n3A_1577 : vector<16x128xi1>, vector<16x128xi32>
    %and3A_1623 = arith.constant 256 : i32
    %and3A_1624 = vector.broadcast %and3A_1623 : i32 to vector<16x128xi32>
    %and3A_1625 = arith.andi %add3A, %and3A_1624 : vector<16x128xi32>
    %ne3A_1626 = arith.constant 0 : i32
    %ne3A_1627 = vector.broadcast %ne3A_1626 : i32 to vector<16x128xi32>
    %ne3A_1628 = arith.cmpi ne, %and3A_1625, %ne3A_1627 : vector<16x128xi32>
    %and3A_1629 = arith.constant 512 : i32
    %and3A_1630 = vector.broadcast %and3A_1629 : i32 to vector<16x128xi32>
    %and3A_1631 = arith.andi %add3A, %and3A_1630 : vector<16x128xi32>
    %eq3A_1632 = arith.constant 0 : i32
    %eq3A_1633 = vector.broadcast %eq3A_1632 : i32 to vector<16x128xi32>
    %eq3A_1634 = arith.cmpi eq, %and3A_1631, %eq3A_1633 : vector<16x128xi32>
    %and3A_1635 = arith.constant 256 : i32
    %and3A_1636 = vector.broadcast %and3A_1635 : i32 to vector<16x128xi32>
    %and3A_1637 = arith.andi %add3A, %and3A_1636 : vector<16x128xi32>
    %eq3A_1638 = arith.constant 0 : i32
    %eq3A_1639 = vector.broadcast %eq3A_1638 : i32 to vector<16x128xi32>
    %eq3A_1640 = arith.cmpi eq, %and3A_1637, %eq3A_1639 : vector<16x128xi32>
    %eq3A_1641 = arith.xori %eq3A_1634, %eq3A_1640 : vector<16x128xi1>
    %eq3A_1642 = arith.constant dense<true> : vector<16x128xi1>
    %eq3A_1643 = arith.xori %eq3A_1641, %eq3A_1642 : vector<16x128xi1>
    %slice3A_1644 = vector.extract_strided_slice %select_n3A_1621 {offsets = [2, 0], sizes = [14, 128], strides = [1, 1]} : vector<16x128xf32> to vector<14x128xf32>
    %slice3A_1645 = vector.extract_strided_slice %select_n3A_1621 {offsets = [0, 0], sizes = [2, 128], strides = [1, 1]} : vector<16x128xf32> to vector<2x128xf32>
    %concatenate3A_1646 = tpu.concatenate %slice3A_1644, %slice3A_1645 in 0 : vector<14x128xf32>, vector<2x128xf32> -> vector<16x128xf32>
    %slice3A_1647 = vector.extract_strided_slice %select_n3A_1621 {offsets = [14, 0], sizes = [2, 128], strides = [1, 1]} : vector<16x128xf32> to vector<2x128xf32>
    %slice3A_1648 = vector.extract_strided_slice %select_n3A_1621 {offsets = [0, 0], sizes = [14, 128], strides = [1, 1]} : vector<16x128xf32> to vector<14x128xf32>
    %concatenate3A_1649 = tpu.concatenate %slice3A_1647, %slice3A_1648 in 0 : vector<2x128xf32>, vector<14x128xf32> -> vector<16x128xf32>
    %slice3A_1650 = vector.extract_strided_slice %select_n3A_1622 {offsets = [2, 0], sizes = [14, 128], strides = [1, 1]} : vector<16x128xi32> to vector<14x128xi32>
    %slice3A_1651 = vector.extract_strided_slice %select_n3A_1622 {offsets = [0, 0], sizes = [2, 128], strides = [1, 1]} : vector<16x128xi32> to vector<2x128xi32>
    %concatenate3A_1652 = tpu.concatenate %slice3A_1650, %slice3A_1651 in 0 : vector<14x128xi32>, vector<2x128xi32> -> vector<16x128xi32>
    %slice3A_1653 = vector.extract_strided_slice %select_n3A_1622 {offsets = [14, 0], sizes = [2, 128], strides = [1, 1]} : vector<16x128xi32> to vector<2x128xi32>
    %slice3A_1654 = vector.extract_strided_slice %select_n3A_1622 {offsets = [0, 0], sizes = [14, 128], strides = [1, 1]} : vector<16x128xi32> to vector<14x128xi32>
    %concatenate3A_1655 = tpu.concatenate %slice3A_1653, %slice3A_1654 in 0 : vector<2x128xi32>, vector<14x128xi32> -> vector<16x128xi32>
    %select_n3A_1656 = arith.select %ne3A_1628, %concatenate3A_1649, %concatenate3A_1646 : vector<16x128xi1>, vector<16x128xf32>
    %select_n3A_1657 = arith.select %ne3A_1628, %concatenate3A_1655, %concatenate3A_1652 : vector<16x128xi1>, vector<16x128xi32>
    %lt3A_1658 = arith.cmpf olt, %select_n3A_1621, %select_n3A_1656 : vector<16x128xf32>
    %eq3A_1659 = arith.cmpf oeq, %select_n3A_1621, %select_n3A_1656 : vector<16x128xf32>
    %gt3A_1660 = arith.cmpi sgt, %select_n3A_1622, %select_n3A_1657 : vector<16x128xi32>
    %and3A_1661 = arith.andi %eq3A_1659, %gt3A_1660 : vector<16x128xi1>
    %or3A_1662 = arith.ori %lt3A_1658, %and3A_1661 : vector<16x128xi1>
    %eq3A_1663 = arith.xori %or3A_1662, %eq3A_1643 : vector<16x128xi1>
    %eq3A_1664 = arith.constant dense<true> : vector<16x128xi1>
    %eq3A_1665 = arith.xori %eq3A_1663, %eq3A_1664 : vector<16x128xi1>
    %select_n3A_1666 = arith.select %eq3A_1665, %select_n3A_1656, %select_n3A_1621 : vector<16x128xi1>, vector<16x128xf32>
    %select_n3A_1667 = arith.select %eq3A_1665, %select_n3A_1657, %select_n3A_1622 : vector<16x128xi1>, vector<16x128xi32>
    %and3A_1668 = arith.constant 128 : i32
    %and3A_1669 = vector.broadcast %and3A_1668 : i32 to vector<16x128xi32>
    %and3A_1670 = arith.andi %add3A, %and3A_1669 : vector<16x128xi32>
    %ne3A_1671 = arith.constant 0 : i32
    %ne3A_1672 = vector.broadcast %ne3A_1671 : i32 to vector<16x128xi32>
    %ne3A_1673 = arith.cmpi ne, %and3A_1670, %ne3A_1672 : vector<16x128xi32>
    %and3A_1674 = arith.constant 512 : i32
    %and3A_1675 = vector.broadcast %and3A_1674 : i32 to vector<16x128xi32>
    %and3A_1676 = arith.andi %add3A, %and3A_1675 : vector<16x128xi32>
    %eq3A_1677 = arith.constant 0 : i32
    %eq3A_1678 = vector.broadcast %eq3A_1677 : i32 to vector<16x128xi32>
    %eq3A_1679 = arith.cmpi eq, %and3A_1676, %eq3A_1678 : vector<16x128xi32>
    %and3A_1680 = arith.constant 128 : i32
    %and3A_1681 = vector.broadcast %and3A_1680 : i32 to vector<16x128xi32>
    %and3A_1682 = arith.andi %add3A, %and3A_1681 : vector<16x128xi32>
    %eq3A_1683 = arith.constant 0 : i32
    %eq3A_1684 = vector.broadcast %eq3A_1683 : i32 to vector<16x128xi32>
    %eq3A_1685 = arith.cmpi eq, %and3A_1682, %eq3A_1684 : vector<16x128xi32>
    %eq3A_1686 = arith.xori %eq3A_1679, %eq3A_1685 : vector<16x128xi1>
    %eq3A_1687 = arith.constant dense<true> : vector<16x128xi1>
    %eq3A_1688 = arith.xori %eq3A_1686, %eq3A_1687 : vector<16x128xi1>
    %slice3A_1689 = vector.extract_strided_slice %select_n3A_1666 {offsets = [1, 0], sizes = [15, 128], strides = [1, 1]} : vector<16x128xf32> to vector<15x128xf32>
    %slice3A_1690 = vector.extract_strided_slice %select_n3A_1666 {offsets = [0, 0], sizes = [1, 128], strides = [1, 1]} : vector<16x128xf32> to vector<1x128xf32>
    %concatenate3A_1691 = tpu.concatenate %slice3A_1689, %slice3A_1690 in 0 : vector<15x128xf32>, vector<1x128xf32> -> vector<16x128xf32>
    %slice3A_1692 = vector.extract_strided_slice %select_n3A_1666 {offsets = [15, 0], sizes = [1, 128], strides = [1, 1]} : vector<16x128xf32> to vector<1x128xf32>
    %slice3A_1693 = vector.extract_strided_slice %select_n3A_1666 {offsets = [0, 0], sizes = [15, 128], strides = [1, 1]} : vector<16x128xf32> to vector<15x128xf32>
    %concatenate3A_1694 = tpu.concatenate %slice3A_1692, %slice3A_1693 in 0 : vector<1x128xf32>, vector<15x128xf32> -> vector<16x128xf32>
    %slice3A_1695 = vector.extract_strided_slice %select_n3A_1667 {offsets = [1, 0], sizes = [15, 128], strides = [1, 1]} : vector<16x128xi32> to vector<15x128xi32>
    %slice3A_1696 = vector.extract_strided_slice %select_n3A_1667 {offsets = [0, 0], sizes = [1, 128], strides = [1, 1]} : vector<16x128xi32> to vector<1x128xi32>
    %concatenate3A_1697 = tpu.concatenate %slice3A_1695, %slice3A_1696 in 0 : vector<15x128xi32>, vector<1x128xi32> -> vector<16x128xi32>
    %slice3A_1698 = vector.extract_strided_slice %select_n3A_1667 {offsets = [15, 0], sizes = [1, 128], strides = [1, 1]} : vector<16x128xi32> to vector<1x128xi32>
    %slice3A_1699 = vector.extract_strided_slice %select_n3A_1667 {offsets = [0, 0], sizes = [15, 128], strides = [1, 1]} : vector<16x128xi32> to vector<15x128xi32>
    %concatenate3A_1700 = tpu.concatenate %slice3A_1698, %slice3A_1699 in 0 : vector<1x128xi32>, vector<15x128xi32> -> vector<16x128xi32>
    %select_n3A_1701 = arith.select %ne3A_1673, %concatenate3A_1694, %concatenate3A_1691 : vector<16x128xi1>, vector<16x128xf32>
    %select_n3A_1702 = arith.select %ne3A_1673, %concatenate3A_1700, %concatenate3A_1697 : vector<16x128xi1>, vector<16x128xi32>
    %lt3A_1703 = arith.cmpf olt, %select_n3A_1666, %select_n3A_1701 : vector<16x128xf32>
    %eq3A_1704 = arith.cmpf oeq, %select_n3A_1666, %select_n3A_1701 : vector<16x128xf32>
    %gt3A_1705 = arith.cmpi sgt, %select_n3A_1667, %select_n3A_1702 : vector<16x128xi32>
    %and3A_1706 = arith.andi %eq3A_1704, %gt3A_1705 : vector<16x128xi1>
    %or3A_1707 = arith.ori %lt3A_1703, %and3A_1706 : vector<16x128xi1>
    %eq3A_1708 = arith.xori %or3A_1707, %eq3A_1688 : vector<16x128xi1>
    %eq3A_1709 = arith.constant dense<true> : vector<16x128xi1>
    %eq3A_1710 = arith.xori %eq3A_1708, %eq3A_1709 : vector<16x128xi1>
    %select_n3A_1711 = arith.select %eq3A_1710, %select_n3A_1701, %select_n3A_1666 : vector<16x128xi1>, vector<16x128xf32>
    %select_n3A_1712 = arith.select %eq3A_1710, %select_n3A_1702, %select_n3A_1667 : vector<16x128xi1>, vector<16x128xi32>
    %and3A_1713 = arith.constant 64 : i32
    %and3A_1714 = vector.broadcast %and3A_1713 : i32 to vector<16x128xi32>
    %and3A_1715 = arith.andi %add3A, %and3A_1714 : vector<16x128xi32>
    %ne3A_1716 = arith.constant 0 : i32
    %ne3A_1717 = vector.broadcast %ne3A_1716 : i32 to vector<16x128xi32>
    %ne3A_1718 = arith.cmpi ne, %and3A_1715, %ne3A_1717 : vector<16x128xi32>
    %and3A_1719 = arith.constant 512 : i32
    %and3A_1720 = vector.broadcast %and3A_1719 : i32 to vector<16x128xi32>
    %and3A_1721 = arith.andi %add3A, %and3A_1720 : vector<16x128xi32>
    %eq3A_1722 = arith.constant 0 : i32
    %eq3A_1723 = vector.broadcast %eq3A_1722 : i32 to vector<16x128xi32>
    %eq3A_1724 = arith.cmpi eq, %and3A_1721, %eq3A_1723 : vector<16x128xi32>
    %and3A_1725 = arith.constant 64 : i32
    %and3A_1726 = vector.broadcast %and3A_1725 : i32 to vector<16x128xi32>
    %and3A_1727 = arith.andi %add3A, %and3A_1726 : vector<16x128xi32>
    %eq3A_1728 = arith.constant 0 : i32
    %eq3A_1729 = vector.broadcast %eq3A_1728 : i32 to vector<16x128xi32>
    %eq3A_1730 = arith.cmpi eq, %and3A_1727, %eq3A_1729 : vector<16x128xi32>
    %eq3A_1731 = arith.xori %eq3A_1724, %eq3A_1730 : vector<16x128xi1>
    %eq3A_1732 = arith.constant dense<true> : vector<16x128xi1>
    %eq3A_1733 = arith.xori %eq3A_1731, %eq3A_1732 : vector<16x128xi1>
    %slice3A_1734 = vector.extract_strided_slice %select_n3A_1711 {offsets = [0, 64], sizes = [16, 64], strides = [1, 1]} : vector<16x128xf32> to vector<16x64xf32>
    %slice3A_1735 = vector.extract_strided_slice %select_n3A_1711 {offsets = [0, 0], sizes = [16, 64], strides = [1, 1]} : vector<16x128xf32> to vector<16x64xf32>
    %concatenate3A_1736 = tpu.concatenate %slice3A_1734, %slice3A_1735 in 1 : vector<16x64xf32>, vector<16x64xf32> -> vector<16x128xf32>
    %slice3A_1737 = vector.extract_strided_slice %select_n3A_1711 {offsets = [0, 64], sizes = [16, 64], strides = [1, 1]} : vector<16x128xf32> to vector<16x64xf32>
    %slice3A_1738 = vector.extract_strided_slice %select_n3A_1711 {offsets = [0, 0], sizes = [16, 64], strides = [1, 1]} : vector<16x128xf32> to vector<16x64xf32>
    %concatenate3A_1739 = tpu.concatenate %slice3A_1737, %slice3A_1738 in 1 : vector<16x64xf32>, vector<16x64xf32> -> vector<16x128xf32>
    %slice3A_1740 = vector.extract_strided_slice %select_n3A_1712 {offsets = [0, 64], sizes = [16, 64], strides = [1, 1]} : vector<16x128xi32> to vector<16x64xi32>
    %slice3A_1741 = vector.extract_strided_slice %select_n3A_1712 {offsets = [0, 0], sizes = [16, 64], strides = [1, 1]} : vector<16x128xi32> to vector<16x64xi32>
    %concatenate3A_1742 = tpu.concatenate %slice3A_1740, %slice3A_1741 in 1 : vector<16x64xi32>, vector<16x64xi32> -> vector<16x128xi32>
    %slice3A_1743 = vector.extract_strided_slice %select_n3A_1712 {offsets = [0, 64], sizes = [16, 64], strides = [1, 1]} : vector<16x128xi32> to vector<16x64xi32>
    %slice3A_1744 = vector.extract_strided_slice %select_n3A_1712 {offsets = [0, 0], sizes = [16, 64], strides = [1, 1]} : vector<16x128xi32> to vector<16x64xi32>
    %concatenate3A_1745 = tpu.concatenate %slice3A_1743, %slice3A_1744 in 1 : vector<16x64xi32>, vector<16x64xi32> -> vector<16x128xi32>
    %select_n3A_1746 = arith.select %ne3A_1718, %concatenate3A_1739, %concatenate3A_1736 : vector<16x128xi1>, vector<16x128xf32>
    %select_n3A_1747 = arith.select %ne3A_1718, %concatenate3A_1745, %concatenate3A_1742 : vector<16x128xi1>, vector<16x128xi32>
    %lt3A_1748 = arith.cmpf olt, %select_n3A_1711, %select_n3A_1746 : vector<16x128xf32>
    %eq3A_1749 = arith.cmpf oeq, %select_n3A_1711, %select_n3A_1746 : vector<16x128xf32>
    %gt3A_1750 = arith.cmpi sgt, %select_n3A_1712, %select_n3A_1747 : vector<16x128xi32>
    %and3A_1751 = arith.andi %eq3A_1749, %gt3A_1750 : vector<16x128xi1>
    %or3A_1752 = arith.ori %lt3A_1748, %and3A_1751 : vector<16x128xi1>
    %eq3A_1753 = arith.xori %or3A_1752, %eq3A_1733 : vector<16x128xi1>
    %eq3A_1754 = arith.constant dense<true> : vector<16x128xi1>
    %eq3A_1755 = arith.xori %eq3A_1753, %eq3A_1754 : vector<16x128xi1>
    %select_n3A_1756 = arith.select %eq3A_1755, %select_n3A_1746, %select_n3A_1711 : vector<16x128xi1>, vector<16x128xf32>
    %select_n3A_1757 = arith.select %eq3A_1755, %select_n3A_1747, %select_n3A_1712 : vector<16x128xi1>, vector<16x128xi32>
    %and3A_1758 = arith.constant 32 : i32
    %and3A_1759 = vector.broadcast %and3A_1758 : i32 to vector<16x128xi32>
    %and3A_1760 = arith.andi %add3A, %and3A_1759 : vector<16x128xi32>
    %ne3A_1761 = arith.constant 0 : i32
    %ne3A_1762 = vector.broadcast %ne3A_1761 : i32 to vector<16x128xi32>
    %ne3A_1763 = arith.cmpi ne, %and3A_1760, %ne3A_1762 : vector<16x128xi32>
    %and3A_1764 = arith.constant 512 : i32
    %and3A_1765 = vector.broadcast %and3A_1764 : i32 to vector<16x128xi32>
    %and3A_1766 = arith.andi %add3A, %and3A_1765 : vector<16x128xi32>
    %eq3A_1767 = arith.constant 0 : i32
    %eq3A_1768 = vector.broadcast %eq3A_1767 : i32 to vector<16x128xi32>
    %eq3A_1769 = arith.cmpi eq, %and3A_1766, %eq3A_1768 : vector<16x128xi32>
    %and3A_1770 = arith.constant 32 : i32
    %and3A_1771 = vector.broadcast %and3A_1770 : i32 to vector<16x128xi32>
    %and3A_1772 = arith.andi %add3A, %and3A_1771 : vector<16x128xi32>
    %eq3A_1773 = arith.constant 0 : i32
    %eq3A_1774 = vector.broadcast %eq3A_1773 : i32 to vector<16x128xi32>
    %eq3A_1775 = arith.cmpi eq, %and3A_1772, %eq3A_1774 : vector<16x128xi32>
    %eq3A_1776 = arith.xori %eq3A_1769, %eq3A_1775 : vector<16x128xi1>
    %eq3A_1777 = arith.constant dense<true> : vector<16x128xi1>
    %eq3A_1778 = arith.xori %eq3A_1776, %eq3A_1777 : vector<16x128xi1>
    %slice3A_1779 = vector.extract_strided_slice %select_n3A_1756 {offsets = [0, 32], sizes = [16, 96], strides = [1, 1]} : vector<16x128xf32> to vector<16x96xf32>
    %slice3A_1780 = vector.extract_strided_slice %select_n3A_1756 {offsets = [0, 0], sizes = [16, 32], strides = [1, 1]} : vector<16x128xf32> to vector<16x32xf32>
    %concatenate3A_1781 = tpu.concatenate %slice3A_1779, %slice3A_1780 in 1 : vector<16x96xf32>, vector<16x32xf32> -> vector<16x128xf32>
    %slice3A_1782 = vector.extract_strided_slice %select_n3A_1756 {offsets = [0, 96], sizes = [16, 32], strides = [1, 1]} : vector<16x128xf32> to vector<16x32xf32>
    %slice3A_1783 = vector.extract_strided_slice %select_n3A_1756 {offsets = [0, 0], sizes = [16, 96], strides = [1, 1]} : vector<16x128xf32> to vector<16x96xf32>
    %concatenate3A_1784 = tpu.concatenate %slice3A_1782, %slice3A_1783 in 1 : vector<16x32xf32>, vector<16x96xf32> -> vector<16x128xf32>
    %slice3A_1785 = vector.extract_strided_slice %select_n3A_1757 {offsets = [0, 32], sizes = [16, 96], strides = [1, 1]} : vector<16x128xi32> to vector<16x96xi32>
    %slice3A_1786 = vector.extract_strided_slice %select_n3A_1757 {offsets = [0, 0], sizes = [16, 32], strides = [1, 1]} : vector<16x128xi32> to vector<16x32xi32>
    %concatenate3A_1787 = tpu.concatenate %slice3A_1785, %slice3A_1786 in 1 : vector<16x96xi32>, vector<16x32xi32> -> vector<16x128xi32>
    %slice3A_1788 = vector.extract_strided_slice %select_n3A_1757 {offsets = [0, 96], sizes = [16, 32], strides = [1, 1]} : vector<16x128xi32> to vector<16x32xi32>
    %slice3A_1789 = vector.extract_strided_slice %select_n3A_1757 {offsets = [0, 0], sizes = [16, 96], strides = [1, 1]} : vector<16x128xi32> to vector<16x96xi32>
    %concatenate3A_1790 = tpu.concatenate %slice3A_1788, %slice3A_1789 in 1 : vector<16x32xi32>, vector<16x96xi32> -> vector<16x128xi32>
    %select_n3A_1791 = arith.select %ne3A_1763, %concatenate3A_1784, %concatenate3A_1781 : vector<16x128xi1>, vector<16x128xf32>
    %select_n3A_1792 = arith.select %ne3A_1763, %concatenate3A_1790, %concatenate3A_1787 : vector<16x128xi1>, vector<16x128xi32>
    %lt3A_1793 = arith.cmpf olt, %select_n3A_1756, %select_n3A_1791 : vector<16x128xf32>
    %eq3A_1794 = arith.cmpf oeq, %select_n3A_1756, %select_n3A_1791 : vector<16x128xf32>
    %gt3A_1795 = arith.cmpi sgt, %select_n3A_1757, %select_n3A_1792 : vector<16x128xi32>
    %and3A_1796 = arith.andi %eq3A_1794, %gt3A_1795 : vector<16x128xi1>
    %or3A_1797 = arith.ori %lt3A_1793, %and3A_1796 : vector<16x128xi1>
    %eq3A_1798 = arith.xori %or3A_1797, %eq3A_1778 : vector<16x128xi1>
    %eq3A_1799 = arith.constant dense<true> : vector<16x128xi1>
    %eq3A_1800 = arith.xori %eq3A_1798, %eq3A_1799 : vector<16x128xi1>
    %select_n3A_1801 = arith.select %eq3A_1800, %select_n3A_1791, %select_n3A_1756 : vector<16x128xi1>, vector<16x128xf32>
    %select_n3A_1802 = arith.select %eq3A_1800, %select_n3A_1792, %select_n3A_1757 : vector<16x128xi1>, vector<16x128xi32>
    %and3A_1803 = arith.constant 16 : i32
    %and3A_1804 = vector.broadcast %and3A_1803 : i32 to vector<16x128xi32>
    %and3A_1805 = arith.andi %add3A, %and3A_1804 : vector<16x128xi32>
    %ne3A_1806 = arith.constant 0 : i32
    %ne3A_1807 = vector.broadcast %ne3A_1806 : i32 to vector<16x128xi32>
    %ne3A_1808 = arith.cmpi ne, %and3A_1805, %ne3A_1807 : vector<16x128xi32>
    %and3A_1809 = arith.constant 512 : i32
    %and3A_1810 = vector.broadcast %and3A_1809 : i32 to vector<16x128xi32>
    %and3A_1811 = arith.andi %add3A, %and3A_1810 : vector<16x128xi32>
    %eq3A_1812 = arith.constant 0 : i32
    %eq3A_1813 = vector.broadcast %eq3A_1812 : i32 to vector<16x128xi32>
    %eq3A_1814 = arith.cmpi eq, %and3A_1811, %eq3A_1813 : vector<16x128xi32>
    %and3A_1815 = arith.constant 16 : i32
    %and3A_1816 = vector.broadcast %and3A_1815 : i32 to vector<16x128xi32>
    %and3A_1817 = arith.andi %add3A, %and3A_1816 : vector<16x128xi32>
    %eq3A_1818 = arith.constant 0 : i32
    %eq3A_1819 = vector.broadcast %eq3A_1818 : i32 to vector<16x128xi32>
    %eq3A_1820 = arith.cmpi eq, %and3A_1817, %eq3A_1819 : vector<16x128xi32>
    %eq3A_1821 = arith.xori %eq3A_1814, %eq3A_1820 : vector<16x128xi1>
    %eq3A_1822 = arith.constant dense<true> : vector<16x128xi1>
    %eq3A_1823 = arith.xori %eq3A_1821, %eq3A_1822 : vector<16x128xi1>
    %slice3A_1824 = vector.extract_strided_slice %select_n3A_1801 {offsets = [0, 16], sizes = [16, 112], strides = [1, 1]} : vector<16x128xf32> to vector<16x112xf32>
    %slice3A_1825 = vector.extract_strided_slice %select_n3A_1801 {offsets = [0, 0], sizes = [16, 16], strides = [1, 1]} : vector<16x128xf32> to vector<16x16xf32>
    %concatenate3A_1826 = tpu.concatenate %slice3A_1824, %slice3A_1825 in 1 : vector<16x112xf32>, vector<16x16xf32> -> vector<16x128xf32>
    %slice3A_1827 = vector.extract_strided_slice %select_n3A_1801 {offsets = [0, 112], sizes = [16, 16], strides = [1, 1]} : vector<16x128xf32> to vector<16x16xf32>
    %slice3A_1828 = vector.extract_strided_slice %select_n3A_1801 {offsets = [0, 0], sizes = [16, 112], strides = [1, 1]} : vector<16x128xf32> to vector<16x112xf32>
    %concatenate3A_1829 = tpu.concatenate %slice3A_1827, %slice3A_1828 in 1 : vector<16x16xf32>, vector<16x112xf32> -> vector<16x128xf32>
    %slice3A_1830 = vector.extract_strided_slice %select_n3A_1802 {offsets = [0, 16], sizes = [16, 112], strides = [1, 1]} : vector<16x128xi32> to vector<16x112xi32>
    %slice3A_1831 = vector.extract_strided_slice %select_n3A_1802 {offsets = [0, 0], sizes = [16, 16], strides = [1, 1]} : vector<16x128xi32> to vector<16x16xi32>
    %concatenate3A_1832 = tpu.concatenate %slice3A_1830, %slice3A_1831 in 1 : vector<16x112xi32>, vector<16x16xi32> -> vector<16x128xi32>
    %slice3A_1833 = vector.extract_strided_slice %select_n3A_1802 {offsets = [0, 112], sizes = [16, 16], strides = [1, 1]} : vector<16x128xi32> to vector<16x16xi32>
    %slice3A_1834 = vector.extract_strided_slice %select_n3A_1802 {offsets = [0, 0], sizes = [16, 112], strides = [1, 1]} : vector<16x128xi32> to vector<16x112xi32>
    %concatenate3A_1835 = tpu.concatenate %slice3A_1833, %slice3A_1834 in 1 : vector<16x16xi32>, vector<16x112xi32> -> vector<16x128xi32>
    %select_n3A_1836 = arith.select %ne3A_1808, %concatenate3A_1829, %concatenate3A_1826 : vector<16x128xi1>, vector<16x128xf32>
    %select_n3A_1837 = arith.select %ne3A_1808, %concatenate3A_1835, %concatenate3A_1832 : vector<16x128xi1>, vector<16x128xi32>
    %lt3A_1838 = arith.cmpf olt, %select_n3A_1801, %select_n3A_1836 : vector<16x128xf32>
    %eq3A_1839 = arith.cmpf oeq, %select_n3A_1801, %select_n3A_1836 : vector<16x128xf32>
    %gt3A_1840 = arith.cmpi sgt, %select_n3A_1802, %select_n3A_1837 : vector<16x128xi32>
    %and3A_1841 = arith.andi %eq3A_1839, %gt3A_1840 : vector<16x128xi1>
    %or3A_1842 = arith.ori %lt3A_1838, %and3A_1841 : vector<16x128xi1>
    %eq3A_1843 = arith.xori %or3A_1842, %eq3A_1823 : vector<16x128xi1>
    %eq3A_1844 = arith.constant dense<true> : vector<16x128xi1>
    %eq3A_1845 = arith.xori %eq3A_1843, %eq3A_1844 : vector<16x128xi1>
    %select_n3A_1846 = arith.select %eq3A_1845, %select_n3A_1836, %select_n3A_1801 : vector<16x128xi1>, vector<16x128xf32>
    %select_n3A_1847 = arith.select %eq3A_1845, %select_n3A_1837, %select_n3A_1802 : vector<16x128xi1>, vector<16x128xi32>
    %and3A_1848 = arith.constant 8 : i32
    %and3A_1849 = vector.broadcast %and3A_1848 : i32 to vector<16x128xi32>
    %and3A_1850 = arith.andi %add3A, %and3A_1849 : vector<16x128xi32>
    %ne3A_1851 = arith.constant 0 : i32
    %ne3A_1852 = vector.broadcast %ne3A_1851 : i32 to vector<16x128xi32>
    %ne3A_1853 = arith.cmpi ne, %and3A_1850, %ne3A_1852 : vector<16x128xi32>
    %and3A_1854 = arith.constant 512 : i32
    %and3A_1855 = vector.broadcast %and3A_1854 : i32 to vector<16x128xi32>
    %and3A_1856 = arith.andi %add3A, %and3A_1855 : vector<16x128xi32>
    %eq3A_1857 = arith.constant 0 : i32
    %eq3A_1858 = vector.broadcast %eq3A_1857 : i32 to vector<16x128xi32>
    %eq3A_1859 = arith.cmpi eq, %and3A_1856, %eq3A_1858 : vector<16x128xi32>
    %and3A_1860 = arith.constant 8 : i32
    %and3A_1861 = vector.broadcast %and3A_1860 : i32 to vector<16x128xi32>
    %and3A_1862 = arith.andi %add3A, %and3A_1861 : vector<16x128xi32>
    %eq3A_1863 = arith.constant 0 : i32
    %eq3A_1864 = vector.broadcast %eq3A_1863 : i32 to vector<16x128xi32>
    %eq3A_1865 = arith.cmpi eq, %and3A_1862, %eq3A_1864 : vector<16x128xi32>
    %eq3A_1866 = arith.xori %eq3A_1859, %eq3A_1865 : vector<16x128xi1>
    %eq3A_1867 = arith.constant dense<true> : vector<16x128xi1>
    %eq3A_1868 = arith.xori %eq3A_1866, %eq3A_1867 : vector<16x128xi1>
    %slice3A_1869 = vector.extract_strided_slice %select_n3A_1846 {offsets = [0, 8], sizes = [16, 120], strides = [1, 1]} : vector<16x128xf32> to vector<16x120xf32>
    %slice3A_1870 = vector.extract_strided_slice %select_n3A_1846 {offsets = [0, 0], sizes = [16, 8], strides = [1, 1]} : vector<16x128xf32> to vector<16x8xf32>
    %concatenate3A_1871 = tpu.concatenate %slice3A_1869, %slice3A_1870 in 1 : vector<16x120xf32>, vector<16x8xf32> -> vector<16x128xf32>
    %slice3A_1872 = vector.extract_strided_slice %select_n3A_1846 {offsets = [0, 120], sizes = [16, 8], strides = [1, 1]} : vector<16x128xf32> to vector<16x8xf32>
    %slice3A_1873 = vector.extract_strided_slice %select_n3A_1846 {offsets = [0, 0], sizes = [16, 120], strides = [1, 1]} : vector<16x128xf32> to vector<16x120xf32>
    %concatenate3A_1874 = tpu.concatenate %slice3A_1872, %slice3A_1873 in 1 : vector<16x8xf32>, vector<16x120xf32> -> vector<16x128xf32>
    %slice3A_1875 = vector.extract_strided_slice %select_n3A_1847 {offsets = [0, 8], sizes = [16, 120], strides = [1, 1]} : vector<16x128xi32> to vector<16x120xi32>
    %slice3A_1876 = vector.extract_strided_slice %select_n3A_1847 {offsets = [0, 0], sizes = [16, 8], strides = [1, 1]} : vector<16x128xi32> to vector<16x8xi32>
    %concatenate3A_1877 = tpu.concatenate %slice3A_1875, %slice3A_1876 in 1 : vector<16x120xi32>, vector<16x8xi32> -> vector<16x128xi32>
    %slice3A_1878 = vector.extract_strided_slice %select_n3A_1847 {offsets = [0, 120], sizes = [16, 8], strides = [1, 1]} : vector<16x128xi32> to vector<16x8xi32>
    %slice3A_1879 = vector.extract_strided_slice %select_n3A_1847 {offsets = [0, 0], sizes = [16, 120], strides = [1, 1]} : vector<16x128xi32> to vector<16x120xi32>
    %concatenate3A_1880 = tpu.concatenate %slice3A_1878, %slice3A_1879 in 1 : vector<16x8xi32>, vector<16x120xi32> -> vector<16x128xi32>
    %select_n3A_1881 = arith.select %ne3A_1853, %concatenate3A_1874, %concatenate3A_1871 : vector<16x128xi1>, vector<16x128xf32>
    %select_n3A_1882 = arith.select %ne3A_1853, %concatenate3A_1880, %concatenate3A_1877 : vector<16x128xi1>, vector<16x128xi32>
    %lt3A_1883 = arith.cmpf olt, %select_n3A_1846, %select_n3A_1881 : vector<16x128xf32>
    %eq3A_1884 = arith.cmpf oeq, %select_n3A_1846, %select_n3A_1881 : vector<16x128xf32>
    %gt3A_1885 = arith.cmpi sgt, %select_n3A_1847, %select_n3A_1882 : vector<16x128xi32>
    %and3A_1886 = arith.andi %eq3A_1884, %gt3A_1885 : vector<16x128xi1>
    %or3A_1887 = arith.ori %lt3A_1883, %and3A_1886 : vector<16x128xi1>
    %eq3A_1888 = arith.xori %or3A_1887, %eq3A_1868 : vector<16x128xi1>
    %eq3A_1889 = arith.constant dense<true> : vector<16x128xi1>
    %eq3A_1890 = arith.xori %eq3A_1888, %eq3A_1889 : vector<16x128xi1>
    %select_n3A_1891 = arith.select %eq3A_1890, %select_n3A_1881, %select_n3A_1846 : vector<16x128xi1>, vector<16x128xf32>
    %select_n3A_1892 = arith.select %eq3A_1890, %select_n3A_1882, %select_n3A_1847 : vector<16x128xi1>, vector<16x128xi32>
    %and3A_1893 = arith.constant 4 : i32
    %and3A_1894 = vector.broadcast %and3A_1893 : i32 to vector<16x128xi32>
    %and3A_1895 = arith.andi %add3A, %and3A_1894 : vector<16x128xi32>
    %ne3A_1896 = arith.constant 0 : i32
    %ne3A_1897 = vector.broadcast %ne3A_1896 : i32 to vector<16x128xi32>
    %ne3A_1898 = arith.cmpi ne, %and3A_1895, %ne3A_1897 : vector<16x128xi32>
    %and3A_1899 = arith.constant 512 : i32
    %and3A_1900 = vector.broadcast %and3A_1899 : i32 to vector<16x128xi32>
    %and3A_1901 = arith.andi %add3A, %and3A_1900 : vector<16x128xi32>
    %eq3A_1902 = arith.constant 0 : i32
    %eq3A_1903 = vector.broadcast %eq3A_1902 : i32 to vector<16x128xi32>
    %eq3A_1904 = arith.cmpi eq, %and3A_1901, %eq3A_1903 : vector<16x128xi32>
    %and3A_1905 = arith.constant 4 : i32
    %and3A_1906 = vector.broadcast %and3A_1905 : i32 to vector<16x128xi32>
    %and3A_1907 = arith.andi %add3A, %and3A_1906 : vector<16x128xi32>
    %eq3A_1908 = arith.constant 0 : i32
    %eq3A_1909 = vector.broadcast %eq3A_1908 : i32 to vector<16x128xi32>
    %eq3A_1910 = arith.cmpi eq, %and3A_1907, %eq3A_1909 : vector<16x128xi32>
    %eq3A_1911 = arith.xori %eq3A_1904, %eq3A_1910 : vector<16x128xi1>
    %eq3A_1912 = arith.constant dense<true> : vector<16x128xi1>
    %eq3A_1913 = arith.xori %eq3A_1911, %eq3A_1912 : vector<16x128xi1>
    %slice3A_1914 = vector.extract_strided_slice %select_n3A_1891 {offsets = [0, 4], sizes = [16, 124], strides = [1, 1]} : vector<16x128xf32> to vector<16x124xf32>
    %slice3A_1915 = vector.extract_strided_slice %select_n3A_1891 {offsets = [0, 0], sizes = [16, 4], strides = [1, 1]} : vector<16x128xf32> to vector<16x4xf32>
    %concatenate3A_1916 = tpu.concatenate %slice3A_1914, %slice3A_1915 in 1 : vector<16x124xf32>, vector<16x4xf32> -> vector<16x128xf32>
    %slice3A_1917 = vector.extract_strided_slice %select_n3A_1891 {offsets = [0, 124], sizes = [16, 4], strides = [1, 1]} : vector<16x128xf32> to vector<16x4xf32>
    %slice3A_1918 = vector.extract_strided_slice %select_n3A_1891 {offsets = [0, 0], sizes = [16, 124], strides = [1, 1]} : vector<16x128xf32> to vector<16x124xf32>
    %concatenate3A_1919 = tpu.concatenate %slice3A_1917, %slice3A_1918 in 1 : vector<16x4xf32>, vector<16x124xf32> -> vector<16x128xf32>
    %slice3A_1920 = vector.extract_strided_slice %select_n3A_1892 {offsets = [0, 4], sizes = [16, 124], strides = [1, 1]} : vector<16x128xi32> to vector<16x124xi32>
    %slice3A_1921 = vector.extract_strided_slice %select_n3A_1892 {offsets = [0, 0], sizes = [16, 4], strides = [1, 1]} : vector<16x128xi32> to vector<16x4xi32>
    %concatenate3A_1922 = tpu.concatenate %slice3A_1920, %slice3A_1921 in 1 : vector<16x124xi32>, vector<16x4xi32> -> vector<16x128xi32>
    %slice3A_1923 = vector.extract_strided_slice %select_n3A_1892 {offsets = [0, 124], sizes = [16, 4], strides = [1, 1]} : vector<16x128xi32> to vector<16x4xi32>
    %slice3A_1924 = vector.extract_strided_slice %select_n3A_1892 {offsets = [0, 0], sizes = [16, 124], strides = [1, 1]} : vector<16x128xi32> to vector<16x124xi32>
    %concatenate3A_1925 = tpu.concatenate %slice3A_1923, %slice3A_1924 in 1 : vector<16x4xi32>, vector<16x124xi32> -> vector<16x128xi32>
    %select_n3A_1926 = arith.select %ne3A_1898, %concatenate3A_1919, %concatenate3A_1916 : vector<16x128xi1>, vector<16x128xf32>
    %select_n3A_1927 = arith.select %ne3A_1898, %concatenate3A_1925, %concatenate3A_1922 : vector<16x128xi1>, vector<16x128xi32>
    %lt3A_1928 = arith.cmpf olt, %select_n3A_1891, %select_n3A_1926 : vector<16x128xf32>
    %eq3A_1929 = arith.cmpf oeq, %select_n3A_1891, %select_n3A_1926 : vector<16x128xf32>
    %gt3A_1930 = arith.cmpi sgt, %select_n3A_1892, %select_n3A_1927 : vector<16x128xi32>
    %and3A_1931 = arith.andi %eq3A_1929, %gt3A_1930 : vector<16x128xi1>
    %or3A_1932 = arith.ori %lt3A_1928, %and3A_1931 : vector<16x128xi1>
    %eq3A_1933 = arith.xori %or3A_1932, %eq3A_1913 : vector<16x128xi1>
    %eq3A_1934 = arith.constant dense<true> : vector<16x128xi1>
    %eq3A_1935 = arith.xori %eq3A_1933, %eq3A_1934 : vector<16x128xi1>
    %select_n3A_1936 = arith.select %eq3A_1935, %select_n3A_1926, %select_n3A_1891 : vector<16x128xi1>, vector<16x128xf32>
    %select_n3A_1937 = arith.select %eq3A_1935, %select_n3A_1927, %select_n3A_1892 : vector<16x128xi1>, vector<16x128xi32>
    %and3A_1938 = arith.constant 2 : i32
    %and3A_1939 = vector.broadcast %and3A_1938 : i32 to vector<16x128xi32>
    %and3A_1940 = arith.andi %add3A, %and3A_1939 : vector<16x128xi32>
    %ne3A_1941 = arith.constant 0 : i32
    %ne3A_1942 = vector.broadcast %ne3A_1941 : i32 to vector<16x128xi32>
    %ne3A_1943 = arith.cmpi ne, %and3A_1940, %ne3A_1942 : vector<16x128xi32>
    %and3A_1944 = arith.constant 512 : i32
    %and3A_1945 = vector.broadcast %and3A_1944 : i32 to vector<16x128xi32>
    %and3A_1946 = arith.andi %add3A, %and3A_1945 : vector<16x128xi32>
    %eq3A_1947 = arith.constant 0 : i32
    %eq3A_1948 = vector.broadcast %eq3A_1947 : i32 to vector<16x128xi32>
    %eq3A_1949 = arith.cmpi eq, %and3A_1946, %eq3A_1948 : vector<16x128xi32>
    %and3A_1950 = arith.constant 2 : i32
    %and3A_1951 = vector.broadcast %and3A_1950 : i32 to vector<16x128xi32>
    %and3A_1952 = arith.andi %add3A, %and3A_1951 : vector<16x128xi32>
    %eq3A_1953 = arith.constant 0 : i32
    %eq3A_1954 = vector.broadcast %eq3A_1953 : i32 to vector<16x128xi32>
    %eq3A_1955 = arith.cmpi eq, %and3A_1952, %eq3A_1954 : vector<16x128xi32>
    %eq3A_1956 = arith.xori %eq3A_1949, %eq3A_1955 : vector<16x128xi1>
    %eq3A_1957 = arith.constant dense<true> : vector<16x128xi1>
    %eq3A_1958 = arith.xori %eq3A_1956, %eq3A_1957 : vector<16x128xi1>
    %slice3A_1959 = vector.extract_strided_slice %select_n3A_1936 {offsets = [0, 2], sizes = [16, 126], strides = [1, 1]} : vector<16x128xf32> to vector<16x126xf32>
    %slice3A_1960 = vector.extract_strided_slice %select_n3A_1936 {offsets = [0, 0], sizes = [16, 2], strides = [1, 1]} : vector<16x128xf32> to vector<16x2xf32>
    %concatenate3A_1961 = tpu.concatenate %slice3A_1959, %slice3A_1960 in 1 : vector<16x126xf32>, vector<16x2xf32> -> vector<16x128xf32>
    %slice3A_1962 = vector.extract_strided_slice %select_n3A_1936 {offsets = [0, 126], sizes = [16, 2], strides = [1, 1]} : vector<16x128xf32> to vector<16x2xf32>
    %slice3A_1963 = vector.extract_strided_slice %select_n3A_1936 {offsets = [0, 0], sizes = [16, 126], strides = [1, 1]} : vector<16x128xf32> to vector<16x126xf32>
    %concatenate3A_1964 = tpu.concatenate %slice3A_1962, %slice3A_1963 in 1 : vector<16x2xf32>, vector<16x126xf32> -> vector<16x128xf32>
    %slice3A_1965 = vector.extract_strided_slice %select_n3A_1937 {offsets = [0, 2], sizes = [16, 126], strides = [1, 1]} : vector<16x128xi32> to vector<16x126xi32>
    %slice3A_1966 = vector.extract_strided_slice %select_n3A_1937 {offsets = [0, 0], sizes = [16, 2], strides = [1, 1]} : vector<16x128xi32> to vector<16x2xi32>
    %concatenate3A_1967 = tpu.concatenate %slice3A_1965, %slice3A_1966 in 1 : vector<16x126xi32>, vector<16x2xi32> -> vector<16x128xi32>
    %slice3A_1968 = vector.extract_strided_slice %select_n3A_1937 {offsets = [0, 126], sizes = [16, 2], strides = [1, 1]} : vector<16x128xi32> to vector<16x2xi32>
    %slice3A_1969 = vector.extract_strided_slice %select_n3A_1937 {offsets = [0, 0], sizes = [16, 126], strides = [1, 1]} : vector<16x128xi32> to vector<16x126xi32>
    %concatenate3A_1970 = tpu.concatenate %slice3A_1968, %slice3A_1969 in 1 : vector<16x2xi32>, vector<16x126xi32> -> vector<16x128xi32>
    %select_n3A_1971 = arith.select %ne3A_1943, %concatenate3A_1964, %concatenate3A_1961 : vector<16x128xi1>, vector<16x128xf32>
    %select_n3A_1972 = arith.select %ne3A_1943, %concatenate3A_1970, %concatenate3A_1967 : vector<16x128xi1>, vector<16x128xi32>
    %lt3A_1973 = arith.cmpf olt, %select_n3A_1936, %select_n3A_1971 : vector<16x128xf32>
    %eq3A_1974 = arith.cmpf oeq, %select_n3A_1936, %select_n3A_1971 : vector<16x128xf32>
    %gt3A_1975 = arith.cmpi sgt, %select_n3A_1937, %select_n3A_1972 : vector<16x128xi32>
    %and3A_1976 = arith.andi %eq3A_1974, %gt3A_1975 : vector<16x128xi1>
    %or3A_1977 = arith.ori %lt3A_1973, %and3A_1976 : vector<16x128xi1>
    %eq3A_1978 = arith.xori %or3A_1977, %eq3A_1958 : vector<16x128xi1>
    %eq3A_1979 = arith.constant dense<true> : vector<16x128xi1>
    %eq3A_1980 = arith.xori %eq3A_1978, %eq3A_1979 : vector<16x128xi1>
    %select_n3A_1981 = arith.select %eq3A_1980, %select_n3A_1971, %select_n3A_1936 : vector<16x128xi1>, vector<16x128xf32>
    %select_n3A_1982 = arith.select %eq3A_1980, %select_n3A_1972, %select_n3A_1937 : vector<16x128xi1>, vector<16x128xi32>
    %and3A_1983 = arith.constant 1 : i32
    %and3A_1984 = vector.broadcast %and3A_1983 : i32 to vector<16x128xi32>
    %and3A_1985 = arith.andi %add3A, %and3A_1984 : vector<16x128xi32>
    %ne3A_1986 = arith.constant 0 : i32
    %ne3A_1987 = vector.broadcast %ne3A_1986 : i32 to vector<16x128xi32>
    %ne3A_1988 = arith.cmpi ne, %and3A_1985, %ne3A_1987 : vector<16x128xi32>
    %and3A_1989 = arith.constant 512 : i32
    %and3A_1990 = vector.broadcast %and3A_1989 : i32 to vector<16x128xi32>
    %and3A_1991 = arith.andi %add3A, %and3A_1990 : vector<16x128xi32>
    %eq3A_1992 = arith.constant 0 : i32
    %eq3A_1993 = vector.broadcast %eq3A_1992 : i32 to vector<16x128xi32>
    %eq3A_1994 = arith.cmpi eq, %and3A_1991, %eq3A_1993 : vector<16x128xi32>
    %and3A_1995 = arith.constant 1 : i32
    %and3A_1996 = vector.broadcast %and3A_1995 : i32 to vector<16x128xi32>
    %and3A_1997 = arith.andi %add3A, %and3A_1996 : vector<16x128xi32>
    %eq3A_1998 = arith.constant 0 : i32
    %eq3A_1999 = vector.broadcast %eq3A_1998 : i32 to vector<16x128xi32>
    %eq3A_2000 = arith.cmpi eq, %and3A_1997, %eq3A_1999 : vector<16x128xi32>
    %eq3A_2001 = arith.xori %eq3A_1994, %eq3A_2000 : vector<16x128xi1>
    %eq3A_2002 = arith.constant dense<true> : vector<16x128xi1>
    %eq3A_2003 = arith.xori %eq3A_2001, %eq3A_2002 : vector<16x128xi1>
    %slice3A_2004 = vector.extract_strided_slice %select_n3A_1981 {offsets = [0, 1], sizes = [16, 127], strides = [1, 1]} : vector<16x128xf32> to vector<16x127xf32>
    %slice3A_2005 = vector.extract_strided_slice %select_n3A_1981 {offsets = [0, 0], sizes = [16, 1], strides = [1, 1]} : vector<16x128xf32> to vector<16x1xf32>
    %concatenate3A_2006 = tpu.concatenate %slice3A_2004, %slice3A_2005 in 1 : vector<16x127xf32>, vector<16x1xf32> -> vector<16x128xf32>
    %slice3A_2007 = vector.extract_strided_slice %select_n3A_1981 {offsets = [0, 127], sizes = [16, 1], strides = [1, 1]} : vector<16x128xf32> to vector<16x1xf32>
    %slice3A_2008 = vector.extract_strided_slice %select_n3A_1981 {offsets = [0, 0], sizes = [16, 127], strides = [1, 1]} : vector<16x128xf32> to vector<16x127xf32>
    %concatenate3A_2009 = tpu.concatenate %slice3A_2007, %slice3A_2008 in 1 : vector<16x1xf32>, vector<16x127xf32> -> vector<16x128xf32>
    %slice3A_2010 = vector.extract_strided_slice %select_n3A_1982 {offsets = [0, 1], sizes = [16, 127], strides = [1, 1]} : vector<16x128xi32> to vector<16x127xi32>
    %slice3A_2011 = vector.extract_strided_slice %select_n3A_1982 {offsets = [0, 0], sizes = [16, 1], strides = [1, 1]} : vector<16x128xi32> to vector<16x1xi32>
    %concatenate3A_2012 = tpu.concatenate %slice3A_2010, %slice3A_2011 in 1 : vector<16x127xi32>, vector<16x1xi32> -> vector<16x128xi32>
    %slice3A_2013 = vector.extract_strided_slice %select_n3A_1982 {offsets = [0, 127], sizes = [16, 1], strides = [1, 1]} : vector<16x128xi32> to vector<16x1xi32>
    %slice3A_2014 = vector.extract_strided_slice %select_n3A_1982 {offsets = [0, 0], sizes = [16, 127], strides = [1, 1]} : vector<16x128xi32> to vector<16x127xi32>
    %concatenate3A_2015 = tpu.concatenate %slice3A_2013, %slice3A_2014 in 1 : vector<16x1xi32>, vector<16x127xi32> -> vector<16x128xi32>
    %select_n3A_2016 = arith.select %ne3A_1988, %concatenate3A_2009, %concatenate3A_2006 : vector<16x128xi1>, vector<16x128xf32>
    %select_n3A_2017 = arith.select %ne3A_1988, %concatenate3A_2015, %concatenate3A_2012 : vector<16x128xi1>, vector<16x128xi32>
    %lt3A_2018 = arith.cmpf olt, %select_n3A_1981, %select_n3A_2016 : vector<16x128xf32>
    %eq3A_2019 = arith.cmpf oeq, %select_n3A_1981, %select_n3A_2016 : vector<16x128xf32>
    %gt3A_2020 = arith.cmpi sgt, %select_n3A_1982, %select_n3A_2017 : vector<16x128xi32>
    %and3A_2021 = arith.andi %eq3A_2019, %gt3A_2020 : vector<16x128xi1>
    %or3A_2022 = arith.ori %lt3A_2018, %and3A_2021 : vector<16x128xi1>
    %eq3A_2023 = arith.xori %or3A_2022, %eq3A_2003 : vector<16x128xi1>
    %eq3A_2024 = arith.constant dense<true> : vector<16x128xi1>
    %eq3A_2025 = arith.xori %eq3A_2023, %eq3A_2024 : vector<16x128xi1>
    %select_n3A_2026 = arith.select %eq3A_2025, %select_n3A_2016, %select_n3A_1981 : vector<16x128xi1>, vector<16x128xf32>
    %select_n3A_2027 = arith.select %eq3A_2025, %select_n3A_2017, %select_n3A_1982 : vector<16x128xi1>, vector<16x128xi32>
    %and3A_2028 = arith.constant 512 : i32
    %and3A_2029 = vector.broadcast %and3A_2028 : i32 to vector<16x128xi32>
    %and3A_2030 = arith.andi %add3A, %and3A_2029 : vector<16x128xi32>
    %ne3A_2031 = arith.constant 0 : i32
    %ne3A_2032 = vector.broadcast %ne3A_2031 : i32 to vector<16x128xi32>
    %ne3A_2033 = arith.cmpi ne, %and3A_2030, %ne3A_2032 : vector<16x128xi32>
    %and3A_2034 = arith.constant 1024 : i32
    %and3A_2035 = vector.broadcast %and3A_2034 : i32 to vector<16x128xi32>
    %and3A_2036 = arith.andi %add3A, %and3A_2035 : vector<16x128xi32>
    %eq3A_2037 = arith.constant 0 : i32
    %eq3A_2038 = vector.broadcast %eq3A_2037 : i32 to vector<16x128xi32>
    %eq3A_2039 = arith.cmpi eq, %and3A_2036, %eq3A_2038 : vector<16x128xi32>
    %and3A_2040 = arith.constant 512 : i32
    %and3A_2041 = vector.broadcast %and3A_2040 : i32 to vector<16x128xi32>
    %and3A_2042 = arith.andi %add3A, %and3A_2041 : vector<16x128xi32>
    %eq3A_2043 = arith.constant 0 : i32
    %eq3A_2044 = vector.broadcast %eq3A_2043 : i32 to vector<16x128xi32>
    %eq3A_2045 = arith.cmpi eq, %and3A_2042, %eq3A_2044 : vector<16x128xi32>
    %eq3A_2046 = arith.xori %eq3A_2039, %eq3A_2045 : vector<16x128xi1>
    %eq3A_2047 = arith.constant dense<true> : vector<16x128xi1>
    %eq3A_2048 = arith.xori %eq3A_2046, %eq3A_2047 : vector<16x128xi1>
    %slice3A_2049 = vector.extract_strided_slice %select_n3A_2026 {offsets = [4, 0], sizes = [12, 128], strides = [1, 1]} : vector<16x128xf32> to vector<12x128xf32>
    %slice3A_2050 = vector.extract_strided_slice %select_n3A_2026 {offsets = [0, 0], sizes = [4, 128], strides = [1, 1]} : vector<16x128xf32> to vector<4x128xf32>
    %concatenate3A_2051 = tpu.concatenate %slice3A_2049, %slice3A_2050 in 0 : vector<12x128xf32>, vector<4x128xf32> -> vector<16x128xf32>
    %slice3A_2052 = vector.extract_strided_slice %select_n3A_2026 {offsets = [12, 0], sizes = [4, 128], strides = [1, 1]} : vector<16x128xf32> to vector<4x128xf32>
    %slice3A_2053 = vector.extract_strided_slice %select_n3A_2026 {offsets = [0, 0], sizes = [12, 128], strides = [1, 1]} : vector<16x128xf32> to vector<12x128xf32>
    %concatenate3A_2054 = tpu.concatenate %slice3A_2052, %slice3A_2053 in 0 : vector<4x128xf32>, vector<12x128xf32> -> vector<16x128xf32>
    %slice3A_2055 = vector.extract_strided_slice %select_n3A_2027 {offsets = [4, 0], sizes = [12, 128], strides = [1, 1]} : vector<16x128xi32> to vector<12x128xi32>
    %slice3A_2056 = vector.extract_strided_slice %select_n3A_2027 {offsets = [0, 0], sizes = [4, 128], strides = [1, 1]} : vector<16x128xi32> to vector<4x128xi32>
    %concatenate3A_2057 = tpu.concatenate %slice3A_2055, %slice3A_2056 in 0 : vector<12x128xi32>, vector<4x128xi32> -> vector<16x128xi32>
    %slice3A_2058 = vector.extract_strided_slice %select_n3A_2027 {offsets = [12, 0], sizes = [4, 128], strides = [1, 1]} : vector<16x128xi32> to vector<4x128xi32>
    %slice3A_2059 = vector.extract_strided_slice %select_n3A_2027 {offsets = [0, 0], sizes = [12, 128], strides = [1, 1]} : vector<16x128xi32> to vector<12x128xi32>
    %concatenate3A_2060 = tpu.concatenate %slice3A_2058, %slice3A_2059 in 0 : vector<4x128xi32>, vector<12x128xi32> -> vector<16x128xi32>
    %select_n3A_2061 = arith.select %ne3A_2033, %concatenate3A_2054, %concatenate3A_2051 : vector<16x128xi1>, vector<16x128xf32>
    %select_n3A_2062 = arith.select %ne3A_2033, %concatenate3A_2060, %concatenate3A_2057 : vector<16x128xi1>, vector<16x128xi32>
    %lt3A_2063 = arith.cmpf olt, %select_n3A_2026, %select_n3A_2061 : vector<16x128xf32>
    %eq3A_2064 = arith.cmpf oeq, %select_n3A_2026, %select_n3A_2061 : vector<16x128xf32>
    %gt3A_2065 = arith.cmpi sgt, %select_n3A_2027, %select_n3A_2062 : vector<16x128xi32>
    %and3A_2066 = arith.andi %eq3A_2064, %gt3A_2065 : vector<16x128xi1>
    %or3A_2067 = arith.ori %lt3A_2063, %and3A_2066 : vector<16x128xi1>
    %eq3A_2068 = arith.xori %or3A_2067, %eq3A_2048 : vector<16x128xi1>
    %eq3A_2069 = arith.constant dense<true> : vector<16x128xi1>
    %eq3A_2070 = arith.xori %eq3A_2068, %eq3A_2069 : vector<16x128xi1>
    %select_n3A_2071 = arith.select %eq3A_2070, %select_n3A_2061, %select_n3A_2026 : vector<16x128xi1>, vector<16x128xf32>
    %select_n3A_2072 = arith.select %eq3A_2070, %select_n3A_2062, %select_n3A_2027 : vector<16x128xi1>, vector<16x128xi32>
    %and3A_2073 = arith.constant 256 : i32
    %and3A_2074 = vector.broadcast %and3A_2073 : i32 to vector<16x128xi32>
    %and3A_2075 = arith.andi %add3A, %and3A_2074 : vector<16x128xi32>
    %ne3A_2076 = arith.constant 0 : i32
    %ne3A_2077 = vector.broadcast %ne3A_2076 : i32 to vector<16x128xi32>
    %ne3A_2078 = arith.cmpi ne, %and3A_2075, %ne3A_2077 : vector<16x128xi32>
    %and3A_2079 = arith.constant 1024 : i32
    %and3A_2080 = vector.broadcast %and3A_2079 : i32 to vector<16x128xi32>
    %and3A_2081 = arith.andi %add3A, %and3A_2080 : vector<16x128xi32>
    %eq3A_2082 = arith.constant 0 : i32
    %eq3A_2083 = vector.broadcast %eq3A_2082 : i32 to vector<16x128xi32>
    %eq3A_2084 = arith.cmpi eq, %and3A_2081, %eq3A_2083 : vector<16x128xi32>
    %and3A_2085 = arith.constant 256 : i32
    %and3A_2086 = vector.broadcast %and3A_2085 : i32 to vector<16x128xi32>
    %and3A_2087 = arith.andi %add3A, %and3A_2086 : vector<16x128xi32>
    %eq3A_2088 = arith.constant 0 : i32
    %eq3A_2089 = vector.broadcast %eq3A_2088 : i32 to vector<16x128xi32>
    %eq3A_2090 = arith.cmpi eq, %and3A_2087, %eq3A_2089 : vector<16x128xi32>
    %eq3A_2091 = arith.xori %eq3A_2084, %eq3A_2090 : vector<16x128xi1>
    %eq3A_2092 = arith.constant dense<true> : vector<16x128xi1>
    %eq3A_2093 = arith.xori %eq3A_2091, %eq3A_2092 : vector<16x128xi1>
    %slice3A_2094 = vector.extract_strided_slice %select_n3A_2071 {offsets = [2, 0], sizes = [14, 128], strides = [1, 1]} : vector<16x128xf32> to vector<14x128xf32>
    %slice3A_2095 = vector.extract_strided_slice %select_n3A_2071 {offsets = [0, 0], sizes = [2, 128], strides = [1, 1]} : vector<16x128xf32> to vector<2x128xf32>
    %concatenate3A_2096 = tpu.concatenate %slice3A_2094, %slice3A_2095 in 0 : vector<14x128xf32>, vector<2x128xf32> -> vector<16x128xf32>
    %slice3A_2097 = vector.extract_strided_slice %select_n3A_2071 {offsets = [14, 0], sizes = [2, 128], strides = [1, 1]} : vector<16x128xf32> to vector<2x128xf32>
    %slice3A_2098 = vector.extract_strided_slice %select_n3A_2071 {offsets = [0, 0], sizes = [14, 128], strides = [1, 1]} : vector<16x128xf32> to vector<14x128xf32>
    %concatenate3A_2099 = tpu.concatenate %slice3A_2097, %slice3A_2098 in 0 : vector<2x128xf32>, vector<14x128xf32> -> vector<16x128xf32>
    %slice3A_2100 = vector.extract_strided_slice %select_n3A_2072 {offsets = [2, 0], sizes = [14, 128], strides = [1, 1]} : vector<16x128xi32> to vector<14x128xi32>
    %slice3A_2101 = vector.extract_strided_slice %select_n3A_2072 {offsets = [0, 0], sizes = [2, 128], strides = [1, 1]} : vector<16x128xi32> to vector<2x128xi32>
    %concatenate3A_2102 = tpu.concatenate %slice3A_2100, %slice3A_2101 in 0 : vector<14x128xi32>, vector<2x128xi32> -> vector<16x128xi32>
    %slice3A_2103 = vector.extract_strided_slice %select_n3A_2072 {offsets = [14, 0], sizes = [2, 128], strides = [1, 1]} : vector<16x128xi32> to vector<2x128xi32>
    %slice3A_2104 = vector.extract_strided_slice %select_n3A_2072 {offsets = [0, 0], sizes = [14, 128], strides = [1, 1]} : vector<16x128xi32> to vector<14x128xi32>
    %concatenate3A_2105 = tpu.concatenate %slice3A_2103, %slice3A_2104 in 0 : vector<2x128xi32>, vector<14x128xi32> -> vector<16x128xi32>
    %select_n3A_2106 = arith.select %ne3A_2078, %concatenate3A_2099, %concatenate3A_2096 : vector<16x128xi1>, vector<16x128xf32>
    %select_n3A_2107 = arith.select %ne3A_2078, %concatenate3A_2105, %concatenate3A_2102 : vector<16x128xi1>, vector<16x128xi32>
    %lt3A_2108 = arith.cmpf olt, %select_n3A_2071, %select_n3A_2106 : vector<16x128xf32>
    %eq3A_2109 = arith.cmpf oeq, %select_n3A_2071, %select_n3A_2106 : vector<16x128xf32>
    %gt3A_2110 = arith.cmpi sgt, %select_n3A_2072, %select_n3A_2107 : vector<16x128xi32>
    %and3A_2111 = arith.andi %eq3A_2109, %gt3A_2110 : vector<16x128xi1>
    %or3A_2112 = arith.ori %lt3A_2108, %and3A_2111 : vector<16x128xi1>
    %eq3A_2113 = arith.xori %or3A_2112, %eq3A_2093 : vector<16x128xi1>
    %eq3A_2114 = arith.constant dense<true> : vector<16x128xi1>
    %eq3A_2115 = arith.xori %eq3A_2113, %eq3A_2114 : vector<16x128xi1>
    %select_n3A_2116 = arith.select %eq3A_2115, %select_n3A_2106, %select_n3A_2071 : vector<16x128xi1>, vector<16x128xf32>
    %select_n3A_2117 = arith.select %eq3A_2115, %select_n3A_2107, %select_n3A_2072 : vector<16x128xi1>, vector<16x128xi32>
    %and3A_2118 = arith.constant 128 : i32
    %and3A_2119 = vector.broadcast %and3A_2118 : i32 to vector<16x128xi32>
    %and3A_2120 = arith.andi %add3A, %and3A_2119 : vector<16x128xi32>
    %ne3A_2121 = arith.constant 0 : i32
    %ne3A_2122 = vector.broadcast %ne3A_2121 : i32 to vector<16x128xi32>
    %ne3A_2123 = arith.cmpi ne, %and3A_2120, %ne3A_2122 : vector<16x128xi32>
    %and3A_2124 = arith.constant 1024 : i32
    %and3A_2125 = vector.broadcast %and3A_2124 : i32 to vector<16x128xi32>
    %and3A_2126 = arith.andi %add3A, %and3A_2125 : vector<16x128xi32>
    %eq3A_2127 = arith.constant 0 : i32
    %eq3A_2128 = vector.broadcast %eq3A_2127 : i32 to vector<16x128xi32>
    %eq3A_2129 = arith.cmpi eq, %and3A_2126, %eq3A_2128 : vector<16x128xi32>
    %and3A_2130 = arith.constant 128 : i32
    %and3A_2131 = vector.broadcast %and3A_2130 : i32 to vector<16x128xi32>
    %and3A_2132 = arith.andi %add3A, %and3A_2131 : vector<16x128xi32>
    %eq3A_2133 = arith.constant 0 : i32
    %eq3A_2134 = vector.broadcast %eq3A_2133 : i32 to vector<16x128xi32>
    %eq3A_2135 = arith.cmpi eq, %and3A_2132, %eq3A_2134 : vector<16x128xi32>
    %eq3A_2136 = arith.xori %eq3A_2129, %eq3A_2135 : vector<16x128xi1>
    %eq3A_2137 = arith.constant dense<true> : vector<16x128xi1>
    %eq3A_2138 = arith.xori %eq3A_2136, %eq3A_2137 : vector<16x128xi1>
    %slice3A_2139 = vector.extract_strided_slice %select_n3A_2116 {offsets = [1, 0], sizes = [15, 128], strides = [1, 1]} : vector<16x128xf32> to vector<15x128xf32>
    %slice3A_2140 = vector.extract_strided_slice %select_n3A_2116 {offsets = [0, 0], sizes = [1, 128], strides = [1, 1]} : vector<16x128xf32> to vector<1x128xf32>
    %concatenate3A_2141 = tpu.concatenate %slice3A_2139, %slice3A_2140 in 0 : vector<15x128xf32>, vector<1x128xf32> -> vector<16x128xf32>
    %slice3A_2142 = vector.extract_strided_slice %select_n3A_2116 {offsets = [15, 0], sizes = [1, 128], strides = [1, 1]} : vector<16x128xf32> to vector<1x128xf32>
    %slice3A_2143 = vector.extract_strided_slice %select_n3A_2116 {offsets = [0, 0], sizes = [15, 128], strides = [1, 1]} : vector<16x128xf32> to vector<15x128xf32>
    %concatenate3A_2144 = tpu.concatenate %slice3A_2142, %slice3A_2143 in 0 : vector<1x128xf32>, vector<15x128xf32> -> vector<16x128xf32>
    %slice3A_2145 = vector.extract_strided_slice %select_n3A_2117 {offsets = [1, 0], sizes = [15, 128], strides = [1, 1]} : vector<16x128xi32> to vector<15x128xi32>
    %slice3A_2146 = vector.extract_strided_slice %select_n3A_2117 {offsets = [0, 0], sizes = [1, 128], strides = [1, 1]} : vector<16x128xi32> to vector<1x128xi32>
    %concatenate3A_2147 = tpu.concatenate %slice3A_2145, %slice3A_2146 in 0 : vector<15x128xi32>, vector<1x128xi32> -> vector<16x128xi32>
    %slice3A_2148 = vector.extract_strided_slice %select_n3A_2117 {offsets = [15, 0], sizes = [1, 128], strides = [1, 1]} : vector<16x128xi32> to vector<1x128xi32>
    %slice3A_2149 = vector.extract_strided_slice %select_n3A_2117 {offsets = [0, 0], sizes = [15, 128], strides = [1, 1]} : vector<16x128xi32> to vector<15x128xi32>
    %concatenate3A_2150 = tpu.concatenate %slice3A_2148, %slice3A_2149 in 0 : vector<1x128xi32>, vector<15x128xi32> -> vector<16x128xi32>
    %select_n3A_2151 = arith.select %ne3A_2123, %concatenate3A_2144, %concatenate3A_2141 : vector<16x128xi1>, vector<16x128xf32>
    %select_n3A_2152 = arith.select %ne3A_2123, %concatenate3A_2150, %concatenate3A_2147 : vector<16x128xi1>, vector<16x128xi32>
    %lt3A_2153 = arith.cmpf olt, %select_n3A_2116, %select_n3A_2151 : vector<16x128xf32>
    %eq3A_2154 = arith.cmpf oeq, %select_n3A_2116, %select_n3A_2151 : vector<16x128xf32>
    %gt3A_2155 = arith.cmpi sgt, %select_n3A_2117, %select_n3A_2152 : vector<16x128xi32>
    %and3A_2156 = arith.andi %eq3A_2154, %gt3A_2155 : vector<16x128xi1>
    %or3A_2157 = arith.ori %lt3A_2153, %and3A_2156 : vector<16x128xi1>
    %eq3A_2158 = arith.xori %or3A_2157, %eq3A_2138 : vector<16x128xi1>
    %eq3A_2159 = arith.constant dense<true> : vector<16x128xi1>
    %eq3A_2160 = arith.xori %eq3A_2158, %eq3A_2159 : vector<16x128xi1>
    %select_n3A_2161 = arith.select %eq3A_2160, %select_n3A_2151, %select_n3A_2116 : vector<16x128xi1>, vector<16x128xf32>
    %select_n3A_2162 = arith.select %eq3A_2160, %select_n3A_2152, %select_n3A_2117 : vector<16x128xi1>, vector<16x128xi32>
    %and3A_2163 = arith.constant 64 : i32
    %and3A_2164 = vector.broadcast %and3A_2163 : i32 to vector<16x128xi32>
    %and3A_2165 = arith.andi %add3A, %and3A_2164 : vector<16x128xi32>
    %ne3A_2166 = arith.constant 0 : i32
    %ne3A_2167 = vector.broadcast %ne3A_2166 : i32 to vector<16x128xi32>
    %ne3A_2168 = arith.cmpi ne, %and3A_2165, %ne3A_2167 : vector<16x128xi32>
    %and3A_2169 = arith.constant 1024 : i32
    %and3A_2170 = vector.broadcast %and3A_2169 : i32 to vector<16x128xi32>
    %and3A_2171 = arith.andi %add3A, %and3A_2170 : vector<16x128xi32>
    %eq3A_2172 = arith.constant 0 : i32
    %eq3A_2173 = vector.broadcast %eq3A_2172 : i32 to vector<16x128xi32>
    %eq3A_2174 = arith.cmpi eq, %and3A_2171, %eq3A_2173 : vector<16x128xi32>
    %and3A_2175 = arith.constant 64 : i32
    %and3A_2176 = vector.broadcast %and3A_2175 : i32 to vector<16x128xi32>
    %and3A_2177 = arith.andi %add3A, %and3A_2176 : vector<16x128xi32>
    %eq3A_2178 = arith.constant 0 : i32
    %eq3A_2179 = vector.broadcast %eq3A_2178 : i32 to vector<16x128xi32>
    %eq3A_2180 = arith.cmpi eq, %and3A_2177, %eq3A_2179 : vector<16x128xi32>
    %eq3A_2181 = arith.xori %eq3A_2174, %eq3A_2180 : vector<16x128xi1>
    %eq3A_2182 = arith.constant dense<true> : vector<16x128xi1>
    %eq3A_2183 = arith.xori %eq3A_2181, %eq3A_2182 : vector<16x128xi1>
    %slice3A_2184 = vector.extract_strided_slice %select_n3A_2161 {offsets = [0, 64], sizes = [16, 64], strides = [1, 1]} : vector<16x128xf32> to vector<16x64xf32>
    %slice3A_2185 = vector.extract_strided_slice %select_n3A_2161 {offsets = [0, 0], sizes = [16, 64], strides = [1, 1]} : vector<16x128xf32> to vector<16x64xf32>
    %concatenate3A_2186 = tpu.concatenate %slice3A_2184, %slice3A_2185 in 1 : vector<16x64xf32>, vector<16x64xf32> -> vector<16x128xf32>
    %slice3A_2187 = vector.extract_strided_slice %select_n3A_2161 {offsets = [0, 64], sizes = [16, 64], strides = [1, 1]} : vector<16x128xf32> to vector<16x64xf32>
    %slice3A_2188 = vector.extract_strided_slice %select_n3A_2161 {offsets = [0, 0], sizes = [16, 64], strides = [1, 1]} : vector<16x128xf32> to vector<16x64xf32>
    %concatenate3A_2189 = tpu.concatenate %slice3A_2187, %slice3A_2188 in 1 : vector<16x64xf32>, vector<16x64xf32> -> vector<16x128xf32>
    %slice3A_2190 = vector.extract_strided_slice %select_n3A_2162 {offsets = [0, 64], sizes = [16, 64], strides = [1, 1]} : vector<16x128xi32> to vector<16x64xi32>
    %slice3A_2191 = vector.extract_strided_slice %select_n3A_2162 {offsets = [0, 0], sizes = [16, 64], strides = [1, 1]} : vector<16x128xi32> to vector<16x64xi32>
    %concatenate3A_2192 = tpu.concatenate %slice3A_2190, %slice3A_2191 in 1 : vector<16x64xi32>, vector<16x64xi32> -> vector<16x128xi32>
    %slice3A_2193 = vector.extract_strided_slice %select_n3A_2162 {offsets = [0, 64], sizes = [16, 64], strides = [1, 1]} : vector<16x128xi32> to vector<16x64xi32>
    %slice3A_2194 = vector.extract_strided_slice %select_n3A_2162 {offsets = [0, 0], sizes = [16, 64], strides = [1, 1]} : vector<16x128xi32> to vector<16x64xi32>
    %concatenate3A_2195 = tpu.concatenate %slice3A_2193, %slice3A_2194 in 1 : vector<16x64xi32>, vector<16x64xi32> -> vector<16x128xi32>
    %select_n3A_2196 = arith.select %ne3A_2168, %concatenate3A_2189, %concatenate3A_2186 : vector<16x128xi1>, vector<16x128xf32>
    %select_n3A_2197 = arith.select %ne3A_2168, %concatenate3A_2195, %concatenate3A_2192 : vector<16x128xi1>, vector<16x128xi32>
    %lt3A_2198 = arith.cmpf olt, %select_n3A_2161, %select_n3A_2196 : vector<16x128xf32>
    %eq3A_2199 = arith.cmpf oeq, %select_n3A_2161, %select_n3A_2196 : vector<16x128xf32>
    %gt3A_2200 = arith.cmpi sgt, %select_n3A_2162, %select_n3A_2197 : vector<16x128xi32>
    %and3A_2201 = arith.andi %eq3A_2199, %gt3A_2200 : vector<16x128xi1>
    %or3A_2202 = arith.ori %lt3A_2198, %and3A_2201 : vector<16x128xi1>
    %eq3A_2203 = arith.xori %or3A_2202, %eq3A_2183 : vector<16x128xi1>
    %eq3A_2204 = arith.constant dense<true> : vector<16x128xi1>
    %eq3A_2205 = arith.xori %eq3A_2203, %eq3A_2204 : vector<16x128xi1>
    %select_n3A_2206 = arith.select %eq3A_2205, %select_n3A_2196, %select_n3A_2161 : vector<16x128xi1>, vector<16x128xf32>
    %select_n3A_2207 = arith.select %eq3A_2205, %select_n3A_2197, %select_n3A_2162 : vector<16x128xi1>, vector<16x128xi32>
    %and3A_2208 = arith.constant 32 : i32
    %and3A_2209 = vector.broadcast %and3A_2208 : i32 to vector<16x128xi32>
    %and3A_2210 = arith.andi %add3A, %and3A_2209 : vector<16x128xi32>
    %ne3A_2211 = arith.constant 0 : i32
    %ne3A_2212 = vector.broadcast %ne3A_2211 : i32 to vector<16x128xi32>
    %ne3A_2213 = arith.cmpi ne, %and3A_2210, %ne3A_2212 : vector<16x128xi32>
    %and3A_2214 = arith.constant 1024 : i32
    %and3A_2215 = vector.broadcast %and3A_2214 : i32 to vector<16x128xi32>
    %and3A_2216 = arith.andi %add3A, %and3A_2215 : vector<16x128xi32>
    %eq3A_2217 = arith.constant 0 : i32
    %eq3A_2218 = vector.broadcast %eq3A_2217 : i32 to vector<16x128xi32>
    %eq3A_2219 = arith.cmpi eq, %and3A_2216, %eq3A_2218 : vector<16x128xi32>
    %and3A_2220 = arith.constant 32 : i32
    %and3A_2221 = vector.broadcast %and3A_2220 : i32 to vector<16x128xi32>
    %and3A_2222 = arith.andi %add3A, %and3A_2221 : vector<16x128xi32>
    %eq3A_2223 = arith.constant 0 : i32
    %eq3A_2224 = vector.broadcast %eq3A_2223 : i32 to vector<16x128xi32>
    %eq3A_2225 = arith.cmpi eq, %and3A_2222, %eq3A_2224 : vector<16x128xi32>
    %eq3A_2226 = arith.xori %eq3A_2219, %eq3A_2225 : vector<16x128xi1>
    %eq3A_2227 = arith.constant dense<true> : vector<16x128xi1>
    %eq3A_2228 = arith.xori %eq3A_2226, %eq3A_2227 : vector<16x128xi1>
    %slice3A_2229 = vector.extract_strided_slice %select_n3A_2206 {offsets = [0, 32], sizes = [16, 96], strides = [1, 1]} : vector<16x128xf32> to vector<16x96xf32>
    %slice3A_2230 = vector.extract_strided_slice %select_n3A_2206 {offsets = [0, 0], sizes = [16, 32], strides = [1, 1]} : vector<16x128xf32> to vector<16x32xf32>
    %concatenate3A_2231 = tpu.concatenate %slice3A_2229, %slice3A_2230 in 1 : vector<16x96xf32>, vector<16x32xf32> -> vector<16x128xf32>
    %slice3A_2232 = vector.extract_strided_slice %select_n3A_2206 {offsets = [0, 96], sizes = [16, 32], strides = [1, 1]} : vector<16x128xf32> to vector<16x32xf32>
    %slice3A_2233 = vector.extract_strided_slice %select_n3A_2206 {offsets = [0, 0], sizes = [16, 96], strides = [1, 1]} : vector<16x128xf32> to vector<16x96xf32>
    %concatenate3A_2234 = tpu.concatenate %slice3A_2232, %slice3A_2233 in 1 : vector<16x32xf32>, vector<16x96xf32> -> vector<16x128xf32>
    %slice3A_2235 = vector.extract_strided_slice %select_n3A_2207 {offsets = [0, 32], sizes = [16, 96], strides = [1, 1]} : vector<16x128xi32> to vector<16x96xi32>
    %slice3A_2236 = vector.extract_strided_slice %select_n3A_2207 {offsets = [0, 0], sizes = [16, 32], strides = [1, 1]} : vector<16x128xi32> to vector<16x32xi32>
    %concatenate3A_2237 = tpu.concatenate %slice3A_2235, %slice3A_2236 in 1 : vector<16x96xi32>, vector<16x32xi32> -> vector<16x128xi32>
    %slice3A_2238 = vector.extract_strided_slice %select_n3A_2207 {offsets = [0, 96], sizes = [16, 32], strides = [1, 1]} : vector<16x128xi32> to vector<16x32xi32>
    %slice3A_2239 = vector.extract_strided_slice %select_n3A_2207 {offsets = [0, 0], sizes = [16, 96], strides = [1, 1]} : vector<16x128xi32> to vector<16x96xi32>
    %concatenate3A_2240 = tpu.concatenate %slice3A_2238, %slice3A_2239 in 1 : vector<16x32xi32>, vector<16x96xi32> -> vector<16x128xi32>
    %select_n3A_2241 = arith.select %ne3A_2213, %concatenate3A_2234, %concatenate3A_2231 : vector<16x128xi1>, vector<16x128xf32>
    %select_n3A_2242 = arith.select %ne3A_2213, %concatenate3A_2240, %concatenate3A_2237 : vector<16x128xi1>, vector<16x128xi32>
    %lt3A_2243 = arith.cmpf olt, %select_n3A_2206, %select_n3A_2241 : vector<16x128xf32>
    %eq3A_2244 = arith.cmpf oeq, %select_n3A_2206, %select_n3A_2241 : vector<16x128xf32>
    %gt3A_2245 = arith.cmpi sgt, %select_n3A_2207, %select_n3A_2242 : vector<16x128xi32>
    %and3A_2246 = arith.andi %eq3A_2244, %gt3A_2245 : vector<16x128xi1>
    %or3A_2247 = arith.ori %lt3A_2243, %and3A_2246 : vector<16x128xi1>
    %eq3A_2248 = arith.xori %or3A_2247, %eq3A_2228 : vector<16x128xi1>
    %eq3A_2249 = arith.constant dense<true> : vector<16x128xi1>
    %eq3A_2250 = arith.xori %eq3A_2248, %eq3A_2249 : vector<16x128xi1>
    %select_n3A_2251 = arith.select %eq3A_2250, %select_n3A_2241, %select_n3A_2206 : vector<16x128xi1>, vector<16x128xf32>
    %select_n3A_2252 = arith.select %eq3A_2250, %select_n3A_2242, %select_n3A_2207 : vector<16x128xi1>, vector<16x128xi32>
    %and3A_2253 = arith.constant 16 : i32
    %and3A_2254 = vector.broadcast %and3A_2253 : i32 to vector<16x128xi32>
    %and3A_2255 = arith.andi %add3A, %and3A_2254 : vector<16x128xi32>
    %ne3A_2256 = arith.constant 0 : i32
    %ne3A_2257 = vector.broadcast %ne3A_2256 : i32 to vector<16x128xi32>
    %ne3A_2258 = arith.cmpi ne, %and3A_2255, %ne3A_2257 : vector<16x128xi32>
    %and3A_2259 = arith.constant 1024 : i32
    %and3A_2260 = vector.broadcast %and3A_2259 : i32 to vector<16x128xi32>
    %and3A_2261 = arith.andi %add3A, %and3A_2260 : vector<16x128xi32>
    %eq3A_2262 = arith.constant 0 : i32
    %eq3A_2263 = vector.broadcast %eq3A_2262 : i32 to vector<16x128xi32>
    %eq3A_2264 = arith.cmpi eq, %and3A_2261, %eq3A_2263 : vector<16x128xi32>
    %and3A_2265 = arith.constant 16 : i32
    %and3A_2266 = vector.broadcast %and3A_2265 : i32 to vector<16x128xi32>
    %and3A_2267 = arith.andi %add3A, %and3A_2266 : vector<16x128xi32>
    %eq3A_2268 = arith.constant 0 : i32
    %eq3A_2269 = vector.broadcast %eq3A_2268 : i32 to vector<16x128xi32>
    %eq3A_2270 = arith.cmpi eq, %and3A_2267, %eq3A_2269 : vector<16x128xi32>
    %eq3A_2271 = arith.xori %eq3A_2264, %eq3A_2270 : vector<16x128xi1>
    %eq3A_2272 = arith.constant dense<true> : vector<16x128xi1>
    %eq3A_2273 = arith.xori %eq3A_2271, %eq3A_2272 : vector<16x128xi1>
    %slice3A_2274 = vector.extract_strided_slice %select_n3A_2251 {offsets = [0, 16], sizes = [16, 112], strides = [1, 1]} : vector<16x128xf32> to vector<16x112xf32>
    %slice3A_2275 = vector.extract_strided_slice %select_n3A_2251 {offsets = [0, 0], sizes = [16, 16], strides = [1, 1]} : vector<16x128xf32> to vector<16x16xf32>
    %concatenate3A_2276 = tpu.concatenate %slice3A_2274, %slice3A_2275 in 1 : vector<16x112xf32>, vector<16x16xf32> -> vector<16x128xf32>
    %slice3A_2277 = vector.extract_strided_slice %select_n3A_2251 {offsets = [0, 112], sizes = [16, 16], strides = [1, 1]} : vector<16x128xf32> to vector<16x16xf32>
    %slice3A_2278 = vector.extract_strided_slice %select_n3A_2251 {offsets = [0, 0], sizes = [16, 112], strides = [1, 1]} : vector<16x128xf32> to vector<16x112xf32>
    %concatenate3A_2279 = tpu.concatenate %slice3A_2277, %slice3A_2278 in 1 : vector<16x16xf32>, vector<16x112xf32> -> vector<16x128xf32>
    %slice3A_2280 = vector.extract_strided_slice %select_n3A_2252 {offsets = [0, 16], sizes = [16, 112], strides = [1, 1]} : vector<16x128xi32> to vector<16x112xi32>
    %slice3A_2281 = vector.extract_strided_slice %select_n3A_2252 {offsets = [0, 0], sizes = [16, 16], strides = [1, 1]} : vector<16x128xi32> to vector<16x16xi32>
    %concatenate3A_2282 = tpu.concatenate %slice3A_2280, %slice3A_2281 in 1 : vector<16x112xi32>, vector<16x16xi32> -> vector<16x128xi32>
    %slice3A_2283 = vector.extract_strided_slice %select_n3A_2252 {offsets = [0, 112], sizes = [16, 16], strides = [1, 1]} : vector<16x128xi32> to vector<16x16xi32>
    %slice3A_2284 = vector.extract_strided_slice %select_n3A_2252 {offsets = [0, 0], sizes = [16, 112], strides = [1, 1]} : vector<16x128xi32> to vector<16x112xi32>
    %concatenate3A_2285 = tpu.concatenate %slice3A_2283, %slice3A_2284 in 1 : vector<16x16xi32>, vector<16x112xi32> -> vector<16x128xi32>
    %select_n3A_2286 = arith.select %ne3A_2258, %concatenate3A_2279, %concatenate3A_2276 : vector<16x128xi1>, vector<16x128xf32>
    %select_n3A_2287 = arith.select %ne3A_2258, %concatenate3A_2285, %concatenate3A_2282 : vector<16x128xi1>, vector<16x128xi32>
    %lt3A_2288 = arith.cmpf olt, %select_n3A_2251, %select_n3A_2286 : vector<16x128xf32>
    %eq3A_2289 = arith.cmpf oeq, %select_n3A_2251, %select_n3A_2286 : vector<16x128xf32>
    %gt3A_2290 = arith.cmpi sgt, %select_n3A_2252, %select_n3A_2287 : vector<16x128xi32>
    %and3A_2291 = arith.andi %eq3A_2289, %gt3A_2290 : vector<16x128xi1>
    %or3A_2292 = arith.ori %lt3A_2288, %and3A_2291 : vector<16x128xi1>
    %eq3A_2293 = arith.xori %or3A_2292, %eq3A_2273 : vector<16x128xi1>
    %eq3A_2294 = arith.constant dense<true> : vector<16x128xi1>
    %eq3A_2295 = arith.xori %eq3A_2293, %eq3A_2294 : vector<16x128xi1>
    %select_n3A_2296 = arith.select %eq3A_2295, %select_n3A_2286, %select_n3A_2251 : vector<16x128xi1>, vector<16x128xf32>
    %select_n3A_2297 = arith.select %eq3A_2295, %select_n3A_2287, %select_n3A_2252 : vector<16x128xi1>, vector<16x128xi32>
    %and3A_2298 = arith.constant 8 : i32
    %and3A_2299 = vector.broadcast %and3A_2298 : i32 to vector<16x128xi32>
    %and3A_2300 = arith.andi %add3A, %and3A_2299 : vector<16x128xi32>
    %ne3A_2301 = arith.constant 0 : i32
    %ne3A_2302 = vector.broadcast %ne3A_2301 : i32 to vector<16x128xi32>
    %ne3A_2303 = arith.cmpi ne, %and3A_2300, %ne3A_2302 : vector<16x128xi32>
    %and3A_2304 = arith.constant 1024 : i32
    %and3A_2305 = vector.broadcast %and3A_2304 : i32 to vector<16x128xi32>
    %and3A_2306 = arith.andi %add3A, %and3A_2305 : vector<16x128xi32>
    %eq3A_2307 = arith.constant 0 : i32
    %eq3A_2308 = vector.broadcast %eq3A_2307 : i32 to vector<16x128xi32>
    %eq3A_2309 = arith.cmpi eq, %and3A_2306, %eq3A_2308 : vector<16x128xi32>
    %and3A_2310 = arith.constant 8 : i32
    %and3A_2311 = vector.broadcast %and3A_2310 : i32 to vector<16x128xi32>
    %and3A_2312 = arith.andi %add3A, %and3A_2311 : vector<16x128xi32>
    %eq3A_2313 = arith.constant 0 : i32
    %eq3A_2314 = vector.broadcast %eq3A_2313 : i32 to vector<16x128xi32>
    %eq3A_2315 = arith.cmpi eq, %and3A_2312, %eq3A_2314 : vector<16x128xi32>
    %eq3A_2316 = arith.xori %eq3A_2309, %eq3A_2315 : vector<16x128xi1>
    %eq3A_2317 = arith.constant dense<true> : vector<16x128xi1>
    %eq3A_2318 = arith.xori %eq3A_2316, %eq3A_2317 : vector<16x128xi1>
    %slice3A_2319 = vector.extract_strided_slice %select_n3A_2296 {offsets = [0, 8], sizes = [16, 120], strides = [1, 1]} : vector<16x128xf32> to vector<16x120xf32>
    %slice3A_2320 = vector.extract_strided_slice %select_n3A_2296 {offsets = [0, 0], sizes = [16, 8], strides = [1, 1]} : vector<16x128xf32> to vector<16x8xf32>
    %concatenate3A_2321 = tpu.concatenate %slice3A_2319, %slice3A_2320 in 1 : vector<16x120xf32>, vector<16x8xf32> -> vector<16x128xf32>
    %slice3A_2322 = vector.extract_strided_slice %select_n3A_2296 {offsets = [0, 120], sizes = [16, 8], strides = [1, 1]} : vector<16x128xf32> to vector<16x8xf32>
    %slice3A_2323 = vector.extract_strided_slice %select_n3A_2296 {offsets = [0, 0], sizes = [16, 120], strides = [1, 1]} : vector<16x128xf32> to vector<16x120xf32>
    %concatenate3A_2324 = tpu.concatenate %slice3A_2322, %slice3A_2323 in 1 : vector<16x8xf32>, vector<16x120xf32> -> vector<16x128xf32>
    %slice3A_2325 = vector.extract_strided_slice %select_n3A_2297 {offsets = [0, 8], sizes = [16, 120], strides = [1, 1]} : vector<16x128xi32> to vector<16x120xi32>
    %slice3A_2326 = vector.extract_strided_slice %select_n3A_2297 {offsets = [0, 0], sizes = [16, 8], strides = [1, 1]} : vector<16x128xi32> to vector<16x8xi32>
    %concatenate3A_2327 = tpu.concatenate %slice3A_2325, %slice3A_2326 in 1 : vector<16x120xi32>, vector<16x8xi32> -> vector<16x128xi32>
    %slice3A_2328 = vector.extract_strided_slice %select_n3A_2297 {offsets = [0, 120], sizes = [16, 8], strides = [1, 1]} : vector<16x128xi32> to vector<16x8xi32>
    %slice3A_2329 = vector.extract_strided_slice %select_n3A_2297 {offsets = [0, 0], sizes = [16, 120], strides = [1, 1]} : vector<16x128xi32> to vector<16x120xi32>
    %concatenate3A_2330 = tpu.concatenate %slice3A_2328, %slice3A_2329 in 1 : vector<16x8xi32>, vector<16x120xi32> -> vector<16x128xi32>
    %select_n3A_2331 = arith.select %ne3A_2303, %concatenate3A_2324, %concatenate3A_2321 : vector<16x128xi1>, vector<16x128xf32>
    %select_n3A_2332 = arith.select %ne3A_2303, %concatenate3A_2330, %concatenate3A_2327 : vector<16x128xi1>, vector<16x128xi32>
    %lt3A_2333 = arith.cmpf olt, %select_n3A_2296, %select_n3A_2331 : vector<16x128xf32>
    %eq3A_2334 = arith.cmpf oeq, %select_n3A_2296, %select_n3A_2331 : vector<16x128xf32>
    %gt3A_2335 = arith.cmpi sgt, %select_n3A_2297, %select_n3A_2332 : vector<16x128xi32>
    %and3A_2336 = arith.andi %eq3A_2334, %gt3A_2335 : vector<16x128xi1>
    %or3A_2337 = arith.ori %lt3A_2333, %and3A_2336 : vector<16x128xi1>
    %eq3A_2338 = arith.xori %or3A_2337, %eq3A_2318 : vector<16x128xi1>
    %eq3A_2339 = arith.constant dense<true> : vector<16x128xi1>
    %eq3A_2340 = arith.xori %eq3A_2338, %eq3A_2339 : vector<16x128xi1>
    %select_n3A_2341 = arith.select %eq3A_2340, %select_n3A_2331, %select_n3A_2296 : vector<16x128xi1>, vector<16x128xf32>
    %select_n3A_2342 = arith.select %eq3A_2340, %select_n3A_2332, %select_n3A_2297 : vector<16x128xi1>, vector<16x128xi32>
    %and3A_2343 = arith.constant 4 : i32
    %and3A_2344 = vector.broadcast %and3A_2343 : i32 to vector<16x128xi32>
    %and3A_2345 = arith.andi %add3A, %and3A_2344 : vector<16x128xi32>
    %ne3A_2346 = arith.constant 0 : i32
    %ne3A_2347 = vector.broadcast %ne3A_2346 : i32 to vector<16x128xi32>
    %ne3A_2348 = arith.cmpi ne, %and3A_2345, %ne3A_2347 : vector<16x128xi32>
    %and3A_2349 = arith.constant 1024 : i32
    %and3A_2350 = vector.broadcast %and3A_2349 : i32 to vector<16x128xi32>
    %and3A_2351 = arith.andi %add3A, %and3A_2350 : vector<16x128xi32>
    %eq3A_2352 = arith.constant 0 : i32
    %eq3A_2353 = vector.broadcast %eq3A_2352 : i32 to vector<16x128xi32>
    %eq3A_2354 = arith.cmpi eq, %and3A_2351, %eq3A_2353 : vector<16x128xi32>
    %and3A_2355 = arith.constant 4 : i32
    %and3A_2356 = vector.broadcast %and3A_2355 : i32 to vector<16x128xi32>
    %and3A_2357 = arith.andi %add3A, %and3A_2356 : vector<16x128xi32>
    %eq3A_2358 = arith.constant 0 : i32
    %eq3A_2359 = vector.broadcast %eq3A_2358 : i32 to vector<16x128xi32>
    %eq3A_2360 = arith.cmpi eq, %and3A_2357, %eq3A_2359 : vector<16x128xi32>
    %eq3A_2361 = arith.xori %eq3A_2354, %eq3A_2360 : vector<16x128xi1>
    %eq3A_2362 = arith.constant dense<true> : vector<16x128xi1>
    %eq3A_2363 = arith.xori %eq3A_2361, %eq3A_2362 : vector<16x128xi1>
    %slice3A_2364 = vector.extract_strided_slice %select_n3A_2341 {offsets = [0, 4], sizes = [16, 124], strides = [1, 1]} : vector<16x128xf32> to vector<16x124xf32>
    %slice3A_2365 = vector.extract_strided_slice %select_n3A_2341 {offsets = [0, 0], sizes = [16, 4], strides = [1, 1]} : vector<16x128xf32> to vector<16x4xf32>
    %concatenate3A_2366 = tpu.concatenate %slice3A_2364, %slice3A_2365 in 1 : vector<16x124xf32>, vector<16x4xf32> -> vector<16x128xf32>
    %slice3A_2367 = vector.extract_strided_slice %select_n3A_2341 {offsets = [0, 124], sizes = [16, 4], strides = [1, 1]} : vector<16x128xf32> to vector<16x4xf32>
    %slice3A_2368 = vector.extract_strided_slice %select_n3A_2341 {offsets = [0, 0], sizes = [16, 124], strides = [1, 1]} : vector<16x128xf32> to vector<16x124xf32>
    %concatenate3A_2369 = tpu.concatenate %slice3A_2367, %slice3A_2368 in 1 : vector<16x4xf32>, vector<16x124xf32> -> vector<16x128xf32>
    %slice3A_2370 = vector.extract_strided_slice %select_n3A_2342 {offsets = [0, 4], sizes = [16, 124], strides = [1, 1]} : vector<16x128xi32> to vector<16x124xi32>
    %slice3A_2371 = vector.extract_strided_slice %select_n3A_2342 {offsets = [0, 0], sizes = [16, 4], strides = [1, 1]} : vector<16x128xi32> to vector<16x4xi32>
    %concatenate3A_2372 = tpu.concatenate %slice3A_2370, %slice3A_2371 in 1 : vector<16x124xi32>, vector<16x4xi32> -> vector<16x128xi32>
    %slice3A_2373 = vector.extract_strided_slice %select_n3A_2342 {offsets = [0, 124], sizes = [16, 4], strides = [1, 1]} : vector<16x128xi32> to vector<16x4xi32>
    %slice3A_2374 = vector.extract_strided_slice %select_n3A_2342 {offsets = [0, 0], sizes = [16, 124], strides = [1, 1]} : vector<16x128xi32> to vector<16x124xi32>
    %concatenate3A_2375 = tpu.concatenate %slice3A_2373, %slice3A_2374 in 1 : vector<16x4xi32>, vector<16x124xi32> -> vector<16x128xi32>
    %select_n3A_2376 = arith.select %ne3A_2348, %concatenate3A_2369, %concatenate3A_2366 : vector<16x128xi1>, vector<16x128xf32>
    %select_n3A_2377 = arith.select %ne3A_2348, %concatenate3A_2375, %concatenate3A_2372 : vector<16x128xi1>, vector<16x128xi32>
    %lt3A_2378 = arith.cmpf olt, %select_n3A_2341, %select_n3A_2376 : vector<16x128xf32>
    %eq3A_2379 = arith.cmpf oeq, %select_n3A_2341, %select_n3A_2376 : vector<16x128xf32>
    %gt3A_2380 = arith.cmpi sgt, %select_n3A_2342, %select_n3A_2377 : vector<16x128xi32>
    %and3A_2381 = arith.andi %eq3A_2379, %gt3A_2380 : vector<16x128xi1>
    %or3A_2382 = arith.ori %lt3A_2378, %and3A_2381 : vector<16x128xi1>
    %eq3A_2383 = arith.xori %or3A_2382, %eq3A_2363 : vector<16x128xi1>
    %eq3A_2384 = arith.constant dense<true> : vector<16x128xi1>
    %eq3A_2385 = arith.xori %eq3A_2383, %eq3A_2384 : vector<16x128xi1>
    %select_n3A_2386 = arith.select %eq3A_2385, %select_n3A_2376, %select_n3A_2341 : vector<16x128xi1>, vector<16x128xf32>
    %select_n3A_2387 = arith.select %eq3A_2385, %select_n3A_2377, %select_n3A_2342 : vector<16x128xi1>, vector<16x128xi32>
    %and3A_2388 = arith.constant 2 : i32
    %and3A_2389 = vector.broadcast %and3A_2388 : i32 to vector<16x128xi32>
    %and3A_2390 = arith.andi %add3A, %and3A_2389 : vector<16x128xi32>
    %ne3A_2391 = arith.constant 0 : i32
    %ne3A_2392 = vector.broadcast %ne3A_2391 : i32 to vector<16x128xi32>
    %ne3A_2393 = arith.cmpi ne, %and3A_2390, %ne3A_2392 : vector<16x128xi32>
    %and3A_2394 = arith.constant 1024 : i32
    %and3A_2395 = vector.broadcast %and3A_2394 : i32 to vector<16x128xi32>
    %and3A_2396 = arith.andi %add3A, %and3A_2395 : vector<16x128xi32>
    %eq3A_2397 = arith.constant 0 : i32
    %eq3A_2398 = vector.broadcast %eq3A_2397 : i32 to vector<16x128xi32>
    %eq3A_2399 = arith.cmpi eq, %and3A_2396, %eq3A_2398 : vector<16x128xi32>
    %and3A_2400 = arith.constant 2 : i32
    %and3A_2401 = vector.broadcast %and3A_2400 : i32 to vector<16x128xi32>
    %and3A_2402 = arith.andi %add3A, %and3A_2401 : vector<16x128xi32>
    %eq3A_2403 = arith.constant 0 : i32
    %eq3A_2404 = vector.broadcast %eq3A_2403 : i32 to vector<16x128xi32>
    %eq3A_2405 = arith.cmpi eq, %and3A_2402, %eq3A_2404 : vector<16x128xi32>
    %eq3A_2406 = arith.xori %eq3A_2399, %eq3A_2405 : vector<16x128xi1>
    %eq3A_2407 = arith.constant dense<true> : vector<16x128xi1>
    %eq3A_2408 = arith.xori %eq3A_2406, %eq3A_2407 : vector<16x128xi1>
    %slice3A_2409 = vector.extract_strided_slice %select_n3A_2386 {offsets = [0, 2], sizes = [16, 126], strides = [1, 1]} : vector<16x128xf32> to vector<16x126xf32>
    %slice3A_2410 = vector.extract_strided_slice %select_n3A_2386 {offsets = [0, 0], sizes = [16, 2], strides = [1, 1]} : vector<16x128xf32> to vector<16x2xf32>
    %concatenate3A_2411 = tpu.concatenate %slice3A_2409, %slice3A_2410 in 1 : vector<16x126xf32>, vector<16x2xf32> -> vector<16x128xf32>
    %slice3A_2412 = vector.extract_strided_slice %select_n3A_2386 {offsets = [0, 126], sizes = [16, 2], strides = [1, 1]} : vector<16x128xf32> to vector<16x2xf32>
    %slice3A_2413 = vector.extract_strided_slice %select_n3A_2386 {offsets = [0, 0], sizes = [16, 126], strides = [1, 1]} : vector<16x128xf32> to vector<16x126xf32>
    %concatenate3A_2414 = tpu.concatenate %slice3A_2412, %slice3A_2413 in 1 : vector<16x2xf32>, vector<16x126xf32> -> vector<16x128xf32>
    %slice3A_2415 = vector.extract_strided_slice %select_n3A_2387 {offsets = [0, 2], sizes = [16, 126], strides = [1, 1]} : vector<16x128xi32> to vector<16x126xi32>
    %slice3A_2416 = vector.extract_strided_slice %select_n3A_2387 {offsets = [0, 0], sizes = [16, 2], strides = [1, 1]} : vector<16x128xi32> to vector<16x2xi32>
    %concatenate3A_2417 = tpu.concatenate %slice3A_2415, %slice3A_2416 in 1 : vector<16x126xi32>, vector<16x2xi32> -> vector<16x128xi32>
    %slice3A_2418 = vector.extract_strided_slice %select_n3A_2387 {offsets = [0, 126], sizes = [16, 2], strides = [1, 1]} : vector<16x128xi32> to vector<16x2xi32>
    %slice3A_2419 = vector.extract_strided_slice %select_n3A_2387 {offsets = [0, 0], sizes = [16, 126], strides = [1, 1]} : vector<16x128xi32> to vector<16x126xi32>
    %concatenate3A_2420 = tpu.concatenate %slice3A_2418, %slice3A_2419 in 1 : vector<16x2xi32>, vector<16x126xi32> -> vector<16x128xi32>
    %select_n3A_2421 = arith.select %ne3A_2393, %concatenate3A_2414, %concatenate3A_2411 : vector<16x128xi1>, vector<16x128xf32>
    %select_n3A_2422 = arith.select %ne3A_2393, %concatenate3A_2420, %concatenate3A_2417 : vector<16x128xi1>, vector<16x128xi32>
    %lt3A_2423 = arith.cmpf olt, %select_n3A_2386, %select_n3A_2421 : vector<16x128xf32>
    %eq3A_2424 = arith.cmpf oeq, %select_n3A_2386, %select_n3A_2421 : vector<16x128xf32>
    %gt3A_2425 = arith.cmpi sgt, %select_n3A_2387, %select_n3A_2422 : vector<16x128xi32>
    %and3A_2426 = arith.andi %eq3A_2424, %gt3A_2425 : vector<16x128xi1>
    %or3A_2427 = arith.ori %lt3A_2423, %and3A_2426 : vector<16x128xi1>
    %eq3A_2428 = arith.xori %or3A_2427, %eq3A_2408 : vector<16x128xi1>
    %eq3A_2429 = arith.constant dense<true> : vector<16x128xi1>
    %eq3A_2430 = arith.xori %eq3A_2428, %eq3A_2429 : vector<16x128xi1>
    %select_n3A_2431 = arith.select %eq3A_2430, %select_n3A_2421, %select_n3A_2386 : vector<16x128xi1>, vector<16x128xf32>
    %select_n3A_2432 = arith.select %eq3A_2430, %select_n3A_2422, %select_n3A_2387 : vector<16x128xi1>, vector<16x128xi32>
    %and3A_2433 = arith.constant 1 : i32
    %and3A_2434 = vector.broadcast %and3A_2433 : i32 to vector<16x128xi32>
    %and3A_2435 = arith.andi %add3A, %and3A_2434 : vector<16x128xi32>
    %ne3A_2436 = arith.constant 0 : i32
    %ne3A_2437 = vector.broadcast %ne3A_2436 : i32 to vector<16x128xi32>
    %ne3A_2438 = arith.cmpi ne, %and3A_2435, %ne3A_2437 : vector<16x128xi32>
    %and3A_2439 = arith.constant 1024 : i32
    %and3A_2440 = vector.broadcast %and3A_2439 : i32 to vector<16x128xi32>
    %and3A_2441 = arith.andi %add3A, %and3A_2440 : vector<16x128xi32>
    %eq3A_2442 = arith.constant 0 : i32
    %eq3A_2443 = vector.broadcast %eq3A_2442 : i32 to vector<16x128xi32>
    %eq3A_2444 = arith.cmpi eq, %and3A_2441, %eq3A_2443 : vector<16x128xi32>
    %and3A_2445 = arith.constant 1 : i32
    %and3A_2446 = vector.broadcast %and3A_2445 : i32 to vector<16x128xi32>
    %and3A_2447 = arith.andi %add3A, %and3A_2446 : vector<16x128xi32>
    %eq3A_2448 = arith.constant 0 : i32
    %eq3A_2449 = vector.broadcast %eq3A_2448 : i32 to vector<16x128xi32>
    %eq3A_2450 = arith.cmpi eq, %and3A_2447, %eq3A_2449 : vector<16x128xi32>
    %eq3A_2451 = arith.xori %eq3A_2444, %eq3A_2450 : vector<16x128xi1>
    %eq3A_2452 = arith.constant dense<true> : vector<16x128xi1>
    %eq3A_2453 = arith.xori %eq3A_2451, %eq3A_2452 : vector<16x128xi1>
    %slice3A_2454 = vector.extract_strided_slice %select_n3A_2431 {offsets = [0, 1], sizes = [16, 127], strides = [1, 1]} : vector<16x128xf32> to vector<16x127xf32>
    %slice3A_2455 = vector.extract_strided_slice %select_n3A_2431 {offsets = [0, 0], sizes = [16, 1], strides = [1, 1]} : vector<16x128xf32> to vector<16x1xf32>
    %concatenate3A_2456 = tpu.concatenate %slice3A_2454, %slice3A_2455 in 1 : vector<16x127xf32>, vector<16x1xf32> -> vector<16x128xf32>
    %slice3A_2457 = vector.extract_strided_slice %select_n3A_2431 {offsets = [0, 127], sizes = [16, 1], strides = [1, 1]} : vector<16x128xf32> to vector<16x1xf32>
    %slice3A_2458 = vector.extract_strided_slice %select_n3A_2431 {offsets = [0, 0], sizes = [16, 127], strides = [1, 1]} : vector<16x128xf32> to vector<16x127xf32>
    %concatenate3A_2459 = tpu.concatenate %slice3A_2457, %slice3A_2458 in 1 : vector<16x1xf32>, vector<16x127xf32> -> vector<16x128xf32>
    %slice3A_2460 = vector.extract_strided_slice %select_n3A_2432 {offsets = [0, 1], sizes = [16, 127], strides = [1, 1]} : vector<16x128xi32> to vector<16x127xi32>
    %slice3A_2461 = vector.extract_strided_slice %select_n3A_2432 {offsets = [0, 0], sizes = [16, 1], strides = [1, 1]} : vector<16x128xi32> to vector<16x1xi32>
    %concatenate3A_2462 = tpu.concatenate %slice3A_2460, %slice3A_2461 in 1 : vector<16x127xi32>, vector<16x1xi32> -> vector<16x128xi32>
    %slice3A_2463 = vector.extract_strided_slice %select_n3A_2432 {offsets = [0, 127], sizes = [16, 1], strides = [1, 1]} : vector<16x128xi32> to vector<16x1xi32>
    %slice3A_2464 = vector.extract_strided_slice %select_n3A_2432 {offsets = [0, 0], sizes = [16, 127], strides = [1, 1]} : vector<16x128xi32> to vector<16x127xi32>
    %concatenate3A_2465 = tpu.concatenate %slice3A_2463, %slice3A_2464 in 1 : vector<16x1xi32>, vector<16x127xi32> -> vector<16x128xi32>
    %select_n3A_2466 = arith.select %ne3A_2438, %concatenate3A_2459, %concatenate3A_2456 : vector<16x128xi1>, vector<16x128xf32>
    %select_n3A_2467 = arith.select %ne3A_2438, %concatenate3A_2465, %concatenate3A_2462 : vector<16x128xi1>, vector<16x128xi32>
    %lt3A_2468 = arith.cmpf olt, %select_n3A_2431, %select_n3A_2466 : vector<16x128xf32>
    %eq3A_2469 = arith.cmpf oeq, %select_n3A_2431, %select_n3A_2466 : vector<16x128xf32>
    %gt3A_2470 = arith.cmpi sgt, %select_n3A_2432, %select_n3A_2467 : vector<16x128xi32>
    %and3A_2471 = arith.andi %eq3A_2469, %gt3A_2470 : vector<16x128xi1>
    %or3A_2472 = arith.ori %lt3A_2468, %and3A_2471 : vector<16x128xi1>
    %eq3A_2473 = arith.xori %or3A_2472, %eq3A_2453 : vector<16x128xi1>
    %eq3A_2474 = arith.constant dense<true> : vector<16x128xi1>
    %eq3A_2475 = arith.xori %eq3A_2473, %eq3A_2474 : vector<16x128xi1>
    %select_n3A_2476 = arith.select %eq3A_2475, %select_n3A_2466, %select_n3A_2431 : vector<16x128xi1>, vector<16x128xf32>
    %select_n3A_2477 = arith.select %eq3A_2475, %select_n3A_2467, %select_n3A_2432 : vector<16x128xi1>, vector<16x128xi32>
    %and3A_2478 = arith.constant 1024 : i32
    %and3A_2479 = vector.broadcast %and3A_2478 : i32 to vector<16x128xi32>
    %and3A_2480 = arith.andi %add3A, %and3A_2479 : vector<16x128xi32>
    %ne3A_2481 = arith.constant 0 : i32
    %ne3A_2482 = vector.broadcast %ne3A_2481 : i32 to vector<16x128xi32>
    %ne3A_2483 = arith.cmpi ne, %and3A_2480, %ne3A_2482 : vector<16x128xi32>
    %and3A_2484 = arith.constant 2048 : i32
    %and3A_2485 = vector.broadcast %and3A_2484 : i32 to vector<16x128xi32>
    %and3A_2486 = arith.andi %add3A, %and3A_2485 : vector<16x128xi32>
    %eq3A_2487 = arith.constant 0 : i32
    %eq3A_2488 = vector.broadcast %eq3A_2487 : i32 to vector<16x128xi32>
    %eq3A_2489 = arith.cmpi eq, %and3A_2486, %eq3A_2488 : vector<16x128xi32>
    %and3A_2490 = arith.constant 1024 : i32
    %and3A_2491 = vector.broadcast %and3A_2490 : i32 to vector<16x128xi32>
    %and3A_2492 = arith.andi %add3A, %and3A_2491 : vector<16x128xi32>
    %eq3A_2493 = arith.constant 0 : i32
    %eq3A_2494 = vector.broadcast %eq3A_2493 : i32 to vector<16x128xi32>
    %eq3A_2495 = arith.cmpi eq, %and3A_2492, %eq3A_2494 : vector<16x128xi32>
    %eq3A_2496 = arith.xori %eq3A_2489, %eq3A_2495 : vector<16x128xi1>
    %eq3A_2497 = arith.constant dense<true> : vector<16x128xi1>
    %eq3A_2498 = arith.xori %eq3A_2496, %eq3A_2497 : vector<16x128xi1>
    %slice3A_2499 = vector.extract_strided_slice %select_n3A_2476 {offsets = [8, 0], sizes = [8, 128], strides = [1, 1]} : vector<16x128xf32> to vector<8x128xf32>
    %slice3A_2500 = vector.extract_strided_slice %select_n3A_2476 {offsets = [0, 0], sizes = [8, 128], strides = [1, 1]} : vector<16x128xf32> to vector<8x128xf32>
    %concatenate3A_2501 = tpu.concatenate %slice3A_2499, %slice3A_2500 in 0 : vector<8x128xf32>, vector<8x128xf32> -> vector<16x128xf32>
    %slice3A_2502 = vector.extract_strided_slice %select_n3A_2476 {offsets = [8, 0], sizes = [8, 128], strides = [1, 1]} : vector<16x128xf32> to vector<8x128xf32>
    %slice3A_2503 = vector.extract_strided_slice %select_n3A_2476 {offsets = [0, 0], sizes = [8, 128], strides = [1, 1]} : vector<16x128xf32> to vector<8x128xf32>
    %concatenate3A_2504 = tpu.concatenate %slice3A_2502, %slice3A_2503 in 0 : vector<8x128xf32>, vector<8x128xf32> -> vector<16x128xf32>
    %slice3A_2505 = vector.extract_strided_slice %select_n3A_2477 {offsets = [8, 0], sizes = [8, 128], strides = [1, 1]} : vector<16x128xi32> to vector<8x128xi32>
    %slice3A_2506 = vector.extract_strided_slice %select_n3A_2477 {offsets = [0, 0], sizes = [8, 128], strides = [1, 1]} : vector<16x128xi32> to vector<8x128xi32>
    %concatenate3A_2507 = tpu.concatenate %slice3A_2505, %slice3A_2506 in 0 : vector<8x128xi32>, vector<8x128xi32> -> vector<16x128xi32>
    %slice3A_2508 = vector.extract_strided_slice %select_n3A_2477 {offsets = [8, 0], sizes = [8, 128], strides = [1, 1]} : vector<16x128xi32> to vector<8x128xi32>
    %slice3A_2509 = vector.extract_strided_slice %select_n3A_2477 {offsets = [0, 0], sizes = [8, 128], strides = [1, 1]} : vector<16x128xi32> to vector<8x128xi32>
    %concatenate3A_2510 = tpu.concatenate %slice3A_2508, %slice3A_2509 in 0 : vector<8x128xi32>, vector<8x128xi32> -> vector<16x128xi32>
    %select_n3A_2511 = arith.select %ne3A_2483, %concatenate3A_2504, %concatenate3A_2501 : vector<16x128xi1>, vector<16x128xf32>
    %select_n3A_2512 = arith.select %ne3A_2483, %concatenate3A_2510, %concatenate3A_2507 : vector<16x128xi1>, vector<16x128xi32>
    %lt3A_2513 = arith.cmpf olt, %select_n3A_2476, %select_n3A_2511 : vector<16x128xf32>
    %eq3A_2514 = arith.cmpf oeq, %select_n3A_2476, %select_n3A_2511 : vector<16x128xf32>
    %gt3A_2515 = arith.cmpi sgt, %select_n3A_2477, %select_n3A_2512 : vector<16x128xi32>
    %and3A_2516 = arith.andi %eq3A_2514, %gt3A_2515 : vector<16x128xi1>
    %or3A_2517 = arith.ori %lt3A_2513, %and3A_2516 : vector<16x128xi1>
    %eq3A_2518 = arith.xori %or3A_2517, %eq3A_2498 : vector<16x128xi1>
    %eq3A_2519 = arith.constant dense<true> : vector<16x128xi1>
    %eq3A_2520 = arith.xori %eq3A_2518, %eq3A_2519 : vector<16x128xi1>
    %select_n3A_2521 = arith.select %eq3A_2520, %select_n3A_2511, %select_n3A_2476 : vector<16x128xi1>, vector<16x128xf32>
    %select_n3A_2522 = arith.select %eq3A_2520, %select_n3A_2512, %select_n3A_2477 : vector<16x128xi1>, vector<16x128xi32>
    %and3A_2523 = arith.constant 512 : i32
    %and3A_2524 = vector.broadcast %and3A_2523 : i32 to vector<16x128xi32>
    %and3A_2525 = arith.andi %add3A, %and3A_2524 : vector<16x128xi32>
    %ne3A_2526 = arith.constant 0 : i32
    %ne3A_2527 = vector.broadcast %ne3A_2526 : i32 to vector<16x128xi32>
    %ne3A_2528 = arith.cmpi ne, %and3A_2525, %ne3A_2527 : vector<16x128xi32>
    %and3A_2529 = arith.constant 2048 : i32
    %and3A_2530 = vector.broadcast %and3A_2529 : i32 to vector<16x128xi32>
    %and3A_2531 = arith.andi %add3A, %and3A_2530 : vector<16x128xi32>
    %eq3A_2532 = arith.constant 0 : i32
    %eq3A_2533 = vector.broadcast %eq3A_2532 : i32 to vector<16x128xi32>
    %eq3A_2534 = arith.cmpi eq, %and3A_2531, %eq3A_2533 : vector<16x128xi32>
    %and3A_2535 = arith.constant 512 : i32
    %and3A_2536 = vector.broadcast %and3A_2535 : i32 to vector<16x128xi32>
    %and3A_2537 = arith.andi %add3A, %and3A_2536 : vector<16x128xi32>
    %eq3A_2538 = arith.constant 0 : i32
    %eq3A_2539 = vector.broadcast %eq3A_2538 : i32 to vector<16x128xi32>
    %eq3A_2540 = arith.cmpi eq, %and3A_2537, %eq3A_2539 : vector<16x128xi32>
    %eq3A_2541 = arith.xori %eq3A_2534, %eq3A_2540 : vector<16x128xi1>
    %eq3A_2542 = arith.constant dense<true> : vector<16x128xi1>
    %eq3A_2543 = arith.xori %eq3A_2541, %eq3A_2542 : vector<16x128xi1>
    %slice3A_2544 = vector.extract_strided_slice %select_n3A_2521 {offsets = [4, 0], sizes = [12, 128], strides = [1, 1]} : vector<16x128xf32> to vector<12x128xf32>
    %slice3A_2545 = vector.extract_strided_slice %select_n3A_2521 {offsets = [0, 0], sizes = [4, 128], strides = [1, 1]} : vector<16x128xf32> to vector<4x128xf32>
    %concatenate3A_2546 = tpu.concatenate %slice3A_2544, %slice3A_2545 in 0 : vector<12x128xf32>, vector<4x128xf32> -> vector<16x128xf32>
    %slice3A_2547 = vector.extract_strided_slice %select_n3A_2521 {offsets = [12, 0], sizes = [4, 128], strides = [1, 1]} : vector<16x128xf32> to vector<4x128xf32>
    %slice3A_2548 = vector.extract_strided_slice %select_n3A_2521 {offsets = [0, 0], sizes = [12, 128], strides = [1, 1]} : vector<16x128xf32> to vector<12x128xf32>
    %concatenate3A_2549 = tpu.concatenate %slice3A_2547, %slice3A_2548 in 0 : vector<4x128xf32>, vector<12x128xf32> -> vector<16x128xf32>
    %slice3A_2550 = vector.extract_strided_slice %select_n3A_2522 {offsets = [4, 0], sizes = [12, 128], strides = [1, 1]} : vector<16x128xi32> to vector<12x128xi32>
    %slice3A_2551 = vector.extract_strided_slice %select_n3A_2522 {offsets = [0, 0], sizes = [4, 128], strides = [1, 1]} : vector<16x128xi32> to vector<4x128xi32>
    %concatenate3A_2552 = tpu.concatenate %slice3A_2550, %slice3A_2551 in 0 : vector<12x128xi32>, vector<4x128xi32> -> vector<16x128xi32>
    %slice3A_2553 = vector.extract_strided_slice %select_n3A_2522 {offsets = [12, 0], sizes = [4, 128], strides = [1, 1]} : vector<16x128xi32> to vector<4x128xi32>
    %slice3A_2554 = vector.extract_strided_slice %select_n3A_2522 {offsets = [0, 0], sizes = [12, 128], strides = [1, 1]} : vector<16x128xi32> to vector<12x128xi32>
    %concatenate3A_2555 = tpu.concatenate %slice3A_2553, %slice3A_2554 in 0 : vector<4x128xi32>, vector<12x128xi32> -> vector<16x128xi32>
    %select_n3A_2556 = arith.select %ne3A_2528, %concatenate3A_2549, %concatenate3A_2546 : vector<16x128xi1>, vector<16x128xf32>
    %select_n3A_2557 = arith.select %ne3A_2528, %concatenate3A_2555, %concatenate3A_2552 : vector<16x128xi1>, vector<16x128xi32>
    %lt3A_2558 = arith.cmpf olt, %select_n3A_2521, %select_n3A_2556 : vector<16x128xf32>
    %eq3A_2559 = arith.cmpf oeq, %select_n3A_2521, %select_n3A_2556 : vector<16x128xf32>
    %gt3A_2560 = arith.cmpi sgt, %select_n3A_2522, %select_n3A_2557 : vector<16x128xi32>
    %and3A_2561 = arith.andi %eq3A_2559, %gt3A_2560 : vector<16x128xi1>
    %or3A_2562 = arith.ori %lt3A_2558, %and3A_2561 : vector<16x128xi1>
    %eq3A_2563 = arith.xori %or3A_2562, %eq3A_2543 : vector<16x128xi1>
    %eq3A_2564 = arith.constant dense<true> : vector<16x128xi1>
    %eq3A_2565 = arith.xori %eq3A_2563, %eq3A_2564 : vector<16x128xi1>
    %select_n3A_2566 = arith.select %eq3A_2565, %select_n3A_2556, %select_n3A_2521 : vector<16x128xi1>, vector<16x128xf32>
    %select_n3A_2567 = arith.select %eq3A_2565, %select_n3A_2557, %select_n3A_2522 : vector<16x128xi1>, vector<16x128xi32>
    %and3A_2568 = arith.constant 256 : i32
    %and3A_2569 = vector.broadcast %and3A_2568 : i32 to vector<16x128xi32>
    %and3A_2570 = arith.andi %add3A, %and3A_2569 : vector<16x128xi32>
    %ne3A_2571 = arith.constant 0 : i32
    %ne3A_2572 = vector.broadcast %ne3A_2571 : i32 to vector<16x128xi32>
    %ne3A_2573 = arith.cmpi ne, %and3A_2570, %ne3A_2572 : vector<16x128xi32>
    %and3A_2574 = arith.constant 2048 : i32
    %and3A_2575 = vector.broadcast %and3A_2574 : i32 to vector<16x128xi32>
    %and3A_2576 = arith.andi %add3A, %and3A_2575 : vector<16x128xi32>
    %eq3A_2577 = arith.constant 0 : i32
    %eq3A_2578 = vector.broadcast %eq3A_2577 : i32 to vector<16x128xi32>
    %eq3A_2579 = arith.cmpi eq, %and3A_2576, %eq3A_2578 : vector<16x128xi32>
    %and3A_2580 = arith.constant 256 : i32
    %and3A_2581 = vector.broadcast %and3A_2580 : i32 to vector<16x128xi32>
    %and3A_2582 = arith.andi %add3A, %and3A_2581 : vector<16x128xi32>
    %eq3A_2583 = arith.constant 0 : i32
    %eq3A_2584 = vector.broadcast %eq3A_2583 : i32 to vector<16x128xi32>
    %eq3A_2585 = arith.cmpi eq, %and3A_2582, %eq3A_2584 : vector<16x128xi32>
    %eq3A_2586 = arith.xori %eq3A_2579, %eq3A_2585 : vector<16x128xi1>
    %eq3A_2587 = arith.constant dense<true> : vector<16x128xi1>
    %eq3A_2588 = arith.xori %eq3A_2586, %eq3A_2587 : vector<16x128xi1>
    %slice3A_2589 = vector.extract_strided_slice %select_n3A_2566 {offsets = [2, 0], sizes = [14, 128], strides = [1, 1]} : vector<16x128xf32> to vector<14x128xf32>
    %slice3A_2590 = vector.extract_strided_slice %select_n3A_2566 {offsets = [0, 0], sizes = [2, 128], strides = [1, 1]} : vector<16x128xf32> to vector<2x128xf32>
    %concatenate3A_2591 = tpu.concatenate %slice3A_2589, %slice3A_2590 in 0 : vector<14x128xf32>, vector<2x128xf32> -> vector<16x128xf32>
    %slice3A_2592 = vector.extract_strided_slice %select_n3A_2566 {offsets = [14, 0], sizes = [2, 128], strides = [1, 1]} : vector<16x128xf32> to vector<2x128xf32>
    %slice3A_2593 = vector.extract_strided_slice %select_n3A_2566 {offsets = [0, 0], sizes = [14, 128], strides = [1, 1]} : vector<16x128xf32> to vector<14x128xf32>
    %concatenate3A_2594 = tpu.concatenate %slice3A_2592, %slice3A_2593 in 0 : vector<2x128xf32>, vector<14x128xf32> -> vector<16x128xf32>
    %slice3A_2595 = vector.extract_strided_slice %select_n3A_2567 {offsets = [2, 0], sizes = [14, 128], strides = [1, 1]} : vector<16x128xi32> to vector<14x128xi32>
    %slice3A_2596 = vector.extract_strided_slice %select_n3A_2567 {offsets = [0, 0], sizes = [2, 128], strides = [1, 1]} : vector<16x128xi32> to vector<2x128xi32>
    %concatenate3A_2597 = tpu.concatenate %slice3A_2595, %slice3A_2596 in 0 : vector<14x128xi32>, vector<2x128xi32> -> vector<16x128xi32>
    %slice3A_2598 = vector.extract_strided_slice %select_n3A_2567 {offsets = [14, 0], sizes = [2, 128], strides = [1, 1]} : vector<16x128xi32> to vector<2x128xi32>
    %slice3A_2599 = vector.extract_strided_slice %select_n3A_2567 {offsets = [0, 0], sizes = [14, 128], strides = [1, 1]} : vector<16x128xi32> to vector<14x128xi32>
    %concatenate3A_2600 = tpu.concatenate %slice3A_2598, %slice3A_2599 in 0 : vector<2x128xi32>, vector<14x128xi32> -> vector<16x128xi32>
    %select_n3A_2601 = arith.select %ne3A_2573, %concatenate3A_2594, %concatenate3A_2591 : vector<16x128xi1>, vector<16x128xf32>
    %select_n3A_2602 = arith.select %ne3A_2573, %concatenate3A_2600, %concatenate3A_2597 : vector<16x128xi1>, vector<16x128xi32>
    %lt3A_2603 = arith.cmpf olt, %select_n3A_2566, %select_n3A_2601 : vector<16x128xf32>
    %eq3A_2604 = arith.cmpf oeq, %select_n3A_2566, %select_n3A_2601 : vector<16x128xf32>
    %gt3A_2605 = arith.cmpi sgt, %select_n3A_2567, %select_n3A_2602 : vector<16x128xi32>
    %and3A_2606 = arith.andi %eq3A_2604, %gt3A_2605 : vector<16x128xi1>
    %or3A_2607 = arith.ori %lt3A_2603, %and3A_2606 : vector<16x128xi1>
    %eq3A_2608 = arith.xori %or3A_2607, %eq3A_2588 : vector<16x128xi1>
    %eq3A_2609 = arith.constant dense<true> : vector<16x128xi1>
    %eq3A_2610 = arith.xori %eq3A_2608, %eq3A_2609 : vector<16x128xi1>
    %select_n3A_2611 = arith.select %eq3A_2610, %select_n3A_2601, %select_n3A_2566 : vector<16x128xi1>, vector<16x128xf32>
    %select_n3A_2612 = arith.select %eq3A_2610, %select_n3A_2602, %select_n3A_2567 : vector<16x128xi1>, vector<16x128xi32>
    %and3A_2613 = arith.constant 128 : i32
    %and3A_2614 = vector.broadcast %and3A_2613 : i32 to vector<16x128xi32>
    %and3A_2615 = arith.andi %add3A, %and3A_2614 : vector<16x128xi32>
    %ne3A_2616 = arith.constant 0 : i32
    %ne3A_2617 = vector.broadcast %ne3A_2616 : i32 to vector<16x128xi32>
    %ne3A_2618 = arith.cmpi ne, %and3A_2615, %ne3A_2617 : vector<16x128xi32>
    %and3A_2619 = arith.constant 2048 : i32
    %and3A_2620 = vector.broadcast %and3A_2619 : i32 to vector<16x128xi32>
    %and3A_2621 = arith.andi %add3A, %and3A_2620 : vector<16x128xi32>
    %eq3A_2622 = arith.constant 0 : i32
    %eq3A_2623 = vector.broadcast %eq3A_2622 : i32 to vector<16x128xi32>
    %eq3A_2624 = arith.cmpi eq, %and3A_2621, %eq3A_2623 : vector<16x128xi32>
    %and3A_2625 = arith.constant 128 : i32
    %and3A_2626 = vector.broadcast %and3A_2625 : i32 to vector<16x128xi32>
    %and3A_2627 = arith.andi %add3A, %and3A_2626 : vector<16x128xi32>
    %eq3A_2628 = arith.constant 0 : i32
    %eq3A_2629 = vector.broadcast %eq3A_2628 : i32 to vector<16x128xi32>
    %eq3A_2630 = arith.cmpi eq, %and3A_2627, %eq3A_2629 : vector<16x128xi32>
    %eq3A_2631 = arith.xori %eq3A_2624, %eq3A_2630 : vector<16x128xi1>
    %eq3A_2632 = arith.constant dense<true> : vector<16x128xi1>
    %eq3A_2633 = arith.xori %eq3A_2631, %eq3A_2632 : vector<16x128xi1>
    %slice3A_2634 = vector.extract_strided_slice %select_n3A_2611 {offsets = [1, 0], sizes = [15, 128], strides = [1, 1]} : vector<16x128xf32> to vector<15x128xf32>
    %slice3A_2635 = vector.extract_strided_slice %select_n3A_2611 {offsets = [0, 0], sizes = [1, 128], strides = [1, 1]} : vector<16x128xf32> to vector<1x128xf32>
    %concatenate3A_2636 = tpu.concatenate %slice3A_2634, %slice3A_2635 in 0 : vector<15x128xf32>, vector<1x128xf32> -> vector<16x128xf32>
    %slice3A_2637 = vector.extract_strided_slice %select_n3A_2611 {offsets = [15, 0], sizes = [1, 128], strides = [1, 1]} : vector<16x128xf32> to vector<1x128xf32>
    %slice3A_2638 = vector.extract_strided_slice %select_n3A_2611 {offsets = [0, 0], sizes = [15, 128], strides = [1, 1]} : vector<16x128xf32> to vector<15x128xf32>
    %concatenate3A_2639 = tpu.concatenate %slice3A_2637, %slice3A_2638 in 0 : vector<1x128xf32>, vector<15x128xf32> -> vector<16x128xf32>
    %slice3A_2640 = vector.extract_strided_slice %select_n3A_2612 {offsets = [1, 0], sizes = [15, 128], strides = [1, 1]} : vector<16x128xi32> to vector<15x128xi32>
    %slice3A_2641 = vector.extract_strided_slice %select_n3A_2612 {offsets = [0, 0], sizes = [1, 128], strides = [1, 1]} : vector<16x128xi32> to vector<1x128xi32>
    %concatenate3A_2642 = tpu.concatenate %slice3A_2640, %slice3A_2641 in 0 : vector<15x128xi32>, vector<1x128xi32> -> vector<16x128xi32>
    %slice3A_2643 = vector.extract_strided_slice %select_n3A_2612 {offsets = [15, 0], sizes = [1, 128], strides = [1, 1]} : vector<16x128xi32> to vector<1x128xi32>
    %slice3A_2644 = vector.extract_strided_slice %select_n3A_2612 {offsets = [0, 0], sizes = [15, 128], strides = [1, 1]} : vector<16x128xi32> to vector<15x128xi32>
    %concatenate3A_2645 = tpu.concatenate %slice3A_2643, %slice3A_2644 in 0 : vector<1x128xi32>, vector<15x128xi32> -> vector<16x128xi32>
    %select_n3A_2646 = arith.select %ne3A_2618, %concatenate3A_2639, %concatenate3A_2636 : vector<16x128xi1>, vector<16x128xf32>
    %select_n3A_2647 = arith.select %ne3A_2618, %concatenate3A_2645, %concatenate3A_2642 : vector<16x128xi1>, vector<16x128xi32>
    %lt3A_2648 = arith.cmpf olt, %select_n3A_2611, %select_n3A_2646 : vector<16x128xf32>
    %eq3A_2649 = arith.cmpf oeq, %select_n3A_2611, %select_n3A_2646 : vector<16x128xf32>
    %gt3A_2650 = arith.cmpi sgt, %select_n3A_2612, %select_n3A_2647 : vector<16x128xi32>
    %and3A_2651 = arith.andi %eq3A_2649, %gt3A_2650 : vector<16x128xi1>
    %or3A_2652 = arith.ori %lt3A_2648, %and3A_2651 : vector<16x128xi1>
    %eq3A_2653 = arith.xori %or3A_2652, %eq3A_2633 : vector<16x128xi1>
    %eq3A_2654 = arith.constant dense<true> : vector<16x128xi1>
    %eq3A_2655 = arith.xori %eq3A_2653, %eq3A_2654 : vector<16x128xi1>
    %select_n3A_2656 = arith.select %eq3A_2655, %select_n3A_2646, %select_n3A_2611 : vector<16x128xi1>, vector<16x128xf32>
    %select_n3A_2657 = arith.select %eq3A_2655, %select_n3A_2647, %select_n3A_2612 : vector<16x128xi1>, vector<16x128xi32>
    %and3A_2658 = arith.constant 64 : i32
    %and3A_2659 = vector.broadcast %and3A_2658 : i32 to vector<16x128xi32>
    %and3A_2660 = arith.andi %add3A, %and3A_2659 : vector<16x128xi32>
    %ne3A_2661 = arith.constant 0 : i32
    %ne3A_2662 = vector.broadcast %ne3A_2661 : i32 to vector<16x128xi32>
    %ne3A_2663 = arith.cmpi ne, %and3A_2660, %ne3A_2662 : vector<16x128xi32>
    %and3A_2664 = arith.constant 2048 : i32
    %and3A_2665 = vector.broadcast %and3A_2664 : i32 to vector<16x128xi32>
    %and3A_2666 = arith.andi %add3A, %and3A_2665 : vector<16x128xi32>
    %eq3A_2667 = arith.constant 0 : i32
    %eq3A_2668 = vector.broadcast %eq3A_2667 : i32 to vector<16x128xi32>
    %eq3A_2669 = arith.cmpi eq, %and3A_2666, %eq3A_2668 : vector<16x128xi32>
    %and3A_2670 = arith.constant 64 : i32
    %and3A_2671 = vector.broadcast %and3A_2670 : i32 to vector<16x128xi32>
    %and3A_2672 = arith.andi %add3A, %and3A_2671 : vector<16x128xi32>
    %eq3A_2673 = arith.constant 0 : i32
    %eq3A_2674 = vector.broadcast %eq3A_2673 : i32 to vector<16x128xi32>
    %eq3A_2675 = arith.cmpi eq, %and3A_2672, %eq3A_2674 : vector<16x128xi32>
    %eq3A_2676 = arith.xori %eq3A_2669, %eq3A_2675 : vector<16x128xi1>
    %eq3A_2677 = arith.constant dense<true> : vector<16x128xi1>
    %eq3A_2678 = arith.xori %eq3A_2676, %eq3A_2677 : vector<16x128xi1>
    %slice3A_2679 = vector.extract_strided_slice %select_n3A_2656 {offsets = [0, 64], sizes = [16, 64], strides = [1, 1]} : vector<16x128xf32> to vector<16x64xf32>
    %slice3A_2680 = vector.extract_strided_slice %select_n3A_2656 {offsets = [0, 0], sizes = [16, 64], strides = [1, 1]} : vector<16x128xf32> to vector<16x64xf32>
    %concatenate3A_2681 = tpu.concatenate %slice3A_2679, %slice3A_2680 in 1 : vector<16x64xf32>, vector<16x64xf32> -> vector<16x128xf32>
    %slice3A_2682 = vector.extract_strided_slice %select_n3A_2656 {offsets = [0, 64], sizes = [16, 64], strides = [1, 1]} : vector<16x128xf32> to vector<16x64xf32>
    %slice3A_2683 = vector.extract_strided_slice %select_n3A_2656 {offsets = [0, 0], sizes = [16, 64], strides = [1, 1]} : vector<16x128xf32> to vector<16x64xf32>
    %concatenate3A_2684 = tpu.concatenate %slice3A_2682, %slice3A_2683 in 1 : vector<16x64xf32>, vector<16x64xf32> -> vector<16x128xf32>
    %slice3A_2685 = vector.extract_strided_slice %select_n3A_2657 {offsets = [0, 64], sizes = [16, 64], strides = [1, 1]} : vector<16x128xi32> to vector<16x64xi32>
    %slice3A_2686 = vector.extract_strided_slice %select_n3A_2657 {offsets = [0, 0], sizes = [16, 64], strides = [1, 1]} : vector<16x128xi32> to vector<16x64xi32>
    %concatenate3A_2687 = tpu.concatenate %slice3A_2685, %slice3A_2686 in 1 : vector<16x64xi32>, vector<16x64xi32> -> vector<16x128xi32>
    %slice3A_2688 = vector.extract_strided_slice %select_n3A_2657 {offsets = [0, 64], sizes = [16, 64], strides = [1, 1]} : vector<16x128xi32> to vector<16x64xi32>
    %slice3A_2689 = vector.extract_strided_slice %select_n3A_2657 {offsets = [0, 0], sizes = [16, 64], strides = [1, 1]} : vector<16x128xi32> to vector<16x64xi32>
    %concatenate3A_2690 = tpu.concatenate %slice3A_2688, %slice3A_2689 in 1 : vector<16x64xi32>, vector<16x64xi32> -> vector<16x128xi32>
    %select_n3A_2691 = arith.select %ne3A_2663, %concatenate3A_2684, %concatenate3A_2681 : vector<16x128xi1>, vector<16x128xf32>
    %select_n3A_2692 = arith.select %ne3A_2663, %concatenate3A_2690, %concatenate3A_2687 : vector<16x128xi1>, vector<16x128xi32>
    %lt3A_2693 = arith.cmpf olt, %select_n3A_2656, %select_n3A_2691 : vector<16x128xf32>
    %eq3A_2694 = arith.cmpf oeq, %select_n3A_2656, %select_n3A_2691 : vector<16x128xf32>
    %gt3A_2695 = arith.cmpi sgt, %select_n3A_2657, %select_n3A_2692 : vector<16x128xi32>
    %and3A_2696 = arith.andi %eq3A_2694, %gt3A_2695 : vector<16x128xi1>
    %or3A_2697 = arith.ori %lt3A_2693, %and3A_2696 : vector<16x128xi1>
    %eq3A_2698 = arith.xori %or3A_2697, %eq3A_2678 : vector<16x128xi1>
    %eq3A_2699 = arith.constant dense<true> : vector<16x128xi1>
    %eq3A_2700 = arith.xori %eq3A_2698, %eq3A_2699 : vector<16x128xi1>
    %select_n3A_2701 = arith.select %eq3A_2700, %select_n3A_2691, %select_n3A_2656 : vector<16x128xi1>, vector<16x128xf32>
    %select_n3A_2702 = arith.select %eq3A_2700, %select_n3A_2692, %select_n3A_2657 : vector<16x128xi1>, vector<16x128xi32>
    %and3A_2703 = arith.constant 32 : i32
    %and3A_2704 = vector.broadcast %and3A_2703 : i32 to vector<16x128xi32>
    %and3A_2705 = arith.andi %add3A, %and3A_2704 : vector<16x128xi32>
    %ne3A_2706 = arith.constant 0 : i32
    %ne3A_2707 = vector.broadcast %ne3A_2706 : i32 to vector<16x128xi32>
    %ne3A_2708 = arith.cmpi ne, %and3A_2705, %ne3A_2707 : vector<16x128xi32>
    %and3A_2709 = arith.constant 2048 : i32
    %and3A_2710 = vector.broadcast %and3A_2709 : i32 to vector<16x128xi32>
    %and3A_2711 = arith.andi %add3A, %and3A_2710 : vector<16x128xi32>
    %eq3A_2712 = arith.constant 0 : i32
    %eq3A_2713 = vector.broadcast %eq3A_2712 : i32 to vector<16x128xi32>
    %eq3A_2714 = arith.cmpi eq, %and3A_2711, %eq3A_2713 : vector<16x128xi32>
    %and3A_2715 = arith.constant 32 : i32
    %and3A_2716 = vector.broadcast %and3A_2715 : i32 to vector<16x128xi32>
    %and3A_2717 = arith.andi %add3A, %and3A_2716 : vector<16x128xi32>
    %eq3A_2718 = arith.constant 0 : i32
    %eq3A_2719 = vector.broadcast %eq3A_2718 : i32 to vector<16x128xi32>
    %eq3A_2720 = arith.cmpi eq, %and3A_2717, %eq3A_2719 : vector<16x128xi32>
    %eq3A_2721 = arith.xori %eq3A_2714, %eq3A_2720 : vector<16x128xi1>
    %eq3A_2722 = arith.constant dense<true> : vector<16x128xi1>
    %eq3A_2723 = arith.xori %eq3A_2721, %eq3A_2722 : vector<16x128xi1>
    %slice3A_2724 = vector.extract_strided_slice %select_n3A_2701 {offsets = [0, 32], sizes = [16, 96], strides = [1, 1]} : vector<16x128xf32> to vector<16x96xf32>
    %slice3A_2725 = vector.extract_strided_slice %select_n3A_2701 {offsets = [0, 0], sizes = [16, 32], strides = [1, 1]} : vector<16x128xf32> to vector<16x32xf32>
    %concatenate3A_2726 = tpu.concatenate %slice3A_2724, %slice3A_2725 in 1 : vector<16x96xf32>, vector<16x32xf32> -> vector<16x128xf32>
    %slice3A_2727 = vector.extract_strided_slice %select_n3A_2701 {offsets = [0, 96], sizes = [16, 32], strides = [1, 1]} : vector<16x128xf32> to vector<16x32xf32>
    %slice3A_2728 = vector.extract_strided_slice %select_n3A_2701 {offsets = [0, 0], sizes = [16, 96], strides = [1, 1]} : vector<16x128xf32> to vector<16x96xf32>
    %concatenate3A_2729 = tpu.concatenate %slice3A_2727, %slice3A_2728 in 1 : vector<16x32xf32>, vector<16x96xf32> -> vector<16x128xf32>
    %slice3A_2730 = vector.extract_strided_slice %select_n3A_2702 {offsets = [0, 32], sizes = [16, 96], strides = [1, 1]} : vector<16x128xi32> to vector<16x96xi32>
    %slice3A_2731 = vector.extract_strided_slice %select_n3A_2702 {offsets = [0, 0], sizes = [16, 32], strides = [1, 1]} : vector<16x128xi32> to vector<16x32xi32>
    %concatenate3A_2732 = tpu.concatenate %slice3A_2730, %slice3A_2731 in 1 : vector<16x96xi32>, vector<16x32xi32> -> vector<16x128xi32>
    %slice3A_2733 = vector.extract_strided_slice %select_n3A_2702 {offsets = [0, 96], sizes = [16, 32], strides = [1, 1]} : vector<16x128xi32> to vector<16x32xi32>
    %slice3A_2734 = vector.extract_strided_slice %select_n3A_2702 {offsets = [0, 0], sizes = [16, 96], strides = [1, 1]} : vector<16x128xi32> to vector<16x96xi32>
    %concatenate3A_2735 = tpu.concatenate %slice3A_2733, %slice3A_2734 in 1 : vector<16x32xi32>, vector<16x96xi32> -> vector<16x128xi32>
    %select_n3A_2736 = arith.select %ne3A_2708, %concatenate3A_2729, %concatenate3A_2726 : vector<16x128xi1>, vector<16x128xf32>
    %select_n3A_2737 = arith.select %ne3A_2708, %concatenate3A_2735, %concatenate3A_2732 : vector<16x128xi1>, vector<16x128xi32>
    %lt3A_2738 = arith.cmpf olt, %select_n3A_2701, %select_n3A_2736 : vector<16x128xf32>
    %eq3A_2739 = arith.cmpf oeq, %select_n3A_2701, %select_n3A_2736 : vector<16x128xf32>
    %gt3A_2740 = arith.cmpi sgt, %select_n3A_2702, %select_n3A_2737 : vector<16x128xi32>
    %and3A_2741 = arith.andi %eq3A_2739, %gt3A_2740 : vector<16x128xi1>
    %or3A_2742 = arith.ori %lt3A_2738, %and3A_2741 : vector<16x128xi1>
    %eq3A_2743 = arith.xori %or3A_2742, %eq3A_2723 : vector<16x128xi1>
    %eq3A_2744 = arith.constant dense<true> : vector<16x128xi1>
    %eq3A_2745 = arith.xori %eq3A_2743, %eq3A_2744 : vector<16x128xi1>
    %select_n3A_2746 = arith.select %eq3A_2745, %select_n3A_2736, %select_n3A_2701 : vector<16x128xi1>, vector<16x128xf32>
    %select_n3A_2747 = arith.select %eq3A_2745, %select_n3A_2737, %select_n3A_2702 : vector<16x128xi1>, vector<16x128xi32>
    %and3A_2748 = arith.constant 16 : i32
    %and3A_2749 = vector.broadcast %and3A_2748 : i32 to vector<16x128xi32>
    %and3A_2750 = arith.andi %add3A, %and3A_2749 : vector<16x128xi32>
    %ne3A_2751 = arith.constant 0 : i32
    %ne3A_2752 = vector.broadcast %ne3A_2751 : i32 to vector<16x128xi32>
    %ne3A_2753 = arith.cmpi ne, %and3A_2750, %ne3A_2752 : vector<16x128xi32>
    %and3A_2754 = arith.constant 2048 : i32
    %and3A_2755 = vector.broadcast %and3A_2754 : i32 to vector<16x128xi32>
    %and3A_2756 = arith.andi %add3A, %and3A_2755 : vector<16x128xi32>
    %eq3A_2757 = arith.constant 0 : i32
    %eq3A_2758 = vector.broadcast %eq3A_2757 : i32 to vector<16x128xi32>
    %eq3A_2759 = arith.cmpi eq, %and3A_2756, %eq3A_2758 : vector<16x128xi32>
    %and3A_2760 = arith.constant 16 : i32
    %and3A_2761 = vector.broadcast %and3A_2760 : i32 to vector<16x128xi32>
    %and3A_2762 = arith.andi %add3A, %and3A_2761 : vector<16x128xi32>
    %eq3A_2763 = arith.constant 0 : i32
    %eq3A_2764 = vector.broadcast %eq3A_2763 : i32 to vector<16x128xi32>
    %eq3A_2765 = arith.cmpi eq, %and3A_2762, %eq3A_2764 : vector<16x128xi32>
    %eq3A_2766 = arith.xori %eq3A_2759, %eq3A_2765 : vector<16x128xi1>
    %eq3A_2767 = arith.constant dense<true> : vector<16x128xi1>
    %eq3A_2768 = arith.xori %eq3A_2766, %eq3A_2767 : vector<16x128xi1>
    %slice3A_2769 = vector.extract_strided_slice %select_n3A_2746 {offsets = [0, 16], sizes = [16, 112], strides = [1, 1]} : vector<16x128xf32> to vector<16x112xf32>
    %slice3A_2770 = vector.extract_strided_slice %select_n3A_2746 {offsets = [0, 0], sizes = [16, 16], strides = [1, 1]} : vector<16x128xf32> to vector<16x16xf32>
    %concatenate3A_2771 = tpu.concatenate %slice3A_2769, %slice3A_2770 in 1 : vector<16x112xf32>, vector<16x16xf32> -> vector<16x128xf32>
    %slice3A_2772 = vector.extract_strided_slice %select_n3A_2746 {offsets = [0, 112], sizes = [16, 16], strides = [1, 1]} : vector<16x128xf32> to vector<16x16xf32>
    %slice3A_2773 = vector.extract_strided_slice %select_n3A_2746 {offsets = [0, 0], sizes = [16, 112], strides = [1, 1]} : vector<16x128xf32> to vector<16x112xf32>
    %concatenate3A_2774 = tpu.concatenate %slice3A_2772, %slice3A_2773 in 1 : vector<16x16xf32>, vector<16x112xf32> -> vector<16x128xf32>
    %slice3A_2775 = vector.extract_strided_slice %select_n3A_2747 {offsets = [0, 16], sizes = [16, 112], strides = [1, 1]} : vector<16x128xi32> to vector<16x112xi32>
    %slice3A_2776 = vector.extract_strided_slice %select_n3A_2747 {offsets = [0, 0], sizes = [16, 16], strides = [1, 1]} : vector<16x128xi32> to vector<16x16xi32>
    %concatenate3A_2777 = tpu.concatenate %slice3A_2775, %slice3A_2776 in 1 : vector<16x112xi32>, vector<16x16xi32> -> vector<16x128xi32>
    %slice3A_2778 = vector.extract_strided_slice %select_n3A_2747 {offsets = [0, 112], sizes = [16, 16], strides = [1, 1]} : vector<16x128xi32> to vector<16x16xi32>
    %slice3A_2779 = vector.extract_strided_slice %select_n3A_2747 {offsets = [0, 0], sizes = [16, 112], strides = [1, 1]} : vector<16x128xi32> to vector<16x112xi32>
    %concatenate3A_2780 = tpu.concatenate %slice3A_2778, %slice3A_2779 in 1 : vector<16x16xi32>, vector<16x112xi32> -> vector<16x128xi32>
    %select_n3A_2781 = arith.select %ne3A_2753, %concatenate3A_2774, %concatenate3A_2771 : vector<16x128xi1>, vector<16x128xf32>
    %select_n3A_2782 = arith.select %ne3A_2753, %concatenate3A_2780, %concatenate3A_2777 : vector<16x128xi1>, vector<16x128xi32>
    %lt3A_2783 = arith.cmpf olt, %select_n3A_2746, %select_n3A_2781 : vector<16x128xf32>
    %eq3A_2784 = arith.cmpf oeq, %select_n3A_2746, %select_n3A_2781 : vector<16x128xf32>
    %gt3A_2785 = arith.cmpi sgt, %select_n3A_2747, %select_n3A_2782 : vector<16x128xi32>
    %and3A_2786 = arith.andi %eq3A_2784, %gt3A_2785 : vector<16x128xi1>
    %or3A_2787 = arith.ori %lt3A_2783, %and3A_2786 : vector<16x128xi1>
    %eq3A_2788 = arith.xori %or3A_2787, %eq3A_2768 : vector<16x128xi1>
    %eq3A_2789 = arith.constant dense<true> : vector<16x128xi1>
    %eq3A_2790 = arith.xori %eq3A_2788, %eq3A_2789 : vector<16x128xi1>
    %select_n3A_2791 = arith.select %eq3A_2790, %select_n3A_2781, %select_n3A_2746 : vector<16x128xi1>, vector<16x128xf32>
    %select_n3A_2792 = arith.select %eq3A_2790, %select_n3A_2782, %select_n3A_2747 : vector<16x128xi1>, vector<16x128xi32>
    %and3A_2793 = arith.constant 8 : i32
    %and3A_2794 = vector.broadcast %and3A_2793 : i32 to vector<16x128xi32>
    %and3A_2795 = arith.andi %add3A, %and3A_2794 : vector<16x128xi32>
    %ne3A_2796 = arith.constant 0 : i32
    %ne3A_2797 = vector.broadcast %ne3A_2796 : i32 to vector<16x128xi32>
    %ne3A_2798 = arith.cmpi ne, %and3A_2795, %ne3A_2797 : vector<16x128xi32>
    %and3A_2799 = arith.constant 2048 : i32
    %and3A_2800 = vector.broadcast %and3A_2799 : i32 to vector<16x128xi32>
    %and3A_2801 = arith.andi %add3A, %and3A_2800 : vector<16x128xi32>
    %eq3A_2802 = arith.constant 0 : i32
    %eq3A_2803 = vector.broadcast %eq3A_2802 : i32 to vector<16x128xi32>
    %eq3A_2804 = arith.cmpi eq, %and3A_2801, %eq3A_2803 : vector<16x128xi32>
    %and3A_2805 = arith.constant 8 : i32
    %and3A_2806 = vector.broadcast %and3A_2805 : i32 to vector<16x128xi32>
    %and3A_2807 = arith.andi %add3A, %and3A_2806 : vector<16x128xi32>
    %eq3A_2808 = arith.constant 0 : i32
    %eq3A_2809 = vector.broadcast %eq3A_2808 : i32 to vector<16x128xi32>
    %eq3A_2810 = arith.cmpi eq, %and3A_2807, %eq3A_2809 : vector<16x128xi32>
    %eq3A_2811 = arith.xori %eq3A_2804, %eq3A_2810 : vector<16x128xi1>
    %eq3A_2812 = arith.constant dense<true> : vector<16x128xi1>
    %eq3A_2813 = arith.xori %eq3A_2811, %eq3A_2812 : vector<16x128xi1>
    %slice3A_2814 = vector.extract_strided_slice %select_n3A_2791 {offsets = [0, 8], sizes = [16, 120], strides = [1, 1]} : vector<16x128xf32> to vector<16x120xf32>
    %slice3A_2815 = vector.extract_strided_slice %select_n3A_2791 {offsets = [0, 0], sizes = [16, 8], strides = [1, 1]} : vector<16x128xf32> to vector<16x8xf32>
    %concatenate3A_2816 = tpu.concatenate %slice3A_2814, %slice3A_2815 in 1 : vector<16x120xf32>, vector<16x8xf32> -> vector<16x128xf32>
    %slice3A_2817 = vector.extract_strided_slice %select_n3A_2791 {offsets = [0, 120], sizes = [16, 8], strides = [1, 1]} : vector<16x128xf32> to vector<16x8xf32>
    %slice3A_2818 = vector.extract_strided_slice %select_n3A_2791 {offsets = [0, 0], sizes = [16, 120], strides = [1, 1]} : vector<16x128xf32> to vector<16x120xf32>
    %concatenate3A_2819 = tpu.concatenate %slice3A_2817, %slice3A_2818 in 1 : vector<16x8xf32>, vector<16x120xf32> -> vector<16x128xf32>
    %slice3A_2820 = vector.extract_strided_slice %select_n3A_2792 {offsets = [0, 8], sizes = [16, 120], strides = [1, 1]} : vector<16x128xi32> to vector<16x120xi32>
    %slice3A_2821 = vector.extract_strided_slice %select_n3A_2792 {offsets = [0, 0], sizes = [16, 8], strides = [1, 1]} : vector<16x128xi32> to vector<16x8xi32>
    %concatenate3A_2822 = tpu.concatenate %slice3A_2820, %slice3A_2821 in 1 : vector<16x120xi32>, vector<16x8xi32> -> vector<16x128xi32>
    %slice3A_2823 = vector.extract_strided_slice %select_n3A_2792 {offsets = [0, 120], sizes = [16, 8], strides = [1, 1]} : vector<16x128xi32> to vector<16x8xi32>
    %slice3A_2824 = vector.extract_strided_slice %select_n3A_2792 {offsets = [0, 0], sizes = [16, 120], strides = [1, 1]} : vector<16x128xi32> to vector<16x120xi32>
    %concatenate3A_2825 = tpu.concatenate %slice3A_2823, %slice3A_2824 in 1 : vector<16x8xi32>, vector<16x120xi32> -> vector<16x128xi32>
    %select_n3A_2826 = arith.select %ne3A_2798, %concatenate3A_2819, %concatenate3A_2816 : vector<16x128xi1>, vector<16x128xf32>
    %select_n3A_2827 = arith.select %ne3A_2798, %concatenate3A_2825, %concatenate3A_2822 : vector<16x128xi1>, vector<16x128xi32>
    %lt3A_2828 = arith.cmpf olt, %select_n3A_2791, %select_n3A_2826 : vector<16x128xf32>
    %eq3A_2829 = arith.cmpf oeq, %select_n3A_2791, %select_n3A_2826 : vector<16x128xf32>
    %gt3A_2830 = arith.cmpi sgt, %select_n3A_2792, %select_n3A_2827 : vector<16x128xi32>
    %and3A_2831 = arith.andi %eq3A_2829, %gt3A_2830 : vector<16x128xi1>
    %or3A_2832 = arith.ori %lt3A_2828, %and3A_2831 : vector<16x128xi1>
    %eq3A_2833 = arith.xori %or3A_2832, %eq3A_2813 : vector<16x128xi1>
    %eq3A_2834 = arith.constant dense<true> : vector<16x128xi1>
    %eq3A_2835 = arith.xori %eq3A_2833, %eq3A_2834 : vector<16x128xi1>
    %select_n3A_2836 = arith.select %eq3A_2835, %select_n3A_2826, %select_n3A_2791 : vector<16x128xi1>, vector<16x128xf32>
    %select_n3A_2837 = arith.select %eq3A_2835, %select_n3A_2827, %select_n3A_2792 : vector<16x128xi1>, vector<16x128xi32>
    %and3A_2838 = arith.constant 4 : i32
    %and3A_2839 = vector.broadcast %and3A_2838 : i32 to vector<16x128xi32>
    %and3A_2840 = arith.andi %add3A, %and3A_2839 : vector<16x128xi32>
    %ne3A_2841 = arith.constant 0 : i32
    %ne3A_2842 = vector.broadcast %ne3A_2841 : i32 to vector<16x128xi32>
    %ne3A_2843 = arith.cmpi ne, %and3A_2840, %ne3A_2842 : vector<16x128xi32>
    %and3A_2844 = arith.constant 2048 : i32
    %and3A_2845 = vector.broadcast %and3A_2844 : i32 to vector<16x128xi32>
    %and3A_2846 = arith.andi %add3A, %and3A_2845 : vector<16x128xi32>
    %eq3A_2847 = arith.constant 0 : i32
    %eq3A_2848 = vector.broadcast %eq3A_2847 : i32 to vector<16x128xi32>
    %eq3A_2849 = arith.cmpi eq, %and3A_2846, %eq3A_2848 : vector<16x128xi32>
    %and3A_2850 = arith.constant 4 : i32
    %and3A_2851 = vector.broadcast %and3A_2850 : i32 to vector<16x128xi32>
    %and3A_2852 = arith.andi %add3A, %and3A_2851 : vector<16x128xi32>
    %eq3A_2853 = arith.constant 0 : i32
    %eq3A_2854 = vector.broadcast %eq3A_2853 : i32 to vector<16x128xi32>
    %eq3A_2855 = arith.cmpi eq, %and3A_2852, %eq3A_2854 : vector<16x128xi32>
    %eq3A_2856 = arith.xori %eq3A_2849, %eq3A_2855 : vector<16x128xi1>
    %eq3A_2857 = arith.constant dense<true> : vector<16x128xi1>
    %eq3A_2858 = arith.xori %eq3A_2856, %eq3A_2857 : vector<16x128xi1>
    %slice3A_2859 = vector.extract_strided_slice %select_n3A_2836 {offsets = [0, 4], sizes = [16, 124], strides = [1, 1]} : vector<16x128xf32> to vector<16x124xf32>
    %slice3A_2860 = vector.extract_strided_slice %select_n3A_2836 {offsets = [0, 0], sizes = [16, 4], strides = [1, 1]} : vector<16x128xf32> to vector<16x4xf32>
    %concatenate3A_2861 = tpu.concatenate %slice3A_2859, %slice3A_2860 in 1 : vector<16x124xf32>, vector<16x4xf32> -> vector<16x128xf32>
    %slice3A_2862 = vector.extract_strided_slice %select_n3A_2836 {offsets = [0, 124], sizes = [16, 4], strides = [1, 1]} : vector<16x128xf32> to vector<16x4xf32>
    %slice3A_2863 = vector.extract_strided_slice %select_n3A_2836 {offsets = [0, 0], sizes = [16, 124], strides = [1, 1]} : vector<16x128xf32> to vector<16x124xf32>
    %concatenate3A_2864 = tpu.concatenate %slice3A_2862, %slice3A_2863 in 1 : vector<16x4xf32>, vector<16x124xf32> -> vector<16x128xf32>
    %slice3A_2865 = vector.extract_strided_slice %select_n3A_2837 {offsets = [0, 4], sizes = [16, 124], strides = [1, 1]} : vector<16x128xi32> to vector<16x124xi32>
    %slice3A_2866 = vector.extract_strided_slice %select_n3A_2837 {offsets = [0, 0], sizes = [16, 4], strides = [1, 1]} : vector<16x128xi32> to vector<16x4xi32>
    %concatenate3A_2867 = tpu.concatenate %slice3A_2865, %slice3A_2866 in 1 : vector<16x124xi32>, vector<16x4xi32> -> vector<16x128xi32>
    %slice3A_2868 = vector.extract_strided_slice %select_n3A_2837 {offsets = [0, 124], sizes = [16, 4], strides = [1, 1]} : vector<16x128xi32> to vector<16x4xi32>
    %slice3A_2869 = vector.extract_strided_slice %select_n3A_2837 {offsets = [0, 0], sizes = [16, 124], strides = [1, 1]} : vector<16x128xi32> to vector<16x124xi32>
    %concatenate3A_2870 = tpu.concatenate %slice3A_2868, %slice3A_2869 in 1 : vector<16x4xi32>, vector<16x124xi32> -> vector<16x128xi32>
    %select_n3A_2871 = arith.select %ne3A_2843, %concatenate3A_2864, %concatenate3A_2861 : vector<16x128xi1>, vector<16x128xf32>
    %select_n3A_2872 = arith.select %ne3A_2843, %concatenate3A_2870, %concatenate3A_2867 : vector<16x128xi1>, vector<16x128xi32>
    %lt3A_2873 = arith.cmpf olt, %select_n3A_2836, %select_n3A_2871 : vector<16x128xf32>
    %eq3A_2874 = arith.cmpf oeq, %select_n3A_2836, %select_n3A_2871 : vector<16x128xf32>
    %gt3A_2875 = arith.cmpi sgt, %select_n3A_2837, %select_n3A_2872 : vector<16x128xi32>
    %and3A_2876 = arith.andi %eq3A_2874, %gt3A_2875 : vector<16x128xi1>
    %or3A_2877 = arith.ori %lt3A_2873, %and3A_2876 : vector<16x128xi1>
    %eq3A_2878 = arith.xori %or3A_2877, %eq3A_2858 : vector<16x128xi1>
    %eq3A_2879 = arith.constant dense<true> : vector<16x128xi1>
    %eq3A_2880 = arith.xori %eq3A_2878, %eq3A_2879 : vector<16x128xi1>
    %select_n3A_2881 = arith.select %eq3A_2880, %select_n3A_2871, %select_n3A_2836 : vector<16x128xi1>, vector<16x128xf32>
    %select_n3A_2882 = arith.select %eq3A_2880, %select_n3A_2872, %select_n3A_2837 : vector<16x128xi1>, vector<16x128xi32>
    %and3A_2883 = arith.constant 2 : i32
    %and3A_2884 = vector.broadcast %and3A_2883 : i32 to vector<16x128xi32>
    %and3A_2885 = arith.andi %add3A, %and3A_2884 : vector<16x128xi32>
    %ne3A_2886 = arith.constant 0 : i32
    %ne3A_2887 = vector.broadcast %ne3A_2886 : i32 to vector<16x128xi32>
    %ne3A_2888 = arith.cmpi ne, %and3A_2885, %ne3A_2887 : vector<16x128xi32>
    %and3A_2889 = arith.constant 2048 : i32
    %and3A_2890 = vector.broadcast %and3A_2889 : i32 to vector<16x128xi32>
    %and3A_2891 = arith.andi %add3A, %and3A_2890 : vector<16x128xi32>
    %eq3A_2892 = arith.constant 0 : i32
    %eq3A_2893 = vector.broadcast %eq3A_2892 : i32 to vector<16x128xi32>
    %eq3A_2894 = arith.cmpi eq, %and3A_2891, %eq3A_2893 : vector<16x128xi32>
    %and3A_2895 = arith.constant 2 : i32
    %and3A_2896 = vector.broadcast %and3A_2895 : i32 to vector<16x128xi32>
    %and3A_2897 = arith.andi %add3A, %and3A_2896 : vector<16x128xi32>
    %eq3A_2898 = arith.constant 0 : i32
    %eq3A_2899 = vector.broadcast %eq3A_2898 : i32 to vector<16x128xi32>
    %eq3A_2900 = arith.cmpi eq, %and3A_2897, %eq3A_2899 : vector<16x128xi32>
    %eq3A_2901 = arith.xori %eq3A_2894, %eq3A_2900 : vector<16x128xi1>
    %eq3A_2902 = arith.constant dense<true> : vector<16x128xi1>
    %eq3A_2903 = arith.xori %eq3A_2901, %eq3A_2902 : vector<16x128xi1>
    %slice3A_2904 = vector.extract_strided_slice %select_n3A_2881 {offsets = [0, 2], sizes = [16, 126], strides = [1, 1]} : vector<16x128xf32> to vector<16x126xf32>
    %slice3A_2905 = vector.extract_strided_slice %select_n3A_2881 {offsets = [0, 0], sizes = [16, 2], strides = [1, 1]} : vector<16x128xf32> to vector<16x2xf32>
    %concatenate3A_2906 = tpu.concatenate %slice3A_2904, %slice3A_2905 in 1 : vector<16x126xf32>, vector<16x2xf32> -> vector<16x128xf32>
    %slice3A_2907 = vector.extract_strided_slice %select_n3A_2881 {offsets = [0, 126], sizes = [16, 2], strides = [1, 1]} : vector<16x128xf32> to vector<16x2xf32>
    %slice3A_2908 = vector.extract_strided_slice %select_n3A_2881 {offsets = [0, 0], sizes = [16, 126], strides = [1, 1]} : vector<16x128xf32> to vector<16x126xf32>
    %concatenate3A_2909 = tpu.concatenate %slice3A_2907, %slice3A_2908 in 1 : vector<16x2xf32>, vector<16x126xf32> -> vector<16x128xf32>
    %slice3A_2910 = vector.extract_strided_slice %select_n3A_2882 {offsets = [0, 2], sizes = [16, 126], strides = [1, 1]} : vector<16x128xi32> to vector<16x126xi32>
    %slice3A_2911 = vector.extract_strided_slice %select_n3A_2882 {offsets = [0, 0], sizes = [16, 2], strides = [1, 1]} : vector<16x128xi32> to vector<16x2xi32>
    %concatenate3A_2912 = tpu.concatenate %slice3A_2910, %slice3A_2911 in 1 : vector<16x126xi32>, vector<16x2xi32> -> vector<16x128xi32>
    %slice3A_2913 = vector.extract_strided_slice %select_n3A_2882 {offsets = [0, 126], sizes = [16, 2], strides = [1, 1]} : vector<16x128xi32> to vector<16x2xi32>
    %slice3A_2914 = vector.extract_strided_slice %select_n3A_2882 {offsets = [0, 0], sizes = [16, 126], strides = [1, 1]} : vector<16x128xi32> to vector<16x126xi32>
    %concatenate3A_2915 = tpu.concatenate %slice3A_2913, %slice3A_2914 in 1 : vector<16x2xi32>, vector<16x126xi32> -> vector<16x128xi32>
    %select_n3A_2916 = arith.select %ne3A_2888, %concatenate3A_2909, %concatenate3A_2906 : vector<16x128xi1>, vector<16x128xf32>
    %select_n3A_2917 = arith.select %ne3A_2888, %concatenate3A_2915, %concatenate3A_2912 : vector<16x128xi1>, vector<16x128xi32>
    %lt3A_2918 = arith.cmpf olt, %select_n3A_2881, %select_n3A_2916 : vector<16x128xf32>
    %eq3A_2919 = arith.cmpf oeq, %select_n3A_2881, %select_n3A_2916 : vector<16x128xf32>
    %gt3A_2920 = arith.cmpi sgt, %select_n3A_2882, %select_n3A_2917 : vector<16x128xi32>
    %and3A_2921 = arith.andi %eq3A_2919, %gt3A_2920 : vector<16x128xi1>
    %or3A_2922 = arith.ori %lt3A_2918, %and3A_2921 : vector<16x128xi1>
    %eq3A_2923 = arith.xori %or3A_2922, %eq3A_2903 : vector<16x128xi1>
    %eq3A_2924 = arith.constant dense<true> : vector<16x128xi1>
    %eq3A_2925 = arith.xori %eq3A_2923, %eq3A_2924 : vector<16x128xi1>
    %select_n3A_2926 = arith.select %eq3A_2925, %select_n3A_2916, %select_n3A_2881 : vector<16x128xi1>, vector<16x128xf32>
    %select_n3A_2927 = arith.select %eq3A_2925, %select_n3A_2917, %select_n3A_2882 : vector<16x128xi1>, vector<16x128xi32>
    %and3A_2928 = arith.constant 1 : i32
    %and3A_2929 = vector.broadcast %and3A_2928 : i32 to vector<16x128xi32>
    %and3A_2930 = arith.andi %add3A, %and3A_2929 : vector<16x128xi32>
    %ne3A_2931 = arith.constant 0 : i32
    %ne3A_2932 = vector.broadcast %ne3A_2931 : i32 to vector<16x128xi32>
    %ne3A_2933 = arith.cmpi ne, %and3A_2930, %ne3A_2932 : vector<16x128xi32>
    %and3A_2934 = arith.constant 2048 : i32
    %and3A_2935 = vector.broadcast %and3A_2934 : i32 to vector<16x128xi32>
    %and3A_2936 = arith.andi %add3A, %and3A_2935 : vector<16x128xi32>
    %eq3A_2937 = arith.constant 0 : i32
    %eq3A_2938 = vector.broadcast %eq3A_2937 : i32 to vector<16x128xi32>
    %eq3A_2939 = arith.cmpi eq, %and3A_2936, %eq3A_2938 : vector<16x128xi32>
    %and3A_2940 = arith.constant 1 : i32
    %and3A_2941 = vector.broadcast %and3A_2940 : i32 to vector<16x128xi32>
    %and3A_2942 = arith.andi %add3A, %and3A_2941 : vector<16x128xi32>
    %eq3A_2943 = arith.constant 0 : i32
    %eq3A_2944 = vector.broadcast %eq3A_2943 : i32 to vector<16x128xi32>
    %eq3A_2945 = arith.cmpi eq, %and3A_2942, %eq3A_2944 : vector<16x128xi32>
    %eq3A_2946 = arith.xori %eq3A_2939, %eq3A_2945 : vector<16x128xi1>
    %eq3A_2947 = arith.constant dense<true> : vector<16x128xi1>
    %eq3A_2948 = arith.xori %eq3A_2946, %eq3A_2947 : vector<16x128xi1>
    %slice3A_2949 = vector.extract_strided_slice %select_n3A_2926 {offsets = [0, 1], sizes = [16, 127], strides = [1, 1]} : vector<16x128xf32> to vector<16x127xf32>
    %slice3A_2950 = vector.extract_strided_slice %select_n3A_2926 {offsets = [0, 0], sizes = [16, 1], strides = [1, 1]} : vector<16x128xf32> to vector<16x1xf32>
    %concatenate3A_2951 = tpu.concatenate %slice3A_2949, %slice3A_2950 in 1 : vector<16x127xf32>, vector<16x1xf32> -> vector<16x128xf32>
    %slice3A_2952 = vector.extract_strided_slice %select_n3A_2926 {offsets = [0, 127], sizes = [16, 1], strides = [1, 1]} : vector<16x128xf32> to vector<16x1xf32>
    %slice3A_2953 = vector.extract_strided_slice %select_n3A_2926 {offsets = [0, 0], sizes = [16, 127], strides = [1, 1]} : vector<16x128xf32> to vector<16x127xf32>
    %concatenate3A_2954 = tpu.concatenate %slice3A_2952, %slice3A_2953 in 1 : vector<16x1xf32>, vector<16x127xf32> -> vector<16x128xf32>
    %slice3A_2955 = vector.extract_strided_slice %select_n3A_2927 {offsets = [0, 1], sizes = [16, 127], strides = [1, 1]} : vector<16x128xi32> to vector<16x127xi32>
    %slice3A_2956 = vector.extract_strided_slice %select_n3A_2927 {offsets = [0, 0], sizes = [16, 1], strides = [1, 1]} : vector<16x128xi32> to vector<16x1xi32>
    %concatenate3A_2957 = tpu.concatenate %slice3A_2955, %slice3A_2956 in 1 : vector<16x127xi32>, vector<16x1xi32> -> vector<16x128xi32>
    %slice3A_2958 = vector.extract_strided_slice %select_n3A_2927 {offsets = [0, 127], sizes = [16, 1], strides = [1, 1]} : vector<16x128xi32> to vector<16x1xi32>
    %slice3A_2959 = vector.extract_strided_slice %select_n3A_2927 {offsets = [0, 0], sizes = [16, 127], strides = [1, 1]} : vector<16x128xi32> to vector<16x127xi32>
    %concatenate3A_2960 = tpu.concatenate %slice3A_2958, %slice3A_2959 in 1 : vector<16x1xi32>, vector<16x127xi32> -> vector<16x128xi32>
    %select_n3A_2961 = arith.select %ne3A_2933, %concatenate3A_2954, %concatenate3A_2951 : vector<16x128xi1>, vector<16x128xf32>
    %select_n3A_2962 = arith.select %ne3A_2933, %concatenate3A_2960, %concatenate3A_2957 : vector<16x128xi1>, vector<16x128xi32>
    %lt3A_2963 = arith.cmpf olt, %select_n3A_2926, %select_n3A_2961 : vector<16x128xf32>
    %eq3A_2964 = arith.cmpf oeq, %select_n3A_2926, %select_n3A_2961 : vector<16x128xf32>
    %gt3A_2965 = arith.cmpi sgt, %select_n3A_2927, %select_n3A_2962 : vector<16x128xi32>
    %and3A_2966 = arith.andi %eq3A_2964, %gt3A_2965 : vector<16x128xi1>
    %or3A_2967 = arith.ori %lt3A_2963, %and3A_2966 : vector<16x128xi1>
    %eq3A_2968 = arith.xori %or3A_2967, %eq3A_2948 : vector<16x128xi1>
    %eq3A_2969 = arith.constant dense<true> : vector<16x128xi1>
    %eq3A_2970 = arith.xori %eq3A_2968, %eq3A_2969 : vector<16x128xi1>
    %select_n3A_2971 = arith.select %eq3A_2970, %select_n3A_2961, %select_n3A_2926 : vector<16x128xi1>, vector<16x128xf32>
    %select_n3A_2972 = arith.select %eq3A_2970, %select_n3A_2962, %select_n3A_2927 : vector<16x128xi1>, vector<16x128xi32>
    %slice3A_2973 = vector.extract_strided_slice %select_n3A_2971 {offsets = [0, 0], sizes = [8, 128], strides = [1, 1]} : vector<16x128xf32> to vector<8x128xf32>
    %slice3A_2974 = vector.extract_strided_slice %select_n3A_2972 {offsets = [0, 0], sizes = [8, 128], strides = [1, 1]} : vector<16x128xi32> to vector<8x128xi32>
    %rem3A = arith.constant 384 : i32
    %rem3A_2975 = vector.broadcast %rem3A : i32 to vector<8x128xi32>
    %rem3A_2976 = arith.remsi %slice3A_2974, %rem3A_2975 : vector<8x128xi32>
    %get3A_2977 = arith.constant 0 : index
    %get3A_2978 = arith.constant 0 : index
    %get3A_2979 = arith.constant 0 : index
    %get3A_2980 = vector.load %arg3[%get3A_2977, %get3A_2978, %get3A_2979] : memref<1x1x384xf32, #tpu.memory_space<vmem>>, vector<1x1x384xf32>
    %get3A_2981 = vector.shape_cast %get3A_2980 : vector<1x1x384xf32> to vector<1x384xf32>
    %iota3A_2982 = tpu.iota {dimensions = array<i32: 2>} : vector<1x1x384xi32>
    %broadcast_in_dim3A = vector.shape_cast %rem3A_2976 : vector<8x128xi32> to vector<8x128x1xi32>
    %eq3A_2983 = vector.broadcast %broadcast_in_dim3A : vector<8x128x1xi32> to vector<8x128x384xi32>
    %eq3A_2984 = vector.broadcast %iota3A_2982 : vector<1x1x384xi32> to vector<8x128x384xi32>
    %eq3A_2985 = arith.cmpi eq, %eq3A_2983, %eq3A_2984 : vector<8x128x384xi32>
    %broadcast_in_dim3A_2986 = vector.shape_cast %get3A_2981 : vector<1x384xf32> to vector<1x1x384xf32>
    %jit3A = arith.constant 0.000000e+00 : f32
    %broadcast_in_dim3A_2987 = vector.shape_cast %broadcast_in_dim3A_2986 : vector<1x1x384xf32> to vector<1x1x384xf32>
    %broadcast_in_dim3A_2988 = vector.broadcast %broadcast_in_dim3A_2987 : vector<1x1x384xf32> to vector<8x128x384xf32>
    %broadcast_in_dim3A_2989 = vector.broadcast %jit3A : f32 to vector<8x128x384xf32>
    %select_n3A_2990 = arith.select %eq3A_2985, %broadcast_in_dim3A_2988, %broadcast_in_dim3A_2989 : vector<8x128x384xi1>, vector<8x128x384xf32>
    %reduce_sum3A = arith.constant dense<0.000000e+00> : vector<8x128xf32>
    %reduce_sum3A_2991 = vector.multi_reduction <add>, %select_n3A_2990, %reduce_sum3A [2] : vector<8x128x384xf32> to vector<8x128xf32>
    %gt3A_2992 = arith.constant 0.000000e+00 : f32
    %gt3A_2993 = vector.broadcast %gt3A_2992 : f32 to vector<8x128xf32>
    %gt3A_2994 = arith.cmpf ogt, %slice3A_2973, %gt3A_2993 : vector<8x128xf32>
    %jit3A_2995 = arith.constant 0.000000e+00 : f32
    %broadcast_in_dim3A_2996 = vector.broadcast %jit3A_2995 : f32 to vector<8x128xf32>
    %select_n3A_2997 = arith.select %gt3A_2994, %slice3A_2973, %broadcast_in_dim3A_2996 : vector<8x128xi1>, vector<8x128xf32>
    %swap3A = arith.constant 0 : index
    %swap3A_2998 = arith.constant 0 : index
    %swap3A_2999 = arith.constant 0 : index
    %swap3A_3000 = vector.load %arg4[%swap3A, %swap3A_2998, %swap3A_2999] : memref<1x8x128xf32, #tpu.memory_space<vmem>>, vector<1x8x128xf32>
    %swap3A_3001 = vector.shape_cast %swap3A_3000 : vector<1x8x128xf32> to vector<8x128xf32>
    %swap3A_3002 = vector.shape_cast %select_n3A_2997 : vector<8x128xf32> to vector<1x8x128xf32>
    tpu.vector_store %arg4[%swap3A, %swap3A_2998, %swap3A_2999], %swap3A_3002 {strides = array<i32>} : memref<1x8x128xf32, #tpu.memory_space<vmem>>, vector<1x8x128xf32>,
    %jit3A_3003 = arith.constant 0.000000e+00 : f32
    %broadcast_in_dim3A_3004 = vector.broadcast %jit3A_3003 : f32 to vector<8x128xf32>
    %select_n3A_3005 = arith.select %gt3A_2994, %reduce_sum3A_2991, %broadcast_in_dim3A_3004 : vector<8x128xi1>, vector<8x128xf32>
    %swap3A_3006 = arith.constant 0 : index
    %swap3A_3007 = arith.constant 0 : index
    %swap3A_3008 = arith.constant 0 : index
    %swap3A_3009 = vector.load %arg5[%swap3A_3006, %swap3A_3007, %swap3A_3008] : memref<1x8x128xf32, #tpu.memory_space<vmem>>, vector<1x8x128xf32>
    %swap3A_3010 = vector.shape_cast %swap3A_3009 : vector<1x8x128xf32> to vector<8x128xf32>
    %swap3A_3011 = vector.shape_cast %select_n3A_3005 : vector<8x128xf32> to vector<1x8x128xf32>
    tpu.vector_store %arg5[%swap3A_3006, %swap3A_3007, %swap3A_3008], %swap3A_3011 {strides = array<i32>} : memref<1x8x128xf32, #tpu.memory_space<vmem>>, vector<1x8x128xf32>,
    return
  }
  func.func @transform_0(%arg0: i32) -> (i32, i32, i32) {
    %c0_i32 = arith.constant 0 : i32
    %c0_i32_0 = arith.constant 0 : i32
    %c0_i32_1 = arith.constant 0 : i32
    return %arg0, %c0_i32, %c0_i32_0 : i32, i32, i32
  }
  func.func @transform_1(%arg0: i32) -> (i32, i32, i32) {
    %c0_i32 = arith.constant 0 : i32
    %c0_i32_0 = arith.constant 0 : i32
    %c0_i32_1 = arith.constant 0 : i32
    return %arg0, %c0_i32, %c0_i32_0 : i32, i32, i32
  }
  func.func @transform_2(%arg0: i32) -> (i32, i32, i32) {
    %c0_i32 = arith.constant 0 : i32
    %c0_i32_0 = arith.constant 0 : i32
    %c0_i32_1 = arith.constant 0 : i32
    return %arg0, %c0_i32, %c0_i32_0 : i32, i32, i32
  }
  func.func @transform_3(%arg0: i32) -> (i32, i32, i32) {
    %c0_i32 = arith.constant 0 : i32
    %c0_i32_0 = arith.constant 0 : i32
    %c0_i32_1 = arith.constant 0 : i32
    return %arg0, %c0_i32, %c0_i32_0 : i32, i32, i32
  }
  func.func @transform_4(%arg0: i32) -> (i32, i32, i32) {
    %c0_i32 = arith.constant 0 : i32
    %c0_i32_0 = arith.constant 0 : i32
    %c0_i32_1 = arith.constant 0 : i32
    return %arg0, %c0_i32, %c0_i32_0 : i32, i32, i32
  }
}

</mosaic_0001>

<sc_bundles>
// kernel: kernel.5.cloned.1.call-start
scs
__scs_entry_jumppad:
0x0: {  	(pc) =	sbr.rel $0x88, $3  }
0x1: {  	(tag) =	ssettag $0x0;
	lr =	simm.s32 $0x1  }
0x2: {  	[smem:$0x3F9B] =	sst lr;
	_ =	strace $0xD0000000  }
0x3: {  	_ = 	snop  }
0x4: {  	_ = 	snop  }
0x5: {  	_ = 	snop  }
0x6: {  	_ = 	snop  }
0x7: {  	_ = 	snop  }
__scs_overlays_trampoline_lowered:
0x8: {  	[smem:$0x3FAA] =	sst s0  }
0x9: {  	[smem:$0x3FAB] =	sst s1  }
0xa: {  	[smem:$0x3FAC] =	sst s2  }
0xb: {  	[smem:$0x3FAD] =	sst s3  }
0xc: {  	[smem:$0x3FAE] =	sst s4  }
0xd: {  	[smem:$0x3FAF] =	sst s5  }
0xe: {  	[smem:$0x3FB0] =	sst s6  }
0xf: {  	[smem:$0x3FB1] =	sst s7  }
0x10: {  	[smem:$0x3FB2] =	sst s8  }
0x11: {  	[smem:$0x3FB3] =	sst s9;
	s0 =	simm.s32 @!p0 $0x0  }
0x12: {  	s1 =	sld [smem:$0x3F99];
	s0 =	simm.s32 @p0 $0x1  }
0x13: {  	[smem:$0x3FB4] =	sst s0;
	s0 =	simm.s32 @!p1 $0x0  }
0x14: {  	s2 =	sld [smem:$0x3F98];
	s0 =	simm.s32 @p1 $0x1  }
0x15: {  	[smem:$0x3FB5] =	sst s0;
	s0 =	simm.s32 @!p2 $0x0  }
0x16: {  	s3 =	sld [smem:$0x3FDB];
	s0 =	simm.s32 @p2 $0x1  }
0x17: {  	s4 =	simm.s32 $0x1BF5;
	[smem:$0x3FB7] =	sst s0  }
0x18: {  	s0 =	sld [smem:$0x3F9A];
	_ =	swait.ge [sflag:s4], $0x0  }
0x19: {  	s7 =	sld [smem:$0x3F9B]  }
0x1a: {  	s8 =	sadd.s32 $0xFFFFE003, lr  }
0x1b: {  	s9 =	sadd.s32 $0xFFFFFEF7, lr;
	s5 =	simm.s32 $0xFFFFFFFF;
	p2 =	slt.u32 s8, $0xFFFFF086  }
0x1c: {  	p1 =	slt.u32 s9, $0xF7A;
	s5 =	simm.s32 @!p2 $0x0  }
0x1d: {  	s5 =	simm.s32 @p1 $0x1;
	p0 =	seq.s32 s7, s2  }
0x1e: {  	s7 =	smul.u32 @!p0 $0xF7A, s2;
	p2 =	seq.s32 @!p0 s5, $0x0  }
0x1f: {  	s9 =	smul.u32 $0xF7A, s1;
	s8 =	simm.s32 @!p0 $0x1BF5;
	p2 =	por !p2, p0  }
0x20: {  	[sflag:s8] =	ssyncset.s32 @!p0 $0xFFFFF086;
	s6 =	sadd.s32 @!p0 s3, s7;
	s7 =	simm.s32 @!p0 $0x108  }
0x21: {  	s3 =	sadd.s32 s3, s9;
	s6 =	sadd.s32 @!p0 $0x88, s6;
	s7 =	simm.s32 @p2 $0x1082  }
0x22: {  	[simem:s7], [sflag:s8] =	dma.local @!p0 [hbm:s6], $0xF7A  }
0x23: {  	s9 =	sor.u32 $0xD0000000, s2;
	s6 =	simm.s32 $0x108;
	_ =	swait.ge @!p0 [sflag:s8], $0x0  }
0x24: {  	s3 =	sadd.s32 $0x88, s3;
	s6 =	simm.s32 @!p1 $0x1082;
	[sflag:s4] =	ssyncset.s32 $0xFFFFF086  }
0x25: {  	[simem:s6], [sflag:s4] =	dma.local [hbm:s3], $0xF7A  }
0x26: {  	[smem:$0x3F9B] =	sst s1;
	(tag) =	ssettag s2;
	_ =	strace s9  }
0x27: {  	s1 =	sld [smem:$0x3FAB]  }
0x28: {  	s2 =	sld [smem:$0x3FAC]  }
0x29: {  	s4 =	sld [smem:$0x3FAE]  }
0x2a: {  	p0 =	seq.s32 s5, $0x0;
	s5 =	sld [smem:$0x3FAF]  }
0x2b: {  	s6 =	sld [smem:$0x3FB0]  }
0x2c: {  	s7 =	sld [smem:$0x3FB1]  }
0x2d: {  	s3 =	simm.s32 $0x108;
	s8 =	sld [smem:$0x3FB2]  }
0x2e: {  	s3 =	simm.s32 @!p0 $0x1082;
	s9 =	sld [smem:$0x3FB3]  }
0x2f: {  	lr =	sadd.s32 s0, s3;
	s0 =	sld [smem:$0x3FAA]  }
0x30: {  	s3 =	sld [smem:$0x3FAD]  }
0x31: {  	[smem:$0x3FB6] =	sst s10  }
0x32: {  	s10 =	sld [smem:$0x3FB4];
	_ =	sdelay $0x3  }
0x33: {  	p0 =	seq.s32 s10, $0x1;
	s10 =	sld [smem:$0x3FB6];
	_ =	sdelay $0x3  }
0x34: {  	[smem:$0x3FB6] =	sst s10  }
0x35: {  	s10 =	sld [smem:$0x3FB5];
	_ =	sdelay $0x3  }
0x36: {  	p1 =	seq.s32 s10, $0x1;
	s10 =	sld [smem:$0x3FB6];
	_ =	sdelay $0x3  }
0x37: {  	[smem:$0x3FB6] =	sst s10  }
0x38: {  	s10 =	sld [smem:$0x3FB7]  }
0x39: {  	_ = 	snop;
	(pc) =	sbr.ind lr, $3  }
0x3a: {  	_ = 	snop  }
0x3b: {  	_ = 	snop  }
0x3c: {  	p2 =	seq.s32 s10, $0x1;
	s10 =	sld [smem:$0x3FB6]  }
0x3d: {  	_ =	shalt  }
0x3e: {  	_ =	shalt  }
0x3f: {  	_ =	shalt  }
0x40: {  	_ =	shalt  }
0x41: {  	_ =	shalt  }
0x42: {  	_ =	shalt  }
0x43: {  	_ =	shalt  }
0x44: {  	_ =	shalt  }
0x45: {  	_ =	shalt  }
0x46: {  	_ =	shalt  }
0x47: {  	_ =	shalt  }
0x48: {  	_ =	shalt  }
0x49: {  	_ =	shalt  }
0x4a: {  	_ =	shalt  }
0x4b: {  	_ =	shalt  }
0x4c: {  	_ =	shalt  }
0x4d: {  	_ =	shalt  }
0x4e: {  	_ =	shalt  }
0x4f: {  	_ =	shalt  }
0x50: {  	_ =	shalt  }
0x51: {  	_ =	shalt  }
0x52: {  	_ =	shalt  }
0x53: {  	_ =	shalt  }
0x54: {  	_ =	shalt  }
0x55: {  	_ =	shalt  }
0x56: {  	_ =	shalt  }
0x57: {  	_ =	shalt  }
0x58: {  	_ =	shalt  }
0x59: {  	_ =	shalt  }
0x5a: {  	_ =	shalt  }
0x5b: {  	_ =	shalt  }
0x5c: {  	_ =	shalt  }
0x5d: {  	_ =	shalt  }
0x5e: {  	_ =	shalt  }
0x5f: {  	_ =	shalt  }
0x60: {  	_ =	shalt  }
0x61: {  	_ =	shalt  }
0x62: {  	_ =	shalt  }
0x63: {  	_ =	shalt  }
0x64: {  	_ =	shalt  }
0x65: {  	_ =	shalt  }
0x66: {  	_ =	shalt  }
0x67: {  	_ =	shalt  }
0x68: {  	_ =	shalt  }
0x69: {  	_ =	shalt  }
0x6a: {  	_ =	shalt  }
0x6b: {  	_ =	shalt  }
0x6c: {  	_ =	shalt  }
0x6d: {  	_ =	shalt  }
0x6e: {  	_ =	shalt  }
0x6f: {  	_ =	shalt  }
0x70: {  	_ =	shalt  }
0x71: {  	_ =	shalt  }
0x72: {  	_ =	shalt  }
0x73: {  	_ =	shalt  }
0x74: {  	_ =	shalt  }
0x75: {  	_ =	shalt  }
0x76: {  	_ =	shalt  }
0x77: {  	_ =	shalt  }
0x78: {  	_ =	shalt  }
0x79: {  	_ =	shalt  }
0x7a: {  	_ =	shalt  }
0x7b: {  	_ =	shalt  }
0x7c: {  	_ =	shalt  }
0x7d: {  	_ =	shalt  }
0x7e: {  	_ =	shalt  }
0x7f: {  	_ =	shalt  }
0x80: {  	_ =	shalt  }
0x81: {  	_ =	shalt  }
0x82: {  	_ =	shalt  }
0x83: {  	_ =	shalt  }
0x84: {  	_ =	shalt  }
0x85: {  	_ =	shalt  }
0x86: {  	_ =	shalt  }
0x87: {  	_ =	shalt  }
.Lfunc_end0:
.L_simem_size_0:
called_computation_lowered:
.L_overlay_start_0:
0x88: {  	s2 =	sld [smem:$0x3FD9]  }
0x89: {  	s3 =	sld [smem:$0x3FFE];
	_ =	sdelay $0x1  }
0x8a: {  	s1 =	srdreg.scid  }
0x8b: {  	s0 =	sand.u32 $0x1, s1  }
0x8c: {  	s16 =	sshll.u32 s0, $0xA;
	s2 =	sadd.s32 s3, s2  }
0x8d: {  	s2 =	sadd.s32 s2, s16  }
0x8e: {  	[smem:$0x3FC2] =	sst s2  }
0x8f: {  	_ = 	snop  }
0x90: {  	(tm) =	ssettm $0x1  }
0x91: {  	s17 =	sld [smem:$0x3FFB];
	_ =	sdelay $0x3  }
0x92: {  	_ =	strace s17  }
0x93: {  	s2 =	sld [smem:$0x3FFC];
	_ =	sdelay $0x3  }
0x94: {  	_ =	strace s2  }
0x95: {  	s2 =	sld [smem:$0x3FFD];
	_ =	sdelay $0x3  }
0x96: {  	_ =	strace s2  }
0x97: {  	_ =	strace $0x8FFFFFFF  }
0x98: {  	s18 =	sld [smem:$0x3FDB];
	_ =	sdelay $0x1  }
0x99: {  	s19 =	simm.s32 $_scs_section_size  }
0x9a: {  	s4 =	simm.s32 $_size__tile_overlayer_lowered;
	s5 =	simm.s32 $_tile_overlayer_lowered  }
0x9b: {  	s22 =	simm.s32 $0x1BFF;
	s21 =	sshll.u32 s5, $0x1;
	s2 =	sadd.s32 s19, s18  }
0x9c: {  	s6 =	simm.s32 $0x0;
	s20 =	sshll.u32 s4, $0x1;
	s4 =	sadd.s32 s21, s2  }
0x9d: {  	[timem:s6], [sflag:s22] =	dma.local [hbm:s4], s20  }
0x9e: {  	_ =	swait.ge [sflag:s22], s20  }
0x9f: {  	s3 =	ssub.s32 $0x0, s20;
	[sflag:s22] =	ssyncset.done $0x0  }
0xa0: {  	[sflag:s22] =	ssyncadd.s32 s3;
	_ =	sdelay $0x1  }
0xa1: {  	s23 =	simm.s32 $0x1B8B  }
0xa2: {  	_ =	swait.ge [sflag:s23], $0x1  }
0xa3: {  	[sflag:s23] =	ssyncset.done $0x0  }
0xa4: {  	s25 =	simm.s32 $0x1B8E;
	s24 =	sld [smem:$0x3FFE];
	[sflag:s23] =	ssyncadd.s32 $0xFFFFFFFF  }
0xa5: {  	s26 =	simm.s32 $execute0_lowered;
	[smem:$0x3FD2] =	sst s25  }
0xa6: {  	s4 =	sshll.u32 s26, $0x1;
	_ =	strace $0x80000046;
	[dreg:$0x1] =	wrdreg $0xFFFFFFFF  }
0xa7: {  	s28 =	simm.s32 $_size_execute0_lowered;
	s2 =	sadd.s32 s2, s4;
	[dreg:$0x0] =	wrdreg $0x0  }
0xa8: {  	s4 =	sshll.u32 s28, $0x1;
	[dreg:$0x2] =	wrdreg s2  }
0xa9: {  	[dreg:$0x3] =	wrdreg s4  }
0xaa: {  	[dreg:$0x4] =	wrdreg $0xC0  }
0xab: {  	_ =	task [dreg:s6], $0x5FFFF  }
0xac: {  	[dreg:$0x1] =	wrdreg $0xFFFFFFFF  }
0xad: {  	[dreg:$0x0] =	wrdreg $0x60  }
0xae: {  	[dreg:$0x2] =	wrdreg s24  }
0xaf: {  	[dreg:$0x3] =	wrdreg $0x9  }
0xb0: {  	_ =	task.clear_ibuf [dreg:s6], $0x4FFFF;
	_ =	strace $0x90000046  }
0xb1: {  	s29 =	simm.s32 $0x9;
	_ =	strace $0x80000048  }
0xb2: {  	_ =	swait.ge [sflag:s29], $0x1  }
0xb3: {  	[sflag:s29] =	ssyncadd.s32 $0xFFFFFFFF  }
0xb4: {  	_ =	strace $0x90000048  }
0xb5: {  	_ =	sfence  }
0xb6: {  	s30 =	sld [smem:$0x0];
	_ =	sdelay $0x2  }
0xb7: {  	s31 =	sshll.u32 s1, $0xD;
	s1 =	sshrl.u32 s1, $0x2  }
0xb8: {  	s3 =	sand.u32 $0x4000, s31;
	s1 =	sadd.s32 s1, s30  }
0xb9: {  	s0 =	sor.u32 s3, s0;
	s1 =	sshll.u32 s1, $0x11  }
0xba: {  	s0 =	sor.u32 s1, s0  }
0xbb: {  	s0 =	sadd.s32 $0x8F2B, s0  }
0xbc: {  	[sflag:s0] =	ssyncadd.remote.s32 $0x1  }
0xbd: {  	_ =	sfence.sel $0xFFFF  }
0xbe: {  	[dreg:$0x0] =	wrdreg $0xFFFFFFFF;
	(pc) =	sbr.abs _section_cstart, $3  }
0xbf: {  	[dreg:$0x1] =	wrdreg $0xFFFFFFFF  }
0xc0: {  	_ =	task.clear_ibuf [dreg:s6], $0x2FFFF;
	_ =	strace $0x9FFFFFFF  }
0xc1: {  	(tm) =	ssettm $0x7FFFFFFF  }
tec
execute0_lowered:
.L_overlay_start_1:
0x0: {  	(tag) =	ssettag $0x1  }
0x1: {  	s0 =	stileid.u32  }
0x2: {  	p0 =	sgt.u32 s0, $0x3  }
.Ltmp0:
0x3: {  	_ = 	snop;
	(pc) =	sbr.rel @p0 .LBB2_63-.Ltmp0, $4  }
0x4: {  	_ = 	snop  }
0x5: {  	s2 =	simm.s32 $0x0  }
0x6: {  	[smem:$0x7FF] =	sst s2  }
0x7: {  	s3 =	rddreg [dreg:$0x0];
	_ =	strace $0x80000047  }
0x8: {  	s4 =	srdreg.scid;
	s0 =	stileid.u32;
	s8 =	sadd.s32 $0x1A00, s3  }
0x9: {  	s9 =	simm.s32 $0x1;
	s10 =	simm.s32 $0x4000;
	s4 =	sand.u32 $0x1, s4  }
0xa: {  	s5 =	sshll.u32 s0, $0x5;
	s6 =	sshll.u32 s4, $0x4;
	s4 =	ssub.s32 $0x2, s4  }
0xb: {  	s11 =	simm.s32 $0x5000;
	s5 =	sor.u32 s6, s5;
	s7 =	sshrl.u32 s4, $0x1  }
0xc: {  	s12 =	simm.s32 $0x5800;
	s6 =	sadd.s32 s5, s3;
	s7 =	ssub.s32 s4, s7  }
0xd: {  	v0 =	vimm.s32 $0x0;
	v1 =	vlaneseq.u32;
	s5 =	sadd.s32 s8, s5;
	s8 =	simm.s32 $0x400;
	s3 =	sadd.s32 $0x6200, s6  }
0xe: {  	v2 =	vimm.s32 $0x1;
	v3 =	vimm.f32 $-1.000000000e+00;
	v4 =	vimm.s32 $0x4000;
	s4 =	sadd.s32 $0x5A00, s6;
	s6 =	smax.u32 s7, $0x1;
	s7 =	simm.s32 $0x80  }
.LBB2_2:
0xf: {  	s13 =	simm.s32 $0x0  }
0x10: {  	[tilespmem:s13], [sflag:$0x1] =	stream.strided.gather [hbm4b:s5+s7], $0x4000, s8, s7, $0x38;
	[tilespmem:$0x6000] =	vst v63  }
0x11: {  	_ =	swait.ge [sflag:s9], $0x4000  }
0x12: {  	[sflag:s9] =	ssyncset.done $0x0  }
0x13: {  	s14 =	simm.s32 $0x40;
	s15 =	simm.s32 $0x0;
	[sflag:s9] =	ssyncadd.s32 $0xFFFFC000  }
.LBB2_3:
0x14: {  	p0 =	sne.s32 s14, $0x3FC0;
	[tilespmem:s15+$0x4000] =	vst v0;
	s15 =	smov.u32 s14;
	s14 =	sadd.s32 $0x40, s14  }
.Ltmp1:
0x15: {  	(pc) =	sbr.rel @p0 .LBB2_3-.Ltmp1, $2  }
0x16: {  	_ =	sdelay $0x2  }
0x17: {  	s15 =	sshra.s32 s15, $0x2  }
0x18: {  	[tilespmem:s15+$0x4000] =	vst v0  }
.LBB2_5:
0x19: {  	s14 =	sshra.s32 s13, $0x2  }
0x1a: {  	v5 =	vld [tilespmem:s14+$0x0];
	_ =	sdelay $0x4  }
0x1b: {  	v6 =	vshrl.u32 v5, $0x13  }
0x1c: {  	vm0 =	vgt.s32 v5, $0xFFFFFFFF;
	v5 =	vand.u32 $0xFF0, v6  }
0x1d: {  	p0 =	sne.s32 s13, $0xFFC0;
	v5 =	vor.u32 v1, v5  }
.Ltmp2:
0x1e: {  	_ = 	snop;
	(pc) =	sbr.rel @p0 .LBB2_5-.Ltmp2, $2  }
0x1f: {  	_ =	sdelay $0x2  }
0x20: {  	s13 =	sadd.s32 $0x40, s13;
	[tilespmem:v5+s10+$0x0] =	vst.idx.add.s32.msk vm0, v2  }
0x21: {  	s13 =	simm.s32 $0x4FF0  }
0x22: {  	v5 =	vld [tilespmem:s13+$0x0];
	_ =	sdelay $0x4  }
0x23: {  	(xrf0) =	vadd.scan.msk.s32 $0xffff, v5;
	_ =	sdelay $0x5  }
0x24: {  	v5, _, _ =	vpop (xrf0)  }
0x25: {  	(v2sf) =	vpush v5, $0xF;
	_ =	sdelay $0x1  }
0x26: {  	s28 =	simm.s32 $0x4FE0  }
0x27: {  	v5 =	vld [tilespmem:s28+$0x0]  }
0x28: {  	s29 =	simm.s32 $0x4FD0  }
0x29: {  	v6 =	vld [tilespmem:s29+$0x0];
	_ =	sdelay $0x2  }
0x2a: {  	(xrf0) =	vadd.scan.msk.s32 $0xffff, v5;
	_ =	sdelay $0x1  }
0x2b: {  	(xrf0) =	vadd.scan.msk.s32 $0xffff, v6;
	_ =	sdelay $0x2  }
0x2c: {  	s30 =	simm.s32 $0x4FC0  }
0x2d: {  	v7 =	vld [tilespmem:s30+$0x0];
	v6, _, _ =	vpop (xrf0)  }
0x2e: {  	s15 =	spop (v2sf);
	(v2sf) =	vpush v6, $0xF  }
0x2f: {  	v6, _, _ =	vpop (xrf0)  }
0x30: {  	(v2sf) =	vpush v6, $0xF;
	_ =	sdelay $0x1  }
0x31: {  	s31 =	simm.s32 $0x4FB0;
	(xrf0) =	vadd.scan.msk.s32 $0xffff, v7  }
0x32: {  	v5 =	vld [tilespmem:s31+$0x0]  }
0x33: {  	s20 =	simm.s32 $0xFF  }
0x34: {  	s18 =	simm.s32 $0xFE;
	s17 =	simm.s32 $0xFD;
	s16 =	simm.s32 $0xFC  }
0x35: {  	s14 =	simm.s32 $0xFB;
	s22 =	simm.s32 $0xFA;
	s23 =	simm.s32 $0x4FA0  }
0x36: {  	p1 =	por $0x1, $0x1;
	s21 =	simm.s32 $0x0;
	s19 =	sadd.s32 $0x0, s15  }
0x37: {  	s13 =	simm.s32 $0x0;
	(xrf0) =	vadd.scan.msk.s32 $0xffff, v5;
	v5, _, _ =	vpop (xrf0);
	s15 =	simm.s32 $0x0;
	p2 =	sgt.s32 s19, $0x3FF  }
.LBB2_7:
0x38: {  	p0 =	seq.s32 s22, $0x0;
	p1 =	por !p1, !p2;
	s24 =	smov.u32 s22  }
0x39: {  	v6 =	vld [tilespmem:s23+$0x0];
	(v2sf) =	vpush v5, $0xF;
	s22 =	sadd.s32 $0xFFFFFFFF, s22;
	s25 =	smov.u32 s21;
	s21 =	smov.u32 s19  }
.Ltmp3:
0x3a: {  	p1 =	por !p1, !p1;
	(pc) =	sbr.rel @!p0 .LBB2_7-.Ltmp3, $4  }
0x3b: {  	s13 =	smov.u32 @p1 s20;
	s15 =	smov.u32 @p1 s25;
	s20 =	smov.u32 s18  }
0x3c: {  	s18 =	smov.u32 s17;
	s17 =	smov.u32 s16;
	s25 =	spop (v2sf)  }
0x3d: {  	s16 =	smov.u32 s14;
	s14 =	smov.u32 s24;
	s19 =	sadd.s32 s19, s25  }
0x3e: {  	s23 =	sadd.s32 $0xFFFFFFF0, s23;
	p1 =	slt.s32 s21, $0x400;
	(xrf0) =	vadd.scan.msk.s32 $0xffff, v6;
	v5, _, _ =	vpop (xrf0);
	p2 =	sgt.s32 s19, $0x3FF  }
0x3f: {  	_ =	sdelay $0x3  }
0x40: {  	(v2sf) =	vpush v5, $0xF  }
0x41: {  	v5, _, _ =	vpop (xrf0)  }
0x42: {  	(v2sf) =	vpush v5, $0xF;
	_ =	sdelay $0x7  }
0x43: {  	s22 =	spop (v2sf);
	p0 =	por !p1, !p2;
	p3 =	slt.s32 s19, $0x400  }
0x44: {  	p0 =	por !p0, !p0;
	s22 =	sadd.s32 s19, s22;
	s23 =	spop (v2sf)  }
0x45: {  	p4 =	sgt.s32 s22, $0x3FF;
	s13 =	smov.u32 @p0 s20;
	s20 =	sadd.s32 s22, s23  }
0x46: {  	p5 =	slt.s32 s22, $0x400;
	p1 =	por !p3, !p4;
	p3 =	sgt.s32 s20, $0x3FF  }
0x47: {  	s15 =	smov.u32 @p0 s21;
	p1 =	por !p1, !p1;
	p6 =	por !p5, !p3  }
0x48: {  	s13 =	smov.u32 @p1 s18;
	p0 =	por !p6, !p6;
	s30 =	spop (v2sf)  }
0x49: {  	s13 =	smov.u32 @p0 s17;
	s17 =	sadd.s32 s20, s30  }
0x4a: {  	p2 =	slt.s32 s20, $0x400;
	p3 =	sgt.s32 s17, $0x3FF;
	s31 =	spop (v2sf)  }
0x4b: {  	s15 =	smov.u32 @p1 s19;
	p1 =	por !p2, !p3;
	s18 =	sadd.s32 s17, s31  }
0x4c: {  	p4 =	slt.s32 s17, $0x400;
	p1 =	por !p1, !p1;
	p5 =	sgt.s32 s18, $0x3FF  }
0x4d: {  	s15 =	smov.u32 @p0 s22;
	s13 =	smov.u32 @p1 s16;
	p6 =	por !p4, !p5  }
0x4e: {  	s15 =	smov.u32 @p1 s20;
	s16 =	simm.s32 $0x0;
	p0 =	por !p6, !p6  }
0x4f: {  	s13 =	smov.u32 @p0 s14;
	s15 =	smov.u32 @p0 s17;
	s14 =	simm.s32 $0x40  }
.LBB2_9:
0x50: {  	p0 =	seq.s32 s14, $0x3FC0;
	[tilespmem:s16+$0x4000] =	vst v0;
	s16 =	smov.u32 s14;
	s14 =	sadd.s32 $0x40, s14  }
.Ltmp4:
0x51: {  	(pc) =	sbr.rel @!p0 .LBB2_9-.Ltmp4, $2  }
0x52: {  	_ =	sdelay $0x2  }
0x53: {  	s16 =	sshra.s32 s16, $0x2  }
0x54: {  	[tilespmem:s16+$0x4000] =	vst v0;
	v5 =	vmov s13;
	s14 =	simm.s32 $0x0;
	s16 =	simm.s32 $0x0  }
.LBB2_11:
0x55: {  	s17 =	sshra.s32 s16, $0x2  }
0x56: {  	v6 =	vld [tilespmem:s17+$0x0];
	_ =	sdelay $0x4  }
0x57: {  	v7 =	vshra.s32 v6, $0x17;
	v6 =	vshrl.u32 v6, $0xB  }
0x58: {  	vm0 =	veq.s32 v7, v5;
	v6 =	vand.u32 $0xFF0, v6  }
0x59: {  	p0 =	sne.s32 s16, $0xFFC0;
	v6 =	vor.u32 v1, v6  }
.Ltmp5:
0x5a: {  	_ = 	snop;
	(pc) =	sbr.rel @p0 .LBB2_11-.Ltmp5, $2  }
0x5b: {  	_ =	sdelay $0x2  }
0x5c: {  	s16 =	sadd.s32 $0x40, s16;
	[tilespmem:v6+s10+$0x0] =	vst.idx.add.s32.msk vm0, v2  }
0x5d: {  	s16 =	simm.s32 $0x4FF0  }
0x5e: {  	p4 =	por $0x0, $0x0;
	v5 =	vld [tilespmem:s16+$0x0]  }
.Ltmp6:
0x5f: {  	_ = 	snop;
	(pc) =	sbr.rel @p4 .LBB2_13-.Ltmp6, $4  }
0x60: {  	_ = 	snop  }
0x61: {  	s17 =	simm.s32 $0xFF  }
0x62: {  	s18 =	simm.s32 $0xFE;
	p0 =	por $0x0, $0x0;
	p1 =	por $0x0, $0x0  }
0x63: {  	p2 =	por $0x0, $0x0;
	p3 =	por $0x0, $0x0;
	s16 =	simm.s32 $0x4FE0;
	(xrf0) =	vadd.scan.msk.s32 $0xffff, v5  }
0x64: {  	v5 =	vld [tilespmem:s16+$0x0];
	p4 =	por $0x0, $0x0  }
.Ltmp7:
0x65: {  	_ = 	snop;
	(pc) =	sbr.rel @p4 .LBB2_15-.Ltmp7, $2  }
0x66: {  	_ =	sdelay $0x2  }
0x67: {  	s16 =	simm.s32 $0xFD;
	s19 =	simm.s32 $0x4FD0;
	p0 =	por $0x1, $0x1;
	(xrf0) =	vadd.scan.msk.s32 $0xffff, v5;
	v5, _, _ =	vpop (xrf0)  }
0x68: {  	v6 =	vld [tilespmem:s19+$0x0];
	p4 =	por $0x0, $0x0  }
.Ltmp8:
0x69: {  	_ = 	snop;
	(pc) =	sbr.rel @p4 .LBB2_17-.Ltmp8, $2  }
0x6a: {  	_ =	sdelay $0x2  }
0x6b: {  	(v2sf) =	vpush v5, $0xF;
	s20 =	simm.s32 $0xFC;
	s19 =	simm.s32 $0x4FC0;
	p1 =	por $0x1, $0x1;
	(xrf0) =	vadd.scan.msk.s32 $0xffff, v6;
	v5, _, _ =	vpop (xrf0)  }
0x6c: {  	(v2sf) =	vpush v5, $0xF;
	_ =	sdelay $0x4  }
0x6d: {  	v6 =	vld [tilespmem:s19+$0x0];
	p4 =	por $0x0, $0x0  }
.Ltmp9:
0x6e: {  	_ = 	snop;
	(pc) =	sbr.rel @p4 .LBB2_19-.Ltmp9, $2  }
0x6f: {  	_ =	sdelay $0x2  }
0x70: {  	s26 =	simm.s32 $0xFB;
	s19 =	simm.s32 $0x4FB0;
	p2 =	por $0x1, $0x1;
	(xrf0) =	vadd.scan.msk.s32 $0xffff, v6;
	v5, _, _ =	vpop (xrf0)  }
0x71: {  	(v2sf) =	vpush v5, $0xF;
	_ =	sdelay $0x2  }
0x72: {  	v6 =	vld [tilespmem:s19+$0x0];
	p6 =	por $0x0, $0x0  }
.Ltmp10:
0x73: {  	_ = 	snop;
	(pc) =	sbr.rel @p6 .LBB2_21-.Ltmp10, $4  }
0x74: {  	s28 =	simm.s32 $0xFA;
	s29 =	simm.s32 $0x4FA0;
	p4 =	slt.s32 s15, $0x400  }
0x75: {  	p3 =	por $0x1, $0x1;
	s19 =	simm.s32 $0xFF;
	s31 =	spop (v2sf)  }
0x76: {  	s23 =	smov.u32 s15;
	s22 =	simm.s32 $0x0;
	s21 =	sadd.s32 s15, s31  }
0x77: {  	s24 =	simm.s32 $0x0;
	s25 =	simm.s32 $0xFE;
	p5 =	sgt.s32 s21, $0x3FF;
	(xrf0) =	vadd.scan.msk.s32 $0xffff, v6;
	v5, _, _ =	vpop (xrf0)  }
.LBB2_22:
0x78: {  	p6 =	seq.s32 s28, $0x0;
	p4 =	por !p4, !p5;
	s30 =	smov.u32 s28  }
0x79: {  	v6 =	vld [tilespmem:s29+$0x0];
	(v2sf) =	vpush v5, $0xF;
	s28 =	sadd.s32 $0xFFFFFFFF, s28;
	s31 =	smov.u32 s23;
	s23 =	smov.u32 s21  }
.Ltmp11:
0x7a: {  	p4 =	por !p4, !p4;
	(pc) =	sbr.rel @!p6 .LBB2_22-.Ltmp11, $4  }
0x7b: {  	s22 =	smov.u32 @p4 s19;
	s24 =	smov.u32 @p4 s31;
	s19 =	smov.u32 s25  }
0x7c: {  	s25 =	smov.u32 s16;
	s16 =	smov.u32 s20;
	s31 =	spop (v2sf)  }
0x7d: {  	s20 =	smov.u32 s26;
	s26 =	smov.u32 s30;
	s21 =	sadd.s32 s21, s31  }
0x7e: {  	s29 =	sadd.s32 $0xFFFFFFF0, s29;
	p4 =	slt.s32 s23, $0x400;
	(xrf0) =	vadd.scan.msk.s32 $0xffff, v6;
	v5, _, _ =	vpop (xrf0);
	p5 =	sgt.s32 s21, $0x3FF  }
0x7f: {  	s28 =	smov.u32 s16;
	s16 =	smov.u32 s26  }
.LBB2_24:
0x80: {  	p4 =	por @p3 !p4, !p5  }
0x81: {  	s18 =	smov.u32 @p0 s20;
	p4 =	por @p3 !p4, !p4  }
0x82: {  	s18 =	smov.u32 @p0 s18;
	p4 =	por !p4, !p3  }
0x83: {  	(v2sf) =	vpush @p0 v5, $0xF;
	s26 =	smov.u32 @p2 s21;
	s18 =	smov.u32 @p0 s18;
	s19 =	smov.u32 @p4 s22  }
0x84: {  	s22 =	spop @p2 (v2sf);
	s23 =	smov.u32 @p4 s24;
	p4 =	slt.s32 @p2 s26, $0x400  }
0x85: {  	s24 =	smov.u32 @p1 s28;
	s26 =	smov.u32 @p2 s26;
	s28 =	simm.s32 $0x0  }
0x86: {  	v5, _, _ =	vpop (xrf0);
	s21 =	sadd.s32 @p2 s21, s22;
	s22 =	smov.u32 @p2 s25;
	s25 =	smov.u32 s15  }
0x87: {  	(v2sf) =	vpush v5, $0xF;
	p4 =	por @!p2 p0, p0;
	p5 =	sgt.s32 @p2 s21, $0x3FF;
	s25 =	smov.u32 @p2 s21  }
0x88: {  	s21 =	smov.u32 @p2 s22;
	s22 =	simm.s32 $0x0;
	p5 =	por @!p2 p0, p0  }
0x89: {  	s28 =	smov.u32 @p3 s23;
	s22 =	smov.u32 @p3 s19;
	p3 =	por @p2 !p4, !p5  }
0x8a: {  	s17 =	smov.u32 @p1 s24;
	s24 =	simm.s32 $0x0;
	p3 =	por @p2 !p3, !p3  }
0x8b: {  	s19 =	smov.u32 @p2 s26;
	s20 =	spop @p1 (v2sf);
	p3 =	por !p3, !p2  }
0x8c: {  	s23 =	smov.u32 @p1 s25;
	s20 =	sadd.s32 @p1 s25, s20;
	s21 =	smov.u32 @p3 s22  }
0x8d: {  	s19 =	smov.u32 @p3 s28;
	p3 =	slt.s32 @p1 s23, $0x400;
	p4 =	sgt.s32 @p1 s20, $0x3FF  }
0x8e: {  	s22 =	smov.u32 s15;
	s23 =	smov.u32 @p1 s23;
	p3 =	por @!p1 p0, p0  }
0x8f: {  	p4 =	por @!p1 p0, p0;
	s22 =	smov.u32 @p1 s20;
	s20 =	simm.s32 $0x0  }
0x90: {  	s24 =	smov.u32 @p2 s19;
	s20 =	smov.u32 @p2 s21;
	p2 =	por @p1 !p3, !p4  }
0x91: {  	s17 =	smov.u32 @p1 s17;
	s19 =	smov.u32 @p1 s23;
	p2 =	por @p1 !p2, !p2  }
0x92: {  	s21 =	smov.u32 @p0 s22;
	p2 =	por !p2, !p1;
	s23 =	spop @p0 (v2sf)  }
0x93: {  	p3 =	slt.s32 @p0 s21, $0x400;
	s17 =	smov.u32 @p2 s20;
	s20 =	sadd.s32 @p0 s22, s23  }
0x94: {  	p3 =	por @!p0 p0, p0;
	s19 =	smov.u32 @p2 s24;
	p2 =	sgt.s32 @p0 s20, $0x3FF  }
0x95: {  	s15 =	smov.u32 @p0 s20;
	s20 =	simm.s32 $0x0;
	p2 =	por @!p0 p0, p0  }
0x96: {  	s20 =	smov.u32 @p1 s17;
	s17 =	simm.s32 $0x0;
	s31 =	spop (v2sf)  }
0x97: {  	p2 =	por @p0 !p3, !p2;
	s17 =	smov.u32 @p1 s19;
	s19 =	sadd.s32 s15, s31  }
0x98: {  	p4 =	slt.s32 s15, $0x400;
	p1 =	por @p0 !p2, !p2;
	p5 =	sgt.s32 s19, $0x3FF  }
0x99: {  	s21 =	smov.u32 @p0 s21;
	p1 =	por !p1, !p0;
	p6 =	por !p4, !p5  }
0x9a: {  	s18 =	smov.u32 @p1 s20;
	s21 =	smov.u32 @p1 s17;
	s17 =	simm.s32 $0x0  }
0x9b: {  	s17 =	smov.u32 @p0 s18;
	s14 =	smov.u32 @p0 s21;
	p0 =	por !p6, !p6  }
0x9c: {  	s17 =	smov.u32 @p0 s16  }
0x9d: {  	s14 =	smov.u32 @p0 s15;
	s15 =	simm.s32 $0x40;
	s16 =	simm.s32 $0x0  }
.LBB2_25:
0x9e: {  	p0 =	seq.s32 s15, $0x3FC0;
	[tilespmem:s16+$0x4000] =	vst v0;
	s16 =	smov.u32 s15;
	s15 =	sadd.s32 $0x40, s15  }
.Ltmp12:
0x9f: {  	(pc) =	sbr.rel @!p0 .LBB2_25-.Ltmp12, $2  }
0xa0: {  	_ =	sdelay $0x2  }
0xa1: {  	s16 =	sshra.s32 s16, $0x2  }
0xa2: {  	s13 =	sshll.u32 s13, $0x8  }
0xa3: {  	s15 =	sor.u32 s13, s17  }
0xa4: {  	[tilespmem:s16+$0x4000] =	vst v0;
	s16 =	simm.s32 $0x0;
	s13 =	simm.s32 $0x0;
	v5 =	vmov s15  }
.LBB2_27:
0xa5: {  	s17 =	sshra.s32 s16, $0x2  }
0xa6: {  	v6 =	vld [tilespmem:s17+$0x0];
	_ =	sdelay $0x4  }
0xa7: {  	v7 =	vshra.s32 v6, $0xF;
	v6 =	vshrl.u32 v6, $0x3  }
0xa8: {  	vm0 =	veq.s32 v7, v5;
	v6 =	vand.u32 $0xFF0, v6  }
0xa9: {  	p0 =	sne.s32 s16, $0xFFC0;
	v6 =	vor.u32 v1, v6  }
.Ltmp13:
0xaa: {  	_ = 	snop;
	(pc) =	sbr.rel @p0 .LBB2_27-.Ltmp13, $2  }
0xab: {  	_ =	sdelay $0x2  }
0xac: {  	s16 =	sadd.s32 $0x40, s16;
	[tilespmem:v6+s10+$0x0] =	vst.idx.add.s32.msk vm0, v2  }
0xad: {  	s16 =	simm.s32 $0x4FF0  }
0xae: {  	p4 =	por $0x0, $0x0;
	v5 =	vld [tilespmem:s16+$0x0]  }
.Ltmp14:
0xaf: {  	_ = 	snop;
	(pc) =	sbr.rel @p4 .LBB2_29-.Ltmp14, $4  }
0xb0: {  	_ = 	snop  }
0xb1: {  	s17 =	simm.s32 $0xFF  }
0xb2: {  	s18 =	simm.s32 $0xFE;
	p0 =	por $0x0, $0x0;
	p1 =	por $0x0, $0x0  }
0xb3: {  	p2 =	por $0x0, $0x0;
	p3 =	por $0x0, $0x0;
	s16 =	simm.s32 $0x4FE0;
	(xrf0) =	vadd.scan.msk.s32 $0xffff, v5  }
0xb4: {  	v5 =	vld [tilespmem:s16+$0x0];
	p4 =	por $0x0, $0x0  }
.Ltmp15:
0xb5: {  	_ = 	snop;
	(pc) =	sbr.rel @p4 .LBB2_31-.Ltmp15, $2  }
0xb6: {  	_ =	sdelay $0x2  }
0xb7: {  	s16 =	simm.s32 $0xFD;
	s19 =	simm.s32 $0x4FD0;
	p0 =	por $0x1, $0x1;
	(xrf0) =	vadd.scan.msk.s32 $0xffff, v5;
	v5, _, _ =	vpop (xrf0)  }
0xb8: {  	v6 =	vld [tilespmem:s19+$0x0];
	p4 =	por $0x0, $0x0  }
.Ltmp16:
0xb9: {  	_ = 	snop;
	(pc) =	sbr.rel @p4 .LBB2_33-.Ltmp16, $2  }
0xba: {  	_ =	sdelay $0x2  }
0xbb: {  	(v2sf) =	vpush v5, $0xF;
	s20 =	simm.s32 $0xFC;
	s19 =	simm.s32 $0x4FC0;
	p1 =	por $0x1, $0x1;
	(xrf0) =	vadd.scan.msk.s32 $0xffff, v6;
	v5, _, _ =	vpop (xrf0)  }
0xbc: {  	(v2sf) =	vpush v5, $0xF;
	_ =	sdelay $0x4  }
0xbd: {  	v6 =	vld [tilespmem:s19+$0x0];
	p4 =	por $0x0, $0x0  }
.Ltmp17:
0xbe: {  	_ = 	snop;
	(pc) =	sbr.rel @p4 .LBB2_35-.Ltmp17, $2  }
0xbf: {  	_ =	sdelay $0x2  }
0xc0: {  	s26 =	simm.s32 $0xFB;
	s19 =	simm.s32 $0x4FB0;
	p2 =	por $0x1, $0x1;
	(xrf0) =	vadd.scan.msk.s32 $0xffff, v6;
	v5, _, _ =	vpop (xrf0)  }
0xc1: {  	(v2sf) =	vpush v5, $0xF;
	_ =	sdelay $0x2  }
0xc2: {  	v6 =	vld [tilespmem:s19+$0x0];
	p6 =	por $0x0, $0x0  }
.Ltmp18:
0xc3: {  	_ = 	snop;
	(pc) =	sbr.rel @p6 .LBB2_37-.Ltmp18, $4  }
0xc4: {  	s28 =	simm.s32 $0xFA;
	s29 =	simm.s32 $0x4FA0;
	p4 =	slt.s32 s14, $0x400  }
0xc5: {  	p3 =	por $0x1, $0x1;
	s19 =	simm.s32 $0xFF;
	s31 =	spop (v2sf)  }
0xc6: {  	s23 =	smov.u32 s14;
	s22 =	simm.s32 $0x0;
	s21 =	sadd.s32 s14, s31  }
0xc7: {  	s24 =	simm.s32 $0x0;
	s25 =	simm.s32 $0xFE;
	p5 =	sgt.s32 s21, $0x3FF;
	(xrf0) =	vadd.scan.msk.s32 $0xffff, v6;
	v5, _, _ =	vpop (xrf0)  }
.LBB2_38:
0xc8: {  	p6 =	seq.s32 s28, $0x0;
	p4 =	por !p4, !p5;
	s30 =	smov.u32 s28  }
0xc9: {  	v6 =	vld [tilespmem:s29+$0x0];
	(v2sf) =	vpush v5, $0xF;
	s28 =	sadd.s32 $0xFFFFFFFF, s28;
	s31 =	smov.u32 s23;
	s23 =	smov.u32 s21  }
.Ltmp19:
0xca: {  	p4 =	por !p4, !p4;
	(pc) =	sbr.rel @!p6 .LBB2_38-.Ltmp19, $4  }
0xcb: {  	s22 =	smov.u32 @p4 s19;
	s24 =	smov.u32 @p4 s31;
	s19 =	smov.u32 s25  }
0xcc: {  	s25 =	smov.u32 s16;
	s16 =	smov.u32 s20;
	s31 =	spop (v2sf)  }
0xcd: {  	s20 =	smov.u32 s26;
	s26 =	smov.u32 s30;
	s21 =	sadd.s32 s21, s31  }
0xce: {  	s29 =	sadd.s32 $0xFFFFFFF0, s29;
	p4 =	slt.s32 s23, $0x400;
	(xrf0) =	vadd.scan.msk.s32 $0xffff, v6;
	v5, _, _ =	vpop (xrf0);
	p5 =	sgt.s32 s21, $0x3FF  }
0xcf: {  	s28 =	smov.u32 s16;
	s16 =	smov.u32 s26  }
.LBB2_40:
0xd0: {  	p4 =	por @p3 !p4, !p5  }
0xd1: {  	s18 =	smov.u32 @p0 s20;
	p4 =	por @p3 !p4, !p4  }
0xd2: {  	s18 =	smov.u32 @p0 s18;
	p4 =	por !p4, !p3  }
0xd3: {  	(v2sf) =	vpush @p0 v5, $0xF;
	s26 =	smov.u32 @p2 s21;
	s18 =	smov.u32 @p0 s18;
	s19 =	smov.u32 @p4 s22  }
0xd4: {  	s22 =	spop @p2 (v2sf);
	s23 =	smov.u32 @p4 s24;
	p4 =	slt.s32 @p2 s26, $0x400  }
0xd5: {  	s24 =	smov.u32 @p1 s28;
	s26 =	smov.u32 @p2 s26;
	s28 =	simm.s32 $0x0  }
0xd6: {  	v5, _, _ =	vpop (xrf0);
	s21 =	sadd.s32 @p2 s21, s22;
	s22 =	smov.u32 @p2 s25;
	s25 =	smov.u32 s14  }
0xd7: {  	(v2sf) =	vpush v5, $0xF;
	p4 =	por @!p2 p0, p0;
	p5 =	sgt.s32 @p2 s21, $0x3FF;
	s25 =	smov.u32 @p2 s21  }
0xd8: {  	s21 =	smov.u32 @p2 s22;
	s22 =	simm.s32 $0x0;
	p5 =	por @!p2 p0, p0  }
0xd9: {  	s28 =	smov.u32 @p3 s23;
	s22 =	smov.u32 @p3 s19;
	p3 =	por @p2 !p4, !p5  }
0xda: {  	s17 =	smov.u32 @p1 s24;
	s24 =	simm.s32 $0x0;
	p3 =	por @p2 !p3, !p3  }
0xdb: {  	s19 =	smov.u32 @p2 s26;
	s20 =	spop @p1 (v2sf);
	p3 =	por !p3, !p2  }
0xdc: {  	s23 =	smov.u32 @p1 s25;
	s20 =	sadd.s32 @p1 s25, s20;
	s21 =	smov.u32 @p3 s22  }
0xdd: {  	s19 =	smov.u32 @p3 s28;
	p3 =	slt.s32 @p1 s23, $0x400;
	p4 =	sgt.s32 @p1 s20, $0x3FF  }
0xde: {  	s22 =	smov.u32 s14;
	s23 =	smov.u32 @p1 s23;
	p3 =	por @!p1 p0, p0  }
0xdf: {  	p4 =	por @!p1 p0, p0;
	s22 =	smov.u32 @p1 s20;
	s20 =	simm.s32 $0x0  }
0xe0: {  	s24 =	smov.u32 @p2 s19;
	s20 =	smov.u32 @p2 s21;
	p2 =	por @p1 !p3, !p4  }
0xe1: {  	s17 =	smov.u32 @p1 s17;
	s19 =	smov.u32 @p1 s23;
	p2 =	por @p1 !p2, !p2  }
0xe2: {  	s21 =	smov.u32 @p0 s22;
	p2 =	por !p2, !p1;
	s23 =	spop @p0 (v2sf)  }
0xe3: {  	p3 =	slt.s32 @p0 s21, $0x400;
	s17 =	smov.u32 @p2 s20;
	s20 =	sadd.s32 @p0 s22, s23  }
0xe4: {  	p3 =	por @!p0 p0, p0;
	s19 =	smov.u32 @p2 s24;
	p2 =	sgt.s32 @p0 s20, $0x3FF  }
0xe5: {  	s14 =	smov.u32 @p0 s20;
	s20 =	simm.s32 $0x0;
	p2 =	por @!p0 p0, p0  }
0xe6: {  	s20 =	smov.u32 @p1 s17;
	s17 =	simm.s32 $0x0;
	s31 =	spop (v2sf)  }
0xe7: {  	p2 =	por @p0 !p3, !p2;
	s17 =	smov.u32 @p1 s19;
	s19 =	sadd.s32 s14, s31  }
0xe8: {  	p4 =	slt.s32 s14, $0x400;
	p1 =	por @p0 !p2, !p2;
	p5 =	sgt.s32 s19, $0x3FF  }
0xe9: {  	s21 =	smov.u32 @p0 s21;
	p1 =	por !p1, !p0;
	p6 =	por !p4, !p5  }
0xea: {  	s18 =	smov.u32 @p1 s20;
	s21 =	smov.u32 @p1 s17;
	s17 =	simm.s32 $0x0  }
0xeb: {  	s17 =	smov.u32 @p0 s18;
	s13 =	smov.u32 @p0 s21;
	p0 =	por !p6, !p6  }
0xec: {  	s17 =	smov.u32 @p0 s16  }
0xed: {  	s13 =	smov.u32 @p0 s14;
	s14 =	simm.s32 $0x40;
	s16 =	simm.s32 $0x0  }
.LBB2_41:
0xee: {  	p0 =	seq.s32 s14, $0x1FC0;
	[tilespmem:s16+$0x4000] =	vst v0;
	s16 =	smov.u32 s14;
	s14 =	sadd.s32 $0x40, s14  }
.Ltmp20:
0xef: {  	(pc) =	sbr.rel @!p0 .LBB2_41-.Ltmp20, $2  }
0xf0: {  	_ =	sdelay $0x2  }
0xf1: {  	s16 =	sshra.s32 s16, $0x2  }
0xf2: {  	s14 =	sshll.u32 s15, $0x8  }
0xf3: {  	s14 =	sor.u32 s14, s17  }
0xf4: {  	[tilespmem:s16+$0x4000] =	vst v0;
	s15 =	simm.s32 $0x0;
	s16 =	simm.s32 $0x0;
	v5 =	vmov s14  }
.LBB2_43:
0xf5: {  	s17 =	sshra.s32 s16, $0x2  }
0xf6: {  	v6 =	vld [tilespmem:s17+$0x0];
	_ =	sdelay $0x4  }
0xf7: {  	v7 =	vshra.s32 v6, $0x7;
	v6 =	vshll.u32 v6, $0x4  }
0xf8: {  	vm0 =	veq.s32 v7, v5;
	v6 =	vor.u32 v1, v6  }
0xf9: {  	p0 =	sne.s32 s16, $0xFFC0;
	v6 =	vand.u32 $0x7FF, v6  }
.Ltmp21:
0xfa: {  	_ = 	snop;
	(pc) =	sbr.rel @p0 .LBB2_43-.Ltmp21, $2  }
0xfb: {  	_ =	sdelay $0x2  }
0xfc: {  	s16 =	sadd.s32 $0x40, s16;
	[tilespmem:v6+s10+$0x0] =	vst.idx.add.s32.msk vm0, v2  }
0xfd: {  	s16 =	simm.s32 $0x47F0  }
0xfe: {  	p5 =	por $0x0, $0x0;
	v5 =	vld [tilespmem:s16+$0x0]  }
.Ltmp22:
0xff: {  	_ = 	snop;
	(pc) =	sbr.rel @p5 .LBB2_45-.Ltmp22, $4  }
0x100: {  	_ = 	snop  }
0x101: {  	s17 =	simm.s32 $0x47E0;
	s18 =	simm.s32 $0x7E  }
0x102: {  	p0 =	por $0x0, $0x0;
	p1 =	por $0x0, $0x0;
	p2 =	por $0x0, $0x0  }
0x103: {  	p3 =	por $0x0, $0x0;
	p4 =	por $0x0, $0x0;
	s16 =	simm.s32 $0x7F;
	(xrf0) =	vadd.scan.msk.s32 $0xffff, v5  }
0x104: {  	v5 =	vld [tilespmem:s17+$0x0];
	p5 =	por $0x0, $0x0  }
.Ltmp23:
0x105: {  	_ = 	snop;
	(pc) =	sbr.rel @p5 .LBB2_47-.Ltmp23, $2  }
0x106: {  	_ =	sdelay $0x2  }
0x107: {  	s17 =	simm.s32 $0x47D0;
	s19 =	simm.s32 $0x7D;
	p0 =	por $0x1, $0x1;
	(xrf0) =	vadd.scan.msk.s32 $0xffff, v5;
	v5, _, _ =	vpop (xrf0)  }
0x108: {  	v6 =	vld [tilespmem:s17+$0x0];
	p5 =	por $0x0, $0x0  }
.Ltmp24:
0x109: {  	_ = 	snop;
	(pc) =	sbr.rel @p5 .LBB2_49-.Ltmp24, $2  }
0x10a: {  	_ =	sdelay $0x2  }
0x10b: {  	(v2sf) =	vpush v5, $0xF;
	s20 =	simm.s32 $0x47C0;
	s17 =	simm.s32 $0x7C;
	p1 =	por $0x1, $0x1;
	(xrf0) =	vadd.scan.msk.s32 $0xffff, v6;
	v5, _, _ =	vpop (xrf0)  }
0x10c: {  	v6 =	vld [tilespmem:s20+$0x0];
	p5 =	por $0x0, $0x0  }
.Ltmp25:
0x10d: {  	_ = 	snop;
	(pc) =	sbr.rel @p5 .LBB2_51-.Ltmp25, $2  }
0x10e: {  	_ =	sdelay $0x2  }
0x10f: {  	(v2sf) =	vpush v5, $0xF;
	s20 =	simm.s32 $0x47B0;
	s22 =	simm.s32 $0x7B;
	p2 =	por $0x1, $0x1;
	(xrf0) =	vadd.scan.msk.s32 $0xffff, v6;
	v5, _, _ =	vpop (xrf0)  }
0x110: {  	(v2sf) =	vpush v5, $0xF;
	_ =	sdelay $0x3  }
0x111: {  	v6 =	vld [tilespmem:s20+$0x0];
	p5 =	por $0x0, $0x0  }
.Ltmp26:
0x112: {  	_ = 	snop;
	(pc) =	sbr.rel @p5 .LBB2_53-.Ltmp26, $3  }
0x113: {  	_ =	sdelay $0x1  }
0x114: {  	s20 =	simm.s32 $0x47A0;
	s21 =	spop (v2sf)  }
0x115: {  	s30 =	simm.s32 $0x7A;
	p3 =	por $0x1, $0x1;
	(xrf0) =	vadd.scan.msk.s32 $0xffff, v6;
	v5, _, _ =	vpop (xrf0);
	s21 =	sadd.s32 s13, s21  }
0x116: {  	(v2sf) =	vpush v5, $0xF;
	_ =	sdelay $0x1  }
0x117: {  	v6 =	vld [tilespmem:s20+$0x0];
	p6 =	por $0x0, $0x0  }
.Ltmp27:
0x118: {  	p4 =	sgt.s32 s21, $0x3FF;
	(pc) =	sbr.rel @p6 .LBB2_55-.Ltmp27, $4  }
0x119: {  	s23 =	simm.s32 $0x0;
	s29 =	simm.s32 $0x4790;
	s31 =	simm.s32 $0x79  }
0x11a: {  	p5 =	slt.s32 s13, $0x400;
	s24 =	simm.s32 $0x0;
	s28 =	smov.u32 s21  }
0x11b: {  	s25 =	simm.s32 $0x7E;
	s23 =	smov.u32 @p4 s16;
	s26 =	spop (v2sf)  }
0x11c: {  	p4 =	por $0x1, $0x1;
	s20 =	sadd.s32 s21, s26;
	(xrf0) =	vadd.scan.msk.s32 $0xffff, v6;
	v5, _, _ =	vpop (xrf0);
	s26 =	simm.s32 $0x7D  }
.LBB2_56:
0x11d: {  	s24 =	smov.u32 @p5 s23  }
0x11e: {  	p6 =	sgt.s32 s20, $0x3FF;
	s23 =	smov.u32 s24  }
0x11f: {  	v6 =	vld [tilespmem:s29+$0x0];
	(v2sf) =	vpush v5, $0xF;
	s0 =	smov.u32 s28;
	s23 =	smov.u32 @p6 s25;
	p6 =	seq.s32 s31, $0x0  }
.Ltmp28:
0x120: {  	s28 =	smov.u32 s20;
	(pc) =	sbr.rel @!p6 .LBB2_56-.Ltmp28, $4  }
0x121: {  	s25 =	smov.u32 s26;
	s26 =	smov.u32 s17;
	s17 =	smov.u32 s22  }
0x122: {  	s22 =	smov.u32 s30;
	s30 =	smov.u32 s31;
	s1 =	spop (v2sf)  }
0x123: {  	s29 =	sadd.s32 $0xFFFFFFF0, s29;
	s20 =	sadd.s32 s20, s1  }
0x124: {  	p5 =	slt.s32 s0, $0x400;
	s31 =	sadd.s32 $0xFFFFFFFF, s31;
	(xrf0) =	vadd.scan.msk.s32 $0xffff, v6;
	v5, _, _ =	vpop (xrf0)  }
0x125: {  	s29 =	smov.u32 s17;
	s17 =	smov.u32 s30  }
.LBB2_58:
0x126: {  	p6 =	sgt.s32 @p3 s20, $0x3FF;
	p5 =	por !p5, !p4;
	s0 =	smov.u32 @p3 s28  }
0x127: {  	s1 =	simm.s32 $0x0;
	s19 =	smov.u32 @p0 s22;
	s23 =	smov.u32 @p5 s24  }
0x128: {  	(v2sf) =	vpush @p0 v5, $0xF;
	s22 =	smov.u32 s13;
	s1 =	smov.u32 @p4 s23;
	p4 =	por !p6, !p3  }
0x129: {  	s24 =	smov.u32 @p2 s20;
	s23 =	spop @p2 (v2sf);
	s25 =	smov.u32 @p4 s1  }
0x12a: {  	s20 =	sadd.s32 @p2 s20, s23;
	s23 =	smov.u32 @p2 s26;
	p4 =	slt.s32 @p3 s0, $0x400  }
0x12b: {  	s0 =	smov.u32 @p1 s29;
	s26 =	smov.u32 s16;
	s16 =	smov.u32 @p0 s19  }
0x12c: {  	s21 =	smov.u32 @p2 s20;
	p4 =	por @!p3 p0, p0;
	s20 =	smov.u32 @p3 s25  }
0x12d: {  	s25 =	smov.u32 s13;
	s26 =	smov.u32 @p2 s23;
	s18 =	smov.u32 @p1 s0  }
0x12e: {  	s0 =	simm.s32 $0x0;
	v5, _, _ =	vpop (xrf0);
	s25 =	smov.u32 @p2 s24;
	p4 =	por !p4, !p3  }
0x12f: {  	p5 =	sgt.s32 @p2 s21, $0x3FF;
	s20 =	smov.u32 @p4 s1;
	s1 =	spop @p1 (v2sf);
	(v2sf) =	vpush v5, $0xF  }
0x130: {  	s0 =	smov.u32 @p3 s20;
	p3 =	por !p5, !p2;
	s20 =	smov.u32 @p2 s25  }
0x131: {  	s26 =	smov.u32 @p3 s0;
	p3 =	slt.s32 @p2 s20, $0x400;
	s1 =	sadd.s32 @p1 s21, s1  }
0x132: {  	s19 =	simm.s32 $0x0;
	p3 =	por @!p2 p0, p0;
	s22 =	smov.u32 @p1 s1  }
0x133: {  	s1 =	smov.u32 @p1 s18;
	s18 =	smov.u32 @p2 s26;
	p3 =	por !p3, !p2  }
0x134: {  	s20 =	smov.u32 @p1 s21;
	p4 =	sgt.s32 @p1 s22, $0x3FF;
	s18 =	smov.u32 @p3 s0  }
0x135: {  	s1 =	smov.u32 @p1 s1;
	s19 =	smov.u32 @p2 s18;
	p2 =	por !p4, !p1  }
0x136: {  	s16 =	smov.u32 @p0 s16;
	s0 =	smov.u32 @p1 s20;
	s1 =	smov.u32 @p2 s19  }
0x137: {  	p2 =	slt.s32 @p1 s0, $0x400;
	s0 =	smov.u32 @p0 s22;
	s18 =	spop @p0 (v2sf)  }
0x138: {  	p2 =	por @!p1 p0, p0;
	s1 =	smov.u32 @p1 s1;
	s18 =	sadd.s32 @p0 s22, s18  }
0x139: {  	s0 =	smov.u32 @p0 s0;
	p2 =	por !p2, !p1;
	s13 =	smov.u32 @p0 s18  }
0x13a: {  	s1 =	smov.u32 @p2 s19;
	s18 =	simm.s32 $0x0;
	p3 =	sgt.s32 @p0 s13, $0x3FF  }
0x13b: {  	p2 =	slt.s32 @p0 s0, $0x400;
	s18 =	smov.u32 @p1 s1;
	p1 =	por !p3, !p0  }
0x13c: {  	p2 =	por @!p0 p0, p0;
	s16 =	smov.u32 @p1 s18  }
0x13d: {  	p1 =	por !p2, !p0;
	s0 =	smov.u32 @p0 s16  }
0x13e: {  	s0 =	smov.u32 @p1 s18;
	s31 =	spop (v2sf)  }
0x13f: {  	s15 =	smov.u32 @p0 s0;
	s1 =	sadd.s32 s13, s31  }
0x140: {  	s0 =	smov.u32 s15;
	p0 =	sgt.s32 s1, $0x3FF  }
0x141: {  	s0 =	smov.u32 @p0 s17;
	p0 =	slt.s32 s13, $0x400  }
0x142: {  	s16 =	simm.s32 $0x0;
	s13 =	simm.s32 $0x40;
	s15 =	smov.u32 @p0 s0  }
.LBB2_59:
0x143: {  	p0 =	seq.s32 s13, $0x1FC0;
	[tilespmem:s16+$0x5000] =	vst v3;
	s0 =	smov.u32 s13;
	s13 =	sadd.s32 $0x40, s13  }
.Ltmp29:
0x144: {  	[tilespmem:s16+$0x5800] =	vst v4;
	(pc) =	sbr.rel @!p0 .LBB2_59-.Ltmp29, $2  }
0x145: {  	_ =	sdelay $0x2  }
0x146: {  	s16 =	sshra.s32 s0, $0x2  }
0x147: {  	[tilespmem:s16+$0x5000] =	vst v3  }
0x148: {  	[tilespmem:s16+$0x5800] =	vst v4;
	s13 =	simm.s32 $0x0  }
0x149: {  	v6 =	vld [tilespmem:s13+$0x0];
	_ =	sdelay $0x1  }
0x14a: {  	s0 =	sshll.u32 s14, $0x7  }
0x14b: {  	s0 =	sor.u32 s0, s15  }
0x14c: {  	v5 =	vmov s0  }
0x14d: {  	vm0 =	vle.s32 v5, v6  }
0x14e: {  	v7 =	vsel vm0, $0x1, v0  }
0x14f: {  	(xrf0) =	vadd.scan.msk.s32 $0xffff, v7;
	_ =	sdelay $0x2  }
0x150: {  	v7 =	vmov s13  }
0x151: {  	v7 =	vadd.s32 $0xFFFFFFFF, v7  }
0x152: {  	v7 =	vbroadcast v7, $0x0  }
0x153: {  	v8, _, _ =	vpop (xrf0)  }
0x154: {  	v7 =	vadd.s32 v7, v8;
	(v2sf) =	vpush v8, $0xF  }
0x155: {  	vm1 =	vlt.s32 v7, $0x800  }
0x156: {  	vm15 =	vlt.s32 v7, $0x7FF;
	vm0 =	vmand vm0, vm1  }
0x157: {  	v7 =	vnsel vm15, $0x7FF, v7;
	_ =	sdelay $0x4  }
0x158: {  	[tilespmem:v7+s11+$0x0] =	vst.idx.msk vm0, v6;
	v6 =	vor.u32 s13, v1  }
0x159: {  	s14 =	simm.s32 $0x10;
	[tilespmem:v7+s12+$0x0] =	vst.idx.msk vm0, v6  }
0x15a: {  	s16 =	simm.s32 $0x10;
	s15 =	simm.s32 $0x20;
	v6 =	vld [tilespmem:s14+$0x0]  }
.LBB2_61:
0x15b: {  	p0 =	sne.s32 s15, $0x3FF0;
	_ =	sdelay $0x3  }
0x15c: {  	vm0 =	vle.s32 v5, v6;
	s0 =	spop (v2sf)  }
0x15d: {  	v7 =	vsel vm0, $0x1, v0;
	s13 =	sadd.s32 s13, s0  }
0x15e: {  	(xrf0) =	vadd.scan.msk.s32 $0xffff, v7;
	p1 =	slt.s32 s13, $0x800  }
0x15f: {  	s13 =	simm.s32 @!p1 $0x800  }
0x160: {  	v7 =	vmov s13  }
0x161: {  	v7 =	vadd.s32 $0xFFFFFFFF, v7  }
0x162: {  	v7 =	vbroadcast v7, $0x0;
	_ =	sdelay $0x1  }
0x163: {  	v8, _, _ =	vpop (xrf0)  }
0x164: {  	v7 =	vadd.s32 v7, v8;
	(v2sf) =	vpush v8, $0xF  }
0x165: {  	vm1 =	vlt.s32 v7, $0x7FF;
	vm2 =	vlt.s32 v7, $0x800  }
0x166: {  	v7 =	vnsel vm1, $0x7FF, v7;
	vm0 =	vmand vm0, vm2;
	_ =	sdelay $0x3  }
.Ltmp30:
0x167: {  	(pc) =	sbr.rel @p0 .LBB2_61-.Ltmp30, $4  }
0x168: {  	_ = 	snop  }
0x169: {  	[tilespmem:v7+s11+$0x0] =	vst.idx.msk vm0, v6;
	v6 =	vor.u32 s14, v1;
	s14 =	smov.u32 s15  }
0x16a: {  	s16 =	sadd.s32 $0x10, s16;
	[tilespmem:v7+s12+$0x0] =	vst.idx.msk vm0, v6  }
0x16b: {  	s15 =	sadd.s32 $0x10, s15;
	v6 =	vld [tilespmem:s16+$0x0]  }
0x16c: {  	_ =	sdelay $0x3  }
0x16d: {  	vm0 =	vle.s32 v5, v6  }
0x16e: {  	v5 =	vsel vm0, $0x1, v0  }
0x16f: {  	(xrf0) =	vadd.scan.msk.s32 $0xffff, v5;
	_ =	sdelay $0x2  }
0x170: {  	s0 =	spop (v2sf)  }
0x171: {  	s0 =	sadd.s32 s13, s0  }
0x172: {  	p0 =	slt.s32 s0, $0x800  }
0x173: {  	s0 =	simm.s32 @!p0 $0x800;
	v5, _, _ =	vpop (xrf0)  }
0x174: {  	v7 =	vmov s0;
	(v2sf) =	vpush v5, $0xF  }
0x175: {  	v7 =	vadd.s32 $0xFFFFFFFF, v7  }
0x176: {  	v7 =	vbroadcast v7, $0x0;
	_ =	sdelay $0x1  }
0x177: {  	v5 =	vadd.s32 v7, v5  }
0x178: {  	vm1 =	vlt.s32 v5, $0x800  }
0x179: {  	vm2 =	vlt.s32 v5, $0x7FF;
	vm0 =	vmand vm0, vm1  }
0x17a: {  	v5 =	vnsel vm2, $0x7FF, v5;
	_ =	sdelay $0x4  }
0x17b: {  	[tilespmem:v5+s11+$0x0] =	vst.idx.msk vm0, v6;
	v6 =	vor.u32 s14, v1  }
0x17c: {  	[tilespmem:v5+s12+$0x0] =	vst.idx.msk vm0, v6  }
0x17d: {  	[hbm4b:s3+s7] =	stream.strided.scatter [tilespmem:s11], [sflag:$0x1], $0x800, s8, s7, $0x38;
	[tilespmem:$0x6000] =	vst v63  }
0x17e: {  	s31 =	spop (v2sf)  }
0x17f: {  	_ =	swait.ge [sflag:s9], $0x800  }
0x180: {  	s2 =	sadd.s32 $0x1, s2;
	[sflag:s9] =	ssyncset.done $0x0  }
0x181: {  	p0 =	sne.s32 s2, s6;
	[sflag:s9] =	ssyncadd.s32 $0xFFFFF800  }
0x182: {  	[hbm4b:s4+s7] =	stream.strided.scatter [tilespmem:s12], [sflag:$0x1], $0x800, s8, s7, $0x38;
	[tilespmem:$0x6000] =	vst v63  }
.Ltmp31:
0x183: {  	_ = 	snop;
	(pc) =	sbr.rel @p0 .LBB2_2-.Ltmp31, $4  }
.Ltmp32:
0x184: {  	_ = 	snop;
	(pc) =	sbr.rel @!p0 .LBB2_63-.Ltmp32, $4  }
0x185: {  	_ =	swait.ge [sflag:s9], $0x800  }
0x186: {  	[sflag:s9] =	ssyncset.done $0x0  }
0x187: {  	[sflag:s9] =	ssyncadd.s32 $0xFFFFF800  }
0x188: {  	_ = 	snop  }
.LBB2_13:
.Ltmp33:
0x189: {  	(pc) =	sbr.rel .LBB2_24-.Ltmp33, $3  }
0x18a: {  	_ =	sdelay $0x1  }
0x18b: {  	s21 =	smov.u32 s15  }
0x18c: {  	s22 =	simm.s32 $0x0;
	s24 =	simm.s32 $0x0;
	s16 =	simm.s32 $0xFF  }
.LBB2_29:
.Ltmp34:
0x18d: {  	(pc) =	sbr.rel .LBB2_40-.Ltmp34, $3  }
0x18e: {  	_ =	sdelay $0x1  }
0x18f: {  	s21 =	smov.u32 s14  }
0x190: {  	s22 =	simm.s32 $0x0;
	s24 =	simm.s32 $0x0;
	s16 =	simm.s32 $0xFF  }
.LBB2_45:
.Ltmp35:
0x191: {  	(pc) =	sbr.rel .LBB2_58-.Ltmp35, $3  }
0x192: {  	_ =	sdelay $0x1  }
0x193: {  	s20 =	smov.u32 s13  }
0x194: {  	s24 =	simm.s32 $0x0;
	s17 =	simm.s32 $0x7F;
	s21 =	smov.u32 s13  }
.LBB2_15:
.Ltmp36:
0x195: {  	(pc) =	sbr.rel .LBB2_24-.Ltmp36, $3  }
0x196: {  	_ =	sdelay $0x1  }
0x197: {  	s22 =	simm.s32 $0x0;
	s21 =	smov.u32 s15  }
0x198: {  	s24 =	simm.s32 $0x0;
	s20 =	simm.s32 $0xFF;
	s16 =	simm.s32 $0xFE  }
.LBB2_31:
.Ltmp37:
0x199: {  	(pc) =	sbr.rel .LBB2_40-.Ltmp37, $3  }
0x19a: {  	_ =	sdelay $0x1  }
0x19b: {  	s22 =	simm.s32 $0x0;
	s21 =	smov.u32 s14  }
0x19c: {  	s24 =	simm.s32 $0x0;
	s20 =	simm.s32 $0xFF;
	s16 =	simm.s32 $0xFE  }
.LBB2_47:
.Ltmp38:
0x19d: {  	(pc) =	sbr.rel .LBB2_58-.Ltmp38, $3  }
0x19e: {  	_ =	sdelay $0x1  }
0x19f: {  	s20 =	smov.u32 s13;
	s24 =	simm.s32 $0x0  }
0x1a0: {  	s22 =	simm.s32 $0x7F;
	s17 =	simm.s32 $0x7E;
	s21 =	smov.u32 s13  }
.LBB2_17:
.Ltmp39:
0x1a1: {  	(pc) =	sbr.rel .LBB2_24-.Ltmp39, $3  }
0x1a2: {  	_ =	sdelay $0x1  }
0x1a3: {  	s22 =	simm.s32 $0x0;
	s21 =	smov.u32 s15  }
0x1a4: {  	s24 =	simm.s32 $0x0;
	s28 =	simm.s32 $0xFF;
	s20 =	simm.s32 $0xFE  }
.LBB2_33:
.Ltmp40:
0x1a5: {  	(pc) =	sbr.rel .LBB2_40-.Ltmp40, $3  }
0x1a6: {  	_ =	sdelay $0x1  }
0x1a7: {  	s22 =	simm.s32 $0x0;
	s21 =	smov.u32 s14  }
0x1a8: {  	s24 =	simm.s32 $0x0;
	s28 =	simm.s32 $0xFF;
	s20 =	simm.s32 $0xFE  }
.LBB2_49:
.Ltmp41:
0x1a9: {  	(pc) =	sbr.rel .LBB2_58-.Ltmp41, $3  }
0x1aa: {  	_ =	sdelay $0x1  }
0x1ab: {  	s24 =	simm.s32 $0x0;
	s20 =	smov.u32 s13;
	s29 =	simm.s32 $0x7F  }
0x1ac: {  	s22 =	simm.s32 $0x7E;
	s17 =	simm.s32 $0x7D;
	s21 =	smov.u32 s13  }
.LBB2_19:
.Ltmp42:
0x1ad: {  	(pc) =	sbr.rel .LBB2_24-.Ltmp42, $4  }
0x1ae: {  	_ = 	snop  }
0x1af: {  	s22 =	simm.s32 $0x0  }
0x1b0: {  	s24 =	simm.s32 $0x0;
	s25 =	simm.s32 $0xFF;
	s21 =	smov.u32 s15  }
0x1b1: {  	s28 =	simm.s32 $0xFE;
	s20 =	simm.s32 $0xFD;
	s16 =	simm.s32 $0xFC  }
.LBB2_35:
.Ltmp43:
0x1b2: {  	(pc) =	sbr.rel .LBB2_40-.Ltmp43, $4  }
0x1b3: {  	_ = 	snop  }
0x1b4: {  	s22 =	simm.s32 $0x0  }
0x1b5: {  	s24 =	simm.s32 $0x0;
	s25 =	simm.s32 $0xFF;
	s21 =	smov.u32 s14  }
0x1b6: {  	s28 =	simm.s32 $0xFE;
	s20 =	simm.s32 $0xFD;
	s16 =	simm.s32 $0xFC  }
.LBB2_51:
.Ltmp44:
0x1b7: {  	(pc) =	sbr.rel .LBB2_58-.Ltmp44, $3  }
0x1b8: {  	_ =	sdelay $0x1  }
0x1b9: {  	s24 =	simm.s32 $0x0;
	s20 =	smov.u32 s13;
	s26 =	simm.s32 $0x7F  }
0x1ba: {  	s29 =	simm.s32 $0x7E;
	s22 =	simm.s32 $0x7D;
	s21 =	smov.u32 s13  }
.LBB2_21:
.Ltmp45:
0x1bb: {  	(pc) =	sbr.rel .LBB2_24-.Ltmp45, $4  }
0x1bc: {  	_ = 	snop  }
0x1bd: {  	s19 =	simm.s32 $0xFF  }
0x1be: {  	s22 =	simm.s32 $0x0;
	s24 =	simm.s32 $0x0;
	s23 =	smov.u32 s15  }
0x1bf: {  	s25 =	simm.s32 $0xFE;
	s28 =	simm.s32 $0xFD;
	s16 =	simm.s32 $0xFB  }
.LBB2_37:
.Ltmp46:
0x1c0: {  	(pc) =	sbr.rel .LBB2_40-.Ltmp46, $4  }
0x1c1: {  	_ = 	snop  }
0x1c2: {  	s19 =	simm.s32 $0xFF  }
0x1c3: {  	s22 =	simm.s32 $0x0;
	s24 =	simm.s32 $0x0;
	s23 =	smov.u32 s14  }
0x1c4: {  	s25 =	simm.s32 $0xFE;
	s28 =	simm.s32 $0xFD;
	s16 =	simm.s32 $0xFB  }
.LBB2_53:
.Ltmp47:
0x1c5: {  	(pc) =	sbr.rel .LBB2_58-.Ltmp47, $4  }
0x1c6: {  	_ = 	snop  }
0x1c7: {  	s24 =	simm.s32 $0x0;
	s25 =	simm.s32 $0x7F  }
0x1c8: {  	s26 =	simm.s32 $0x7E;
	s20 =	smov.u32 s21;
	s28 =	smov.u32 s13  }
0x1c9: {  	s29 =	simm.s32 $0x7D;
	s22 =	simm.s32 $0x7C;
	s17 =	simm.s32 $0x7B  }
.LBB2_55:
.Ltmp48:
0x1ca: {  	(pc) =	sbr.rel .LBB2_58-.Ltmp48, $3  }
0x1cb: {  	_ =	sdelay $0x1  }
0x1cc: {  	s24 =	simm.s32 $0x0;
	s25 =	simm.s32 $0x7E;
	s28 =	smov.u32 s21  }
0x1cd: {  	s26 =	simm.s32 $0x7D;
	s29 =	simm.s32 $0x7C;
	s17 =	simm.s32 $0x7A  }
.LBB2_63:
0x1ce: {  	_ =	sfence.sel $0x180000  }
0x1cf: {  	[bflag:$0x0] =	sbarrier.arrive $0xFFFF  }
0x1d0: {  	_ =	strace $0x90000047  }
0x1d1: {  	s0 =	stileid.u32;
	[bflag:$0x2] =	sbarrier.arrive $0xFFFF  }
0x1d2: {  	p0 =	sne.s32 s0, $0x0;
	s0 =	rddreg [dreg:$0x1]  }
0x1d3: {  	s0 =	sadd.s32 @!p0 $0x100000, s0  }
0x1d4: {  	[sflag:s0] =	ssyncadd.tile.s32 @!p0 $0x1;
	_ =	shalt  }
.Lfunc_end2:
_tile_overlayer_lowered:
.L_overlay_start_2:
0x1d5: {  	(tag) =	ssettag $0x2  }
0x1d6: {  	s0 =	rddreg [dreg:$0x0];
	s2 =	stileid.u32  }
0x1d7: {  	s1 =	rddreg [dreg:$0x1];
	p0 =	sne.s32 s2, $0x0  }
0x1d8: {  	s3 =	rddreg [dreg:$0x2];
	[bflag:$0x3] =	sbarrier.arrive $0xFFFF;
	s2 =	simm.s32 @!p0 $0x1C01  }
0x1d9: {  	[timem:s3], [sflag:s2] =	dma.local @!p0 [hbm:s0], s1  }
0x1da: {  	s0 =	simm.s32 @!p0 $0x1  }
0x1db: {  	_ =	swait.ge @!p0 [sflag:s0], s1  }
0x1dc: {  	s1 =	ssub.s32 @!p0 $0x0, s1;
	[sflag:s0] =	ssyncset.done @!p0 $0x0  }
0x1dd: {  	[sflag:s0] =	ssyncadd.s32 @!p0 s1  }
0x1de: {  	[bflag:$0x3] =	sbarrier.arrive $0xFFFF  }
0x1df: {  	_ =	shalt  }

</sc_bundles>
